<compile_context>
chip_gen: v7x
topology: tpu7x:2x2x1
jax: 0.10.2.dev20260603
libtpu: 0.0.44.dev20260713+nightly
codegen_flags: <defaults>
</compile_context>

<pallas_src>
import functools

import jax
import jax.numpy as jnp
from jax import lax
from jax.experimental import pallas as pl
from jax.experimental.pallas import tpu as pltpu
from jax.experimental.pallas import tpu_sc as plsc

_NUM_TARGET_CH = 3
_LANES = 16
_ROWS = 48

_SNAP = 8388608.0


def _build_sc_kernel(rows, w, comp_rows, num_entries):
    info = plsc.get_sparse_core_info()
    nc, ns = info.num_cores, info.num_subcores
    nw = nc * ns

    total_blocks = comp_rows // _ROWS
    assert comp_rows % _ROWS == 0 and total_blocks % (nw * 2) == 0
    blocks_per_worker = total_blocks // nw

    copy_rows = rows - comp_rows
    copy_per_worker = copy_rows // nw
    assert copy_per_worker * nw == copy_rows and copy_per_worker == _ROWS

    mesh = plsc.VectorSubcoreMesh(core_axis_name="c", subcore_axis_name="s")

    @functools.partial(
        pl.kernel,
        out_type=jax.ShapeDtypeStruct((rows, w), jnp.float32),
        mesh=mesh,
        compiler_params=pltpu.CompilerParams(needs_layout_passes=False),
        scratch_types=[
            pltpu.VMEM((num_entries,), jnp.float32),
            pltpu.VMEM((_ROWS, w), jnp.float32),
            pltpu.VMEM((_ROWS, w), jnp.float32),
            pltpu.VMEM((_ROWS, w), jnp.float32),
            pltpu.VMEM((_ROWS, w), jnp.float32),
            pltpu.SemaphoreType.DMA,
            pltpu.SemaphoreType.DMA,
            pltpu.SemaphoreType.DMA,
            pltpu.SemaphoreType.DMA,
        ],
    )
    def sc_kernel(img_hbm, cmap_hbm, out_hbm, cmap_v, in_0, in_1, out_0,
                  out_1, si_0, si_1, so_0, so_1):
        wid = lax.axis_index("s") * nc + lax.axis_index("c")
        base = wid * blocks_per_worker
        in_bufs = (in_0, in_1)
        out_bufs = (out_0, out_1)
        in_sems = (si_0, si_1)
        out_sems = (so_0, so_1)

        pltpu.sync_copy(cmap_hbm, cmap_v)

        scale = jnp.float32(num_entries - 1)

        def img_at(b):
            return img_hbm.at[pl.ds(b * _ROWS, _ROWS), :]

        def out_at(b):
            return out_hbm.at[pl.ds(b * _ROWS, _ROWS), :]

        def compute(in_v, out_v):
            @plsc.parallel_loop(0, _ROWS, step=1, unroll=1)
            def do_row(r):
                for s in range(0, w, _LANES):
                    x = in_v[r, pl.ds(s, _LANES)]
                    t = x * scale + _SNAP
                    bits = plsc.bitcast(t, jnp.uint32)
                    idx = plsc.bitcast(
                        jnp.minimum(bits - 0x4B000000, num_entries - 1),
                        jnp.int32)
                    val = plsc.load_gather(cmap_v, [idx])
                    out_v[r, pl.ds(s, _LANES)] = x * val

        pltpu.make_async_copy(img_at(base), in_0, si_0).start()
        pltpu.make_async_copy(img_at(base + 1), in_1, si_1).start()

        def do_pair(i, carry):
            for b in range(2):
                g = base + i * 2 + b
                in_v, out_v = in_bufs[b], out_bufs[b]
                si, so = in_sems[b], out_sems[b]
                pltpu.make_async_copy(img_at(g), in_v, si).wait()
                @pl.when(i > 0)
                def _():
                    pltpu.make_async_copy(out_v, out_at(g - 2), so).wait()

                compute(in_v, out_v)
                @pl.when(i * 2 + b + 2 < blocks_per_worker)
                def _():
                    pltpu.make_async_copy(img_at(g + 2), in_v, si).start()

                pltpu.make_async_copy(out_v, out_at(g), so).start()

            return carry

        lax.fori_loop(0, blocks_per_worker // 2, do_pair, 0)

        tb = total_blocks + wid
        pltpu.make_async_copy(img_at(tb), in_0, si_0).start()
        pltpu.make_async_copy(img_at(tb), in_0, si_0).wait()
        pltpu.make_async_copy(in_0, out_at(tb), si_0).start()
        pltpu.make_async_copy(in_0, out_at(tb), si_0).wait()

        last = base + blocks_per_worker
        pltpu.make_async_copy(out_0, out_at(last - 2), so_0).wait()
        pltpu.make_async_copy(out_1, out_at(last - 1), so_1).wait()

    return sc_kernel


def kernel(image, colormap):
    ch, h, w = image.shape
    rows = ch * h
    comp_rows = (ch - _NUM_TARGET_CH) * h
    sc = _build_sc_kernel(rows, w, comp_rows, colormap.shape[0])
    out = sc(image.reshape(rows, w), colormap)
    return out.reshape(ch, h, w)

# --- scband reference (transcript-rebuilt; emitter-appended) ---
"""Pipeline reference for scband-bipolar-preset-24094766530589 (READ-ONLY COPY).

The authoritative reference and input builder live on the scoring server;
editing this copy changes nothing except your own understanding.
"""

import jax, jax.numpy as jnp
import numpy as np

NUM_LABELS = 3

def setup_inputs(seed: int = 0) -> dict:
    key = jax.random.key(seed)
    k1, k2 = jax.random.split(key)
    image = jax.random.uniform(k1, (99, 512, 512), dtype=jnp.float32)
    # stand-in for the values read from colormap_bipolar.txt (first column of a 256-entry LUT)
    colormap = jax.random.normal(k2, (256,), dtype=jnp.float32)
    return {"image": image, "colormap": colormap}

def reference(image, colormap):
    num_labels = NUM_LABELS
    sample = image[:-num_labels, :, :]
    targets = image[-num_labels:, :, :]
    L = colormap.shape[0]
    closest_indices = jnp.round(sample.astype(jnp.float32) * (L - 1)).astype(jnp.int32)
    closest_values = jnp.take(colormap, closest_indices.reshape(-1), axis=0)
    closest_values = closest_values.reshape(sample.shape)
    sample_bipolar = sample * closest_values
    return jnp.concatenate((sample_bipolar, targets), axis=0)

if __name__ == "__main__":
    import jax
    _d = setup_inputs()
    print(jax.jit(kernel)(*tuple(_d.values())))

</pallas_src>

<mosaic_0001>
#map = affine_map<(d0, d1) -> (0, 0)>
#map1 = affine_map<(d0, d1) -> (0)>
module attributes {stable_mosaic.version = 14 : i64} {
  func.func @sc_kernel(%arg0: i32, %arg1: i32, %arg2: memref<50688x512xf32, #tpu.memory_space<hbm>>, %arg3: memref<256xf32, #tpu.memory_space<hbm>>, %arg4: memref<50688x512xf32, #tpu.memory_space<hbm>>, %arg5: memref<256xf32, #tpu.memory_space<vmem>>, %arg6: memref<48x512xf32, #tpu.memory_space<vmem>>, %arg7: memref<48x512xf32, #tpu.memory_space<vmem>>, %arg8: memref<48x512xf32, #tpu.memory_space<vmem>>, %arg9: memref<48x512xf32, #tpu.memory_space<vmem>>, %arg10: memref<!tpu.dma_semaphore, #tpu.memory_space<semaphore_mem>>, %arg11: memref<!tpu.dma_semaphore, #tpu.memory_space<semaphore_mem>>, %arg12: memref<!tpu.dma_semaphore, #tpu.memory_space<semaphore_mem>>, %arg13: memref<!tpu.dma_semaphore, #tpu.memory_space<semaphore_mem>>) attributes {dimension_semantics = [#tpu.dimension_semantics<core_parallel>, #tpu.dimension_semantics<subcore_parallel>], iteration_bounds = array<i64: 2, 16>, scalar_prefetch = 0 : i64, scratch_operands = 9 : i64, tpu.core_type = #tpu.core_type<sc_vector_subcore>, window_params = [{transform_indices = #map}, {transform_indices = #map1}, {transform_indices = #map}]} {
    %mul3A = arith.constant 2 : i32
    %mul3A_0 = arith.muli %arg1, %mul3A : i32
    %add3A = arith.addi %mul3A_0, %arg0 : i32
    %mul3A_1 = arith.constant 32 : i32
    %mul3A_2 = arith.muli %add3A, %mul3A_1 : i32
    "tpu.region"() ({
      %run_scoped3A = tpu.sem_alloc : memref<!tpu.dma_semaphore, #tpu.memory_space<semaphore_mem>>
      tpu.enqueue_dma source(%arg3 : memref<256xf32, #tpu.memory_space<hbm>>) target(%arg5 : memref<256xf32, #tpu.memory_space<vmem>>) target_semaphore(%run_scoped3A : memref<!tpu.dma_semaphore, #tpu.memory_space<semaphore_mem>>)
      tpu.wait_dma2 semaphore(%run_scoped3A : memref<!tpu.dma_semaphore, #tpu.memory_space<semaphore_mem>>) src(%arg3 : memref<256xf32, #tpu.memory_space<hbm>>) dst(%arg5 : memref<256xf32, #tpu.memory_space<vmem>>)
      tpu.yield
    }) : () -> ()
    %mul3A_3 = arith.constant 48 : i32
    %mul3A_4 = arith.muli %mul3A_2, %mul3A_3 : i32
    %dma_start3A = arith.constant 0 : i32
    %dma_start3A_5 = tpu.memref_slice %arg2[%mul3A_4, %dma_start3A] : memref<50688x512xf32, #tpu.memory_space<hbm>> -> memref<48x512xf32, #tpu.memory_space<hbm>>
    %dma_start3A_6 = arith.constant 0 : i32
    %dma_start3A_7 = tpu.memref_slice %arg2[%mul3A_4, %dma_start3A_6] : memref<50688x512xf32, #tpu.memory_space<hbm>> -> memref<48x512xf32, #tpu.memory_space<hbm>>
    tpu.enqueue_dma source(%dma_start3A_7 : memref<48x512xf32, #tpu.memory_space<hbm>>) target(%arg6 : memref<48x512xf32, #tpu.memory_space<vmem>>) target_semaphore(%arg10 : memref<!tpu.dma_semaphore, #tpu.memory_space<semaphore_mem>>)
    %add3A_8 = arith.constant 1 : i32
    %add3A_9 = arith.addi %mul3A_2, %add3A_8 : i32
    %mul3A_10 = arith.constant 48 : i32
    %mul3A_11 = arith.muli %add3A_9, %mul3A_10 : i32
    %dma_start3A_12 = arith.constant 0 : i32
    %dma_start3A_13 = tpu.memref_slice %arg2[%mul3A_11, %dma_start3A_12] : memref<50688x512xf32, #tpu.memory_space<hbm>> -> memref<48x512xf32, #tpu.memory_space<hbm>>
    %dma_start3A_14 = arith.constant 0 : i32
    %dma_start3A_15 = tpu.memref_slice %arg2[%mul3A_11, %dma_start3A_14] : memref<50688x512xf32, #tpu.memory_space<hbm>> -> memref<48x512xf32, #tpu.memory_space<hbm>>
    tpu.enqueue_dma source(%dma_start3A_15 : memref<48x512xf32, #tpu.memory_space<hbm>>) target(%arg7 : memref<48x512xf32, #tpu.memory_space<vmem>>) target_semaphore(%arg11 : memref<!tpu.dma_semaphore, #tpu.memory_space<semaphore_mem>>)
    %scan3A = arith.constant 0 : i32
    %scan3A_16 = arith.constant 2.550000e+02 : f32
    %scan3A_17 = arith.constant 0 : i32
    %scan3A_18 = arith.constant 16 : i32
    %scan3A_19 = arith.addi %scan3A_17, %scan3A_18 : i32
    %scan3A_20 = arith.constant 1 : i32
    scf.for %scan3A_64 = %scan3A_17 to %scan3A_19 step %scan3A_20  : i32 {
      %mul3A_65 = arith.constant 2 : i32
      %mul3A_66 = arith.muli %scan3A_64, %mul3A_65 : i32
      %add3A_67 = arith.addi %mul3A_2, %mul3A_66 : i32
      %add3A_68 = arith.constant 0 : i32
      %add3A_69 = arith.addi %add3A_67, %add3A_68 : i32
      %mul3A_70 = arith.constant 48 : i32
      %mul3A_71 = arith.muli %add3A_69, %mul3A_70 : i32
      %dma_wait3A_72 = arith.constant 0 : i32
      %dma_wait3A_73 = tpu.memref_slice %arg2[%mul3A_71, %dma_wait3A_72] : memref<50688x512xf32, #tpu.memory_space<hbm>> -> memref<48x512xf32, #tpu.memory_space<hbm>>
      %dma_wait3A_74 = arith.constant 0 : i32
      %dma_wait3A_75 = tpu.memref_slice %arg2[%mul3A_71, %dma_wait3A_74] : memref<50688x512xf32, #tpu.memory_space<hbm>> -> memref<48x512xf32, #tpu.memory_space<hbm>>
      tpu.wait_dma2 semaphore(%arg10 : memref<!tpu.dma_semaphore, #tpu.memory_space<semaphore_mem>>) src(%dma_wait3A_75 : memref<48x512xf32, #tpu.memory_space<hbm>>) dst(%arg6 : memref<48x512xf32, #tpu.memory_space<vmem>>)
      %gt3A = arith.constant 0 : i32
      %gt3A_76 = arith.cmpi sgt, %scan3A_64, %gt3A : i32
      %convert_element_type3A = arith.extui %gt3A_76 : i1 to i32
      %cond3A = arith.constant 0 : i32
      %cond3A_77 = arith.cmpi ne, %convert_element_type3A, %cond3A : i32
      scf.if %cond3A_77 {
        %sub3A_132 = arith.constant 2 : i32
        %sub3A_133 = arith.subi %add3A_69, %sub3A_132 : i32
        %mul3A_134 = arith.constant 48 : i32
        %mul3A_135 = arith.muli %sub3A_133, %mul3A_134 : i32
        %dma_wait3A_136 = arith.constant 0 : i32
        %dma_wait3A_137 = tpu.memref_slice %arg4[%mul3A_135, %dma_wait3A_136] : memref<50688x512xf32, #tpu.memory_space<hbm>> -> memref<48x512xf32, #tpu.memory_space<hbm>>
        %dma_wait3A_138 = arith.constant 0 : i32
        %dma_wait3A_139 = tpu.memref_slice %arg4[%mul3A_135, %dma_wait3A_138] : memref<50688x512xf32, #tpu.memory_space<hbm>> -> memref<48x512xf32, #tpu.memory_space<hbm>>
        tpu.wait_dma2 semaphore(%arg12 : memref<!tpu.dma_semaphore, #tpu.memory_space<semaphore_mem>>) src(%arg8 : memref<48x512xf32, #tpu.memory_space<vmem>>) dst(%dma_wait3A_139 : memref<48x512xf32, #tpu.memory_space<hbm>>)
      } else {
      }
      %parallel_loop3A = arith.constant 0 : i32
      %parallel_loop3A_78 = arith.constant 48 : i32
      %parallel_loop3A_79 = arith.constant 1 : i32
      scf.for %parallel_loop3A_132 = %parallel_loop3A to %parallel_loop3A_78 step %parallel_loop3A_79  : i32 {
        %parallel_loop3A_133 = arith.index_cast %parallel_loop3A_132 : i32 to index
        %parallel_loop3A_134 = arith.constant 0 : index
        %parallel_loop3A_135 = tpu.vector_load %arg6[%parallel_loop3A_133, %parallel_loop3A_134] {strides = array<i32>} : memref<48x512xf32, #tpu.memory_space<vmem>>, vector<16xf32>,
        %parallel_loop3A_136 = vector.broadcast %scan3A_16 : f32 to vector<16xf32>
        %parallel_loop3A_137 = arith.mulf %parallel_loop3A_135, %parallel_loop3A_136 : vector<16xf32>
        %parallel_loop3A_138 = arith.constant 0x4B000000 : f32
        %parallel_loop3A_139 = vector.broadcast %parallel_loop3A_138 : f32 to vector<16xf32>
        %parallel_loop3A_140 = arith.addf %parallel_loop3A_137, %parallel_loop3A_139 : vector<16xf32>
        %parallel_loop3A_141 = vector.bitcast %parallel_loop3A_140 : vector<16xf32> to vector<16xi32>
        %parallel_loop3A_142 = arith.constant 1258291200 : i32
        %parallel_loop3A_143 = vector.broadcast %parallel_loop3A_142 : i32 to vector<16xi32>
        %parallel_loop3A_144 = arith.subi %parallel_loop3A_141, %parallel_loop3A_143 : vector<16xi32>
        %parallel_loop3A_145 = arith.constant 255 : i32
        %parallel_loop3A_146 = vector.broadcast %parallel_loop3A_145 : i32 to vector<16xi32>
        %parallel_loop3A_147 = arith.minui %parallel_loop3A_144, %parallel_loop3A_146 : vector<16xi32>
        %parallel_loop3A_148 = vector.bitcast %parallel_loop3A_147 : vector<16xi32> to vector<16xi32>
        %parallel_loop3A_149 = tpu.vector_load_idx %arg5[%parallel_loop3A_148] : memref<256xf32, #tpu.memory_space<vmem>>[vector<16xi32>], vector<16xf32>,
        %parallel_loop3A_150 = arith.mulf %parallel_loop3A_135, %parallel_loop3A_149 : vector<16xf32>
        %parallel_loop3A_151 = arith.index_cast %parallel_loop3A_132 : i32 to index
        %parallel_loop3A_152 = arith.constant 0 : index
        %parallel_loop3A_153 = tpu.vector_load %arg8[%parallel_loop3A_151, %parallel_loop3A_152] {strides = array<i32>} : memref<48x512xf32, #tpu.memory_space<vmem>>, vector<16xf32>,
        tpu.vector_store %arg8[%parallel_loop3A_151, %parallel_loop3A_152], %parallel_loop3A_150 {strides = array<i32>} : memref<48x512xf32, #tpu.memory_space<vmem>>, vector<16xf32>,
        %parallel_loop3A_154 = arith.index_cast %parallel_loop3A_132 : i32 to index
        %parallel_loop3A_155 = arith.constant 16 : index
        %parallel_loop3A_156 = tpu.vector_load %arg6[%parallel_loop3A_154, %parallel_loop3A_155] {strides = array<i32>} : memref<48x512xf32, #tpu.memory_space<vmem>>, vector<16xf32>,
        %parallel_loop3A_157 = vector.broadcast %scan3A_16 : f32 to vector<16xf32>
        %parallel_loop3A_158 = arith.mulf %parallel_loop3A_156, %parallel_loop3A_157 : vector<16xf32>
        %parallel_loop3A_159 = arith.constant 0x4B000000 : f32
        %parallel_loop3A_160 = vector.broadcast %parallel_loop3A_159 : f32 to vector<16xf32>
        %parallel_loop3A_161 = arith.addf %parallel_loop3A_158, %parallel_loop3A_160 : vector<16xf32>
        %parallel_loop3A_162 = vector.bitcast %parallel_loop3A_161 : vector<16xf32> to vector<16xi32>
        %parallel_loop3A_163 = arith.constant 1258291200 : i32
        %parallel_loop3A_164 = vector.broadcast %parallel_loop3A_163 : i32 to vector<16xi32>
        %parallel_loop3A_165 = arith.subi %parallel_loop3A_162, %parallel_loop3A_164 : vector<16xi32>
        %parallel_loop3A_166 = arith.constant 255 : i32
        %parallel_loop3A_167 = vector.broadcast %parallel_loop3A_166 : i32 to vector<16xi32>
        %parallel_loop3A_168 = arith.minui %parallel_loop3A_165, %parallel_loop3A_167 : vector<16xi32>
        %parallel_loop3A_169 = vector.bitcast %parallel_loop3A_168 : vector<16xi32> to vector<16xi32>
        %parallel_loop3A_170 = tpu.vector_load_idx %arg5[%parallel_loop3A_169] : memref<256xf32, #tpu.memory_space<vmem>>[vector<16xi32>], vector<16xf32>,
        %parallel_loop3A_171 = arith.mulf %parallel_loop3A_156, %parallel_loop3A_170 : vector<16xf32>
        %parallel_loop3A_172 = arith.index_cast %parallel_loop3A_132 : i32 to index
        %parallel_loop3A_173 = arith.constant 16 : index
        %parallel_loop3A_174 = tpu.vector_load %arg8[%parallel_loop3A_172, %parallel_loop3A_173] {strides = array<i32>} : memref<48x512xf32, #tpu.memory_space<vmem>>, vector<16xf32>,
        tpu.vector_store %arg8[%parallel_loop3A_172, %parallel_loop3A_173], %parallel_loop3A_171 {strides = array<i32>} : memref<48x512xf32, #tpu.memory_space<vmem>>, vector<16xf32>,
        %parallel_loop3A_175 = arith.index_cast %parallel_loop3A_132 : i32 to index
        %parallel_loop3A_176 = arith.constant 32 : index
        %parallel_loop3A_177 = tpu.vector_load %arg6[%parallel_loop3A_175, %parallel_loop3A_176] {strides = array<i32>} : memref<48x512xf32, #tpu.memory_space<vmem>>, vector<16xf32>,
        %parallel_loop3A_178 = vector.broadcast %scan3A_16 : f32 to vector<16xf32>
        %parallel_loop3A_179 = arith.mulf %parallel_loop3A_177, %parallel_loop3A_178 : vector<16xf32>
        %parallel_loop3A_180 = arith.constant 0x4B000000 : f32
        %parallel_loop3A_181 = vector.broadcast %parallel_loop3A_180 : f32 to vector<16xf32>
        %parallel_loop3A_182 = arith.addf %parallel_loop3A_179, %parallel_loop3A_181 : vector<16xf32>
        %parallel_loop3A_183 = vector.bitcast %parallel_loop3A_182 : vector<16xf32> to vector<16xi32>
        %parallel_loop3A_184 = arith.constant 1258291200 : i32
        %parallel_loop3A_185 = vector.broadcast %parallel_loop3A_184 : i32 to vector<16xi32>
        %parallel_loop3A_186 = arith.subi %parallel_loop3A_183, %parallel_loop3A_185 : vector<16xi32>
        %parallel_loop3A_187 = arith.constant 255 : i32
        %parallel_loop3A_188 = vector.broadcast %parallel_loop3A_187 : i32 to vector<16xi32>
        %parallel_loop3A_189 = arith.minui %parallel_loop3A_186, %parallel_loop3A_188 : vector<16xi32>
        %parallel_loop3A_190 = vector.bitcast %parallel_loop3A_189 : vector<16xi32> to vector<16xi32>
        %parallel_loop3A_191 = tpu.vector_load_idx %arg5[%parallel_loop3A_190] : memref<256xf32, #tpu.memory_space<vmem>>[vector<16xi32>], vector<16xf32>,
        %parallel_loop3A_192 = arith.mulf %parallel_loop3A_177, %parallel_loop3A_191 : vector<16xf32>
        %parallel_loop3A_193 = arith.index_cast %parallel_loop3A_132 : i32 to index
        %parallel_loop3A_194 = arith.constant 32 : index
        %parallel_loop3A_195 = tpu.vector_load %arg8[%parallel_loop3A_193, %parallel_loop3A_194] {strides = array<i32>} : memref<48x512xf32, #tpu.memory_space<vmem>>, vector<16xf32>,
        tpu.vector_store %arg8[%parallel_loop3A_193, %parallel_loop3A_194], %parallel_loop3A_192 {strides = array<i32>} : memref<48x512xf32, #tpu.memory_space<vmem>>, vector<16xf32>,
        %parallel_loop3A_196 = arith.index_cast %parallel_loop3A_132 : i32 to index
        %parallel_loop3A_197 = arith.constant 48 : index
        %parallel_loop3A_198 = tpu.vector_load %arg6[%parallel_loop3A_196, %parallel_loop3A_197] {strides = array<i32>} : memref<48x512xf32, #tpu.memory_space<vmem>>, vector<16xf32>,
        %parallel_loop3A_199 = vector.broadcast %scan3A_16 : f32 to vector<16xf32>
        %parallel_loop3A_200 = arith.mulf %parallel_loop3A_198, %parallel_loop3A_199 : vector<16xf32>
        %parallel_loop3A_201 = arith.constant 0x4B000000 : f32
        %parallel_loop3A_202 = vector.broadcast %parallel_loop3A_201 : f32 to vector<16xf32>
        %parallel_loop3A_203 = arith.addf %parallel_loop3A_200, %parallel_loop3A_202 : vector<16xf32>
        %parallel_loop3A_204 = vector.bitcast %parallel_loop3A_203 : vector<16xf32> to vector<16xi32>
        %parallel_loop3A_205 = arith.constant 1258291200 : i32
        %parallel_loop3A_206 = vector.broadcast %parallel_loop3A_205 : i32 to vector<16xi32>
        %parallel_loop3A_207 = arith.subi %parallel_loop3A_204, %parallel_loop3A_206 : vector<16xi32>
        %parallel_loop3A_208 = arith.constant 255 : i32
        %parallel_loop3A_209 = vector.broadcast %parallel_loop3A_208 : i32 to vector<16xi32>
        %parallel_loop3A_210 = arith.minui %parallel_loop3A_207, %parallel_loop3A_209 : vector<16xi32>
        %parallel_loop3A_211 = vector.bitcast %parallel_loop3A_210 : vector<16xi32> to vector<16xi32>
        %parallel_loop3A_212 = tpu.vector_load_idx %arg5[%parallel_loop3A_211] : memref<256xf32, #tpu.memory_space<vmem>>[vector<16xi32>], vector<16xf32>,
        %parallel_loop3A_213 = arith.mulf %parallel_loop3A_198, %parallel_loop3A_212 : vector<16xf32>
        %parallel_loop3A_214 = arith.index_cast %parallel_loop3A_132 : i32 to index
        %parallel_loop3A_215 = arith.constant 48 : index
        %parallel_loop3A_216 = tpu.vector_load %arg8[%parallel_loop3A_214, %parallel_loop3A_215] {strides = array<i32>} : memref<48x512xf32, #tpu.memory_space<vmem>>, vector<16xf32>,
        tpu.vector_store %arg8[%parallel_loop3A_214, %parallel_loop3A_215], %parallel_loop3A_213 {strides = array<i32>} : memref<48x512xf32, #tpu.memory_space<vmem>>, vector<16xf32>,
        %parallel_loop3A_217 = arith.index_cast %parallel_loop3A_132 : i32 to index
        %parallel_loop3A_218 = arith.constant 64 : index
        %parallel_loop3A_219 = tpu.vector_load %arg6[%parallel_loop3A_217, %parallel_loop3A_218] {strides = array<i32>} : memref<48x512xf32, #tpu.memory_space<vmem>>, vector<16xf32>,
        %parallel_loop3A_220 = vector.broadcast %scan3A_16 : f32 to vector<16xf32>
        %parallel_loop3A_221 = arith.mulf %parallel_loop3A_219, %parallel_loop3A_220 : vector<16xf32>
        %parallel_loop3A_222 = arith.constant 0x4B000000 : f32
        %parallel_loop3A_223 = vector.broadcast %parallel_loop3A_222 : f32 to vector<16xf32>
        %parallel_loop3A_224 = arith.addf %parallel_loop3A_221, %parallel_loop3A_223 : vector<16xf32>
        %parallel_loop3A_225 = vector.bitcast %parallel_loop3A_224 : vector<16xf32> to vector<16xi32>
        %parallel_loop3A_226 = arith.constant 1258291200 : i32
        %parallel_loop3A_227 = vector.broadcast %parallel_loop3A_226 : i32 to vector<16xi32>
        %parallel_loop3A_228 = arith.subi %parallel_loop3A_225, %parallel_loop3A_227 : vector<16xi32>
        %parallel_loop3A_229 = arith.constant 255 : i32
        %parallel_loop3A_230 = vector.broadcast %parallel_loop3A_229 : i32 to vector<16xi32>
        %parallel_loop3A_231 = arith.minui %parallel_loop3A_228, %parallel_loop3A_230 : vector<16xi32>
        %parallel_loop3A_232 = vector.bitcast %parallel_loop3A_231 : vector<16xi32> to vector<16xi32>
        %parallel_loop3A_233 = tpu.vector_load_idx %arg5[%parallel_loop3A_232] : memref<256xf32, #tpu.memory_space<vmem>>[vector<16xi32>], vector<16xf32>,
        %parallel_loop3A_234 = arith.mulf %parallel_loop3A_219, %parallel_loop3A_233 : vector<16xf32>
        %parallel_loop3A_235 = arith.index_cast %parallel_loop3A_132 : i32 to index
        %parallel_loop3A_236 = arith.constant 64 : index
        %parallel_loop3A_237 = tpu.vector_load %arg8[%parallel_loop3A_235, %parallel_loop3A_236] {strides = array<i32>} : memref<48x512xf32, #tpu.memory_space<vmem>>, vector<16xf32>,
        tpu.vector_store %arg8[%parallel_loop3A_235, %parallel_loop3A_236], %parallel_loop3A_234 {strides = array<i32>} : memref<48x512xf32, #tpu.memory_space<vmem>>, vector<16xf32>,
        %parallel_loop3A_238 = arith.index_cast %parallel_loop3A_132 : i32 to index
        %parallel_loop3A_239 = arith.constant 80 : index
        %parallel_loop3A_240 = tpu.vector_load %arg6[%parallel_loop3A_238, %parallel_loop3A_239] {strides = array<i32>} : memref<48x512xf32, #tpu.memory_space<vmem>>, vector<16xf32>,
        %parallel_loop3A_241 = vector.broadcast %scan3A_16 : f32 to vector<16xf32>
        %parallel_loop3A_242 = arith.mulf %parallel_loop3A_240, %parallel_loop3A_241 : vector<16xf32>
        %parallel_loop3A_243 = arith.constant 0x4B000000 : f32
        %parallel_loop3A_244 = vector.broadcast %parallel_loop3A_243 : f32 to vector<16xf32>
        %parallel_loop3A_245 = arith.addf %parallel_loop3A_242, %parallel_loop3A_244 : vector<16xf32>
        %parallel_loop3A_246 = vector.bitcast %parallel_loop3A_245 : vector<16xf32> to vector<16xi32>
        %parallel_loop3A_247 = arith.constant 1258291200 : i32
        %parallel_loop3A_248 = vector.broadcast %parallel_loop3A_247 : i32 to vector<16xi32>
        %parallel_loop3A_249 = arith.subi %parallel_loop3A_246, %parallel_loop3A_248 : vector<16xi32>
        %parallel_loop3A_250 = arith.constant 255 : i32
        %parallel_loop3A_251 = vector.broadcast %parallel_loop3A_250 : i32 to vector<16xi32>
        %parallel_loop3A_252 = arith.minui %parallel_loop3A_249, %parallel_loop3A_251 : vector<16xi32>
        %parallel_loop3A_253 = vector.bitcast %parallel_loop3A_252 : vector<16xi32> to vector<16xi32>
        %parallel_loop3A_254 = tpu.vector_load_idx %arg5[%parallel_loop3A_253] : memref<256xf32, #tpu.memory_space<vmem>>[vector<16xi32>], vector<16xf32>,
        %parallel_loop3A_255 = arith.mulf %parallel_loop3A_240, %parallel_loop3A_254 : vector<16xf32>
        %parallel_loop3A_256 = arith.index_cast %parallel_loop3A_132 : i32 to index
        %parallel_loop3A_257 = arith.constant 80 : index
        %parallel_loop3A_258 = tpu.vector_load %arg8[%parallel_loop3A_256, %parallel_loop3A_257] {strides = array<i32>} : memref<48x512xf32, #tpu.memory_space<vmem>>, vector<16xf32>,
        tpu.vector_store %arg8[%parallel_loop3A_256, %parallel_loop3A_257], %parallel_loop3A_255 {strides = array<i32>} : memref<48x512xf32, #tpu.memory_space<vmem>>, vector<16xf32>,
        %parallel_loop3A_259 = arith.index_cast %parallel_loop3A_132 : i32 to index
        %parallel_loop3A_260 = arith.constant 96 : index
        %parallel_loop3A_261 = tpu.vector_load %arg6[%parallel_loop3A_259, %parallel_loop3A_260] {strides = array<i32>} : memref<48x512xf32, #tpu.memory_space<vmem>>, vector<16xf32>,
        %parallel_loop3A_262 = vector.broadcast %scan3A_16 : f32 to vector<16xf32>
        %parallel_loop3A_263 = arith.mulf %parallel_loop3A_261, %parallel_loop3A_262 : vector<16xf32>
        %parallel_loop3A_264 = arith.constant 0x4B000000 : f32
        %parallel_loop3A_265 = vector.broadcast %parallel_loop3A_264 : f32 to vector<16xf32>
        %parallel_loop3A_266 = arith.addf %parallel_loop3A_263, %parallel_loop3A_265 : vector<16xf32>
        %parallel_loop3A_267 = vector.bitcast %parallel_loop3A_266 : vector<16xf32> to vector<16xi32>
        %parallel_loop3A_268 = arith.constant 1258291200 : i32
        %parallel_loop3A_269 = vector.broadcast %parallel_loop3A_268 : i32 to vector<16xi32>
        %parallel_loop3A_270 = arith.subi %parallel_loop3A_267, %parallel_loop3A_269 : vector<16xi32>
        %parallel_loop3A_271 = arith.constant 255 : i32
        %parallel_loop3A_272 = vector.broadcast %parallel_loop3A_271 : i32 to vector<16xi32>
        %parallel_loop3A_273 = arith.minui %parallel_loop3A_270, %parallel_loop3A_272 : vector<16xi32>
        %parallel_loop3A_274 = vector.bitcast %parallel_loop3A_273 : vector<16xi32> to vector<16xi32>
        %parallel_loop3A_275 = tpu.vector_load_idx %arg5[%parallel_loop3A_274] : memref<256xf32, #tpu.memory_space<vmem>>[vector<16xi32>], vector<16xf32>,
        %parallel_loop3A_276 = arith.mulf %parallel_loop3A_261, %parallel_loop3A_275 : vector<16xf32>
        %parallel_loop3A_277 = arith.index_cast %parallel_loop3A_132 : i32 to index
        %parallel_loop3A_278 = arith.constant 96 : index
        %parallel_loop3A_279 = tpu.vector_load %arg8[%parallel_loop3A_277, %parallel_loop3A_278] {strides = array<i32>} : memref<48x512xf32, #tpu.memory_space<vmem>>, vector<16xf32>,
        tpu.vector_store %arg8[%parallel_loop3A_277, %parallel_loop3A_278], %parallel_loop3A_276 {strides = array<i32>} : memref<48x512xf32, #tpu.memory_space<vmem>>, vector<16xf32>,
        %parallel_loop3A_280 = arith.index_cast %parallel_loop3A_132 : i32 to index
        %parallel_loop3A_281 = arith.constant 112 : index
        %parallel_loop3A_282 = tpu.vector_load %arg6[%parallel_loop3A_280, %parallel_loop3A_281] {strides = array<i32>} : memref<48x512xf32, #tpu.memory_space<vmem>>, vector<16xf32>,
        %parallel_loop3A_283 = vector.broadcast %scan3A_16 : f32 to vector<16xf32>
        %parallel_loop3A_284 = arith.mulf %parallel_loop3A_282, %parallel_loop3A_283 : vector<16xf32>
        %parallel_loop3A_285 = arith.constant 0x4B000000 : f32
        %parallel_loop3A_286 = vector.broadcast %parallel_loop3A_285 : f32 to vector<16xf32>
        %parallel_loop3A_287 = arith.addf %parallel_loop3A_284, %parallel_loop3A_286 : vector<16xf32>
        %parallel_loop3A_288 = vector.bitcast %parallel_loop3A_287 : vector<16xf32> to vector<16xi32>
        %parallel_loop3A_289 = arith.constant 1258291200 : i32
        %parallel_loop3A_290 = vector.broadcast %parallel_loop3A_289 : i32 to vector<16xi32>
        %parallel_loop3A_291 = arith.subi %parallel_loop3A_288, %parallel_loop3A_290 : vector<16xi32>
        %parallel_loop3A_292 = arith.constant 255 : i32
        %parallel_loop3A_293 = vector.broadcast %parallel_loop3A_292 : i32 to vector<16xi32>
        %parallel_loop3A_294 = arith.minui %parallel_loop3A_291, %parallel_loop3A_293 : vector<16xi32>
        %parallel_loop3A_295 = vector.bitcast %parallel_loop3A_294 : vector<16xi32> to vector<16xi32>
        %parallel_loop3A_296 = tpu.vector_load_idx %arg5[%parallel_loop3A_295] : memref<256xf32, #tpu.memory_space<vmem>>[vector<16xi32>], vector<16xf32>,
        %parallel_loop3A_297 = arith.mulf %parallel_loop3A_282, %parallel_loop3A_296 : vector<16xf32>
        %parallel_loop3A_298 = arith.index_cast %parallel_loop3A_132 : i32 to index
        %parallel_loop3A_299 = arith.constant 112 : index
        %parallel_loop3A_300 = tpu.vector_load %arg8[%parallel_loop3A_298, %parallel_loop3A_299] {strides = array<i32>} : memref<48x512xf32, #tpu.memory_space<vmem>>, vector<16xf32>,
        tpu.vector_store %arg8[%parallel_loop3A_298, %parallel_loop3A_299], %parallel_loop3A_297 {strides = array<i32>} : memref<48x512xf32, #tpu.memory_space<vmem>>, vector<16xf32>,
        %parallel_loop3A_301 = arith.index_cast %parallel_loop3A_132 : i32 to index
        %parallel_loop3A_302 = arith.constant 128 : index
        %parallel_loop3A_303 = tpu.vector_load %arg6[%parallel_loop3A_301, %parallel_loop3A_302] {strides = array<i32>} : memref<48x512xf32, #tpu.memory_space<vmem>>, vector<16xf32>,
        %parallel_loop3A_304 = vector.broadcast %scan3A_16 : f32 to vector<16xf32>
        %parallel_loop3A_305 = arith.mulf %parallel_loop3A_303, %parallel_loop3A_304 : vector<16xf32>
        %parallel_loop3A_306 = arith.constant 0x4B000000 : f32
        %parallel_loop3A_307 = vector.broadcast %parallel_loop3A_306 : f32 to vector<16xf32>
        %parallel_loop3A_308 = arith.addf %parallel_loop3A_305, %parallel_loop3A_307 : vector<16xf32>
        %parallel_loop3A_309 = vector.bitcast %parallel_loop3A_308 : vector<16xf32> to vector<16xi32>
        %parallel_loop3A_310 = arith.constant 1258291200 : i32
        %parallel_loop3A_311 = vector.broadcast %parallel_loop3A_310 : i32 to vector<16xi32>
        %parallel_loop3A_312 = arith.subi %parallel_loop3A_309, %parallel_loop3A_311 : vector<16xi32>
        %parallel_loop3A_313 = arith.constant 255 : i32
        %parallel_loop3A_314 = vector.broadcast %parallel_loop3A_313 : i32 to vector<16xi32>
        %parallel_loop3A_315 = arith.minui %parallel_loop3A_312, %parallel_loop3A_314 : vector<16xi32>
        %parallel_loop3A_316 = vector.bitcast %parallel_loop3A_315 : vector<16xi32> to vector<16xi32>
        %parallel_loop3A_317 = tpu.vector_load_idx %arg5[%parallel_loop3A_316] : memref<256xf32, #tpu.memory_space<vmem>>[vector<16xi32>], vector<16xf32>,
        %parallel_loop3A_318 = arith.mulf %parallel_loop3A_303, %parallel_loop3A_317 : vector<16xf32>
        %parallel_loop3A_319 = arith.index_cast %parallel_loop3A_132 : i32 to index
        %parallel_loop3A_320 = arith.constant 128 : index
        %parallel_loop3A_321 = tpu.vector_load %arg8[%parallel_loop3A_319, %parallel_loop3A_320] {strides = array<i32>} : memref<48x512xf32, #tpu.memory_space<vmem>>, vector<16xf32>,
        tpu.vector_store %arg8[%parallel_loop3A_319, %parallel_loop3A_320], %parallel_loop3A_318 {strides = array<i32>} : memref<48x512xf32, #tpu.memory_space<vmem>>, vector<16xf32>,
        %parallel_loop3A_322 = arith.index_cast %parallel_loop3A_132 : i32 to index
        %parallel_loop3A_323 = arith.constant 144 : index
        %parallel_loop3A_324 = tpu.vector_load %arg6[%parallel_loop3A_322, %parallel_loop3A_323] {strides = array<i32>} : memref<48x512xf32, #tpu.memory_space<vmem>>, vector<16xf32>,
        %parallel_loop3A_325 = vector.broadcast %scan3A_16 : f32 to vector<16xf32>
        %parallel_loop3A_326 = arith.mulf %parallel_loop3A_324, %parallel_loop3A_325 : vector<16xf32>
        %parallel_loop3A_327 = arith.constant 0x4B000000 : f32
        %parallel_loop3A_328 = vector.broadcast %parallel_loop3A_327 : f32 to vector<16xf32>
        %parallel_loop3A_329 = arith.addf %parallel_loop3A_326, %parallel_loop3A_328 : vector<16xf32>
        %parallel_loop3A_330 = vector.bitcast %parallel_loop3A_329 : vector<16xf32> to vector<16xi32>
        %parallel_loop3A_331 = arith.constant 1258291200 : i32
        %parallel_loop3A_332 = vector.broadcast %parallel_loop3A_331 : i32 to vector<16xi32>
        %parallel_loop3A_333 = arith.subi %parallel_loop3A_330, %parallel_loop3A_332 : vector<16xi32>
        %parallel_loop3A_334 = arith.constant 255 : i32
        %parallel_loop3A_335 = vector.broadcast %parallel_loop3A_334 : i32 to vector<16xi32>
        %parallel_loop3A_336 = arith.minui %parallel_loop3A_333, %parallel_loop3A_335 : vector<16xi32>
        %parallel_loop3A_337 = vector.bitcast %parallel_loop3A_336 : vector<16xi32> to vector<16xi32>
        %parallel_loop3A_338 = tpu.vector_load_idx %arg5[%parallel_loop3A_337] : memref<256xf32, #tpu.memory_space<vmem>>[vector<16xi32>], vector<16xf32>,
        %parallel_loop3A_339 = arith.mulf %parallel_loop3A_324, %parallel_loop3A_338 : vector<16xf32>
        %parallel_loop3A_340 = arith.index_cast %parallel_loop3A_132 : i32 to index
        %parallel_loop3A_341 = arith.constant 144 : index
        %parallel_loop3A_342 = tpu.vector_load %arg8[%parallel_loop3A_340, %parallel_loop3A_341] {strides = array<i32>} : memref<48x512xf32, #tpu.memory_space<vmem>>, vector<16xf32>,
        tpu.vector_store %arg8[%parallel_loop3A_340, %parallel_loop3A_341], %parallel_loop3A_339 {strides = array<i32>} : memref<48x512xf32, #tpu.memory_space<vmem>>, vector<16xf32>,
        %parallel_loop3A_343 = arith.index_cast %parallel_loop3A_132 : i32 to index
        %parallel_loop3A_344 = arith.constant 160 : index
        %parallel_loop3A_345 = tpu.vector_load %arg6[%parallel_loop3A_343, %parallel_loop3A_344] {strides = array<i32>} : memref<48x512xf32, #tpu.memory_space<vmem>>, vector<16xf32>,
        %parallel_loop3A_346 = vector.broadcast %scan3A_16 : f32 to vector<16xf32>
        %parallel_loop3A_347 = arith.mulf %parallel_loop3A_345, %parallel_loop3A_346 : vector<16xf32>
        %parallel_loop3A_348 = arith.constant 0x4B000000 : f32
        %parallel_loop3A_349 = vector.broadcast %parallel_loop3A_348 : f32 to vector<16xf32>
        %parallel_loop3A_350 = arith.addf %parallel_loop3A_347, %parallel_loop3A_349 : vector<16xf32>
        %parallel_loop3A_351 = vector.bitcast %parallel_loop3A_350 : vector<16xf32> to vector<16xi32>
        %parallel_loop3A_352 = arith.constant 1258291200 : i32
        %parallel_loop3A_353 = vector.broadcast %parallel_loop3A_352 : i32 to vector<16xi32>
        %parallel_loop3A_354 = arith.subi %parallel_loop3A_351, %parallel_loop3A_353 : vector<16xi32>
        %parallel_loop3A_355 = arith.constant 255 : i32
        %parallel_loop3A_356 = vector.broadcast %parallel_loop3A_355 : i32 to vector<16xi32>
        %parallel_loop3A_357 = arith.minui %parallel_loop3A_354, %parallel_loop3A_356 : vector<16xi32>
        %parallel_loop3A_358 = vector.bitcast %parallel_loop3A_357 : vector<16xi32> to vector<16xi32>
        %parallel_loop3A_359 = tpu.vector_load_idx %arg5[%parallel_loop3A_358] : memref<256xf32, #tpu.memory_space<vmem>>[vector<16xi32>], vector<16xf32>,
        %parallel_loop3A_360 = arith.mulf %parallel_loop3A_345, %parallel_loop3A_359 : vector<16xf32>
        %parallel_loop3A_361 = arith.index_cast %parallel_loop3A_132 : i32 to index
        %parallel_loop3A_362 = arith.constant 160 : index
        %parallel_loop3A_363 = tpu.vector_load %arg8[%parallel_loop3A_361, %parallel_loop3A_362] {strides = array<i32>} : memref<48x512xf32, #tpu.memory_space<vmem>>, vector<16xf32>,
        tpu.vector_store %arg8[%parallel_loop3A_361, %parallel_loop3A_362], %parallel_loop3A_360 {strides = array<i32>} : memref<48x512xf32, #tpu.memory_space<vmem>>, vector<16xf32>,
        %parallel_loop3A_364 = arith.index_cast %parallel_loop3A_132 : i32 to index
        %parallel_loop3A_365 = arith.constant 176 : index
        %parallel_loop3A_366 = tpu.vector_load %arg6[%parallel_loop3A_364, %parallel_loop3A_365] {strides = array<i32>} : memref<48x512xf32, #tpu.memory_space<vmem>>, vector<16xf32>,
        %parallel_loop3A_367 = vector.broadcast %scan3A_16 : f32 to vector<16xf32>
        %parallel_loop3A_368 = arith.mulf %parallel_loop3A_366, %parallel_loop3A_367 : vector<16xf32>
        %parallel_loop3A_369 = arith.constant 0x4B000000 : f32
        %parallel_loop3A_370 = vector.broadcast %parallel_loop3A_369 : f32 to vector<16xf32>
        %parallel_loop3A_371 = arith.addf %parallel_loop3A_368, %parallel_loop3A_370 : vector<16xf32>
        %parallel_loop3A_372 = vector.bitcast %parallel_loop3A_371 : vector<16xf32> to vector<16xi32>
        %parallel_loop3A_373 = arith.constant 1258291200 : i32
        %parallel_loop3A_374 = vector.broadcast %parallel_loop3A_373 : i32 to vector<16xi32>
        %parallel_loop3A_375 = arith.subi %parallel_loop3A_372, %parallel_loop3A_374 : vector<16xi32>
        %parallel_loop3A_376 = arith.constant 255 : i32
        %parallel_loop3A_377 = vector.broadcast %parallel_loop3A_376 : i32 to vector<16xi32>
        %parallel_loop3A_378 = arith.minui %parallel_loop3A_375, %parallel_loop3A_377 : vector<16xi32>
        %parallel_loop3A_379 = vector.bitcast %parallel_loop3A_378 : vector<16xi32> to vector<16xi32>
        %parallel_loop3A_380 = tpu.vector_load_idx %arg5[%parallel_loop3A_379] : memref<256xf32, #tpu.memory_space<vmem>>[vector<16xi32>], vector<16xf32>,
        %parallel_loop3A_381 = arith.mulf %parallel_loop3A_366, %parallel_loop3A_380 : vector<16xf32>
        %parallel_loop3A_382 = arith.index_cast %parallel_loop3A_132 : i32 to index
        %parallel_loop3A_383 = arith.constant 176 : index
        %parallel_loop3A_384 = tpu.vector_load %arg8[%parallel_loop3A_382, %parallel_loop3A_383] {strides = array<i32>} : memref<48x512xf32, #tpu.memory_space<vmem>>, vector<16xf32>,
        tpu.vector_store %arg8[%parallel_loop3A_382, %parallel_loop3A_383], %parallel_loop3A_381 {strides = array<i32>} : memref<48x512xf32, #tpu.memory_space<vmem>>, vector<16xf32>,
        %parallel_loop3A_385 = arith.index_cast %parallel_loop3A_132 : i32 to index
        %parallel_loop3A_386 = arith.constant 192 : index
        %parallel_loop3A_387 = tpu.vector_load %arg6[%parallel_loop3A_385, %parallel_loop3A_386] {strides = array<i32>} : memref<48x512xf32, #tpu.memory_space<vmem>>, vector<16xf32>,
        %parallel_loop3A_388 = vector.broadcast %scan3A_16 : f32 to vector<16xf32>
        %parallel_loop3A_389 = arith.mulf %parallel_loop3A_387, %parallel_loop3A_388 : vector<16xf32>
        %parallel_loop3A_390 = arith.constant 0x4B000000 : f32
        %parallel_loop3A_391 = vector.broadcast %parallel_loop3A_390 : f32 to vector<16xf32>
        %parallel_loop3A_392 = arith.addf %parallel_loop3A_389, %parallel_loop3A_391 : vector<16xf32>
        %parallel_loop3A_393 = vector.bitcast %parallel_loop3A_392 : vector<16xf32> to vector<16xi32>
        %parallel_loop3A_394 = arith.constant 1258291200 : i32
        %parallel_loop3A_395 = vector.broadcast %parallel_loop3A_394 : i32 to vector<16xi32>
        %parallel_loop3A_396 = arith.subi %parallel_loop3A_393, %parallel_loop3A_395 : vector<16xi32>
        %parallel_loop3A_397 = arith.constant 255 : i32
        %parallel_loop3A_398 = vector.broadcast %parallel_loop3A_397 : i32 to vector<16xi32>
        %parallel_loop3A_399 = arith.minui %parallel_loop3A_396, %parallel_loop3A_398 : vector<16xi32>
        %parallel_loop3A_400 = vector.bitcast %parallel_loop3A_399 : vector<16xi32> to vector<16xi32>
        %parallel_loop3A_401 = tpu.vector_load_idx %arg5[%parallel_loop3A_400] : memref<256xf32, #tpu.memory_space<vmem>>[vector<16xi32>], vector<16xf32>,
        %parallel_loop3A_402 = arith.mulf %parallel_loop3A_387, %parallel_loop3A_401 : vector<16xf32>
        %parallel_loop3A_403 = arith.index_cast %parallel_loop3A_132 : i32 to index
        %parallel_loop3A_404 = arith.constant 192 : index
        %parallel_loop3A_405 = tpu.vector_load %arg8[%parallel_loop3A_403, %parallel_loop3A_404] {strides = array<i32>} : memref<48x512xf32, #tpu.memory_space<vmem>>, vector<16xf32>,
        tpu.vector_store %arg8[%parallel_loop3A_403, %parallel_loop3A_404], %parallel_loop3A_402 {strides = array<i32>} : memref<48x512xf32, #tpu.memory_space<vmem>>, vector<16xf32>,
        %parallel_loop3A_406 = arith.index_cast %parallel_loop3A_132 : i32 to index
        %parallel_loop3A_407 = arith.constant 208 : index
        %parallel_loop3A_408 = tpu.vector_load %arg6[%parallel_loop3A_406, %parallel_loop3A_407] {strides = array<i32>} : memref<48x512xf32, #tpu.memory_space<vmem>>, vector<16xf32>,
        %parallel_loop3A_409 = vector.broadcast %scan3A_16 : f32 to vector<16xf32>
        %parallel_loop3A_410 = arith.mulf %parallel_loop3A_408, %parallel_loop3A_409 : vector<16xf32>
        %parallel_loop3A_411 = arith.constant 0x4B000000 : f32
        %parallel_loop3A_412 = vector.broadcast %parallel_loop3A_411 : f32 to vector<16xf32>
        %parallel_loop3A_413 = arith.addf %parallel_loop3A_410, %parallel_loop3A_412 : vector<16xf32>
        %parallel_loop3A_414 = vector.bitcast %parallel_loop3A_413 : vector<16xf32> to vector<16xi32>
        %parallel_loop3A_415 = arith.constant 1258291200 : i32
        %parallel_loop3A_416 = vector.broadcast %parallel_loop3A_415 : i32 to vector<16xi32>
        %parallel_loop3A_417 = arith.subi %parallel_loop3A_414, %parallel_loop3A_416 : vector<16xi32>
        %parallel_loop3A_418 = arith.constant 255 : i32
        %parallel_loop3A_419 = vector.broadcast %parallel_loop3A_418 : i32 to vector<16xi32>
        %parallel_loop3A_420 = arith.minui %parallel_loop3A_417, %parallel_loop3A_419 : vector<16xi32>
        %parallel_loop3A_421 = vector.bitcast %parallel_loop3A_420 : vector<16xi32> to vector<16xi32>
        %parallel_loop3A_422 = tpu.vector_load_idx %arg5[%parallel_loop3A_421] : memref<256xf32, #tpu.memory_space<vmem>>[vector<16xi32>], vector<16xf32>,
        %parallel_loop3A_423 = arith.mulf %parallel_loop3A_408, %parallel_loop3A_422 : vector<16xf32>
        %parallel_loop3A_424 = arith.index_cast %parallel_loop3A_132 : i32 to index
        %parallel_loop3A_425 = arith.constant 208 : index
        %parallel_loop3A_426 = tpu.vector_load %arg8[%parallel_loop3A_424, %parallel_loop3A_425] {strides = array<i32>} : memref<48x512xf32, #tpu.memory_space<vmem>>, vector<16xf32>,
        tpu.vector_store %arg8[%parallel_loop3A_424, %parallel_loop3A_425], %parallel_loop3A_423 {strides = array<i32>} : memref<48x512xf32, #tpu.memory_space<vmem>>, vector<16xf32>,
        %parallel_loop3A_427 = arith.index_cast %parallel_loop3A_132 : i32 to index
        %parallel_loop3A_428 = arith.constant 224 : index
        %parallel_loop3A_429 = tpu.vector_load %arg6[%parallel_loop3A_427, %parallel_loop3A_428] {strides = array<i32>} : memref<48x512xf32, #tpu.memory_space<vmem>>, vector<16xf32>,
        %parallel_loop3A_430 = vector.broadcast %scan3A_16 : f32 to vector<16xf32>
        %parallel_loop3A_431 = arith.mulf %parallel_loop3A_429, %parallel_loop3A_430 : vector<16xf32>
        %parallel_loop3A_432 = arith.constant 0x4B000000 : f32
        %parallel_loop3A_433 = vector.broadcast %parallel_loop3A_432 : f32 to vector<16xf32>
        %parallel_loop3A_434 = arith.addf %parallel_loop3A_431, %parallel_loop3A_433 : vector<16xf32>
        %parallel_loop3A_435 = vector.bitcast %parallel_loop3A_434 : vector<16xf32> to vector<16xi32>
        %parallel_loop3A_436 = arith.constant 1258291200 : i32
        %parallel_loop3A_437 = vector.broadcast %parallel_loop3A_436 : i32 to vector<16xi32>
        %parallel_loop3A_438 = arith.subi %parallel_loop3A_435, %parallel_loop3A_437 : vector<16xi32>
        %parallel_loop3A_439 = arith.constant 255 : i32
        %parallel_loop3A_440 = vector.broadcast %parallel_loop3A_439 : i32 to vector<16xi32>
        %parallel_loop3A_441 = arith.minui %parallel_loop3A_438, %parallel_loop3A_440 : vector<16xi32>
        %parallel_loop3A_442 = vector.bitcast %parallel_loop3A_441 : vector<16xi32> to vector<16xi32>
        %parallel_loop3A_443 = tpu.vector_load_idx %arg5[%parallel_loop3A_442] : memref<256xf32, #tpu.memory_space<vmem>>[vector<16xi32>], vector<16xf32>,
        %parallel_loop3A_444 = arith.mulf %parallel_loop3A_429, %parallel_loop3A_443 : vector<16xf32>
        %parallel_loop3A_445 = arith.index_cast %parallel_loop3A_132 : i32 to index
        %parallel_loop3A_446 = arith.constant 224 : index
        %parallel_loop3A_447 = tpu.vector_load %arg8[%parallel_loop3A_445, %parallel_loop3A_446] {strides = array<i32>} : memref<48x512xf32, #tpu.memory_space<vmem>>, vector<16xf32>,
        tpu.vector_store %arg8[%parallel_loop3A_445, %parallel_loop3A_446], %parallel_loop3A_444 {strides = array<i32>} : memref<48x512xf32, #tpu.memory_space<vmem>>, vector<16xf32>,
        %parallel_loop3A_448 = arith.index_cast %parallel_loop3A_132 : i32 to index
        %parallel_loop3A_449 = arith.constant 240 : index
        %parallel_loop3A_450 = tpu.vector_load %arg6[%parallel_loop3A_448, %parallel_loop3A_449] {strides = array<i32>} : memref<48x512xf32, #tpu.memory_space<vmem>>, vector<16xf32>,
        %parallel_loop3A_451 = vector.broadcast %scan3A_16 : f32 to vector<16xf32>
        %parallel_loop3A_452 = arith.mulf %parallel_loop3A_450, %parallel_loop3A_451 : vector<16xf32>
        %parallel_loop3A_453 = arith.constant 0x4B000000 : f32
        %parallel_loop3A_454 = vector.broadcast %parallel_loop3A_453 : f32 to vector<16xf32>
        %parallel_loop3A_455 = arith.addf %parallel_loop3A_452, %parallel_loop3A_454 : vector<16xf32>
        %parallel_loop3A_456 = vector.bitcast %parallel_loop3A_455 : vector<16xf32> to vector<16xi32>
        %parallel_loop3A_457 = arith.constant 1258291200 : i32
        %parallel_loop3A_458 = vector.broadcast %parallel_loop3A_457 : i32 to vector<16xi32>
        %parallel_loop3A_459 = arith.subi %parallel_loop3A_456, %parallel_loop3A_458 : vector<16xi32>
        %parallel_loop3A_460 = arith.constant 255 : i32
        %parallel_loop3A_461 = vector.broadcast %parallel_loop3A_460 : i32 to vector<16xi32>
        %parallel_loop3A_462 = arith.minui %parallel_loop3A_459, %parallel_loop3A_461 : vector<16xi32>
        %parallel_loop3A_463 = vector.bitcast %parallel_loop3A_462 : vector<16xi32> to vector<16xi32>
        %parallel_loop3A_464 = tpu.vector_load_idx %arg5[%parallel_loop3A_463] : memref<256xf32, #tpu.memory_space<vmem>>[vector<16xi32>], vector<16xf32>,
        %parallel_loop3A_465 = arith.mulf %parallel_loop3A_450, %parallel_loop3A_464 : vector<16xf32>
        %parallel_loop3A_466 = arith.index_cast %parallel_loop3A_132 : i32 to index
        %parallel_loop3A_467 = arith.constant 240 : index
        %parallel_loop3A_468 = tpu.vector_load %arg8[%parallel_loop3A_466, %parallel_loop3A_467] {strides = array<i32>} : memref<48x512xf32, #tpu.memory_space<vmem>>, vector<16xf32>,
        tpu.vector_store %arg8[%parallel_loop3A_466, %parallel_loop3A_467], %parallel_loop3A_465 {strides = array<i32>} : memref<48x512xf32, #tpu.memory_space<vmem>>, vector<16xf32>,
        %parallel_loop3A_469 = arith.index_cast %parallel_loop3A_132 : i32 to index
        %parallel_loop3A_470 = arith.constant 256 : index
        %parallel_loop3A_471 = tpu.vector_load %arg6[%parallel_loop3A_469, %parallel_loop3A_470] {strides = array<i32>} : memref<48x512xf32, #tpu.memory_space<vmem>>, vector<16xf32>,
        %parallel_loop3A_472 = vector.broadcast %scan3A_16 : f32 to vector<16xf32>
        %parallel_loop3A_473 = arith.mulf %parallel_loop3A_471, %parallel_loop3A_472 : vector<16xf32>
        %parallel_loop3A_474 = arith.constant 0x4B000000 : f32
        %parallel_loop3A_475 = vector.broadcast %parallel_loop3A_474 : f32 to vector<16xf32>
        %parallel_loop3A_476 = arith.addf %parallel_loop3A_473, %parallel_loop3A_475 : vector<16xf32>
        %parallel_loop3A_477 = vector.bitcast %parallel_loop3A_476 : vector<16xf32> to vector<16xi32>
        %parallel_loop3A_478 = arith.constant 1258291200 : i32
        %parallel_loop3A_479 = vector.broadcast %parallel_loop3A_478 : i32 to vector<16xi32>
        %parallel_loop3A_480 = arith.subi %parallel_loop3A_477, %parallel_loop3A_479 : vector<16xi32>
        %parallel_loop3A_481 = arith.constant 255 : i32
        %parallel_loop3A_482 = vector.broadcast %parallel_loop3A_481 : i32 to vector<16xi32>
        %parallel_loop3A_483 = arith.minui %parallel_loop3A_480, %parallel_loop3A_482 : vector<16xi32>
        %parallel_loop3A_484 = vector.bitcast %parallel_loop3A_483 : vector<16xi32> to vector<16xi32>
        %parallel_loop3A_485 = tpu.vector_load_idx %arg5[%parallel_loop3A_484] : memref<256xf32, #tpu.memory_space<vmem>>[vector<16xi32>], vector<16xf32>,
        %parallel_loop3A_486 = arith.mulf %parallel_loop3A_471, %parallel_loop3A_485 : vector<16xf32>
        %parallel_loop3A_487 = arith.index_cast %parallel_loop3A_132 : i32 to index
        %parallel_loop3A_488 = arith.constant 256 : index
        %parallel_loop3A_489 = tpu.vector_load %arg8[%parallel_loop3A_487, %parallel_loop3A_488] {strides = array<i32>} : memref<48x512xf32, #tpu.memory_space<vmem>>, vector<16xf32>,
        tpu.vector_store %arg8[%parallel_loop3A_487, %parallel_loop3A_488], %parallel_loop3A_486 {strides = array<i32>} : memref<48x512xf32, #tpu.memory_space<vmem>>, vector<16xf32>,
        %parallel_loop3A_490 = arith.index_cast %parallel_loop3A_132 : i32 to index
        %parallel_loop3A_491 = arith.constant 272 : index
        %parallel_loop3A_492 = tpu.vector_load %arg6[%parallel_loop3A_490, %parallel_loop3A_491] {strides = array<i32>} : memref<48x512xf32, #tpu.memory_space<vmem>>, vector<16xf32>,
        %parallel_loop3A_493 = vector.broadcast %scan3A_16 : f32 to vector<16xf32>
        %parallel_loop3A_494 = arith.mulf %parallel_loop3A_492, %parallel_loop3A_493 : vector<16xf32>
        %parallel_loop3A_495 = arith.constant 0x4B000000 : f32
        %parallel_loop3A_496 = vector.broadcast %parallel_loop3A_495 : f32 to vector<16xf32>
        %parallel_loop3A_497 = arith.addf %parallel_loop3A_494, %parallel_loop3A_496 : vector<16xf32>
        %parallel_loop3A_498 = vector.bitcast %parallel_loop3A_497 : vector<16xf32> to vector<16xi32>
        %parallel_loop3A_499 = arith.constant 1258291200 : i32
        %parallel_loop3A_500 = vector.broadcast %parallel_loop3A_499 : i32 to vector<16xi32>
        %parallel_loop3A_501 = arith.subi %parallel_loop3A_498, %parallel_loop3A_500 : vector<16xi32>
        %parallel_loop3A_502 = arith.constant 255 : i32
        %parallel_loop3A_503 = vector.broadcast %parallel_loop3A_502 : i32 to vector<16xi32>
        %parallel_loop3A_504 = arith.minui %parallel_loop3A_501, %parallel_loop3A_503 : vector<16xi32>
        %parallel_loop3A_505 = vector.bitcast %parallel_loop3A_504 : vector<16xi32> to vector<16xi32>
        %parallel_loop3A_506 = tpu.vector_load_idx %arg5[%parallel_loop3A_505] : memref<256xf32, #tpu.memory_space<vmem>>[vector<16xi32>], vector<16xf32>,
        %parallel_loop3A_507 = arith.mulf %parallel_loop3A_492, %parallel_loop3A_506 : vector<16xf32>
        %parallel_loop3A_508 = arith.index_cast %parallel_loop3A_132 : i32 to index
        %parallel_loop3A_509 = arith.constant 272 : index
        %parallel_loop3A_510 = tpu.vector_load %arg8[%parallel_loop3A_508, %parallel_loop3A_509] {strides = array<i32>} : memref<48x512xf32, #tpu.memory_space<vmem>>, vector<16xf32>,
        tpu.vector_store %arg8[%parallel_loop3A_508, %parallel_loop3A_509], %parallel_loop3A_507 {strides = array<i32>} : memref<48x512xf32, #tpu.memory_space<vmem>>, vector<16xf32>,
        %parallel_loop3A_511 = arith.index_cast %parallel_loop3A_132 : i32 to index
        %parallel_loop3A_512 = arith.constant 288 : index
        %parallel_loop3A_513 = tpu.vector_load %arg6[%parallel_loop3A_511, %parallel_loop3A_512] {strides = array<i32>} : memref<48x512xf32, #tpu.memory_space<vmem>>, vector<16xf32>,
        %parallel_loop3A_514 = vector.broadcast %scan3A_16 : f32 to vector<16xf32>
        %parallel_loop3A_515 = arith.mulf %parallel_loop3A_513, %parallel_loop3A_514 : vector<16xf32>
        %parallel_loop3A_516 = arith.constant 0x4B000000 : f32
        %parallel_loop3A_517 = vector.broadcast %parallel_loop3A_516 : f32 to vector<16xf32>
        %parallel_loop3A_518 = arith.addf %parallel_loop3A_515, %parallel_loop3A_517 : vector<16xf32>
        %parallel_loop3A_519 = vector.bitcast %parallel_loop3A_518 : vector<16xf32> to vector<16xi32>
        %parallel_loop3A_520 = arith.constant 1258291200 : i32
        %parallel_loop3A_521 = vector.broadcast %parallel_loop3A_520 : i32 to vector<16xi32>
        %parallel_loop3A_522 = arith.subi %parallel_loop3A_519, %parallel_loop3A_521 : vector<16xi32>
        %parallel_loop3A_523 = arith.constant 255 : i32
        %parallel_loop3A_524 = vector.broadcast %parallel_loop3A_523 : i32 to vector<16xi32>
        %parallel_loop3A_525 = arith.minui %parallel_loop3A_522, %parallel_loop3A_524 : vector<16xi32>
        %parallel_loop3A_526 = vector.bitcast %parallel_loop3A_525 : vector<16xi32> to vector<16xi32>
        %parallel_loop3A_527 = tpu.vector_load_idx %arg5[%parallel_loop3A_526] : memref<256xf32, #tpu.memory_space<vmem>>[vector<16xi32>], vector<16xf32>,
        %parallel_loop3A_528 = arith.mulf %parallel_loop3A_513, %parallel_loop3A_527 : vector<16xf32>
        %parallel_loop3A_529 = arith.index_cast %parallel_loop3A_132 : i32 to index
        %parallel_loop3A_530 = arith.constant 288 : index
        %parallel_loop3A_531 = tpu.vector_load %arg8[%parallel_loop3A_529, %parallel_loop3A_530] {strides = array<i32>} : memref<48x512xf32, #tpu.memory_space<vmem>>, vector<16xf32>,
        tpu.vector_store %arg8[%parallel_loop3A_529, %parallel_loop3A_530], %parallel_loop3A_528 {strides = array<i32>} : memref<48x512xf32, #tpu.memory_space<vmem>>, vector<16xf32>,
        %parallel_loop3A_532 = arith.index_cast %parallel_loop3A_132 : i32 to index
        %parallel_loop3A_533 = arith.constant 304 : index
        %parallel_loop3A_534 = tpu.vector_load %arg6[%parallel_loop3A_532, %parallel_loop3A_533] {strides = array<i32>} : memref<48x512xf32, #tpu.memory_space<vmem>>, vector<16xf32>,
        %parallel_loop3A_535 = vector.broadcast %scan3A_16 : f32 to vector<16xf32>
        %parallel_loop3A_536 = arith.mulf %parallel_loop3A_534, %parallel_loop3A_535 : vector<16xf32>
        %parallel_loop3A_537 = arith.constant 0x4B000000 : f32
        %parallel_loop3A_538 = vector.broadcast %parallel_loop3A_537 : f32 to vector<16xf32>
        %parallel_loop3A_539 = arith.addf %parallel_loop3A_536, %parallel_loop3A_538 : vector<16xf32>
        %parallel_loop3A_540 = vector.bitcast %parallel_loop3A_539 : vector<16xf32> to vector<16xi32>
        %parallel_loop3A_541 = arith.constant 1258291200 : i32
        %parallel_loop3A_542 = vector.broadcast %parallel_loop3A_541 : i32 to vector<16xi32>
        %parallel_loop3A_543 = arith.subi %parallel_loop3A_540, %parallel_loop3A_542 : vector<16xi32>
        %parallel_loop3A_544 = arith.constant 255 : i32
        %parallel_loop3A_545 = vector.broadcast %parallel_loop3A_544 : i32 to vector<16xi32>
        %parallel_loop3A_546 = arith.minui %parallel_loop3A_543, %parallel_loop3A_545 : vector<16xi32>
        %parallel_loop3A_547 = vector.bitcast %parallel_loop3A_546 : vector<16xi32> to vector<16xi32>
        %parallel_loop3A_548 = tpu.vector_load_idx %arg5[%parallel_loop3A_547] : memref<256xf32, #tpu.memory_space<vmem>>[vector<16xi32>], vector<16xf32>,
        %parallel_loop3A_549 = arith.mulf %parallel_loop3A_534, %parallel_loop3A_548 : vector<16xf32>
        %parallel_loop3A_550 = arith.index_cast %parallel_loop3A_132 : i32 to index
        %parallel_loop3A_551 = arith.constant 304 : index
        %parallel_loop3A_552 = tpu.vector_load %arg8[%parallel_loop3A_550, %parallel_loop3A_551] {strides = array<i32>} : memref<48x512xf32, #tpu.memory_space<vmem>>, vector<16xf32>,
        tpu.vector_store %arg8[%parallel_loop3A_550, %parallel_loop3A_551], %parallel_loop3A_549 {strides = array<i32>} : memref<48x512xf32, #tpu.memory_space<vmem>>, vector<16xf32>,
        %parallel_loop3A_553 = arith.index_cast %parallel_loop3A_132 : i32 to index
        %parallel_loop3A_554 = arith.constant 320 : index
        %parallel_loop3A_555 = tpu.vector_load %arg6[%parallel_loop3A_553, %parallel_loop3A_554] {strides = array<i32>} : memref<48x512xf32, #tpu.memory_space<vmem>>, vector<16xf32>,
        %parallel_loop3A_556 = vector.broadcast %scan3A_16 : f32 to vector<16xf32>
        %parallel_loop3A_557 = arith.mulf %parallel_loop3A_555, %parallel_loop3A_556 : vector<16xf32>
        %parallel_loop3A_558 = arith.constant 0x4B000000 : f32
        %parallel_loop3A_559 = vector.broadcast %parallel_loop3A_558 : f32 to vector<16xf32>
        %parallel_loop3A_560 = arith.addf %parallel_loop3A_557, %parallel_loop3A_559 : vector<16xf32>
        %parallel_loop3A_561 = vector.bitcast %parallel_loop3A_560 : vector<16xf32> to vector<16xi32>
        %parallel_loop3A_562 = arith.constant 1258291200 : i32
        %parallel_loop3A_563 = vector.broadcast %parallel_loop3A_562 : i32 to vector<16xi32>
        %parallel_loop3A_564 = arith.subi %parallel_loop3A_561, %parallel_loop3A_563 : vector<16xi32>
        %parallel_loop3A_565 = arith.constant 255 : i32
        %parallel_loop3A_566 = vector.broadcast %parallel_loop3A_565 : i32 to vector<16xi32>
        %parallel_loop3A_567 = arith.minui %parallel_loop3A_564, %parallel_loop3A_566 : vector<16xi32>
        %parallel_loop3A_568 = vector.bitcast %parallel_loop3A_567 : vector<16xi32> to vector<16xi32>
        %parallel_loop3A_569 = tpu.vector_load_idx %arg5[%parallel_loop3A_568] : memref<256xf32, #tpu.memory_space<vmem>>[vector<16xi32>], vector<16xf32>,
        %parallel_loop3A_570 = arith.mulf %parallel_loop3A_555, %parallel_loop3A_569 : vector<16xf32>
        %parallel_loop3A_571 = arith.index_cast %parallel_loop3A_132 : i32 to index
        %parallel_loop3A_572 = arith.constant 320 : index
        %parallel_loop3A_573 = tpu.vector_load %arg8[%parallel_loop3A_571, %parallel_loop3A_572] {strides = array<i32>} : memref<48x512xf32, #tpu.memory_space<vmem>>, vector<16xf32>,
        tpu.vector_store %arg8[%parallel_loop3A_571, %parallel_loop3A_572], %parallel_loop3A_570 {strides = array<i32>} : memref<48x512xf32, #tpu.memory_space<vmem>>, vector<16xf32>,
        %parallel_loop3A_574 = arith.index_cast %parallel_loop3A_132 : i32 to index
        %parallel_loop3A_575 = arith.constant 336 : index
        %parallel_loop3A_576 = tpu.vector_load %arg6[%parallel_loop3A_574, %parallel_loop3A_575] {strides = array<i32>} : memref<48x512xf32, #tpu.memory_space<vmem>>, vector<16xf32>,
        %parallel_loop3A_577 = vector.broadcast %scan3A_16 : f32 to vector<16xf32>
        %parallel_loop3A_578 = arith.mulf %parallel_loop3A_576, %parallel_loop3A_577 : vector<16xf32>
        %parallel_loop3A_579 = arith.constant 0x4B000000 : f32
        %parallel_loop3A_580 = vector.broadcast %parallel_loop3A_579 : f32 to vector<16xf32>
        %parallel_loop3A_581 = arith.addf %parallel_loop3A_578, %parallel_loop3A_580 : vector<16xf32>
        %parallel_loop3A_582 = vector.bitcast %parallel_loop3A_581 : vector<16xf32> to vector<16xi32>
        %parallel_loop3A_583 = arith.constant 1258291200 : i32
        %parallel_loop3A_584 = vector.broadcast %parallel_loop3A_583 : i32 to vector<16xi32>
        %parallel_loop3A_585 = arith.subi %parallel_loop3A_582, %parallel_loop3A_584 : vector<16xi32>
        %parallel_loop3A_586 = arith.constant 255 : i32
        %parallel_loop3A_587 = vector.broadcast %parallel_loop3A_586 : i32 to vector<16xi32>
        %parallel_loop3A_588 = arith.minui %parallel_loop3A_585, %parallel_loop3A_587 : vector<16xi32>
        %parallel_loop3A_589 = vector.bitcast %parallel_loop3A_588 : vector<16xi32> to vector<16xi32>
        %parallel_loop3A_590 = tpu.vector_load_idx %arg5[%parallel_loop3A_589] : memref<256xf32, #tpu.memory_space<vmem>>[vector<16xi32>], vector<16xf32>,
        %parallel_loop3A_591 = arith.mulf %parallel_loop3A_576, %parallel_loop3A_590 : vector<16xf32>
        %parallel_loop3A_592 = arith.index_cast %parallel_loop3A_132 : i32 to index
        %parallel_loop3A_593 = arith.constant 336 : index
        %parallel_loop3A_594 = tpu.vector_load %arg8[%parallel_loop3A_592, %parallel_loop3A_593] {strides = array<i32>} : memref<48x512xf32, #tpu.memory_space<vmem>>, vector<16xf32>,
        tpu.vector_store %arg8[%parallel_loop3A_592, %parallel_loop3A_593], %parallel_loop3A_591 {strides = array<i32>} : memref<48x512xf32, #tpu.memory_space<vmem>>, vector<16xf32>,
        %parallel_loop3A_595 = arith.index_cast %parallel_loop3A_132 : i32 to index
        %parallel_loop3A_596 = arith.constant 352 : index
        %parallel_loop3A_597 = tpu.vector_load %arg6[%parallel_loop3A_595, %parallel_loop3A_596] {strides = array<i32>} : memref<48x512xf32, #tpu.memory_space<vmem>>, vector<16xf32>,
        %parallel_loop3A_598 = vector.broadcast %scan3A_16 : f32 to vector<16xf32>
        %parallel_loop3A_599 = arith.mulf %parallel_loop3A_597, %parallel_loop3A_598 : vector<16xf32>
        %parallel_loop3A_600 = arith.constant 0x4B000000 : f32
        %parallel_loop3A_601 = vector.broadcast %parallel_loop3A_600 : f32 to vector<16xf32>
        %parallel_loop3A_602 = arith.addf %parallel_loop3A_599, %parallel_loop3A_601 : vector<16xf32>
        %parallel_loop3A_603 = vector.bitcast %parallel_loop3A_602 : vector<16xf32> to vector<16xi32>
        %parallel_loop3A_604 = arith.constant 1258291200 : i32
        %parallel_loop3A_605 = vector.broadcast %parallel_loop3A_604 : i32 to vector<16xi32>
        %parallel_loop3A_606 = arith.subi %parallel_loop3A_603, %parallel_loop3A_605 : vector<16xi32>
        %parallel_loop3A_607 = arith.constant 255 : i32
        %parallel_loop3A_608 = vector.broadcast %parallel_loop3A_607 : i32 to vector<16xi32>
        %parallel_loop3A_609 = arith.minui %parallel_loop3A_606, %parallel_loop3A_608 : vector<16xi32>
        %parallel_loop3A_610 = vector.bitcast %parallel_loop3A_609 : vector<16xi32> to vector<16xi32>
        %parallel_loop3A_611 = tpu.vector_load_idx %arg5[%parallel_loop3A_610] : memref<256xf32, #tpu.memory_space<vmem>>[vector<16xi32>], vector<16xf32>,
        %parallel_loop3A_612 = arith.mulf %parallel_loop3A_597, %parallel_loop3A_611 : vector<16xf32>
        %parallel_loop3A_613 = arith.index_cast %parallel_loop3A_132 : i32 to index
        %parallel_loop3A_614 = arith.constant 352 : index
        %parallel_loop3A_615 = tpu.vector_load %arg8[%parallel_loop3A_613, %parallel_loop3A_614] {strides = array<i32>} : memref<48x512xf32, #tpu.memory_space<vmem>>, vector<16xf32>,
        tpu.vector_store %arg8[%parallel_loop3A_613, %parallel_loop3A_614], %parallel_loop3A_612 {strides = array<i32>} : memref<48x512xf32, #tpu.memory_space<vmem>>, vector<16xf32>,
        %parallel_loop3A_616 = arith.index_cast %parallel_loop3A_132 : i32 to index
        %parallel_loop3A_617 = arith.constant 368 : index
        %parallel_loop3A_618 = tpu.vector_load %arg6[%parallel_loop3A_616, %parallel_loop3A_617] {strides = array<i32>} : memref<48x512xf32, #tpu.memory_space<vmem>>, vector<16xf32>,
        %parallel_loop3A_619 = vector.broadcast %scan3A_16 : f32 to vector<16xf32>
        %parallel_loop3A_620 = arith.mulf %parallel_loop3A_618, %parallel_loop3A_619 : vector<16xf32>
        %parallel_loop3A_621 = arith.constant 0x4B000000 : f32
        %parallel_loop3A_622 = vector.broadcast %parallel_loop3A_621 : f32 to vector<16xf32>
        %parallel_loop3A_623 = arith.addf %parallel_loop3A_620, %parallel_loop3A_622 : vector<16xf32>
        %parallel_loop3A_624 = vector.bitcast %parallel_loop3A_623 : vector<16xf32> to vector<16xi32>
        %parallel_loop3A_625 = arith.constant 1258291200 : i32
        %parallel_loop3A_626 = vector.broadcast %parallel_loop3A_625 : i32 to vector<16xi32>
        %parallel_loop3A_627 = arith.subi %parallel_loop3A_624, %parallel_loop3A_626 : vector<16xi32>
        %parallel_loop3A_628 = arith.constant 255 : i32
        %parallel_loop3A_629 = vector.broadcast %parallel_loop3A_628 : i32 to vector<16xi32>
        %parallel_loop3A_630 = arith.minui %parallel_loop3A_627, %parallel_loop3A_629 : vector<16xi32>
        %parallel_loop3A_631 = vector.bitcast %parallel_loop3A_630 : vector<16xi32> to vector<16xi32>
        %parallel_loop3A_632 = tpu.vector_load_idx %arg5[%parallel_loop3A_631] : memref<256xf32, #tpu.memory_space<vmem>>[vector<16xi32>], vector<16xf32>,
        %parallel_loop3A_633 = arith.mulf %parallel_loop3A_618, %parallel_loop3A_632 : vector<16xf32>
        %parallel_loop3A_634 = arith.index_cast %parallel_loop3A_132 : i32 to index
        %parallel_loop3A_635 = arith.constant 368 : index
        %parallel_loop3A_636 = tpu.vector_load %arg8[%parallel_loop3A_634, %parallel_loop3A_635] {strides = array<i32>} : memref<48x512xf32, #tpu.memory_space<vmem>>, vector<16xf32>,
        tpu.vector_store %arg8[%parallel_loop3A_634, %parallel_loop3A_635], %parallel_loop3A_633 {strides = array<i32>} : memref<48x512xf32, #tpu.memory_space<vmem>>, vector<16xf32>,
        %parallel_loop3A_637 = arith.index_cast %parallel_loop3A_132 : i32 to index
        %parallel_loop3A_638 = arith.constant 384 : index
        %parallel_loop3A_639 = tpu.vector_load %arg6[%parallel_loop3A_637, %parallel_loop3A_638] {strides = array<i32>} : memref<48x512xf32, #tpu.memory_space<vmem>>, vector<16xf32>,
        %parallel_loop3A_640 = vector.broadcast %scan3A_16 : f32 to vector<16xf32>
        %parallel_loop3A_641 = arith.mulf %parallel_loop3A_639, %parallel_loop3A_640 : vector<16xf32>
        %parallel_loop3A_642 = arith.constant 0x4B000000 : f32
        %parallel_loop3A_643 = vector.broadcast %parallel_loop3A_642 : f32 to vector<16xf32>
        %parallel_loop3A_644 = arith.addf %parallel_loop3A_641, %parallel_loop3A_643 : vector<16xf32>
        %parallel_loop3A_645 = vector.bitcast %parallel_loop3A_644 : vector<16xf32> to vector<16xi32>
        %parallel_loop3A_646 = arith.constant 1258291200 : i32
        %parallel_loop3A_647 = vector.broadcast %parallel_loop3A_646 : i32 to vector<16xi32>
        %parallel_loop3A_648 = arith.subi %parallel_loop3A_645, %parallel_loop3A_647 : vector<16xi32>
        %parallel_loop3A_649 = arith.constant 255 : i32
        %parallel_loop3A_650 = vector.broadcast %parallel_loop3A_649 : i32 to vector<16xi32>
        %parallel_loop3A_651 = arith.minui %parallel_loop3A_648, %parallel_loop3A_650 : vector<16xi32>
        %parallel_loop3A_652 = vector.bitcast %parallel_loop3A_651 : vector<16xi32> to vector<16xi32>
        %parallel_loop3A_653 = tpu.vector_load_idx %arg5[%parallel_loop3A_652] : memref<256xf32, #tpu.memory_space<vmem>>[vector<16xi32>], vector<16xf32>,
        %parallel_loop3A_654 = arith.mulf %parallel_loop3A_639, %parallel_loop3A_653 : vector<16xf32>
        %parallel_loop3A_655 = arith.index_cast %parallel_loop3A_132 : i32 to index
        %parallel_loop3A_656 = arith.constant 384 : index
        %parallel_loop3A_657 = tpu.vector_load %arg8[%parallel_loop3A_655, %parallel_loop3A_656] {strides = array<i32>} : memref<48x512xf32, #tpu.memory_space<vmem>>, vector<16xf32>,
        tpu.vector_store %arg8[%parallel_loop3A_655, %parallel_loop3A_656], %parallel_loop3A_654 {strides = array<i32>} : memref<48x512xf32, #tpu.memory_space<vmem>>, vector<16xf32>,
        %parallel_loop3A_658 = arith.index_cast %parallel_loop3A_132 : i32 to index
        %parallel_loop3A_659 = arith.constant 400 : index
        %parallel_loop3A_660 = tpu.vector_load %arg6[%parallel_loop3A_658, %parallel_loop3A_659] {strides = array<i32>} : memref<48x512xf32, #tpu.memory_space<vmem>>, vector<16xf32>,
        %parallel_loop3A_661 = vector.broadcast %scan3A_16 : f32 to vector<16xf32>
        %parallel_loop3A_662 = arith.mulf %parallel_loop3A_660, %parallel_loop3A_661 : vector<16xf32>
        %parallel_loop3A_663 = arith.constant 0x4B000000 : f32
        %parallel_loop3A_664 = vector.broadcast %parallel_loop3A_663 : f32 to vector<16xf32>
        %parallel_loop3A_665 = arith.addf %parallel_loop3A_662, %parallel_loop3A_664 : vector<16xf32>
        %parallel_loop3A_666 = vector.bitcast %parallel_loop3A_665 : vector<16xf32> to vector<16xi32>
        %parallel_loop3A_667 = arith.constant 1258291200 : i32
        %parallel_loop3A_668 = vector.broadcast %parallel_loop3A_667 : i32 to vector<16xi32>
        %parallel_loop3A_669 = arith.subi %parallel_loop3A_666, %parallel_loop3A_668 : vector<16xi32>
        %parallel_loop3A_670 = arith.constant 255 : i32
        %parallel_loop3A_671 = vector.broadcast %parallel_loop3A_670 : i32 to vector<16xi32>
        %parallel_loop3A_672 = arith.minui %parallel_loop3A_669, %parallel_loop3A_671 : vector<16xi32>
        %parallel_loop3A_673 = vector.bitcast %parallel_loop3A_672 : vector<16xi32> to vector<16xi32>
        %parallel_loop3A_674 = tpu.vector_load_idx %arg5[%parallel_loop3A_673] : memref<256xf32, #tpu.memory_space<vmem>>[vector<16xi32>], vector<16xf32>,
        %parallel_loop3A_675 = arith.mulf %parallel_loop3A_660, %parallel_loop3A_674 : vector<16xf32>
        %parallel_loop3A_676 = arith.index_cast %parallel_loop3A_132 : i32 to index
        %parallel_loop3A_677 = arith.constant 400 : index
        %parallel_loop3A_678 = tpu.vector_load %arg8[%parallel_loop3A_676, %parallel_loop3A_677] {strides = array<i32>} : memref<48x512xf32, #tpu.memory_space<vmem>>, vector<16xf32>,
        tpu.vector_store %arg8[%parallel_loop3A_676, %parallel_loop3A_677], %parallel_loop3A_675 {strides = array<i32>} : memref<48x512xf32, #tpu.memory_space<vmem>>, vector<16xf32>,
        %parallel_loop3A_679 = arith.index_cast %parallel_loop3A_132 : i32 to index
        %parallel_loop3A_680 = arith.constant 416 : index
        %parallel_loop3A_681 = tpu.vector_load %arg6[%parallel_loop3A_679, %parallel_loop3A_680] {strides = array<i32>} : memref<48x512xf32, #tpu.memory_space<vmem>>, vector<16xf32>,
        %parallel_loop3A_682 = vector.broadcast %scan3A_16 : f32 to vector<16xf32>
        %parallel_loop3A_683 = arith.mulf %parallel_loop3A_681, %parallel_loop3A_682 : vector<16xf32>
        %parallel_loop3A_684 = arith.constant 0x4B000000 : f32
        %parallel_loop3A_685 = vector.broadcast %parallel_loop3A_684 : f32 to vector<16xf32>
        %parallel_loop3A_686 = arith.addf %parallel_loop3A_683, %parallel_loop3A_685 : vector<16xf32>
        %parallel_loop3A_687 = vector.bitcast %parallel_loop3A_686 : vector<16xf32> to vector<16xi32>
        %parallel_loop3A_688 = arith.constant 1258291200 : i32
        %parallel_loop3A_689 = vector.broadcast %parallel_loop3A_688 : i32 to vector<16xi32>
        %parallel_loop3A_690 = arith.subi %parallel_loop3A_687, %parallel_loop3A_689 : vector<16xi32>
        %parallel_loop3A_691 = arith.constant 255 : i32
        %parallel_loop3A_692 = vector.broadcast %parallel_loop3A_691 : i32 to vector<16xi32>
        %parallel_loop3A_693 = arith.minui %parallel_loop3A_690, %parallel_loop3A_692 : vector<16xi32>
        %parallel_loop3A_694 = vector.bitcast %parallel_loop3A_693 : vector<16xi32> to vector<16xi32>
        %parallel_loop3A_695 = tpu.vector_load_idx %arg5[%parallel_loop3A_694] : memref<256xf32, #tpu.memory_space<vmem>>[vector<16xi32>], vector<16xf32>,
        %parallel_loop3A_696 = arith.mulf %parallel_loop3A_681, %parallel_loop3A_695 : vector<16xf32>
        %parallel_loop3A_697 = arith.index_cast %parallel_loop3A_132 : i32 to index
        %parallel_loop3A_698 = arith.constant 416 : index
        %parallel_loop3A_699 = tpu.vector_load %arg8[%parallel_loop3A_697, %parallel_loop3A_698] {strides = array<i32>} : memref<48x512xf32, #tpu.memory_space<vmem>>, vector<16xf32>,
        tpu.vector_store %arg8[%parallel_loop3A_697, %parallel_loop3A_698], %parallel_loop3A_696 {strides = array<i32>} : memref<48x512xf32, #tpu.memory_space<vmem>>, vector<16xf32>,
        %parallel_loop3A_700 = arith.index_cast %parallel_loop3A_132 : i32 to index
        %parallel_loop3A_701 = arith.constant 432 : index
        %parallel_loop3A_702 = tpu.vector_load %arg6[%parallel_loop3A_700, %parallel_loop3A_701] {strides = array<i32>} : memref<48x512xf32, #tpu.memory_space<vmem>>, vector<16xf32>,
        %parallel_loop3A_703 = vector.broadcast %scan3A_16 : f32 to vector<16xf32>
        %parallel_loop3A_704 = arith.mulf %parallel_loop3A_702, %parallel_loop3A_703 : vector<16xf32>
        %parallel_loop3A_705 = arith.constant 0x4B000000 : f32
        %parallel_loop3A_706 = vector.broadcast %parallel_loop3A_705 : f32 to vector<16xf32>
        %parallel_loop3A_707 = arith.addf %parallel_loop3A_704, %parallel_loop3A_706 : vector<16xf32>
        %parallel_loop3A_708 = vector.bitcast %parallel_loop3A_707 : vector<16xf32> to vector<16xi32>
        %parallel_loop3A_709 = arith.constant 1258291200 : i32
        %parallel_loop3A_710 = vector.broadcast %parallel_loop3A_709 : i32 to vector<16xi32>
        %parallel_loop3A_711 = arith.subi %parallel_loop3A_708, %parallel_loop3A_710 : vector<16xi32>
        %parallel_loop3A_712 = arith.constant 255 : i32
        %parallel_loop3A_713 = vector.broadcast %parallel_loop3A_712 : i32 to vector<16xi32>
        %parallel_loop3A_714 = arith.minui %parallel_loop3A_711, %parallel_loop3A_713 : vector<16xi32>
        %parallel_loop3A_715 = vector.bitcast %parallel_loop3A_714 : vector<16xi32> to vector<16xi32>
        %parallel_loop3A_716 = tpu.vector_load_idx %arg5[%parallel_loop3A_715] : memref<256xf32, #tpu.memory_space<vmem>>[vector<16xi32>], vector<16xf32>,
        %parallel_loop3A_717 = arith.mulf %parallel_loop3A_702, %parallel_loop3A_716 : vector<16xf32>
        %parallel_loop3A_718 = arith.index_cast %parallel_loop3A_132 : i32 to index
        %parallel_loop3A_719 = arith.constant 432 : index
        %parallel_loop3A_720 = tpu.vector_load %arg8[%parallel_loop3A_718, %parallel_loop3A_719] {strides = array<i32>} : memref<48x512xf32, #tpu.memory_space<vmem>>, vector<16xf32>,
        tpu.vector_store %arg8[%parallel_loop3A_718, %parallel_loop3A_719], %parallel_loop3A_717 {strides = array<i32>} : memref<48x512xf32, #tpu.memory_space<vmem>>, vector<16xf32>,
        %parallel_loop3A_721 = arith.index_cast %parallel_loop3A_132 : i32 to index
        %parallel_loop3A_722 = arith.constant 448 : index
        %parallel_loop3A_723 = tpu.vector_load %arg6[%parallel_loop3A_721, %parallel_loop3A_722] {strides = array<i32>} : memref<48x512xf32, #tpu.memory_space<vmem>>, vector<16xf32>,
        %parallel_loop3A_724 = vector.broadcast %scan3A_16 : f32 to vector<16xf32>
        %parallel_loop3A_725 = arith.mulf %parallel_loop3A_723, %parallel_loop3A_724 : vector<16xf32>
        %parallel_loop3A_726 = arith.constant 0x4B000000 : f32
        %parallel_loop3A_727 = vector.broadcast %parallel_loop3A_726 : f32 to vector<16xf32>
        %parallel_loop3A_728 = arith.addf %parallel_loop3A_725, %parallel_loop3A_727 : vector<16xf32>
        %parallel_loop3A_729 = vector.bitcast %parallel_loop3A_728 : vector<16xf32> to vector<16xi32>
        %parallel_loop3A_730 = arith.constant 1258291200 : i32
        %parallel_loop3A_731 = vector.broadcast %parallel_loop3A_730 : i32 to vector<16xi32>
        %parallel_loop3A_732 = arith.subi %parallel_loop3A_729, %parallel_loop3A_731 : vector<16xi32>
        %parallel_loop3A_733 = arith.constant 255 : i32
        %parallel_loop3A_734 = vector.broadcast %parallel_loop3A_733 : i32 to vector<16xi32>
        %parallel_loop3A_735 = arith.minui %parallel_loop3A_732, %parallel_loop3A_734 : vector<16xi32>
        %parallel_loop3A_736 = vector.bitcast %parallel_loop3A_735 : vector<16xi32> to vector<16xi32>
        %parallel_loop3A_737 = tpu.vector_load_idx %arg5[%parallel_loop3A_736] : memref<256xf32, #tpu.memory_space<vmem>>[vector<16xi32>], vector<16xf32>,
        %parallel_loop3A_738 = arith.mulf %parallel_loop3A_723, %parallel_loop3A_737 : vector<16xf32>
        %parallel_loop3A_739 = arith.index_cast %parallel_loop3A_132 : i32 to index
        %parallel_loop3A_740 = arith.constant 448 : index
        %parallel_loop3A_741 = tpu.vector_load %arg8[%parallel_loop3A_739, %parallel_loop3A_740] {strides = array<i32>} : memref<48x512xf32, #tpu.memory_space<vmem>>, vector<16xf32>,
        tpu.vector_store %arg8[%parallel_loop3A_739, %parallel_loop3A_740], %parallel_loop3A_738 {strides = array<i32>} : memref<48x512xf32, #tpu.memory_space<vmem>>, vector<16xf32>,
        %parallel_loop3A_742 = arith.index_cast %parallel_loop3A_132 : i32 to index
        %parallel_loop3A_743 = arith.constant 464 : index
        %parallel_loop3A_744 = tpu.vector_load %arg6[%parallel_loop3A_742, %parallel_loop3A_743] {strides = array<i32>} : memref<48x512xf32, #tpu.memory_space<vmem>>, vector<16xf32>,
        %parallel_loop3A_745 = vector.broadcast %scan3A_16 : f32 to vector<16xf32>
        %parallel_loop3A_746 = arith.mulf %parallel_loop3A_744, %parallel_loop3A_745 : vector<16xf32>
        %parallel_loop3A_747 = arith.constant 0x4B000000 : f32
        %parallel_loop3A_748 = vector.broadcast %parallel_loop3A_747 : f32 to vector<16xf32>
        %parallel_loop3A_749 = arith.addf %parallel_loop3A_746, %parallel_loop3A_748 : vector<16xf32>
        %parallel_loop3A_750 = vector.bitcast %parallel_loop3A_749 : vector<16xf32> to vector<16xi32>
        %parallel_loop3A_751 = arith.constant 1258291200 : i32
        %parallel_loop3A_752 = vector.broadcast %parallel_loop3A_751 : i32 to vector<16xi32>
        %parallel_loop3A_753 = arith.subi %parallel_loop3A_750, %parallel_loop3A_752 : vector<16xi32>
        %parallel_loop3A_754 = arith.constant 255 : i32
        %parallel_loop3A_755 = vector.broadcast %parallel_loop3A_754 : i32 to vector<16xi32>
        %parallel_loop3A_756 = arith.minui %parallel_loop3A_753, %parallel_loop3A_755 : vector<16xi32>
        %parallel_loop3A_757 = vector.bitcast %parallel_loop3A_756 : vector<16xi32> to vector<16xi32>
        %parallel_loop3A_758 = tpu.vector_load_idx %arg5[%parallel_loop3A_757] : memref<256xf32, #tpu.memory_space<vmem>>[vector<16xi32>], vector<16xf32>,
        %parallel_loop3A_759 = arith.mulf %parallel_loop3A_744, %parallel_loop3A_758 : vector<16xf32>
        %parallel_loop3A_760 = arith.index_cast %parallel_loop3A_132 : i32 to index
        %parallel_loop3A_761 = arith.constant 464 : index
        %parallel_loop3A_762 = tpu.vector_load %arg8[%parallel_loop3A_760, %parallel_loop3A_761] {strides = array<i32>} : memref<48x512xf32, #tpu.memory_space<vmem>>, vector<16xf32>,
        tpu.vector_store %arg8[%parallel_loop3A_760, %parallel_loop3A_761], %parallel_loop3A_759 {strides = array<i32>} : memref<48x512xf32, #tpu.memory_space<vmem>>, vector<16xf32>,
        %parallel_loop3A_763 = arith.index_cast %parallel_loop3A_132 : i32 to index
        %parallel_loop3A_764 = arith.constant 480 : index
        %parallel_loop3A_765 = tpu.vector_load %arg6[%parallel_loop3A_763, %parallel_loop3A_764] {strides = array<i32>} : memref<48x512xf32, #tpu.memory_space<vmem>>, vector<16xf32>,
        %parallel_loop3A_766 = vector.broadcast %scan3A_16 : f32 to vector<16xf32>
        %parallel_loop3A_767 = arith.mulf %parallel_loop3A_765, %parallel_loop3A_766 : vector<16xf32>
        %parallel_loop3A_768 = arith.constant 0x4B000000 : f32
        %parallel_loop3A_769 = vector.broadcast %parallel_loop3A_768 : f32 to vector<16xf32>
        %parallel_loop3A_770 = arith.addf %parallel_loop3A_767, %parallel_loop3A_769 : vector<16xf32>
        %parallel_loop3A_771 = vector.bitcast %parallel_loop3A_770 : vector<16xf32> to vector<16xi32>
        %parallel_loop3A_772 = arith.constant 1258291200 : i32
        %parallel_loop3A_773 = vector.broadcast %parallel_loop3A_772 : i32 to vector<16xi32>
        %parallel_loop3A_774 = arith.subi %parallel_loop3A_771, %parallel_loop3A_773 : vector<16xi32>
        %parallel_loop3A_775 = arith.constant 255 : i32
        %parallel_loop3A_776 = vector.broadcast %parallel_loop3A_775 : i32 to vector<16xi32>
        %parallel_loop3A_777 = arith.minui %parallel_loop3A_774, %parallel_loop3A_776 : vector<16xi32>
        %parallel_loop3A_778 = vector.bitcast %parallel_loop3A_777 : vector<16xi32> to vector<16xi32>
        %parallel_loop3A_779 = tpu.vector_load_idx %arg5[%parallel_loop3A_778] : memref<256xf32, #tpu.memory_space<vmem>>[vector<16xi32>], vector<16xf32>,
        %parallel_loop3A_780 = arith.mulf %parallel_loop3A_765, %parallel_loop3A_779 : vector<16xf32>
        %parallel_loop3A_781 = arith.index_cast %parallel_loop3A_132 : i32 to index
        %parallel_loop3A_782 = arith.constant 480 : index
        %parallel_loop3A_783 = tpu.vector_load %arg8[%parallel_loop3A_781, %parallel_loop3A_782] {strides = array<i32>} : memref<48x512xf32, #tpu.memory_space<vmem>>, vector<16xf32>,
        tpu.vector_store %arg8[%parallel_loop3A_781, %parallel_loop3A_782], %parallel_loop3A_780 {strides = array<i32>} : memref<48x512xf32, #tpu.memory_space<vmem>>, vector<16xf32>,
        %parallel_loop3A_784 = arith.index_cast %parallel_loop3A_132 : i32 to index
        %parallel_loop3A_785 = arith.constant 496 : index
        %parallel_loop3A_786 = tpu.vector_load %arg6[%parallel_loop3A_784, %parallel_loop3A_785] {strides = array<i32>} : memref<48x512xf32, #tpu.memory_space<vmem>>, vector<16xf32>,
        %parallel_loop3A_787 = vector.broadcast %scan3A_16 : f32 to vector<16xf32>
        %parallel_loop3A_788 = arith.mulf %parallel_loop3A_786, %parallel_loop3A_787 : vector<16xf32>
        %parallel_loop3A_789 = arith.constant 0x4B000000 : f32
        %parallel_loop3A_790 = vector.broadcast %parallel_loop3A_789 : f32 to vector<16xf32>
        %parallel_loop3A_791 = arith.addf %parallel_loop3A_788, %parallel_loop3A_790 : vector<16xf32>
        %parallel_loop3A_792 = vector.bitcast %parallel_loop3A_791 : vector<16xf32> to vector<16xi32>
        %parallel_loop3A_793 = arith.constant 1258291200 : i32
        %parallel_loop3A_794 = vector.broadcast %parallel_loop3A_793 : i32 to vector<16xi32>
        %parallel_loop3A_795 = arith.subi %parallel_loop3A_792, %parallel_loop3A_794 : vector<16xi32>
        %parallel_loop3A_796 = arith.constant 255 : i32
        %parallel_loop3A_797 = vector.broadcast %parallel_loop3A_796 : i32 to vector<16xi32>
        %parallel_loop3A_798 = arith.minui %parallel_loop3A_795, %parallel_loop3A_797 : vector<16xi32>
        %parallel_loop3A_799 = vector.bitcast %parallel_loop3A_798 : vector<16xi32> to vector<16xi32>
        %parallel_loop3A_800 = tpu.vector_load_idx %arg5[%parallel_loop3A_799] : memref<256xf32, #tpu.memory_space<vmem>>[vector<16xi32>], vector<16xf32>,
        %parallel_loop3A_801 = arith.mulf %parallel_loop3A_786, %parallel_loop3A_800 : vector<16xf32>
        %parallel_loop3A_802 = arith.index_cast %parallel_loop3A_132 : i32 to index
        %parallel_loop3A_803 = arith.constant 496 : index
        %parallel_loop3A_804 = tpu.vector_load %arg8[%parallel_loop3A_802, %parallel_loop3A_803] {strides = array<i32>} : memref<48x512xf32, #tpu.memory_space<vmem>>, vector<16xf32>,
        tpu.vector_store %arg8[%parallel_loop3A_802, %parallel_loop3A_803], %parallel_loop3A_801 {strides = array<i32>} : memref<48x512xf32, #tpu.memory_space<vmem>>, vector<16xf32>,
      } {sc.loop_unroll_factor = 1 : i64, sc.parallel_access}
      %mul3A_80 = arith.constant 2 : i32
      %mul3A_81 = arith.muli %scan3A_64, %mul3A_80 : i32
      %add3A_82 = arith.constant 0 : i32
      %add3A_83 = arith.addi %mul3A_81, %add3A_82 : i32
      %add3A_84 = arith.constant 2 : i32
      %add3A_85 = arith.addi %add3A_83, %add3A_84 : i32
      %lt3A = arith.constant 32 : i32
      %lt3A_86 = arith.cmpi slt, %add3A_85, %lt3A : i32
      %convert_element_type3A_87 = arith.extui %lt3A_86 : i1 to i32
      %cond3A_88 = arith.constant 0 : i32
      %cond3A_89 = arith.cmpi ne, %convert_element_type3A_87, %cond3A_88 : i32
      scf.if %cond3A_89 {
        %add3A_132 = arith.constant 2 : i32
        %add3A_133 = arith.addi %add3A_69, %add3A_132 : i32
        %mul3A_134 = arith.constant 48 : i32
        %mul3A_135 = arith.muli %add3A_133, %mul3A_134 : i32
        %dma_start3A_136 = arith.constant 0 : i32
        %dma_start3A_137 = tpu.memref_slice %arg2[%mul3A_135, %dma_start3A_136] : memref<50688x512xf32, #tpu.memory_space<hbm>> -> memref<48x512xf32, #tpu.memory_space<hbm>>
        %dma_start3A_138 = arith.constant 0 : i32
        %dma_start3A_139 = tpu.memref_slice %arg2[%mul3A_135, %dma_start3A_138] : memref<50688x512xf32, #tpu.memory_space<hbm>> -> memref<48x512xf32, #tpu.memory_space<hbm>>
        tpu.enqueue_dma source(%dma_start3A_139 : memref<48x512xf32, #tpu.memory_space<hbm>>) target(%arg6 : memref<48x512xf32, #tpu.memory_space<vmem>>) target_semaphore(%arg10 : memref<!tpu.dma_semaphore, #tpu.memory_space<semaphore_mem>>)
      } else {
      }
      %mul3A_90 = arith.constant 48 : i32
      %mul3A_91 = arith.muli %add3A_69, %mul3A_90 : i32
      %dma_start3A_92 = arith.constant 0 : i32
      %dma_start3A_93 = tpu.memref_slice %arg4[%mul3A_91, %dma_start3A_92] : memref<50688x512xf32, #tpu.memory_space<hbm>> -> memref<48x512xf32, #tpu.memory_space<hbm>>
      %dma_start3A_94 = arith.constant 0 : i32
      %dma_start3A_95 = tpu.memref_slice %arg4[%mul3A_91, %dma_start3A_94] : memref<50688x512xf32, #tpu.memory_space<hbm>> -> memref<48x512xf32, #tpu.memory_space<hbm>>
      tpu.enqueue_dma source(%arg8 : memref<48x512xf32, #tpu.memory_space<vmem>>) target(%dma_start3A_95 : memref<48x512xf32, #tpu.memory_space<hbm>>) target_semaphore(%arg12 : memref<!tpu.dma_semaphore, #tpu.memory_space<semaphore_mem>>)
      %mul3A_96 = arith.constant 2 : i32
      %mul3A_97 = arith.muli %scan3A_64, %mul3A_96 : i32
      %add3A_98 = arith.addi %mul3A_2, %mul3A_97 : i32
      %add3A_99 = arith.constant 1 : i32
      %add3A_100 = arith.addi %add3A_98, %add3A_99 : i32
      %mul3A_101 = arith.constant 48 : i32
      %mul3A_102 = arith.muli %add3A_100, %mul3A_101 : i32
      %dma_wait3A_103 = arith.constant 0 : i32
      %dma_wait3A_104 = tpu.memref_slice %arg2[%mul3A_102, %dma_wait3A_103] : memref<50688x512xf32, #tpu.memory_space<hbm>> -> memref<48x512xf32, #tpu.memory_space<hbm>>
      %dma_wait3A_105 = arith.constant 0 : i32
      %dma_wait3A_106 = tpu.memref_slice %arg2[%mul3A_102, %dma_wait3A_105] : memref<50688x512xf32, #tpu.memory_space<hbm>> -> memref<48x512xf32, #tpu.memory_space<hbm>>
      tpu.wait_dma2 semaphore(%arg11 : memref<!tpu.dma_semaphore, #tpu.memory_space<semaphore_mem>>) src(%dma_wait3A_106 : memref<48x512xf32, #tpu.memory_space<hbm>>) dst(%arg7 : memref<48x512xf32, #tpu.memory_space<vmem>>)
      %gt3A_107 = arith.constant 0 : i32
      %gt3A_108 = arith.cmpi sgt, %scan3A_64, %gt3A_107 : i32
      %convert_element_type3A_109 = arith.extui %gt3A_108 : i1 to i32
      %cond3A_110 = arith.constant 0 : i32
      %cond3A_111 = arith.cmpi ne, %convert_element_type3A_109, %cond3A_110 : i32
      scf.if %cond3A_111 {
        %sub3A_132 = arith.constant 2 : i32
        %sub3A_133 = arith.subi %add3A_100, %sub3A_132 : i32
        %mul3A_134 = arith.constant 48 : i32
        %mul3A_135 = arith.muli %sub3A_133, %mul3A_134 : i32
        %dma_wait3A_136 = arith.constant 0 : i32
        %dma_wait3A_137 = tpu.memref_slice %arg4[%mul3A_135, %dma_wait3A_136] : memref<50688x512xf32, #tpu.memory_space<hbm>> -> memref<48x512xf32, #tpu.memory_space<hbm>>
        %dma_wait3A_138 = arith.constant 0 : i32
        %dma_wait3A_139 = tpu.memref_slice %arg4[%mul3A_135, %dma_wait3A_138] : memref<50688x512xf32, #tpu.memory_space<hbm>> -> memref<48x512xf32, #tpu.memory_space<hbm>>
        tpu.wait_dma2 semaphore(%arg13 : memref<!tpu.dma_semaphore, #tpu.memory_space<semaphore_mem>>) src(%arg9 : memref<48x512xf32, #tpu.memory_space<vmem>>) dst(%dma_wait3A_139 : memref<48x512xf32, #tpu.memory_space<hbm>>)
      } else {
      }
      %parallel_loop3A_112 = arith.constant 0 : i32
      %parallel_loop3A_113 = arith.constant 48 : i32
      %parallel_loop3A_114 = arith.constant 1 : i32
      scf.for %parallel_loop3A_132 = %parallel_loop3A_112 to %parallel_loop3A_113 step %parallel_loop3A_114  : i32 {
        %parallel_loop3A_133 = arith.index_cast %parallel_loop3A_132 : i32 to index
        %parallel_loop3A_134 = arith.constant 0 : index
        %parallel_loop3A_135 = tpu.vector_load %arg7[%parallel_loop3A_133, %parallel_loop3A_134] {strides = array<i32>} : memref<48x512xf32, #tpu.memory_space<vmem>>, vector<16xf32>,
        %parallel_loop3A_136 = vector.broadcast %scan3A_16 : f32 to vector<16xf32>
        %parallel_loop3A_137 = arith.mulf %parallel_loop3A_135, %parallel_loop3A_136 : vector<16xf32>
        %parallel_loop3A_138 = arith.constant 0x4B000000 : f32
        %parallel_loop3A_139 = vector.broadcast %parallel_loop3A_138 : f32 to vector<16xf32>
        %parallel_loop3A_140 = arith.addf %parallel_loop3A_137, %parallel_loop3A_139 : vector<16xf32>
        %parallel_loop3A_141 = vector.bitcast %parallel_loop3A_140 : vector<16xf32> to vector<16xi32>
        %parallel_loop3A_142 = arith.constant 1258291200 : i32
        %parallel_loop3A_143 = vector.broadcast %parallel_loop3A_142 : i32 to vector<16xi32>
        %parallel_loop3A_144 = arith.subi %parallel_loop3A_141, %parallel_loop3A_143 : vector<16xi32>
        %parallel_loop3A_145 = arith.constant 255 : i32
        %parallel_loop3A_146 = vector.broadcast %parallel_loop3A_145 : i32 to vector<16xi32>
        %parallel_loop3A_147 = arith.minui %parallel_loop3A_144, %parallel_loop3A_146 : vector<16xi32>
        %parallel_loop3A_148 = vector.bitcast %parallel_loop3A_147 : vector<16xi32> to vector<16xi32>
        %parallel_loop3A_149 = tpu.vector_load_idx %arg5[%parallel_loop3A_148] : memref<256xf32, #tpu.memory_space<vmem>>[vector<16xi32>], vector<16xf32>,
        %parallel_loop3A_150 = arith.mulf %parallel_loop3A_135, %parallel_loop3A_149 : vector<16xf32>
        %parallel_loop3A_151 = arith.index_cast %parallel_loop3A_132 : i32 to index
        %parallel_loop3A_152 = arith.constant 0 : index
        %parallel_loop3A_153 = tpu.vector_load %arg9[%parallel_loop3A_151, %parallel_loop3A_152] {strides = array<i32>} : memref<48x512xf32, #tpu.memory_space<vmem>>, vector<16xf32>,
        tpu.vector_store %arg9[%parallel_loop3A_151, %parallel_loop3A_152], %parallel_loop3A_150 {strides = array<i32>} : memref<48x512xf32, #tpu.memory_space<vmem>>, vector<16xf32>,
        %parallel_loop3A_154 = arith.index_cast %parallel_loop3A_132 : i32 to index
        %parallel_loop3A_155 = arith.constant 16 : index
        %parallel_loop3A_156 = tpu.vector_load %arg7[%parallel_loop3A_154, %parallel_loop3A_155] {strides = array<i32>} : memref<48x512xf32, #tpu.memory_space<vmem>>, vector<16xf32>,
        %parallel_loop3A_157 = vector.broadcast %scan3A_16 : f32 to vector<16xf32>
        %parallel_loop3A_158 = arith.mulf %parallel_loop3A_156, %parallel_loop3A_157 : vector<16xf32>
        %parallel_loop3A_159 = arith.constant 0x4B000000 : f32
        %parallel_loop3A_160 = vector.broadcast %parallel_loop3A_159 : f32 to vector<16xf32>
        %parallel_loop3A_161 = arith.addf %parallel_loop3A_158, %parallel_loop3A_160 : vector<16xf32>
        %parallel_loop3A_162 = vector.bitcast %parallel_loop3A_161 : vector<16xf32> to vector<16xi32>
        %parallel_loop3A_163 = arith.constant 1258291200 : i32
        %parallel_loop3A_164 = vector.broadcast %parallel_loop3A_163 : i32 to vector<16xi32>
        %parallel_loop3A_165 = arith.subi %parallel_loop3A_162, %parallel_loop3A_164 : vector<16xi32>
        %parallel_loop3A_166 = arith.constant 255 : i32
        %parallel_loop3A_167 = vector.broadcast %parallel_loop3A_166 : i32 to vector<16xi32>
        %parallel_loop3A_168 = arith.minui %parallel_loop3A_165, %parallel_loop3A_167 : vector<16xi32>
        %parallel_loop3A_169 = vector.bitcast %parallel_loop3A_168 : vector<16xi32> to vector<16xi32>
        %parallel_loop3A_170 = tpu.vector_load_idx %arg5[%parallel_loop3A_169] : memref<256xf32, #tpu.memory_space<vmem>>[vector<16xi32>], vector<16xf32>,
        %parallel_loop3A_171 = arith.mulf %parallel_loop3A_156, %parallel_loop3A_170 : vector<16xf32>
        %parallel_loop3A_172 = arith.index_cast %parallel_loop3A_132 : i32 to index
        %parallel_loop3A_173 = arith.constant 16 : index
        %parallel_loop3A_174 = tpu.vector_load %arg9[%parallel_loop3A_172, %parallel_loop3A_173] {strides = array<i32>} : memref<48x512xf32, #tpu.memory_space<vmem>>, vector<16xf32>,
        tpu.vector_store %arg9[%parallel_loop3A_172, %parallel_loop3A_173], %parallel_loop3A_171 {strides = array<i32>} : memref<48x512xf32, #tpu.memory_space<vmem>>, vector<16xf32>,
        %parallel_loop3A_175 = arith.index_cast %parallel_loop3A_132 : i32 to index
        %parallel_loop3A_176 = arith.constant 32 : index
        %parallel_loop3A_177 = tpu.vector_load %arg7[%parallel_loop3A_175, %parallel_loop3A_176] {strides = array<i32>} : memref<48x512xf32, #tpu.memory_space<vmem>>, vector<16xf32>,
        %parallel_loop3A_178 = vector.broadcast %scan3A_16 : f32 to vector<16xf32>
        %parallel_loop3A_179 = arith.mulf %parallel_loop3A_177, %parallel_loop3A_178 : vector<16xf32>
        %parallel_loop3A_180 = arith.constant 0x4B000000 : f32
        %parallel_loop3A_181 = vector.broadcast %parallel_loop3A_180 : f32 to vector<16xf32>
        %parallel_loop3A_182 = arith.addf %parallel_loop3A_179, %parallel_loop3A_181 : vector<16xf32>
        %parallel_loop3A_183 = vector.bitcast %parallel_loop3A_182 : vector<16xf32> to vector<16xi32>
        %parallel_loop3A_184 = arith.constant 1258291200 : i32
        %parallel_loop3A_185 = vector.broadcast %parallel_loop3A_184 : i32 to vector<16xi32>
        %parallel_loop3A_186 = arith.subi %parallel_loop3A_183, %parallel_loop3A_185 : vector<16xi32>
        %parallel_loop3A_187 = arith.constant 255 : i32
        %parallel_loop3A_188 = vector.broadcast %parallel_loop3A_187 : i32 to vector<16xi32>
        %parallel_loop3A_189 = arith.minui %parallel_loop3A_186, %parallel_loop3A_188 : vector<16xi32>
        %parallel_loop3A_190 = vector.bitcast %parallel_loop3A_189 : vector<16xi32> to vector<16xi32>
        %parallel_loop3A_191 = tpu.vector_load_idx %arg5[%parallel_loop3A_190] : memref<256xf32, #tpu.memory_space<vmem>>[vector<16xi32>], vector<16xf32>,
        %parallel_loop3A_192 = arith.mulf %parallel_loop3A_177, %parallel_loop3A_191 : vector<16xf32>
        %parallel_loop3A_193 = arith.index_cast %parallel_loop3A_132 : i32 to index
        %parallel_loop3A_194 = arith.constant 32 : index
        %parallel_loop3A_195 = tpu.vector_load %arg9[%parallel_loop3A_193, %parallel_loop3A_194] {strides = array<i32>} : memref<48x512xf32, #tpu.memory_space<vmem>>, vector<16xf32>,
        tpu.vector_store %arg9[%parallel_loop3A_193, %parallel_loop3A_194], %parallel_loop3A_192 {strides = array<i32>} : memref<48x512xf32, #tpu.memory_space<vmem>>, vector<16xf32>,
        %parallel_loop3A_196 = arith.index_cast %parallel_loop3A_132 : i32 to index
        %parallel_loop3A_197 = arith.constant 48 : index
        %parallel_loop3A_198 = tpu.vector_load %arg7[%parallel_loop3A_196, %parallel_loop3A_197] {strides = array<i32>} : memref<48x512xf32, #tpu.memory_space<vmem>>, vector<16xf32>,
        %parallel_loop3A_199 = vector.broadcast %scan3A_16 : f32 to vector<16xf32>
        %parallel_loop3A_200 = arith.mulf %parallel_loop3A_198, %parallel_loop3A_199 : vector<16xf32>
        %parallel_loop3A_201 = arith.constant 0x4B000000 : f32
        %parallel_loop3A_202 = vector.broadcast %parallel_loop3A_201 : f32 to vector<16xf32>
        %parallel_loop3A_203 = arith.addf %parallel_loop3A_200, %parallel_loop3A_202 : vector<16xf32>
        %parallel_loop3A_204 = vector.bitcast %parallel_loop3A_203 : vector<16xf32> to vector<16xi32>
        %parallel_loop3A_205 = arith.constant 1258291200 : i32
        %parallel_loop3A_206 = vector.broadcast %parallel_loop3A_205 : i32 to vector<16xi32>
        %parallel_loop3A_207 = arith.subi %parallel_loop3A_204, %parallel_loop3A_206 : vector<16xi32>
        %parallel_loop3A_208 = arith.constant 255 : i32
        %parallel_loop3A_209 = vector.broadcast %parallel_loop3A_208 : i32 to vector<16xi32>
        %parallel_loop3A_210 = arith.minui %parallel_loop3A_207, %parallel_loop3A_209 : vector<16xi32>
        %parallel_loop3A_211 = vector.bitcast %parallel_loop3A_210 : vector<16xi32> to vector<16xi32>
        %parallel_loop3A_212 = tpu.vector_load_idx %arg5[%parallel_loop3A_211] : memref<256xf32, #tpu.memory_space<vmem>>[vector<16xi32>], vector<16xf32>,
        %parallel_loop3A_213 = arith.mulf %parallel_loop3A_198, %parallel_loop3A_212 : vector<16xf32>
        %parallel_loop3A_214 = arith.index_cast %parallel_loop3A_132 : i32 to index
        %parallel_loop3A_215 = arith.constant 48 : index
        %parallel_loop3A_216 = tpu.vector_load %arg9[%parallel_loop3A_214, %parallel_loop3A_215] {strides = array<i32>} : memref<48x512xf32, #tpu.memory_space<vmem>>, vector<16xf32>,
        tpu.vector_store %arg9[%parallel_loop3A_214, %parallel_loop3A_215], %parallel_loop3A_213 {strides = array<i32>} : memref<48x512xf32, #tpu.memory_space<vmem>>, vector<16xf32>,
        %parallel_loop3A_217 = arith.index_cast %parallel_loop3A_132 : i32 to index
        %parallel_loop3A_218 = arith.constant 64 : index
        %parallel_loop3A_219 = tpu.vector_load %arg7[%parallel_loop3A_217, %parallel_loop3A_218] {strides = array<i32>} : memref<48x512xf32, #tpu.memory_space<vmem>>, vector<16xf32>,
        %parallel_loop3A_220 = vector.broadcast %scan3A_16 : f32 to vector<16xf32>
        %parallel_loop3A_221 = arith.mulf %parallel_loop3A_219, %parallel_loop3A_220 : vector<16xf32>
        %parallel_loop3A_222 = arith.constant 0x4B000000 : f32
        %parallel_loop3A_223 = vector.broadcast %parallel_loop3A_222 : f32 to vector<16xf32>
        %parallel_loop3A_224 = arith.addf %parallel_loop3A_221, %parallel_loop3A_223 : vector<16xf32>
        %parallel_loop3A_225 = vector.bitcast %parallel_loop3A_224 : vector<16xf32> to vector<16xi32>
        %parallel_loop3A_226 = arith.constant 1258291200 : i32
        %parallel_loop3A_227 = vector.broadcast %parallel_loop3A_226 : i32 to vector<16xi32>
        %parallel_loop3A_228 = arith.subi %parallel_loop3A_225, %parallel_loop3A_227 : vector<16xi32>
        %parallel_loop3A_229 = arith.constant 255 : i32
        %parallel_loop3A_230 = vector.broadcast %parallel_loop3A_229 : i32 to vector<16xi32>
        %parallel_loop3A_231 = arith.minui %parallel_loop3A_228, %parallel_loop3A_230 : vector<16xi32>
        %parallel_loop3A_232 = vector.bitcast %parallel_loop3A_231 : vector<16xi32> to vector<16xi32>
        %parallel_loop3A_233 = tpu.vector_load_idx %arg5[%parallel_loop3A_232] : memref<256xf32, #tpu.memory_space<vmem>>[vector<16xi32>], vector<16xf32>,
        %parallel_loop3A_234 = arith.mulf %parallel_loop3A_219, %parallel_loop3A_233 : vector<16xf32>
        %parallel_loop3A_235 = arith.index_cast %parallel_loop3A_132 : i32 to index
        %parallel_loop3A_236 = arith.constant 64 : index
        %parallel_loop3A_237 = tpu.vector_load %arg9[%parallel_loop3A_235, %parallel_loop3A_236] {strides = array<i32>} : memref<48x512xf32, #tpu.memory_space<vmem>>, vector<16xf32>,
        tpu.vector_store %arg9[%parallel_loop3A_235, %parallel_loop3A_236], %parallel_loop3A_234 {strides = array<i32>} : memref<48x512xf32, #tpu.memory_space<vmem>>, vector<16xf32>,
        %parallel_loop3A_238 = arith.index_cast %parallel_loop3A_132 : i32 to index
        %parallel_loop3A_239 = arith.constant 80 : index
        %parallel_loop3A_240 = tpu.vector_load %arg7[%parallel_loop3A_238, %parallel_loop3A_239] {strides = array<i32>} : memref<48x512xf32, #tpu.memory_space<vmem>>, vector<16xf32>,
        %parallel_loop3A_241 = vector.broadcast %scan3A_16 : f32 to vector<16xf32>
        %parallel_loop3A_242 = arith.mulf %parallel_loop3A_240, %parallel_loop3A_241 : vector<16xf32>
        %parallel_loop3A_243 = arith.constant 0x4B000000 : f32
        %parallel_loop3A_244 = vector.broadcast %parallel_loop3A_243 : f32 to vector<16xf32>
        %parallel_loop3A_245 = arith.addf %parallel_loop3A_242, %parallel_loop3A_244 : vector<16xf32>
        %parallel_loop3A_246 = vector.bitcast %parallel_loop3A_245 : vector<16xf32> to vector<16xi32>
        %parallel_loop3A_247 = arith.constant 1258291200 : i32
        %parallel_loop3A_248 = vector.broadcast %parallel_loop3A_247 : i32 to vector<16xi32>
        %parallel_loop3A_249 = arith.subi %parallel_loop3A_246, %parallel_loop3A_248 : vector<16xi32>
        %parallel_loop3A_250 = arith.constant 255 : i32
        %parallel_loop3A_251 = vector.broadcast %parallel_loop3A_250 : i32 to vector<16xi32>
        %parallel_loop3A_252 = arith.minui %parallel_loop3A_249, %parallel_loop3A_251 : vector<16xi32>
        %parallel_loop3A_253 = vector.bitcast %parallel_loop3A_252 : vector<16xi32> to vector<16xi32>
        %parallel_loop3A_254 = tpu.vector_load_idx %arg5[%parallel_loop3A_253] : memref<256xf32, #tpu.memory_space<vmem>>[vector<16xi32>], vector<16xf32>,
        %parallel_loop3A_255 = arith.mulf %parallel_loop3A_240, %parallel_loop3A_254 : vector<16xf32>
        %parallel_loop3A_256 = arith.index_cast %parallel_loop3A_132 : i32 to index
        %parallel_loop3A_257 = arith.constant 80 : index
        %parallel_loop3A_258 = tpu.vector_load %arg9[%parallel_loop3A_256, %parallel_loop3A_257] {strides = array<i32>} : memref<48x512xf32, #tpu.memory_space<vmem>>, vector<16xf32>,
        tpu.vector_store %arg9[%parallel_loop3A_256, %parallel_loop3A_257], %parallel_loop3A_255 {strides = array<i32>} : memref<48x512xf32, #tpu.memory_space<vmem>>, vector<16xf32>,
        %parallel_loop3A_259 = arith.index_cast %parallel_loop3A_132 : i32 to index
        %parallel_loop3A_260 = arith.constant 96 : index
        %parallel_loop3A_261 = tpu.vector_load %arg7[%parallel_loop3A_259, %parallel_loop3A_260] {strides = array<i32>} : memref<48x512xf32, #tpu.memory_space<vmem>>, vector<16xf32>,
        %parallel_loop3A_262 = vector.broadcast %scan3A_16 : f32 to vector<16xf32>
        %parallel_loop3A_263 = arith.mulf %parallel_loop3A_261, %parallel_loop3A_262 : vector<16xf32>
        %parallel_loop3A_264 = arith.constant 0x4B000000 : f32
        %parallel_loop3A_265 = vector.broadcast %parallel_loop3A_264 : f32 to vector<16xf32>
        %parallel_loop3A_266 = arith.addf %parallel_loop3A_263, %parallel_loop3A_265 : vector<16xf32>
        %parallel_loop3A_267 = vector.bitcast %parallel_loop3A_266 : vector<16xf32> to vector<16xi32>
        %parallel_loop3A_268 = arith.constant 1258291200 : i32
        %parallel_loop3A_269 = vector.broadcast %parallel_loop3A_268 : i32 to vector<16xi32>
        %parallel_loop3A_270 = arith.subi %parallel_loop3A_267, %parallel_loop3A_269 : vector<16xi32>
        %parallel_loop3A_271 = arith.constant 255 : i32
        %parallel_loop3A_272 = vector.broadcast %parallel_loop3A_271 : i32 to vector<16xi32>
        %parallel_loop3A_273 = arith.minui %parallel_loop3A_270, %parallel_loop3A_272 : vector<16xi32>
        %parallel_loop3A_274 = vector.bitcast %parallel_loop3A_273 : vector<16xi32> to vector<16xi32>
        %parallel_loop3A_275 = tpu.vector_load_idx %arg5[%parallel_loop3A_274] : memref<256xf32, #tpu.memory_space<vmem>>[vector<16xi32>], vector<16xf32>,
        %parallel_loop3A_276 = arith.mulf %parallel_loop3A_261, %parallel_loop3A_275 : vector<16xf32>
        %parallel_loop3A_277 = arith.index_cast %parallel_loop3A_132 : i32 to index
        %parallel_loop3A_278 = arith.constant 96 : index
        %parallel_loop3A_279 = tpu.vector_load %arg9[%parallel_loop3A_277, %parallel_loop3A_278] {strides = array<i32>} : memref<48x512xf32, #tpu.memory_space<vmem>>, vector<16xf32>,
        tpu.vector_store %arg9[%parallel_loop3A_277, %parallel_loop3A_278], %parallel_loop3A_276 {strides = array<i32>} : memref<48x512xf32, #tpu.memory_space<vmem>>, vector<16xf32>,
        %parallel_loop3A_280 = arith.index_cast %parallel_loop3A_132 : i32 to index
        %parallel_loop3A_281 = arith.constant 112 : index
        %parallel_loop3A_282 = tpu.vector_load %arg7[%parallel_loop3A_280, %parallel_loop3A_281] {strides = array<i32>} : memref<48x512xf32, #tpu.memory_space<vmem>>, vector<16xf32>,
        %parallel_loop3A_283 = vector.broadcast %scan3A_16 : f32 to vector<16xf32>
        %parallel_loop3A_284 = arith.mulf %parallel_loop3A_282, %parallel_loop3A_283 : vector<16xf32>
        %parallel_loop3A_285 = arith.constant 0x4B000000 : f32
        %parallel_loop3A_286 = vector.broadcast %parallel_loop3A_285 : f32 to vector<16xf32>
        %parallel_loop3A_287 = arith.addf %parallel_loop3A_284, %parallel_loop3A_286 : vector<16xf32>
        %parallel_loop3A_288 = vector.bitcast %parallel_loop3A_287 : vector<16xf32> to vector<16xi32>
        %parallel_loop3A_289 = arith.constant 1258291200 : i32
        %parallel_loop3A_290 = vector.broadcast %parallel_loop3A_289 : i32 to vector<16xi32>
        %parallel_loop3A_291 = arith.subi %parallel_loop3A_288, %parallel_loop3A_290 : vector<16xi32>
        %parallel_loop3A_292 = arith.constant 255 : i32
        %parallel_loop3A_293 = vector.broadcast %parallel_loop3A_292 : i32 to vector<16xi32>
        %parallel_loop3A_294 = arith.minui %parallel_loop3A_291, %parallel_loop3A_293 : vector<16xi32>
        %parallel_loop3A_295 = vector.bitcast %parallel_loop3A_294 : vector<16xi32> to vector<16xi32>
        %parallel_loop3A_296 = tpu.vector_load_idx %arg5[%parallel_loop3A_295] : memref<256xf32, #tpu.memory_space<vmem>>[vector<16xi32>], vector<16xf32>,
        %parallel_loop3A_297 = arith.mulf %parallel_loop3A_282, %parallel_loop3A_296 : vector<16xf32>
        %parallel_loop3A_298 = arith.index_cast %parallel_loop3A_132 : i32 to index
        %parallel_loop3A_299 = arith.constant 112 : index
        %parallel_loop3A_300 = tpu.vector_load %arg9[%parallel_loop3A_298, %parallel_loop3A_299] {strides = array<i32>} : memref<48x512xf32, #tpu.memory_space<vmem>>, vector<16xf32>,
        tpu.vector_store %arg9[%parallel_loop3A_298, %parallel_loop3A_299], %parallel_loop3A_297 {strides = array<i32>} : memref<48x512xf32, #tpu.memory_space<vmem>>, vector<16xf32>,
        %parallel_loop3A_301 = arith.index_cast %parallel_loop3A_132 : i32 to index
        %parallel_loop3A_302 = arith.constant 128 : index
        %parallel_loop3A_303 = tpu.vector_load %arg7[%parallel_loop3A_301, %parallel_loop3A_302] {strides = array<i32>} : memref<48x512xf32, #tpu.memory_space<vmem>>, vector<16xf32>,
        %parallel_loop3A_304 = vector.broadcast %scan3A_16 : f32 to vector<16xf32>
        %parallel_loop3A_305 = arith.mulf %parallel_loop3A_303, %parallel_loop3A_304 : vector<16xf32>
        %parallel_loop3A_306 = arith.constant 0x4B000000 : f32
        %parallel_loop3A_307 = vector.broadcast %parallel_loop3A_306 : f32 to vector<16xf32>
        %parallel_loop3A_308 = arith.addf %parallel_loop3A_305, %parallel_loop3A_307 : vector<16xf32>
        %parallel_loop3A_309 = vector.bitcast %parallel_loop3A_308 : vector<16xf32> to vector<16xi32>
        %parallel_loop3A_310 = arith.constant 1258291200 : i32
        %parallel_loop3A_311 = vector.broadcast %parallel_loop3A_310 : i32 to vector<16xi32>
        %parallel_loop3A_312 = arith.subi %parallel_loop3A_309, %parallel_loop3A_311 : vector<16xi32>
        %parallel_loop3A_313 = arith.constant 255 : i32
        %parallel_loop3A_314 = vector.broadcast %parallel_loop3A_313 : i32 to vector<16xi32>
        %parallel_loop3A_315 = arith.minui %parallel_loop3A_312, %parallel_loop3A_314 : vector<16xi32>
        %parallel_loop3A_316 = vector.bitcast %parallel_loop3A_315 : vector<16xi32> to vector<16xi32>
        %parallel_loop3A_317 = tpu.vector_load_idx %arg5[%parallel_loop3A_316] : memref<256xf32, #tpu.memory_space<vmem>>[vector<16xi32>], vector<16xf32>,
        %parallel_loop3A_318 = arith.mulf %parallel_loop3A_303, %parallel_loop3A_317 : vector<16xf32>
        %parallel_loop3A_319 = arith.index_cast %parallel_loop3A_132 : i32 to index
        %parallel_loop3A_320 = arith.constant 128 : index
        %parallel_loop3A_321 = tpu.vector_load %arg9[%parallel_loop3A_319, %parallel_loop3A_320] {strides = array<i32>} : memref<48x512xf32, #tpu.memory_space<vmem>>, vector<16xf32>,
        tpu.vector_store %arg9[%parallel_loop3A_319, %parallel_loop3A_320], %parallel_loop3A_318 {strides = array<i32>} : memref<48x512xf32, #tpu.memory_space<vmem>>, vector<16xf32>,
        %parallel_loop3A_322 = arith.index_cast %parallel_loop3A_132 : i32 to index
        %parallel_loop3A_323 = arith.constant 144 : index
        %parallel_loop3A_324 = tpu.vector_load %arg7[%parallel_loop3A_322, %parallel_loop3A_323] {strides = array<i32>} : memref<48x512xf32, #tpu.memory_space<vmem>>, vector<16xf32>,
        %parallel_loop3A_325 = vector.broadcast %scan3A_16 : f32 to vector<16xf32>
        %parallel_loop3A_326 = arith.mulf %parallel_loop3A_324, %parallel_loop3A_325 : vector<16xf32>
        %parallel_loop3A_327 = arith.constant 0x4B000000 : f32
        %parallel_loop3A_328 = vector.broadcast %parallel_loop3A_327 : f32 to vector<16xf32>
        %parallel_loop3A_329 = arith.addf %parallel_loop3A_326, %parallel_loop3A_328 : vector<16xf32>
        %parallel_loop3A_330 = vector.bitcast %parallel_loop3A_329 : vector<16xf32> to vector<16xi32>
        %parallel_loop3A_331 = arith.constant 1258291200 : i32
        %parallel_loop3A_332 = vector.broadcast %parallel_loop3A_331 : i32 to vector<16xi32>
        %parallel_loop3A_333 = arith.subi %parallel_loop3A_330, %parallel_loop3A_332 : vector<16xi32>
        %parallel_loop3A_334 = arith.constant 255 : i32
        %parallel_loop3A_335 = vector.broadcast %parallel_loop3A_334 : i32 to vector<16xi32>
        %parallel_loop3A_336 = arith.minui %parallel_loop3A_333, %parallel_loop3A_335 : vector<16xi32>
        %parallel_loop3A_337 = vector.bitcast %parallel_loop3A_336 : vector<16xi32> to vector<16xi32>
        %parallel_loop3A_338 = tpu.vector_load_idx %arg5[%parallel_loop3A_337] : memref<256xf32, #tpu.memory_space<vmem>>[vector<16xi32>], vector<16xf32>,
        %parallel_loop3A_339 = arith.mulf %parallel_loop3A_324, %parallel_loop3A_338 : vector<16xf32>
        %parallel_loop3A_340 = arith.index_cast %parallel_loop3A_132 : i32 to index
        %parallel_loop3A_341 = arith.constant 144 : index
        %parallel_loop3A_342 = tpu.vector_load %arg9[%parallel_loop3A_340, %parallel_loop3A_341] {strides = array<i32>} : memref<48x512xf32, #tpu.memory_space<vmem>>, vector<16xf32>,
        tpu.vector_store %arg9[%parallel_loop3A_340, %parallel_loop3A_341], %parallel_loop3A_339 {strides = array<i32>} : memref<48x512xf32, #tpu.memory_space<vmem>>, vector<16xf32>,
        %parallel_loop3A_343 = arith.index_cast %parallel_loop3A_132 : i32 to index
        %parallel_loop3A_344 = arith.constant 160 : index
        %parallel_loop3A_345 = tpu.vector_load %arg7[%parallel_loop3A_343, %parallel_loop3A_344] {strides = array<i32>} : memref<48x512xf32, #tpu.memory_space<vmem>>, vector<16xf32>,
        %parallel_loop3A_346 = vector.broadcast %scan3A_16 : f32 to vector<16xf32>
        %parallel_loop3A_347 = arith.mulf %parallel_loop3A_345, %parallel_loop3A_346 : vector<16xf32>
        %parallel_loop3A_348 = arith.constant 0x4B000000 : f32
        %parallel_loop3A_349 = vector.broadcast %parallel_loop3A_348 : f32 to vector<16xf32>
        %parallel_loop3A_350 = arith.addf %parallel_loop3A_347, %parallel_loop3A_349 : vector<16xf32>
        %parallel_loop3A_351 = vector.bitcast %parallel_loop3A_350 : vector<16xf32> to vector<16xi32>
        %parallel_loop3A_352 = arith.constant 1258291200 : i32
        %parallel_loop3A_353 = vector.broadcast %parallel_loop3A_352 : i32 to vector<16xi32>
        %parallel_loop3A_354 = arith.subi %parallel_loop3A_351, %parallel_loop3A_353 : vector<16xi32>
        %parallel_loop3A_355 = arith.constant 255 : i32
        %parallel_loop3A_356 = vector.broadcast %parallel_loop3A_355 : i32 to vector<16xi32>
        %parallel_loop3A_357 = arith.minui %parallel_loop3A_354, %parallel_loop3A_356 : vector<16xi32>
        %parallel_loop3A_358 = vector.bitcast %parallel_loop3A_357 : vector<16xi32> to vector<16xi32>
        %parallel_loop3A_359 = tpu.vector_load_idx %arg5[%parallel_loop3A_358] : memref<256xf32, #tpu.memory_space<vmem>>[vector<16xi32>], vector<16xf32>,
        %parallel_loop3A_360 = arith.mulf %parallel_loop3A_345, %parallel_loop3A_359 : vector<16xf32>
        %parallel_loop3A_361 = arith.index_cast %parallel_loop3A_132 : i32 to index
        %parallel_loop3A_362 = arith.constant 160 : index
        %parallel_loop3A_363 = tpu.vector_load %arg9[%parallel_loop3A_361, %parallel_loop3A_362] {strides = array<i32>} : memref<48x512xf32, #tpu.memory_space<vmem>>, vector<16xf32>,
        tpu.vector_store %arg9[%parallel_loop3A_361, %parallel_loop3A_362], %parallel_loop3A_360 {strides = array<i32>} : memref<48x512xf32, #tpu.memory_space<vmem>>, vector<16xf32>,
        %parallel_loop3A_364 = arith.index_cast %parallel_loop3A_132 : i32 to index
        %parallel_loop3A_365 = arith.constant 176 : index
        %parallel_loop3A_366 = tpu.vector_load %arg7[%parallel_loop3A_364, %parallel_loop3A_365] {strides = array<i32>} : memref<48x512xf32, #tpu.memory_space<vmem>>, vector<16xf32>,
        %parallel_loop3A_367 = vector.broadcast %scan3A_16 : f32 to vector<16xf32>
        %parallel_loop3A_368 = arith.mulf %parallel_loop3A_366, %parallel_loop3A_367 : vector<16xf32>
        %parallel_loop3A_369 = arith.constant 0x4B000000 : f32
        %parallel_loop3A_370 = vector.broadcast %parallel_loop3A_369 : f32 to vector<16xf32>
        %parallel_loop3A_371 = arith.addf %parallel_loop3A_368, %parallel_loop3A_370 : vector<16xf32>
        %parallel_loop3A_372 = vector.bitcast %parallel_loop3A_371 : vector<16xf32> to vector<16xi32>
        %parallel_loop3A_373 = arith.constant 1258291200 : i32
        %parallel_loop3A_374 = vector.broadcast %parallel_loop3A_373 : i32 to vector<16xi32>
        %parallel_loop3A_375 = arith.subi %parallel_loop3A_372, %parallel_loop3A_374 : vector<16xi32>
        %parallel_loop3A_376 = arith.constant 255 : i32
        %parallel_loop3A_377 = vector.broadcast %parallel_loop3A_376 : i32 to vector<16xi32>
        %parallel_loop3A_378 = arith.minui %parallel_loop3A_375, %parallel_loop3A_377 : vector<16xi32>
        %parallel_loop3A_379 = vector.bitcast %parallel_loop3A_378 : vector<16xi32> to vector<16xi32>
        %parallel_loop3A_380 = tpu.vector_load_idx %arg5[%parallel_loop3A_379] : memref<256xf32, #tpu.memory_space<vmem>>[vector<16xi32>], vector<16xf32>,
        %parallel_loop3A_381 = arith.mulf %parallel_loop3A_366, %parallel_loop3A_380 : vector<16xf32>
        %parallel_loop3A_382 = arith.index_cast %parallel_loop3A_132 : i32 to index
        %parallel_loop3A_383 = arith.constant 176 : index
        %parallel_loop3A_384 = tpu.vector_load %arg9[%parallel_loop3A_382, %parallel_loop3A_383] {strides = array<i32>} : memref<48x512xf32, #tpu.memory_space<vmem>>, vector<16xf32>,
        tpu.vector_store %arg9[%parallel_loop3A_382, %parallel_loop3A_383], %parallel_loop3A_381 {strides = array<i32>} : memref<48x512xf32, #tpu.memory_space<vmem>>, vector<16xf32>,
        %parallel_loop3A_385 = arith.index_cast %parallel_loop3A_132 : i32 to index
        %parallel_loop3A_386 = arith.constant 192 : index
        %parallel_loop3A_387 = tpu.vector_load %arg7[%parallel_loop3A_385, %parallel_loop3A_386] {strides = array<i32>} : memref<48x512xf32, #tpu.memory_space<vmem>>, vector<16xf32>,
        %parallel_loop3A_388 = vector.broadcast %scan3A_16 : f32 to vector<16xf32>
        %parallel_loop3A_389 = arith.mulf %parallel_loop3A_387, %parallel_loop3A_388 : vector<16xf32>
        %parallel_loop3A_390 = arith.constant 0x4B000000 : f32
        %parallel_loop3A_391 = vector.broadcast %parallel_loop3A_390 : f32 to vector<16xf32>
        %parallel_loop3A_392 = arith.addf %parallel_loop3A_389, %parallel_loop3A_391 : vector<16xf32>
        %parallel_loop3A_393 = vector.bitcast %parallel_loop3A_392 : vector<16xf32> to vector<16xi32>
        %parallel_loop3A_394 = arith.constant 1258291200 : i32
        %parallel_loop3A_395 = vector.broadcast %parallel_loop3A_394 : i32 to vector<16xi32>
        %parallel_loop3A_396 = arith.subi %parallel_loop3A_393, %parallel_loop3A_395 : vector<16xi32>
        %parallel_loop3A_397 = arith.constant 255 : i32
        %parallel_loop3A_398 = vector.broadcast %parallel_loop3A_397 : i32 to vector<16xi32>
        %parallel_loop3A_399 = arith.minui %parallel_loop3A_396, %parallel_loop3A_398 : vector<16xi32>
        %parallel_loop3A_400 = vector.bitcast %parallel_loop3A_399 : vector<16xi32> to vector<16xi32>
        %parallel_loop3A_401 = tpu.vector_load_idx %arg5[%parallel_loop3A_400] : memref<256xf32, #tpu.memory_space<vmem>>[vector<16xi32>], vector<16xf32>,
        %parallel_loop3A_402 = arith.mulf %parallel_loop3A_387, %parallel_loop3A_401 : vector<16xf32>
        %parallel_loop3A_403 = arith.index_cast %parallel_loop3A_132 : i32 to index
        %parallel_loop3A_404 = arith.constant 192 : index
        %parallel_loop3A_405 = tpu.vector_load %arg9[%parallel_loop3A_403, %parallel_loop3A_404] {strides = array<i32>} : memref<48x512xf32, #tpu.memory_space<vmem>>, vector<16xf32>,
        tpu.vector_store %arg9[%parallel_loop3A_403, %parallel_loop3A_404], %parallel_loop3A_402 {strides = array<i32>} : memref<48x512xf32, #tpu.memory_space<vmem>>, vector<16xf32>,
        %parallel_loop3A_406 = arith.index_cast %parallel_loop3A_132 : i32 to index
        %parallel_loop3A_407 = arith.constant 208 : index
        %parallel_loop3A_408 = tpu.vector_load %arg7[%parallel_loop3A_406, %parallel_loop3A_407] {strides = array<i32>} : memref<48x512xf32, #tpu.memory_space<vmem>>, vector<16xf32>,
        %parallel_loop3A_409 = vector.broadcast %scan3A_16 : f32 to vector<16xf32>
        %parallel_loop3A_410 = arith.mulf %parallel_loop3A_408, %parallel_loop3A_409 : vector<16xf32>
        %parallel_loop3A_411 = arith.constant 0x4B000000 : f32
        %parallel_loop3A_412 = vector.broadcast %parallel_loop3A_411 : f32 to vector<16xf32>
        %parallel_loop3A_413 = arith.addf %parallel_loop3A_410, %parallel_loop3A_412 : vector<16xf32>
        %parallel_loop3A_414 = vector.bitcast %parallel_loop3A_413 : vector<16xf32> to vector<16xi32>
        %parallel_loop3A_415 = arith.constant 1258291200 : i32
        %parallel_loop3A_416 = vector.broadcast %parallel_loop3A_415 : i32 to vector<16xi32>
        %parallel_loop3A_417 = arith.subi %parallel_loop3A_414, %parallel_loop3A_416 : vector<16xi32>
        %parallel_loop3A_418 = arith.constant 255 : i32
        %parallel_loop3A_419 = vector.broadcast %parallel_loop3A_418 : i32 to vector<16xi32>
        %parallel_loop3A_420 = arith.minui %parallel_loop3A_417, %parallel_loop3A_419 : vector<16xi32>
        %parallel_loop3A_421 = vector.bitcast %parallel_loop3A_420 : vector<16xi32> to vector<16xi32>
        %parallel_loop3A_422 = tpu.vector_load_idx %arg5[%parallel_loop3A_421] : memref<256xf32, #tpu.memory_space<vmem>>[vector<16xi32>], vector<16xf32>,
        %parallel_loop3A_423 = arith.mulf %parallel_loop3A_408, %parallel_loop3A_422 : vector<16xf32>
        %parallel_loop3A_424 = arith.index_cast %parallel_loop3A_132 : i32 to index
        %parallel_loop3A_425 = arith.constant 208 : index
        %parallel_loop3A_426 = tpu.vector_load %arg9[%parallel_loop3A_424, %parallel_loop3A_425] {strides = array<i32>} : memref<48x512xf32, #tpu.memory_space<vmem>>, vector<16xf32>,
        tpu.vector_store %arg9[%parallel_loop3A_424, %parallel_loop3A_425], %parallel_loop3A_423 {strides = array<i32>} : memref<48x512xf32, #tpu.memory_space<vmem>>, vector<16xf32>,
        %parallel_loop3A_427 = arith.index_cast %parallel_loop3A_132 : i32 to index
        %parallel_loop3A_428 = arith.constant 224 : index
        %parallel_loop3A_429 = tpu.vector_load %arg7[%parallel_loop3A_427, %parallel_loop3A_428] {strides = array<i32>} : memref<48x512xf32, #tpu.memory_space<vmem>>, vector<16xf32>,
        %parallel_loop3A_430 = vector.broadcast %scan3A_16 : f32 to vector<16xf32>
        %parallel_loop3A_431 = arith.mulf %parallel_loop3A_429, %parallel_loop3A_430 : vector<16xf32>
        %parallel_loop3A_432 = arith.constant 0x4B000000 : f32
        %parallel_loop3A_433 = vector.broadcast %parallel_loop3A_432 : f32 to vector<16xf32>
        %parallel_loop3A_434 = arith.addf %parallel_loop3A_431, %parallel_loop3A_433 : vector<16xf32>
        %parallel_loop3A_435 = vector.bitcast %parallel_loop3A_434 : vector<16xf32> to vector<16xi32>
        %parallel_loop3A_436 = arith.constant 1258291200 : i32
        %parallel_loop3A_437 = vector.broadcast %parallel_loop3A_436 : i32 to vector<16xi32>
        %parallel_loop3A_438 = arith.subi %parallel_loop3A_435, %parallel_loop3A_437 : vector<16xi32>
        %parallel_loop3A_439 = arith.constant 255 : i32
        %parallel_loop3A_440 = vector.broadcast %parallel_loop3A_439 : i32 to vector<16xi32>
        %parallel_loop3A_441 = arith.minui %parallel_loop3A_438, %parallel_loop3A_440 : vector<16xi32>
        %parallel_loop3A_442 = vector.bitcast %parallel_loop3A_441 : vector<16xi32> to vector<16xi32>
        %parallel_loop3A_443 = tpu.vector_load_idx %arg5[%parallel_loop3A_442] : memref<256xf32, #tpu.memory_space<vmem>>[vector<16xi32>], vector<16xf32>,
        %parallel_loop3A_444 = arith.mulf %parallel_loop3A_429, %parallel_loop3A_443 : vector<16xf32>
        %parallel_loop3A_445 = arith.index_cast %parallel_loop3A_132 : i32 to index
        %parallel_loop3A_446 = arith.constant 224 : index
        %parallel_loop3A_447 = tpu.vector_load %arg9[%parallel_loop3A_445, %parallel_loop3A_446] {strides = array<i32>} : memref<48x512xf32, #tpu.memory_space<vmem>>, vector<16xf32>,
        tpu.vector_store %arg9[%parallel_loop3A_445, %parallel_loop3A_446], %parallel_loop3A_444 {strides = array<i32>} : memref<48x512xf32, #tpu.memory_space<vmem>>, vector<16xf32>,
        %parallel_loop3A_448 = arith.index_cast %parallel_loop3A_132 : i32 to index
        %parallel_loop3A_449 = arith.constant 240 : index
        %parallel_loop3A_450 = tpu.vector_load %arg7[%parallel_loop3A_448, %parallel_loop3A_449] {strides = array<i32>} : memref<48x512xf32, #tpu.memory_space<vmem>>, vector<16xf32>,
        %parallel_loop3A_451 = vector.broadcast %scan3A_16 : f32 to vector<16xf32>
        %parallel_loop3A_452 = arith.mulf %parallel_loop3A_450, %parallel_loop3A_451 : vector<16xf32>
        %parallel_loop3A_453 = arith.constant 0x4B000000 : f32
        %parallel_loop3A_454 = vector.broadcast %parallel_loop3A_453 : f32 to vector<16xf32>
        %parallel_loop3A_455 = arith.addf %parallel_loop3A_452, %parallel_loop3A_454 : vector<16xf32>
        %parallel_loop3A_456 = vector.bitcast %parallel_loop3A_455 : vector<16xf32> to vector<16xi32>
        %parallel_loop3A_457 = arith.constant 1258291200 : i32
        %parallel_loop3A_458 = vector.broadcast %parallel_loop3A_457 : i32 to vector<16xi32>
        %parallel_loop3A_459 = arith.subi %parallel_loop3A_456, %parallel_loop3A_458 : vector<16xi32>
        %parallel_loop3A_460 = arith.constant 255 : i32
        %parallel_loop3A_461 = vector.broadcast %parallel_loop3A_460 : i32 to vector<16xi32>
        %parallel_loop3A_462 = arith.minui %parallel_loop3A_459, %parallel_loop3A_461 : vector<16xi32>
        %parallel_loop3A_463 = vector.bitcast %parallel_loop3A_462 : vector<16xi32> to vector<16xi32>
        %parallel_loop3A_464 = tpu.vector_load_idx %arg5[%parallel_loop3A_463] : memref<256xf32, #tpu.memory_space<vmem>>[vector<16xi32>], vector<16xf32>,
        %parallel_loop3A_465 = arith.mulf %parallel_loop3A_450, %parallel_loop3A_464 : vector<16xf32>
        %parallel_loop3A_466 = arith.index_cast %parallel_loop3A_132 : i32 to index
        %parallel_loop3A_467 = arith.constant 240 : index
        %parallel_loop3A_468 = tpu.vector_load %arg9[%parallel_loop3A_466, %parallel_loop3A_467] {strides = array<i32>} : memref<48x512xf32, #tpu.memory_space<vmem>>, vector<16xf32>,
        tpu.vector_store %arg9[%parallel_loop3A_466, %parallel_loop3A_467], %parallel_loop3A_465 {strides = array<i32>} : memref<48x512xf32, #tpu.memory_space<vmem>>, vector<16xf32>,
        %parallel_loop3A_469 = arith.index_cast %parallel_loop3A_132 : i32 to index
        %parallel_loop3A_470 = arith.constant 256 : index
        %parallel_loop3A_471 = tpu.vector_load %arg7[%parallel_loop3A_469, %parallel_loop3A_470] {strides = array<i32>} : memref<48x512xf32, #tpu.memory_space<vmem>>, vector<16xf32>,
        %parallel_loop3A_472 = vector.broadcast %scan3A_16 : f32 to vector<16xf32>
        %parallel_loop3A_473 = arith.mulf %parallel_loop3A_471, %parallel_loop3A_472 : vector<16xf32>
        %parallel_loop3A_474 = arith.constant 0x4B000000 : f32
        %parallel_loop3A_475 = vector.broadcast %parallel_loop3A_474 : f32 to vector<16xf32>
        %parallel_loop3A_476 = arith.addf %parallel_loop3A_473, %parallel_loop3A_475 : vector<16xf32>
        %parallel_loop3A_477 = vector.bitcast %parallel_loop3A_476 : vector<16xf32> to vector<16xi32>
        %parallel_loop3A_478 = arith.constant 1258291200 : i32
        %parallel_loop3A_479 = vector.broadcast %parallel_loop3A_478 : i32 to vector<16xi32>
        %parallel_loop3A_480 = arith.subi %parallel_loop3A_477, %parallel_loop3A_479 : vector<16xi32>
        %parallel_loop3A_481 = arith.constant 255 : i32
        %parallel_loop3A_482 = vector.broadcast %parallel_loop3A_481 : i32 to vector<16xi32>
        %parallel_loop3A_483 = arith.minui %parallel_loop3A_480, %parallel_loop3A_482 : vector<16xi32>
        %parallel_loop3A_484 = vector.bitcast %parallel_loop3A_483 : vector<16xi32> to vector<16xi32>
        %parallel_loop3A_485 = tpu.vector_load_idx %arg5[%parallel_loop3A_484] : memref<256xf32, #tpu.memory_space<vmem>>[vector<16xi32>], vector<16xf32>,
        %parallel_loop3A_486 = arith.mulf %parallel_loop3A_471, %parallel_loop3A_485 : vector<16xf32>
        %parallel_loop3A_487 = arith.index_cast %parallel_loop3A_132 : i32 to index
        %parallel_loop3A_488 = arith.constant 256 : index
        %parallel_loop3A_489 = tpu.vector_load %arg9[%parallel_loop3A_487, %parallel_loop3A_488] {strides = array<i32>} : memref<48x512xf32, #tpu.memory_space<vmem>>, vector<16xf32>,
        tpu.vector_store %arg9[%parallel_loop3A_487, %parallel_loop3A_488], %parallel_loop3A_486 {strides = array<i32>} : memref<48x512xf32, #tpu.memory_space<vmem>>, vector<16xf32>,
        %parallel_loop3A_490 = arith.index_cast %parallel_loop3A_132 : i32 to index
        %parallel_loop3A_491 = arith.constant 272 : index
        %parallel_loop3A_492 = tpu.vector_load %arg7[%parallel_loop3A_490, %parallel_loop3A_491] {strides = array<i32>} : memref<48x512xf32, #tpu.memory_space<vmem>>, vector<16xf32>,
        %parallel_loop3A_493 = vector.broadcast %scan3A_16 : f32 to vector<16xf32>
        %parallel_loop3A_494 = arith.mulf %parallel_loop3A_492, %parallel_loop3A_493 : vector<16xf32>
        %parallel_loop3A_495 = arith.constant 0x4B000000 : f32
        %parallel_loop3A_496 = vector.broadcast %parallel_loop3A_495 : f32 to vector<16xf32>
        %parallel_loop3A_497 = arith.addf %parallel_loop3A_494, %parallel_loop3A_496 : vector<16xf32>
        %parallel_loop3A_498 = vector.bitcast %parallel_loop3A_497 : vector<16xf32> to vector<16xi32>
        %parallel_loop3A_499 = arith.constant 1258291200 : i32
        %parallel_loop3A_500 = vector.broadcast %parallel_loop3A_499 : i32 to vector<16xi32>
        %parallel_loop3A_501 = arith.subi %parallel_loop3A_498, %parallel_loop3A_500 : vector<16xi32>
        %parallel_loop3A_502 = arith.constant 255 : i32
        %parallel_loop3A_503 = vector.broadcast %parallel_loop3A_502 : i32 to vector<16xi32>
        %parallel_loop3A_504 = arith.minui %parallel_loop3A_501, %parallel_loop3A_503 : vector<16xi32>
        %parallel_loop3A_505 = vector.bitcast %parallel_loop3A_504 : vector<16xi32> to vector<16xi32>
        %parallel_loop3A_506 = tpu.vector_load_idx %arg5[%parallel_loop3A_505] : memref<256xf32, #tpu.memory_space<vmem>>[vector<16xi32>], vector<16xf32>,
        %parallel_loop3A_507 = arith.mulf %parallel_loop3A_492, %parallel_loop3A_506 : vector<16xf32>
        %parallel_loop3A_508 = arith.index_cast %parallel_loop3A_132 : i32 to index
        %parallel_loop3A_509 = arith.constant 272 : index
        %parallel_loop3A_510 = tpu.vector_load %arg9[%parallel_loop3A_508, %parallel_loop3A_509] {strides = array<i32>} : memref<48x512xf32, #tpu.memory_space<vmem>>, vector<16xf32>,
        tpu.vector_store %arg9[%parallel_loop3A_508, %parallel_loop3A_509], %parallel_loop3A_507 {strides = array<i32>} : memref<48x512xf32, #tpu.memory_space<vmem>>, vector<16xf32>,
        %parallel_loop3A_511 = arith.index_cast %parallel_loop3A_132 : i32 to index
        %parallel_loop3A_512 = arith.constant 288 : index
        %parallel_loop3A_513 = tpu.vector_load %arg7[%parallel_loop3A_511, %parallel_loop3A_512] {strides = array<i32>} : memref<48x512xf32, #tpu.memory_space<vmem>>, vector<16xf32>,
        %parallel_loop3A_514 = vector.broadcast %scan3A_16 : f32 to vector<16xf32>
        %parallel_loop3A_515 = arith.mulf %parallel_loop3A_513, %parallel_loop3A_514 : vector<16xf32>
        %parallel_loop3A_516 = arith.constant 0x4B000000 : f32
        %parallel_loop3A_517 = vector.broadcast %parallel_loop3A_516 : f32 to vector<16xf32>
        %parallel_loop3A_518 = arith.addf %parallel_loop3A_515, %parallel_loop3A_517 : vector<16xf32>
        %parallel_loop3A_519 = vector.bitcast %parallel_loop3A_518 : vector<16xf32> to vector<16xi32>
        %parallel_loop3A_520 = arith.constant 1258291200 : i32
        %parallel_loop3A_521 = vector.broadcast %parallel_loop3A_520 : i32 to vector<16xi32>
        %parallel_loop3A_522 = arith.subi %parallel_loop3A_519, %parallel_loop3A_521 : vector<16xi32>
        %parallel_loop3A_523 = arith.constant 255 : i32
        %parallel_loop3A_524 = vector.broadcast %parallel_loop3A_523 : i32 to vector<16xi32>
        %parallel_loop3A_525 = arith.minui %parallel_loop3A_522, %parallel_loop3A_524 : vector<16xi32>
        %parallel_loop3A_526 = vector.bitcast %parallel_loop3A_525 : vector<16xi32> to vector<16xi32>
        %parallel_loop3A_527 = tpu.vector_load_idx %arg5[%parallel_loop3A_526] : memref<256xf32, #tpu.memory_space<vmem>>[vector<16xi32>], vector<16xf32>,
        %parallel_loop3A_528 = arith.mulf %parallel_loop3A_513, %parallel_loop3A_527 : vector<16xf32>
        %parallel_loop3A_529 = arith.index_cast %parallel_loop3A_132 : i32 to index
        %parallel_loop3A_530 = arith.constant 288 : index
        %parallel_loop3A_531 = tpu.vector_load %arg9[%parallel_loop3A_529, %parallel_loop3A_530] {strides = array<i32>} : memref<48x512xf32, #tpu.memory_space<vmem>>, vector<16xf32>,
        tpu.vector_store %arg9[%parallel_loop3A_529, %parallel_loop3A_530], %parallel_loop3A_528 {strides = array<i32>} : memref<48x512xf32, #tpu.memory_space<vmem>>, vector<16xf32>,
        %parallel_loop3A_532 = arith.index_cast %parallel_loop3A_132 : i32 to index
        %parallel_loop3A_533 = arith.constant 304 : index
        %parallel_loop3A_534 = tpu.vector_load %arg7[%parallel_loop3A_532, %parallel_loop3A_533] {strides = array<i32>} : memref<48x512xf32, #tpu.memory_space<vmem>>, vector<16xf32>,
        %parallel_loop3A_535 = vector.broadcast %scan3A_16 : f32 to vector<16xf32>
        %parallel_loop3A_536 = arith.mulf %parallel_loop3A_534, %parallel_loop3A_535 : vector<16xf32>
        %parallel_loop3A_537 = arith.constant 0x4B000000 : f32
        %parallel_loop3A_538 = vector.broadcast %parallel_loop3A_537 : f32 to vector<16xf32>
        %parallel_loop3A_539 = arith.addf %parallel_loop3A_536, %parallel_loop3A_538 : vector<16xf32>
        %parallel_loop3A_540 = vector.bitcast %parallel_loop3A_539 : vector<16xf32> to vector<16xi32>
        %parallel_loop3A_541 = arith.constant 1258291200 : i32
        %parallel_loop3A_542 = vector.broadcast %parallel_loop3A_541 : i32 to vector<16xi32>
        %parallel_loop3A_543 = arith.subi %parallel_loop3A_540, %parallel_loop3A_542 : vector<16xi32>
        %parallel_loop3A_544 = arith.constant 255 : i32
        %parallel_loop3A_545 = vector.broadcast %parallel_loop3A_544 : i32 to vector<16xi32>
        %parallel_loop3A_546 = arith.minui %parallel_loop3A_543, %parallel_loop3A_545 : vector<16xi32>
        %parallel_loop3A_547 = vector.bitcast %parallel_loop3A_546 : vector<16xi32> to vector<16xi32>
        %parallel_loop3A_548 = tpu.vector_load_idx %arg5[%parallel_loop3A_547] : memref<256xf32, #tpu.memory_space<vmem>>[vector<16xi32>], vector<16xf32>,
        %parallel_loop3A_549 = arith.mulf %parallel_loop3A_534, %parallel_loop3A_548 : vector<16xf32>
        %parallel_loop3A_550 = arith.index_cast %parallel_loop3A_132 : i32 to index
        %parallel_loop3A_551 = arith.constant 304 : index
        %parallel_loop3A_552 = tpu.vector_load %arg9[%parallel_loop3A_550, %parallel_loop3A_551] {strides = array<i32>} : memref<48x512xf32, #tpu.memory_space<vmem>>, vector<16xf32>,
        tpu.vector_store %arg9[%parallel_loop3A_550, %parallel_loop3A_551], %parallel_loop3A_549 {strides = array<i32>} : memref<48x512xf32, #tpu.memory_space<vmem>>, vector<16xf32>,
        %parallel_loop3A_553 = arith.index_cast %parallel_loop3A_132 : i32 to index
        %parallel_loop3A_554 = arith.constant 320 : index
        %parallel_loop3A_555 = tpu.vector_load %arg7[%parallel_loop3A_553, %parallel_loop3A_554] {strides = array<i32>} : memref<48x512xf32, #tpu.memory_space<vmem>>, vector<16xf32>,
        %parallel_loop3A_556 = vector.broadcast %scan3A_16 : f32 to vector<16xf32>
        %parallel_loop3A_557 = arith.mulf %parallel_loop3A_555, %parallel_loop3A_556 : vector<16xf32>
        %parallel_loop3A_558 = arith.constant 0x4B000000 : f32
        %parallel_loop3A_559 = vector.broadcast %parallel_loop3A_558 : f32 to vector<16xf32>
        %parallel_loop3A_560 = arith.addf %parallel_loop3A_557, %parallel_loop3A_559 : vector<16xf32>
        %parallel_loop3A_561 = vector.bitcast %parallel_loop3A_560 : vector<16xf32> to vector<16xi32>
        %parallel_loop3A_562 = arith.constant 1258291200 : i32
        %parallel_loop3A_563 = vector.broadcast %parallel_loop3A_562 : i32 to vector<16xi32>
        %parallel_loop3A_564 = arith.subi %parallel_loop3A_561, %parallel_loop3A_563 : vector<16xi32>
        %parallel_loop3A_565 = arith.constant 255 : i32
        %parallel_loop3A_566 = vector.broadcast %parallel_loop3A_565 : i32 to vector<16xi32>
        %parallel_loop3A_567 = arith.minui %parallel_loop3A_564, %parallel_loop3A_566 : vector<16xi32>
        %parallel_loop3A_568 = vector.bitcast %parallel_loop3A_567 : vector<16xi32> to vector<16xi32>
        %parallel_loop3A_569 = tpu.vector_load_idx %arg5[%parallel_loop3A_568] : memref<256xf32, #tpu.memory_space<vmem>>[vector<16xi32>], vector<16xf32>,
        %parallel_loop3A_570 = arith.mulf %parallel_loop3A_555, %parallel_loop3A_569 : vector<16xf32>
        %parallel_loop3A_571 = arith.index_cast %parallel_loop3A_132 : i32 to index
        %parallel_loop3A_572 = arith.constant 320 : index
        %parallel_loop3A_573 = tpu.vector_load %arg9[%parallel_loop3A_571, %parallel_loop3A_572] {strides = array<i32>} : memref<48x512xf32, #tpu.memory_space<vmem>>, vector<16xf32>,
        tpu.vector_store %arg9[%parallel_loop3A_571, %parallel_loop3A_572], %parallel_loop3A_570 {strides = array<i32>} : memref<48x512xf32, #tpu.memory_space<vmem>>, vector<16xf32>,
        %parallel_loop3A_574 = arith.index_cast %parallel_loop3A_132 : i32 to index
        %parallel_loop3A_575 = arith.constant 336 : index
        %parallel_loop3A_576 = tpu.vector_load %arg7[%parallel_loop3A_574, %parallel_loop3A_575] {strides = array<i32>} : memref<48x512xf32, #tpu.memory_space<vmem>>, vector<16xf32>,
        %parallel_loop3A_577 = vector.broadcast %scan3A_16 : f32 to vector<16xf32>
        %parallel_loop3A_578 = arith.mulf %parallel_loop3A_576, %parallel_loop3A_577 : vector<16xf32>
        %parallel_loop3A_579 = arith.constant 0x4B000000 : f32
        %parallel_loop3A_580 = vector.broadcast %parallel_loop3A_579 : f32 to vector<16xf32>
        %parallel_loop3A_581 = arith.addf %parallel_loop3A_578, %parallel_loop3A_580 : vector<16xf32>
        %parallel_loop3A_582 = vector.bitcast %parallel_loop3A_581 : vector<16xf32> to vector<16xi32>
        %parallel_loop3A_583 = arith.constant 1258291200 : i32
        %parallel_loop3A_584 = vector.broadcast %parallel_loop3A_583 : i32 to vector<16xi32>
        %parallel_loop3A_585 = arith.subi %parallel_loop3A_582, %parallel_loop3A_584 : vector<16xi32>
        %parallel_loop3A_586 = arith.constant 255 : i32
        %parallel_loop3A_587 = vector.broadcast %parallel_loop3A_586 : i32 to vector<16xi32>
        %parallel_loop3A_588 = arith.minui %parallel_loop3A_585, %parallel_loop3A_587 : vector<16xi32>
        %parallel_loop3A_589 = vector.bitcast %parallel_loop3A_588 : vector<16xi32> to vector<16xi32>
        %parallel_loop3A_590 = tpu.vector_load_idx %arg5[%parallel_loop3A_589] : memref<256xf32, #tpu.memory_space<vmem>>[vector<16xi32>], vector<16xf32>,
        %parallel_loop3A_591 = arith.mulf %parallel_loop3A_576, %parallel_loop3A_590 : vector<16xf32>
        %parallel_loop3A_592 = arith.index_cast %parallel_loop3A_132 : i32 to index
        %parallel_loop3A_593 = arith.constant 336 : index
        %parallel_loop3A_594 = tpu.vector_load %arg9[%parallel_loop3A_592, %parallel_loop3A_593] {strides = array<i32>} : memref<48x512xf32, #tpu.memory_space<vmem>>, vector<16xf32>,
        tpu.vector_store %arg9[%parallel_loop3A_592, %parallel_loop3A_593], %parallel_loop3A_591 {strides = array<i32>} : memref<48x512xf32, #tpu.memory_space<vmem>>, vector<16xf32>,
        %parallel_loop3A_595 = arith.index_cast %parallel_loop3A_132 : i32 to index
        %parallel_loop3A_596 = arith.constant 352 : index
        %parallel_loop3A_597 = tpu.vector_load %arg7[%parallel_loop3A_595, %parallel_loop3A_596] {strides = array<i32>} : memref<48x512xf32, #tpu.memory_space<vmem>>, vector<16xf32>,
        %parallel_loop3A_598 = vector.broadcast %scan3A_16 : f32 to vector<16xf32>
        %parallel_loop3A_599 = arith.mulf %parallel_loop3A_597, %parallel_loop3A_598 : vector<16xf32>
        %parallel_loop3A_600 = arith.constant 0x4B000000 : f32
        %parallel_loop3A_601 = vector.broadcast %parallel_loop3A_600 : f32 to vector<16xf32>
        %parallel_loop3A_602 = arith.addf %parallel_loop3A_599, %parallel_loop3A_601 : vector<16xf32>
        %parallel_loop3A_603 = vector.bitcast %parallel_loop3A_602 : vector<16xf32> to vector<16xi32>
        %parallel_loop3A_604 = arith.constant 1258291200 : i32
        %parallel_loop3A_605 = vector.broadcast %parallel_loop3A_604 : i32 to vector<16xi32>
        %parallel_loop3A_606 = arith.subi %parallel_loop3A_603, %parallel_loop3A_605 : vector<16xi32>
        %parallel_loop3A_607 = arith.constant 255 : i32
        %parallel_loop3A_608 = vector.broadcast %parallel_loop3A_607 : i32 to vector<16xi32>
        %parallel_loop3A_609 = arith.minui %parallel_loop3A_606, %parallel_loop3A_608 : vector<16xi32>
        %parallel_loop3A_610 = vector.bitcast %parallel_loop3A_609 : vector<16xi32> to vector<16xi32>
        %parallel_loop3A_611 = tpu.vector_load_idx %arg5[%parallel_loop3A_610] : memref<256xf32, #tpu.memory_space<vmem>>[vector<16xi32>], vector<16xf32>,
        %parallel_loop3A_612 = arith.mulf %parallel_loop3A_597, %parallel_loop3A_611 : vector<16xf32>
        %parallel_loop3A_613 = arith.index_cast %parallel_loop3A_132 : i32 to index
        %parallel_loop3A_614 = arith.constant 352 : index
        %parallel_loop3A_615 = tpu.vector_load %arg9[%parallel_loop3A_613, %parallel_loop3A_614] {strides = array<i32>} : memref<48x512xf32, #tpu.memory_space<vmem>>, vector<16xf32>,
        tpu.vector_store %arg9[%parallel_loop3A_613, %parallel_loop3A_614], %parallel_loop3A_612 {strides = array<i32>} : memref<48x512xf32, #tpu.memory_space<vmem>>, vector<16xf32>,
        %parallel_loop3A_616 = arith.index_cast %parallel_loop3A_132 : i32 to index
        %parallel_loop3A_617 = arith.constant 368 : index
        %parallel_loop3A_618 = tpu.vector_load %arg7[%parallel_loop3A_616, %parallel_loop3A_617] {strides = array<i32>} : memref<48x512xf32, #tpu.memory_space<vmem>>, vector<16xf32>,
        %parallel_loop3A_619 = vector.broadcast %scan3A_16 : f32 to vector<16xf32>
        %parallel_loop3A_620 = arith.mulf %parallel_loop3A_618, %parallel_loop3A_619 : vector<16xf32>
        %parallel_loop3A_621 = arith.constant 0x4B000000 : f32
        %parallel_loop3A_622 = vector.broadcast %parallel_loop3A_621 : f32 to vector<16xf32>
        %parallel_loop3A_623 = arith.addf %parallel_loop3A_620, %parallel_loop3A_622 : vector<16xf32>
        %parallel_loop3A_624 = vector.bitcast %parallel_loop3A_623 : vector<16xf32> to vector<16xi32>
        %parallel_loop3A_625 = arith.constant 1258291200 : i32
        %parallel_loop3A_626 = vector.broadcast %parallel_loop3A_625 : i32 to vector<16xi32>
        %parallel_loop3A_627 = arith.subi %parallel_loop3A_624, %parallel_loop3A_626 : vector<16xi32>
        %parallel_loop3A_628 = arith.constant 255 : i32
        %parallel_loop3A_629 = vector.broadcast %parallel_loop3A_628 : i32 to vector<16xi32>
        %parallel_loop3A_630 = arith.minui %parallel_loop3A_627, %parallel_loop3A_629 : vector<16xi32>
        %parallel_loop3A_631 = vector.bitcast %parallel_loop3A_630 : vector<16xi32> to vector<16xi32>
        %parallel_loop3A_632 = tpu.vector_load_idx %arg5[%parallel_loop3A_631] : memref<256xf32, #tpu.memory_space<vmem>>[vector<16xi32>], vector<16xf32>,
        %parallel_loop3A_633 = arith.mulf %parallel_loop3A_618, %parallel_loop3A_632 : vector<16xf32>
        %parallel_loop3A_634 = arith.index_cast %parallel_loop3A_132 : i32 to index
        %parallel_loop3A_635 = arith.constant 368 : index
        %parallel_loop3A_636 = tpu.vector_load %arg9[%parallel_loop3A_634, %parallel_loop3A_635] {strides = array<i32>} : memref<48x512xf32, #tpu.memory_space<vmem>>, vector<16xf32>,
        tpu.vector_store %arg9[%parallel_loop3A_634, %parallel_loop3A_635], %parallel_loop3A_633 {strides = array<i32>} : memref<48x512xf32, #tpu.memory_space<vmem>>, vector<16xf32>,
        %parallel_loop3A_637 = arith.index_cast %parallel_loop3A_132 : i32 to index
        %parallel_loop3A_638 = arith.constant 384 : index
        %parallel_loop3A_639 = tpu.vector_load %arg7[%parallel_loop3A_637, %parallel_loop3A_638] {strides = array<i32>} : memref<48x512xf32, #tpu.memory_space<vmem>>, vector<16xf32>,
        %parallel_loop3A_640 = vector.broadcast %scan3A_16 : f32 to vector<16xf32>
        %parallel_loop3A_641 = arith.mulf %parallel_loop3A_639, %parallel_loop3A_640 : vector<16xf32>
        %parallel_loop3A_642 = arith.constant 0x4B000000 : f32
        %parallel_loop3A_643 = vector.broadcast %parallel_loop3A_642 : f32 to vector<16xf32>
        %parallel_loop3A_644 = arith.addf %parallel_loop3A_641, %parallel_loop3A_643 : vector<16xf32>
        %parallel_loop3A_645 = vector.bitcast %parallel_loop3A_644 : vector<16xf32> to vector<16xi32>
        %parallel_loop3A_646 = arith.constant 1258291200 : i32
        %parallel_loop3A_647 = vector.broadcast %parallel_loop3A_646 : i32 to vector<16xi32>
        %parallel_loop3A_648 = arith.subi %parallel_loop3A_645, %parallel_loop3A_647 : vector<16xi32>
        %parallel_loop3A_649 = arith.constant 255 : i32
        %parallel_loop3A_650 = vector.broadcast %parallel_loop3A_649 : i32 to vector<16xi32>
        %parallel_loop3A_651 = arith.minui %parallel_loop3A_648, %parallel_loop3A_650 : vector<16xi32>
        %parallel_loop3A_652 = vector.bitcast %parallel_loop3A_651 : vector<16xi32> to vector<16xi32>
        %parallel_loop3A_653 = tpu.vector_load_idx %arg5[%parallel_loop3A_652] : memref<256xf32, #tpu.memory_space<vmem>>[vector<16xi32>], vector<16xf32>,
        %parallel_loop3A_654 = arith.mulf %parallel_loop3A_639, %parallel_loop3A_653 : vector<16xf32>
        %parallel_loop3A_655 = arith.index_cast %parallel_loop3A_132 : i32 to index
        %parallel_loop3A_656 = arith.constant 384 : index
        %parallel_loop3A_657 = tpu.vector_load %arg9[%parallel_loop3A_655, %parallel_loop3A_656] {strides = array<i32>} : memref<48x512xf32, #tpu.memory_space<vmem>>, vector<16xf32>,
        tpu.vector_store %arg9[%parallel_loop3A_655, %parallel_loop3A_656], %parallel_loop3A_654 {strides = array<i32>} : memref<48x512xf32, #tpu.memory_space<vmem>>, vector<16xf32>,
        %parallel_loop3A_658 = arith.index_cast %parallel_loop3A_132 : i32 to index
        %parallel_loop3A_659 = arith.constant 400 : index
        %parallel_loop3A_660 = tpu.vector_load %arg7[%parallel_loop3A_658, %parallel_loop3A_659] {strides = array<i32>} : memref<48x512xf32, #tpu.memory_space<vmem>>, vector<16xf32>,
        %parallel_loop3A_661 = vector.broadcast %scan3A_16 : f32 to vector<16xf32>
        %parallel_loop3A_662 = arith.mulf %parallel_loop3A_660, %parallel_loop3A_661 : vector<16xf32>
        %parallel_loop3A_663 = arith.constant 0x4B000000 : f32
        %parallel_loop3A_664 = vector.broadcast %parallel_loop3A_663 : f32 to vector<16xf32>
        %parallel_loop3A_665 = arith.addf %parallel_loop3A_662, %parallel_loop3A_664 : vector<16xf32>
        %parallel_loop3A_666 = vector.bitcast %parallel_loop3A_665 : vector<16xf32> to vector<16xi32>
        %parallel_loop3A_667 = arith.constant 1258291200 : i32
        %parallel_loop3A_668 = vector.broadcast %parallel_loop3A_667 : i32 to vector<16xi32>
        %parallel_loop3A_669 = arith.subi %parallel_loop3A_666, %parallel_loop3A_668 : vector<16xi32>
        %parallel_loop3A_670 = arith.constant 255 : i32
        %parallel_loop3A_671 = vector.broadcast %parallel_loop3A_670 : i32 to vector<16xi32>
        %parallel_loop3A_672 = arith.minui %parallel_loop3A_669, %parallel_loop3A_671 : vector<16xi32>
        %parallel_loop3A_673 = vector.bitcast %parallel_loop3A_672 : vector<16xi32> to vector<16xi32>
        %parallel_loop3A_674 = tpu.vector_load_idx %arg5[%parallel_loop3A_673] : memref<256xf32, #tpu.memory_space<vmem>>[vector<16xi32>], vector<16xf32>,
        %parallel_loop3A_675 = arith.mulf %parallel_loop3A_660, %parallel_loop3A_674 : vector<16xf32>
        %parallel_loop3A_676 = arith.index_cast %parallel_loop3A_132 : i32 to index
        %parallel_loop3A_677 = arith.constant 400 : index
        %parallel_loop3A_678 = tpu.vector_load %arg9[%parallel_loop3A_676, %parallel_loop3A_677] {strides = array<i32>} : memref<48x512xf32, #tpu.memory_space<vmem>>, vector<16xf32>,
        tpu.vector_store %arg9[%parallel_loop3A_676, %parallel_loop3A_677], %parallel_loop3A_675 {strides = array<i32>} : memref<48x512xf32, #tpu.memory_space<vmem>>, vector<16xf32>,
        %parallel_loop3A_679 = arith.index_cast %parallel_loop3A_132 : i32 to index
        %parallel_loop3A_680 = arith.constant 416 : index
        %parallel_loop3A_681 = tpu.vector_load %arg7[%parallel_loop3A_679, %parallel_loop3A_680] {strides = array<i32>} : memref<48x512xf32, #tpu.memory_space<vmem>>, vector<16xf32>,
        %parallel_loop3A_682 = vector.broadcast %scan3A_16 : f32 to vector<16xf32>
        %parallel_loop3A_683 = arith.mulf %parallel_loop3A_681, %parallel_loop3A_682 : vector<16xf32>
        %parallel_loop3A_684 = arith.constant 0x4B000000 : f32
        %parallel_loop3A_685 = vector.broadcast %parallel_loop3A_684 : f32 to vector<16xf32>
        %parallel_loop3A_686 = arith.addf %parallel_loop3A_683, %parallel_loop3A_685 : vector<16xf32>
        %parallel_loop3A_687 = vector.bitcast %parallel_loop3A_686 : vector<16xf32> to vector<16xi32>
        %parallel_loop3A_688 = arith.constant 1258291200 : i32
        %parallel_loop3A_689 = vector.broadcast %parallel_loop3A_688 : i32 to vector<16xi32>
        %parallel_loop3A_690 = arith.subi %parallel_loop3A_687, %parallel_loop3A_689 : vector<16xi32>
        %parallel_loop3A_691 = arith.constant 255 : i32
        %parallel_loop3A_692 = vector.broadcast %parallel_loop3A_691 : i32 to vector<16xi32>
        %parallel_loop3A_693 = arith.minui %parallel_loop3A_690, %parallel_loop3A_692 : vector<16xi32>
        %parallel_loop3A_694 = vector.bitcast %parallel_loop3A_693 : vector<16xi32> to vector<16xi32>
        %parallel_loop3A_695 = tpu.vector_load_idx %arg5[%parallel_loop3A_694] : memref<256xf32, #tpu.memory_space<vmem>>[vector<16xi32>], vector<16xf32>,
        %parallel_loop3A_696 = arith.mulf %parallel_loop3A_681, %parallel_loop3A_695 : vector<16xf32>
        %parallel_loop3A_697 = arith.index_cast %parallel_loop3A_132 : i32 to index
        %parallel_loop3A_698 = arith.constant 416 : index
        %parallel_loop3A_699 = tpu.vector_load %arg9[%parallel_loop3A_697, %parallel_loop3A_698] {strides = array<i32>} : memref<48x512xf32, #tpu.memory_space<vmem>>, vector<16xf32>,
        tpu.vector_store %arg9[%parallel_loop3A_697, %parallel_loop3A_698], %parallel_loop3A_696 {strides = array<i32>} : memref<48x512xf32, #tpu.memory_space<vmem>>, vector<16xf32>,
        %parallel_loop3A_700 = arith.index_cast %parallel_loop3A_132 : i32 to index
        %parallel_loop3A_701 = arith.constant 432 : index
        %parallel_loop3A_702 = tpu.vector_load %arg7[%parallel_loop3A_700, %parallel_loop3A_701] {strides = array<i32>} : memref<48x512xf32, #tpu.memory_space<vmem>>, vector<16xf32>,
        %parallel_loop3A_703 = vector.broadcast %scan3A_16 : f32 to vector<16xf32>
        %parallel_loop3A_704 = arith.mulf %parallel_loop3A_702, %parallel_loop3A_703 : vector<16xf32>
        %parallel_loop3A_705 = arith.constant 0x4B000000 : f32
        %parallel_loop3A_706 = vector.broadcast %parallel_loop3A_705 : f32 to vector<16xf32>
        %parallel_loop3A_707 = arith.addf %parallel_loop3A_704, %parallel_loop3A_706 : vector<16xf32>
        %parallel_loop3A_708 = vector.bitcast %parallel_loop3A_707 : vector<16xf32> to vector<16xi32>
        %parallel_loop3A_709 = arith.constant 1258291200 : i32
        %parallel_loop3A_710 = vector.broadcast %parallel_loop3A_709 : i32 to vector<16xi32>
        %parallel_loop3A_711 = arith.subi %parallel_loop3A_708, %parallel_loop3A_710 : vector<16xi32>
        %parallel_loop3A_712 = arith.constant 255 : i32
        %parallel_loop3A_713 = vector.broadcast %parallel_loop3A_712 : i32 to vector<16xi32>
        %parallel_loop3A_714 = arith.minui %parallel_loop3A_711, %parallel_loop3A_713 : vector<16xi32>
        %parallel_loop3A_715 = vector.bitcast %parallel_loop3A_714 : vector<16xi32> to vector<16xi32>
        %parallel_loop3A_716 = tpu.vector_load_idx %arg5[%parallel_loop3A_715] : memref<256xf32, #tpu.memory_space<vmem>>[vector<16xi32>], vector<16xf32>,
        %parallel_loop3A_717 = arith.mulf %parallel_loop3A_702, %parallel_loop3A_716 : vector<16xf32>
        %parallel_loop3A_718 = arith.index_cast %parallel_loop3A_132 : i32 to index
        %parallel_loop3A_719 = arith.constant 432 : index
        %parallel_loop3A_720 = tpu.vector_load %arg9[%parallel_loop3A_718, %parallel_loop3A_719] {strides = array<i32>} : memref<48x512xf32, #tpu.memory_space<vmem>>, vector<16xf32>,
        tpu.vector_store %arg9[%parallel_loop3A_718, %parallel_loop3A_719], %parallel_loop3A_717 {strides = array<i32>} : memref<48x512xf32, #tpu.memory_space<vmem>>, vector<16xf32>,
        %parallel_loop3A_721 = arith.index_cast %parallel_loop3A_132 : i32 to index
        %parallel_loop3A_722 = arith.constant 448 : index
        %parallel_loop3A_723 = tpu.vector_load %arg7[%parallel_loop3A_721, %parallel_loop3A_722] {strides = array<i32>} : memref<48x512xf32, #tpu.memory_space<vmem>>, vector<16xf32>,
        %parallel_loop3A_724 = vector.broadcast %scan3A_16 : f32 to vector<16xf32>
        %parallel_loop3A_725 = arith.mulf %parallel_loop3A_723, %parallel_loop3A_724 : vector<16xf32>
        %parallel_loop3A_726 = arith.constant 0x4B000000 : f32
        %parallel_loop3A_727 = vector.broadcast %parallel_loop3A_726 : f32 to vector<16xf32>
        %parallel_loop3A_728 = arith.addf %parallel_loop3A_725, %parallel_loop3A_727 : vector<16xf32>
        %parallel_loop3A_729 = vector.bitcast %parallel_loop3A_728 : vector<16xf32> to vector<16xi32>
        %parallel_loop3A_730 = arith.constant 1258291200 : i32
        %parallel_loop3A_731 = vector.broadcast %parallel_loop3A_730 : i32 to vector<16xi32>
        %parallel_loop3A_732 = arith.subi %parallel_loop3A_729, %parallel_loop3A_731 : vector<16xi32>
        %parallel_loop3A_733 = arith.constant 255 : i32
        %parallel_loop3A_734 = vector.broadcast %parallel_loop3A_733 : i32 to vector<16xi32>
        %parallel_loop3A_735 = arith.minui %parallel_loop3A_732, %parallel_loop3A_734 : vector<16xi32>
        %parallel_loop3A_736 = vector.bitcast %parallel_loop3A_735 : vector<16xi32> to vector<16xi32>
        %parallel_loop3A_737 = tpu.vector_load_idx %arg5[%parallel_loop3A_736] : memref<256xf32, #tpu.memory_space<vmem>>[vector<16xi32>], vector<16xf32>,
        %parallel_loop3A_738 = arith.mulf %parallel_loop3A_723, %parallel_loop3A_737 : vector<16xf32>
        %parallel_loop3A_739 = arith.index_cast %parallel_loop3A_132 : i32 to index
        %parallel_loop3A_740 = arith.constant 448 : index
        %parallel_loop3A_741 = tpu.vector_load %arg9[%parallel_loop3A_739, %parallel_loop3A_740] {strides = array<i32>} : memref<48x512xf32, #tpu.memory_space<vmem>>, vector<16xf32>,
        tpu.vector_store %arg9[%parallel_loop3A_739, %parallel_loop3A_740], %parallel_loop3A_738 {strides = array<i32>} : memref<48x512xf32, #tpu.memory_space<vmem>>, vector<16xf32>,
        %parallel_loop3A_742 = arith.index_cast %parallel_loop3A_132 : i32 to index
        %parallel_loop3A_743 = arith.constant 464 : index
        %parallel_loop3A_744 = tpu.vector_load %arg7[%parallel_loop3A_742, %parallel_loop3A_743] {strides = array<i32>} : memref<48x512xf32, #tpu.memory_space<vmem>>, vector<16xf32>,
        %parallel_loop3A_745 = vector.broadcast %scan3A_16 : f32 to vector<16xf32>
        %parallel_loop3A_746 = arith.mulf %parallel_loop3A_744, %parallel_loop3A_745 : vector<16xf32>
        %parallel_loop3A_747 = arith.constant 0x4B000000 : f32
        %parallel_loop3A_748 = vector.broadcast %parallel_loop3A_747 : f32 to vector<16xf32>
        %parallel_loop3A_749 = arith.addf %parallel_loop3A_746, %parallel_loop3A_748 : vector<16xf32>
        %parallel_loop3A_750 = vector.bitcast %parallel_loop3A_749 : vector<16xf32> to vector<16xi32>
        %parallel_loop3A_751 = arith.constant 1258291200 : i32
        %parallel_loop3A_752 = vector.broadcast %parallel_loop3A_751 : i32 to vector<16xi32>
        %parallel_loop3A_753 = arith.subi %parallel_loop3A_750, %parallel_loop3A_752 : vector<16xi32>
        %parallel_loop3A_754 = arith.constant 255 : i32
        %parallel_loop3A_755 = vector.broadcast %parallel_loop3A_754 : i32 to vector<16xi32>
        %parallel_loop3A_756 = arith.minui %parallel_loop3A_753, %parallel_loop3A_755 : vector<16xi32>
        %parallel_loop3A_757 = vector.bitcast %parallel_loop3A_756 : vector<16xi32> to vector<16xi32>
        %parallel_loop3A_758 = tpu.vector_load_idx %arg5[%parallel_loop3A_757] : memref<256xf32, #tpu.memory_space<vmem>>[vector<16xi32>], vector<16xf32>,
        %parallel_loop3A_759 = arith.mulf %parallel_loop3A_744, %parallel_loop3A_758 : vector<16xf32>
        %parallel_loop3A_760 = arith.index_cast %parallel_loop3A_132 : i32 to index
        %parallel_loop3A_761 = arith.constant 464 : index
        %parallel_loop3A_762 = tpu.vector_load %arg9[%parallel_loop3A_760, %parallel_loop3A_761] {strides = array<i32>} : memref<48x512xf32, #tpu.memory_space<vmem>>, vector<16xf32>,
        tpu.vector_store %arg9[%parallel_loop3A_760, %parallel_loop3A_761], %parallel_loop3A_759 {strides = array<i32>} : memref<48x512xf32, #tpu.memory_space<vmem>>, vector<16xf32>,
        %parallel_loop3A_763 = arith.index_cast %parallel_loop3A_132 : i32 to index
        %parallel_loop3A_764 = arith.constant 480 : index
        %parallel_loop3A_765 = tpu.vector_load %arg7[%parallel_loop3A_763, %parallel_loop3A_764] {strides = array<i32>} : memref<48x512xf32, #tpu.memory_space<vmem>>, vector<16xf32>,
        %parallel_loop3A_766 = vector.broadcast %scan3A_16 : f32 to vector<16xf32>
        %parallel_loop3A_767 = arith.mulf %parallel_loop3A_765, %parallel_loop3A_766 : vector<16xf32>
        %parallel_loop3A_768 = arith.constant 0x4B000000 : f32
        %parallel_loop3A_769 = vector.broadcast %parallel_loop3A_768 : f32 to vector<16xf32>
        %parallel_loop3A_770 = arith.addf %parallel_loop3A_767, %parallel_loop3A_769 : vector<16xf32>
        %parallel_loop3A_771 = vector.bitcast %parallel_loop3A_770 : vector<16xf32> to vector<16xi32>
        %parallel_loop3A_772 = arith.constant 1258291200 : i32
        %parallel_loop3A_773 = vector.broadcast %parallel_loop3A_772 : i32 to vector<16xi32>
        %parallel_loop3A_774 = arith.subi %parallel_loop3A_771, %parallel_loop3A_773 : vector<16xi32>
        %parallel_loop3A_775 = arith.constant 255 : i32
        %parallel_loop3A_776 = vector.broadcast %parallel_loop3A_775 : i32 to vector<16xi32>
        %parallel_loop3A_777 = arith.minui %parallel_loop3A_774, %parallel_loop3A_776 : vector<16xi32>
        %parallel_loop3A_778 = vector.bitcast %parallel_loop3A_777 : vector<16xi32> to vector<16xi32>
        %parallel_loop3A_779 = tpu.vector_load_idx %arg5[%parallel_loop3A_778] : memref<256xf32, #tpu.memory_space<vmem>>[vector<16xi32>], vector<16xf32>,
        %parallel_loop3A_780 = arith.mulf %parallel_loop3A_765, %parallel_loop3A_779 : vector<16xf32>
        %parallel_loop3A_781 = arith.index_cast %parallel_loop3A_132 : i32 to index
        %parallel_loop3A_782 = arith.constant 480 : index
        %parallel_loop3A_783 = tpu.vector_load %arg9[%parallel_loop3A_781, %parallel_loop3A_782] {strides = array<i32>} : memref<48x512xf32, #tpu.memory_space<vmem>>, vector<16xf32>,
        tpu.vector_store %arg9[%parallel_loop3A_781, %parallel_loop3A_782], %parallel_loop3A_780 {strides = array<i32>} : memref<48x512xf32, #tpu.memory_space<vmem>>, vector<16xf32>,
        %parallel_loop3A_784 = arith.index_cast %parallel_loop3A_132 : i32 to index
        %parallel_loop3A_785 = arith.constant 496 : index
        %parallel_loop3A_786 = tpu.vector_load %arg7[%parallel_loop3A_784, %parallel_loop3A_785] {strides = array<i32>} : memref<48x512xf32, #tpu.memory_space<vmem>>, vector<16xf32>,
        %parallel_loop3A_787 = vector.broadcast %scan3A_16 : f32 to vector<16xf32>
        %parallel_loop3A_788 = arith.mulf %parallel_loop3A_786, %parallel_loop3A_787 : vector<16xf32>
        %parallel_loop3A_789 = arith.constant 0x4B000000 : f32
        %parallel_loop3A_790 = vector.broadcast %parallel_loop3A_789 : f32 to vector<16xf32>
        %parallel_loop3A_791 = arith.addf %parallel_loop3A_788, %parallel_loop3A_790 : vector<16xf32>
        %parallel_loop3A_792 = vector.bitcast %parallel_loop3A_791 : vector<16xf32> to vector<16xi32>
        %parallel_loop3A_793 = arith.constant 1258291200 : i32
        %parallel_loop3A_794 = vector.broadcast %parallel_loop3A_793 : i32 to vector<16xi32>
        %parallel_loop3A_795 = arith.subi %parallel_loop3A_792, %parallel_loop3A_794 : vector<16xi32>
        %parallel_loop3A_796 = arith.constant 255 : i32
        %parallel_loop3A_797 = vector.broadcast %parallel_loop3A_796 : i32 to vector<16xi32>
        %parallel_loop3A_798 = arith.minui %parallel_loop3A_795, %parallel_loop3A_797 : vector<16xi32>
        %parallel_loop3A_799 = vector.bitcast %parallel_loop3A_798 : vector<16xi32> to vector<16xi32>
        %parallel_loop3A_800 = tpu.vector_load_idx %arg5[%parallel_loop3A_799] : memref<256xf32, #tpu.memory_space<vmem>>[vector<16xi32>], vector<16xf32>,
        %parallel_loop3A_801 = arith.mulf %parallel_loop3A_786, %parallel_loop3A_800 : vector<16xf32>
        %parallel_loop3A_802 = arith.index_cast %parallel_loop3A_132 : i32 to index
        %parallel_loop3A_803 = arith.constant 496 : index
        %parallel_loop3A_804 = tpu.vector_load %arg9[%parallel_loop3A_802, %parallel_loop3A_803] {strides = array<i32>} : memref<48x512xf32, #tpu.memory_space<vmem>>, vector<16xf32>,
        tpu.vector_store %arg9[%parallel_loop3A_802, %parallel_loop3A_803], %parallel_loop3A_801 {strides = array<i32>} : memref<48x512xf32, #tpu.memory_space<vmem>>, vector<16xf32>,
      } {sc.loop_unroll_factor = 1 : i64, sc.parallel_access}
      %mul3A_115 = arith.constant 2 : i32
      %mul3A_116 = arith.muli %scan3A_64, %mul3A_115 : i32
      %add3A_117 = arith.constant 1 : i32
      %add3A_118 = arith.addi %mul3A_116, %add3A_117 : i32
      %add3A_119 = arith.constant 2 : i32
      %add3A_120 = arith.addi %add3A_118, %add3A_119 : i32
      %lt3A_121 = arith.constant 32 : i32
      %lt3A_122 = arith.cmpi slt, %add3A_120, %lt3A_121 : i32
      %convert_element_type3A_123 = arith.extui %lt3A_122 : i1 to i32
      %cond3A_124 = arith.constant 0 : i32
      %cond3A_125 = arith.cmpi ne, %convert_element_type3A_123, %cond3A_124 : i32
      scf.if %cond3A_125 {
        %add3A_132 = arith.constant 2 : i32
        %add3A_133 = arith.addi %add3A_100, %add3A_132 : i32
        %mul3A_134 = arith.constant 48 : i32
        %mul3A_135 = arith.muli %add3A_133, %mul3A_134 : i32
        %dma_start3A_136 = arith.constant 0 : i32
        %dma_start3A_137 = tpu.memref_slice %arg2[%mul3A_135, %dma_start3A_136] : memref<50688x512xf32, #tpu.memory_space<hbm>> -> memref<48x512xf32, #tpu.memory_space<hbm>>
        %dma_start3A_138 = arith.constant 0 : i32
        %dma_start3A_139 = tpu.memref_slice %arg2[%mul3A_135, %dma_start3A_138] : memref<50688x512xf32, #tpu.memory_space<hbm>> -> memref<48x512xf32, #tpu.memory_space<hbm>>
        tpu.enqueue_dma source(%dma_start3A_139 : memref<48x512xf32, #tpu.memory_space<hbm>>) target(%arg7 : memref<48x512xf32, #tpu.memory_space<vmem>>) target_semaphore(%arg11 : memref<!tpu.dma_semaphore, #tpu.memory_space<semaphore_mem>>)
      } else {
      }
      %mul3A_126 = arith.constant 48 : i32
      %mul3A_127 = arith.muli %add3A_100, %mul3A_126 : i32
      %dma_start3A_128 = arith.constant 0 : i32
      %dma_start3A_129 = tpu.memref_slice %arg4[%mul3A_127, %dma_start3A_128] : memref<50688x512xf32, #tpu.memory_space<hbm>> -> memref<48x512xf32, #tpu.memory_space<hbm>>
      %dma_start3A_130 = arith.constant 0 : i32
      %dma_start3A_131 = tpu.memref_slice %arg4[%mul3A_127, %dma_start3A_130] : memref<50688x512xf32, #tpu.memory_space<hbm>> -> memref<48x512xf32, #tpu.memory_space<hbm>>
      tpu.enqueue_dma source(%arg9 : memref<48x512xf32, #tpu.memory_space<vmem>>) target(%dma_start3A_131 : memref<48x512xf32, #tpu.memory_space<hbm>>) target_semaphore(%arg13 : memref<!tpu.dma_semaphore, #tpu.memory_space<semaphore_mem>>)
    }
    %scan3A_21 = arith.constant 16 : i32
    %add3A_22 = arith.constant 1024 : i32
    %add3A_23 = arith.addi %add3A_22, %add3A : i32
    %mul3A_24 = arith.constant 48 : i32
    %mul3A_25 = arith.muli %add3A_23, %mul3A_24 : i32
    %dma_start3A_26 = arith.constant 0 : i32
    %dma_start3A_27 = tpu.memref_slice %arg2[%mul3A_25, %dma_start3A_26] : memref<50688x512xf32, #tpu.memory_space<hbm>> -> memref<48x512xf32, #tpu.memory_space<hbm>>
    %dma_start3A_28 = arith.constant 0 : i32
    %dma_start3A_29 = tpu.memref_slice %arg2[%mul3A_25, %dma_start3A_28] : memref<50688x512xf32, #tpu.memory_space<hbm>> -> memref<48x512xf32, #tpu.memory_space<hbm>>
    tpu.enqueue_dma source(%dma_start3A_29 : memref<48x512xf32, #tpu.memory_space<hbm>>) target(%arg6 : memref<48x512xf32, #tpu.memory_space<vmem>>) target_semaphore(%arg10 : memref<!tpu.dma_semaphore, #tpu.memory_space<semaphore_mem>>)
    %mul3A_30 = arith.constant 48 : i32
    %mul3A_31 = arith.muli %add3A_23, %mul3A_30 : i32
    %dma_wait3A = arith.constant 0 : i32
    %dma_wait3A_32 = tpu.memref_slice %arg2[%mul3A_31, %dma_wait3A] : memref<50688x512xf32, #tpu.memory_space<hbm>> -> memref<48x512xf32, #tpu.memory_space<hbm>>
    %dma_wait3A_33 = arith.constant 0 : i32
    %dma_wait3A_34 = tpu.memref_slice %arg2[%mul3A_31, %dma_wait3A_33] : memref<50688x512xf32, #tpu.memory_space<hbm>> -> memref<48x512xf32, #tpu.memory_space<hbm>>
    tpu.wait_dma2 semaphore(%arg10 : memref<!tpu.dma_semaphore, #tpu.memory_space<semaphore_mem>>) src(%dma_wait3A_34 : memref<48x512xf32, #tpu.memory_space<hbm>>) dst(%arg6 : memref<48x512xf32, #tpu.memory_space<vmem>>)
    %mul3A_35 = arith.constant 48 : i32
    %mul3A_36 = arith.muli %add3A_23, %mul3A_35 : i32
    %dma_start3A_37 = arith.constant 0 : i32
    %dma_start3A_38 = tpu.memref_slice %arg4[%mul3A_36, %dma_start3A_37] : memref<50688x512xf32, #tpu.memory_space<hbm>> -> memref<48x512xf32, #tpu.memory_space<hbm>>
    %dma_start3A_39 = arith.constant 0 : i32
    %dma_start3A_40 = tpu.memref_slice %arg4[%mul3A_36, %dma_start3A_39] : memref<50688x512xf32, #tpu.memory_space<hbm>> -> memref<48x512xf32, #tpu.memory_space<hbm>>
    tpu.enqueue_dma source(%arg6 : memref<48x512xf32, #tpu.memory_space<vmem>>) target(%dma_start3A_40 : memref<48x512xf32, #tpu.memory_space<hbm>>) target_semaphore(%arg10 : memref<!tpu.dma_semaphore, #tpu.memory_space<semaphore_mem>>)
    %mul3A_41 = arith.constant 48 : i32
    %mul3A_42 = arith.muli %add3A_23, %mul3A_41 : i32
    %dma_wait3A_43 = arith.constant 0 : i32
    %dma_wait3A_44 = tpu.memref_slice %arg4[%mul3A_42, %dma_wait3A_43] : memref<50688x512xf32, #tpu.memory_space<hbm>> -> memref<48x512xf32, #tpu.memory_space<hbm>>
    %dma_wait3A_45 = arith.constant 0 : i32
    %dma_wait3A_46 = tpu.memref_slice %arg4[%mul3A_42, %dma_wait3A_45] : memref<50688x512xf32, #tpu.memory_space<hbm>> -> memref<48x512xf32, #tpu.memory_space<hbm>>
    tpu.wait_dma2 semaphore(%arg10 : memref<!tpu.dma_semaphore, #tpu.memory_space<semaphore_mem>>) src(%arg6 : memref<48x512xf32, #tpu.memory_space<vmem>>) dst(%dma_wait3A_46 : memref<48x512xf32, #tpu.memory_space<hbm>>)
    %add3A_47 = arith.constant 32 : i32
    %add3A_48 = arith.addi %mul3A_2, %add3A_47 : i32
    %sub3A = arith.constant 2 : i32
    %sub3A_49 = arith.subi %add3A_48, %sub3A : i32
    %mul3A_50 = arith.constant 48 : i32
    %mul3A_51 = arith.muli %sub3A_49, %mul3A_50 : i32
    %dma_wait3A_52 = arith.constant 0 : i32
    %dma_wait3A_53 = tpu.memref_slice %arg4[%mul3A_51, %dma_wait3A_52] : memref<50688x512xf32, #tpu.memory_space<hbm>> -> memref<48x512xf32, #tpu.memory_space<hbm>>
    %dma_wait3A_54 = arith.constant 0 : i32
    %dma_wait3A_55 = tpu.memref_slice %arg4[%mul3A_51, %dma_wait3A_54] : memref<50688x512xf32, #tpu.memory_space<hbm>> -> memref<48x512xf32, #tpu.memory_space<hbm>>
    tpu.wait_dma2 semaphore(%arg12 : memref<!tpu.dma_semaphore, #tpu.memory_space<semaphore_mem>>) src(%arg8 : memref<48x512xf32, #tpu.memory_space<vmem>>) dst(%dma_wait3A_55 : memref<48x512xf32, #tpu.memory_space<hbm>>)
    %sub3A_56 = arith.constant 1 : i32
    %sub3A_57 = arith.subi %add3A_48, %sub3A_56 : i32
    %mul3A_58 = arith.constant 48 : i32
    %mul3A_59 = arith.muli %sub3A_57, %mul3A_58 : i32
    %dma_wait3A_60 = arith.constant 0 : i32
    %dma_wait3A_61 = tpu.memref_slice %arg4[%mul3A_59, %dma_wait3A_60] : memref<50688x512xf32, #tpu.memory_space<hbm>> -> memref<48x512xf32, #tpu.memory_space<hbm>>
    %dma_wait3A_62 = arith.constant 0 : i32
    %dma_wait3A_63 = tpu.memref_slice %arg4[%mul3A_59, %dma_wait3A_62] : memref<50688x512xf32, #tpu.memory_space<hbm>> -> memref<48x512xf32, #tpu.memory_space<hbm>>
    tpu.wait_dma2 semaphore(%arg13 : memref<!tpu.dma_semaphore, #tpu.memory_space<semaphore_mem>>) src(%arg9 : memref<48x512xf32, #tpu.memory_space<vmem>>) dst(%dma_wait3A_63 : memref<48x512xf32, #tpu.memory_space<hbm>>)
    return
  }
}

</mosaic_0001>

<sc_bundles>
// kernel: kernel.3.cloned.1.call-start
scs
__scs_entry_jumppad:
0x0: {  	(pc) =	sbr.rel $0x88, $3  }
0x1: {  	(tag) =	ssettag $0x0;
	lr =	simm.s32 $0x1  }
0x2: {  	[smem:$0x3F9F] =	sst lr;
	_ =	strace $0xD0000000  }
0x3: {  	_ = 	snop  }
0x4: {  	_ = 	snop  }
0x5: {  	_ = 	snop  }
0x6: {  	_ = 	snop  }
0x7: {  	_ = 	snop  }
__scs_overlays_trampoline_lowered:
0x8: {  	[smem:$0x3FAE] =	sst s0  }
0x9: {  	[smem:$0x3FAF] =	sst s1  }
0xa: {  	[smem:$0x3FB0] =	sst s2  }
0xb: {  	[smem:$0x3FB1] =	sst s3  }
0xc: {  	[smem:$0x3FB2] =	sst s4  }
0xd: {  	[smem:$0x3FB3] =	sst s5  }
0xe: {  	[smem:$0x3FB4] =	sst s6  }
0xf: {  	[smem:$0x3FB5] =	sst s7  }
0x10: {  	[smem:$0x3FB6] =	sst s8  }
0x11: {  	[smem:$0x3FB7] =	sst s9;
	s0 =	simm.s32 @!p0 $0x0  }
0x12: {  	s1 =	sld [smem:$0x3F9D];
	s0 =	simm.s32 @p0 $0x1  }
0x13: {  	[smem:$0x3FB8] =	sst s0;
	s0 =	simm.s32 @!p1 $0x0  }
0x14: {  	s2 =	sld [smem:$0x3F9C];
	s0 =	simm.s32 @p1 $0x1  }
0x15: {  	[smem:$0x3FB9] =	sst s0;
	s0 =	simm.s32 @!p2 $0x0  }
0x16: {  	s3 =	sld [smem:$0x3FDB];
	s0 =	simm.s32 @p2 $0x1  }
0x17: {  	s4 =	simm.s32 $0x1BF5;
	[smem:$0x3FBB] =	sst s0  }
0x18: {  	s0 =	sld [smem:$0x3F9E];
	_ =	swait.ge [sflag:s4], $0x0  }
0x19: {  	s7 =	sld [smem:$0x3F9F]  }
0x1a: {  	s8 =	sadd.s32 $0xFFFFE003, lr  }
0x1b: {  	s9 =	sadd.s32 $0xFFFFFEF7, lr;
	s5 =	simm.s32 $0xFFFFFFFF;
	p2 =	slt.u32 s8, $0xFFFFF086  }
0x1c: {  	p1 =	slt.u32 s9, $0xF7A;
	s5 =	simm.s32 @!p2 $0x0  }
0x1d: {  	s5 =	simm.s32 @p1 $0x1;
	p0 =	seq.s32 s7, s2  }
0x1e: {  	s7 =	smul.u32 @!p0 $0xF7A, s2;
	p2 =	seq.s32 @!p0 s5, $0x0  }
0x1f: {  	s9 =	smul.u32 $0xF7A, s1;
	s8 =	simm.s32 @!p0 $0x1BF5;
	p2 =	por !p2, p0  }
0x20: {  	[sflag:s8] =	ssyncset.s32 @!p0 $0xFFFFF086;
	s6 =	sadd.s32 @!p0 s3, s7;
	s7 =	simm.s32 @!p0 $0x108  }
0x21: {  	s3 =	sadd.s32 s3, s9;
	s6 =	sadd.s32 @!p0 $0x88, s6;
	s7 =	simm.s32 @p2 $0x1082  }
0x22: {  	[simem:s7], [sflag:s8] =	dma.local @!p0 [hbm:s6], $0xF7A  }
0x23: {  	s9 =	sor.u32 $0xD0000000, s2;
	s6 =	simm.s32 $0x108;
	_ =	swait.ge @!p0 [sflag:s8], $0x0  }
0x24: {  	s3 =	sadd.s32 $0x88, s3;
	s6 =	simm.s32 @!p1 $0x1082;
	[sflag:s4] =	ssyncset.s32 $0xFFFFF086  }
0x25: {  	[simem:s6], [sflag:s4] =	dma.local [hbm:s3], $0xF7A  }
0x26: {  	[smem:$0x3F9F] =	sst s1;
	(tag) =	ssettag s2;
	_ =	strace s9  }
0x27: {  	s1 =	sld [smem:$0x3FAF]  }
0x28: {  	s2 =	sld [smem:$0x3FB0]  }
0x29: {  	s4 =	sld [smem:$0x3FB2]  }
0x2a: {  	p0 =	seq.s32 s5, $0x0;
	s5 =	sld [smem:$0x3FB3]  }
0x2b: {  	s6 =	sld [smem:$0x3FB4]  }
0x2c: {  	s7 =	sld [smem:$0x3FB5]  }
0x2d: {  	s3 =	simm.s32 $0x108;
	s8 =	sld [smem:$0x3FB6]  }
0x2e: {  	s3 =	simm.s32 @!p0 $0x1082;
	s9 =	sld [smem:$0x3FB7]  }
0x2f: {  	lr =	sadd.s32 s0, s3;
	s0 =	sld [smem:$0x3FAE]  }
0x30: {  	s3 =	sld [smem:$0x3FB1]  }
0x31: {  	[smem:$0x3FBA] =	sst s10  }
0x32: {  	s10 =	sld [smem:$0x3FB8];
	_ =	sdelay $0x3  }
0x33: {  	p0 =	seq.s32 s10, $0x1;
	s10 =	sld [smem:$0x3FBA];
	_ =	sdelay $0x3  }
0x34: {  	[smem:$0x3FBA] =	sst s10  }
0x35: {  	s10 =	sld [smem:$0x3FB9];
	_ =	sdelay $0x3  }
0x36: {  	p1 =	seq.s32 s10, $0x1;
	s10 =	sld [smem:$0x3FBA];
	_ =	sdelay $0x3  }
0x37: {  	[smem:$0x3FBA] =	sst s10  }
0x38: {  	s10 =	sld [smem:$0x3FBB]  }
0x39: {  	_ = 	snop;
	(pc) =	sbr.ind lr, $3  }
0x3a: {  	_ = 	snop  }
0x3b: {  	_ = 	snop  }
0x3c: {  	p2 =	seq.s32 s10, $0x1;
	s10 =	sld [smem:$0x3FBA]  }
0x3d: {  	_ =	shalt  }
0x3e: {  	_ =	shalt  }
0x3f: {  	_ =	shalt  }
0x40: {  	_ =	shalt  }
0x41: {  	_ =	shalt  }
0x42: {  	_ =	shalt  }
0x43: {  	_ =	shalt  }
0x44: {  	_ =	shalt  }
0x45: {  	_ =	shalt  }
0x46: {  	_ =	shalt  }
0x47: {  	_ =	shalt  }
0x48: {  	_ =	shalt  }
0x49: {  	_ =	shalt  }
0x4a: {  	_ =	shalt  }
0x4b: {  	_ =	shalt  }
0x4c: {  	_ =	shalt  }
0x4d: {  	_ =	shalt  }
0x4e: {  	_ =	shalt  }
0x4f: {  	_ =	shalt  }
0x50: {  	_ =	shalt  }
0x51: {  	_ =	shalt  }
0x52: {  	_ =	shalt  }
0x53: {  	_ =	shalt  }
0x54: {  	_ =	shalt  }
0x55: {  	_ =	shalt  }
0x56: {  	_ =	shalt  }
0x57: {  	_ =	shalt  }
0x58: {  	_ =	shalt  }
0x59: {  	_ =	shalt  }
0x5a: {  	_ =	shalt  }
0x5b: {  	_ =	shalt  }
0x5c: {  	_ =	shalt  }
0x5d: {  	_ =	shalt  }
0x5e: {  	_ =	shalt  }
0x5f: {  	_ =	shalt  }
0x60: {  	_ =	shalt  }
0x61: {  	_ =	shalt  }
0x62: {  	_ =	shalt  }
0x63: {  	_ =	shalt  }
0x64: {  	_ =	shalt  }
0x65: {  	_ =	shalt  }
0x66: {  	_ =	shalt  }
0x67: {  	_ =	shalt  }
0x68: {  	_ =	shalt  }
0x69: {  	_ =	shalt  }
0x6a: {  	_ =	shalt  }
0x6b: {  	_ =	shalt  }
0x6c: {  	_ =	shalt  }
0x6d: {  	_ =	shalt  }
0x6e: {  	_ =	shalt  }
0x6f: {  	_ =	shalt  }
0x70: {  	_ =	shalt  }
0x71: {  	_ =	shalt  }
0x72: {  	_ =	shalt  }
0x73: {  	_ =	shalt  }
0x74: {  	_ =	shalt  }
0x75: {  	_ =	shalt  }
0x76: {  	_ =	shalt  }
0x77: {  	_ =	shalt  }
0x78: {  	_ =	shalt  }
0x79: {  	_ =	shalt  }
0x7a: {  	_ =	shalt  }
0x7b: {  	_ =	shalt  }
0x7c: {  	_ =	shalt  }
0x7d: {  	_ =	shalt  }
0x7e: {  	_ =	shalt  }
0x7f: {  	_ =	shalt  }
0x80: {  	_ =	shalt  }
0x81: {  	_ =	shalt  }
0x82: {  	_ =	shalt  }
0x83: {  	_ =	shalt  }
0x84: {  	_ =	shalt  }
0x85: {  	_ =	shalt  }
0x86: {  	_ =	shalt  }
0x87: {  	_ =	shalt  }
.Lfunc_end0:
.L_simem_size_0:
called_computation_lowered:
.L_overlay_start_0:
0x88: {  	s2 =	sld [smem:$0x3FD9]  }
0x89: {  	s3 =	sld [smem:$0x3FFE];
	_ =	sdelay $0x1  }
0x8a: {  	s1 =	srdreg.scid  }
0x8b: {  	s0 =	sand.u32 $0x1, s1  }
0x8c: {  	s18 =	sshll.u32 s0, $0xA;
	s2 =	sadd.s32 s3, s2  }
0x8d: {  	s2 =	sadd.s32 s2, s18  }
0x8e: {  	[smem:$0x3FC6] =	sst s2  }
0x8f: {  	_ = 	snop  }
0x90: {  	s2 =	sld [smem:$0x3FC9]  }
0x91: {  	s19 =	sld [smem:$0x3FC8]  }
0x92: {  	s4 =	sld [smem:$0x3FD0];
	(tm) =	ssettm $0x1  }
0x93: {  	s5 =	sld [smem:$0x3FFB];
	_ =	sdelay $0x3  }
0x94: {  	_ =	strace s5  }
0x95: {  	s5 =	sld [smem:$0x3FFC];
	_ =	sdelay $0x3  }
0x96: {  	_ =	strace s5  }
0x97: {  	s5 =	sld [smem:$0x3FFD];
	_ =	sdelay $0x3  }
0x98: {  	_ =	strace s5  }
0x99: {  	_ =	strace $0x8FFFFFFF  }
0x9a: {  	s20 =	sld [smem:$0x3FDB];
	_ =	sdelay $0x1  }
0x9b: {  	s6 =	simm.s32 $_scs_section_size  }
0x9c: {  	s7 =	simm.s32 $_size__tile_overlayer_lowered;
	s8 =	simm.s32 $_tile_overlayer_lowered  }
0x9d: {  	s23 =	simm.s32 $0x1BFF;
	s22 =	sshll.u32 s8, $0x1;
	s5 =	sadd.s32 s6, s20  }
0x9e: {  	s9 =	simm.s32 $0x0;
	s21 =	sshll.u32 s7, $0x1;
	s7 =	sadd.s32 s22, s5  }
0x9f: {  	[timem:s9], [sflag:s23] =	dma.local [hbm:s7], s21  }
0xa0: {  	_ =	swait.ge [sflag:s23], s21  }
0xa1: {  	s6 =	ssub.s32 $0x0, s21;
	[sflag:s23] =	ssyncset.done $0x0  }
0xa2: {  	[sflag:s23] =	ssyncadd.s32 s6;
	_ =	sdelay $0x1  }
0xa3: {  	s24 =	simm.s32 $0x1B8B  }
0xa4: {  	_ =	swait.ge [sflag:s24], $0x1  }
0xa5: {  	[sflag:s24] =	ssyncset.done $0x0  }
0xa6: {  	s25 =	simm.s32 $0x1B8E;
	[sflag:s24] =	ssyncadd.s32 $0xFFFFFFFF  }
0xa7: {  	s26 =	simm.s32 $execute0_lowered;
	[smem:$0x3FD2] =	sst s25  }
0xa8: {  	s6 =	sshll.u32 s26, $0x1;
	_ =	strace $0x80000046;
	[dreg:$0x1] =	wrdreg $0xFFFFFFFF  }
0xa9: {  	s28 =	simm.s32 $_size_execute0_lowered;
	s5 =	sadd.s32 s5, s6;
	[dreg:$0x0] =	wrdreg $0x0  }
0xaa: {  	s6 =	sshll.u32 s28, $0x1;
	[dreg:$0x2] =	wrdreg s5  }
0xab: {  	[dreg:$0x3] =	wrdreg s6  }
0xac: {  	[dreg:$0x4] =	wrdreg $0xC0  }
0xad: {  	_ =	task [dreg:s9], $0x5FFFF  }
0xae: {  	[dreg:$0x1] =	wrdreg $0xFFFFFFFF  }
0xaf: {  	[dreg:$0x0] =	wrdreg $0x60  }
0xb0: {  	[dreg:$0x2] =	wrdreg s2  }
0xb1: {  	[dreg:$0x3] =	wrdreg s19  }
0xb2: {  	[dreg:$0x4] =	wrdreg s4  }
0xb3: {  	[dreg:$0x5] =	wrdreg $0x9  }
0xb4: {  	_ =	task.clear_ibuf [dreg:s9], $0x6FFFF;
	_ =	strace $0x90000046  }
0xb5: {  	s29 =	simm.s32 $0x9;
	_ =	strace $0x80000048  }
0xb6: {  	_ =	swait.ge [sflag:s29], $0x1  }
0xb7: {  	[sflag:s29] =	ssyncadd.s32 $0xFFFFFFFF  }
0xb8: {  	_ =	strace $0x90000048  }
0xb9: {  	_ =	sfence  }
0xba: {  	s30 =	sld [smem:$0x0];
	_ =	sdelay $0x2  }
0xbb: {  	s31 =	sshll.u32 s1, $0xD;
	s1 =	sshrl.u32 s1, $0x2  }
0xbc: {  	s3 =	sand.u32 $0x4000, s31;
	s1 =	sadd.s32 s1, s30  }
0xbd: {  	s0 =	sor.u32 s3, s0;
	s1 =	sshll.u32 s1, $0x11  }
0xbe: {  	s0 =	sor.u32 s1, s0  }
0xbf: {  	s0 =	sadd.s32 $0x8F2B, s0  }
0xc0: {  	[sflag:s0] =	ssyncadd.remote.s32 $0x1  }
0xc1: {  	_ =	sfence.sel $0xFFFF  }
0xc2: {  	[dreg:$0x0] =	wrdreg $0xFFFFFFFF;
	(pc) =	sbr.abs _section_cstart, $3  }
0xc3: {  	[dreg:$0x1] =	wrdreg $0xFFFFFFFF  }
0xc4: {  	_ =	task.clear_ibuf [dreg:s9], $0x2FFFF;
	_ =	strace $0x9FFFFFFF  }
0xc5: {  	(tm) =	ssettm $0x7FFFFFFF  }
tec
execute0_lowered:
.L_overlay_start_1:
0x0: {  	(tag) =	ssettag $0x1  }
0x1: {  	s1 =	rddreg [dreg:$0x0]  }
0x2: {  	s2 =	srdreg.scid;
	s3 =	rddreg [dreg:$0x1]  }
0x3: {  	s0 =	stileid.u32;
	s4 =	rddreg [dreg:$0x2];
	s12 =	simm.s32 $0x5  }
0x4: {  	s13 =	simm.s32 $0x100;
	s14 =	simm.s32 $0x6100;
	s15 =	simm.s32 $0x1  }
0x5: {  	s16 =	simm.s32 $0xC100;
	s17 =	simm.s32 $0x2;
	s18 =	simm.s32 $0x12100  }
0x6: {  	s19 =	simm.s32 $0x3;
	s2 =	sand.u32 $0x1, s2;
	s5 =	sshll.u32 s0, $0x1  }
0x7: {  	s20 =	simm.s32 $0x4;
	s21 =	simm.s32 $0x0;
	s7 =	sor.u32 s2, s5  }
0x8: {  	s5 =	simm.s32 $0x0;
	s2 =	ssub.s32 $0x2, s2;
	s6 =	smul.u32 $0x18000, s7  }
0x9: {  	[smem:$0x7FF] =	sst s5;
	s8 =	smul.u32 $0xC00, s7;
	s9 =	sshrl.u32 s2, $0x1  }
0xa: {  	s7 =	sshll.u32 s7, $0x5;
	_ =	strace $0x80000047;
	s2 =	ssub.s32 s2, s9  }
0xb: {  	s6 =	sadd.s32 s1, s6;
	s10 =	sor.u32 $0x300000, s8;
	s11 =	smax.u32 s2, $0x1  }
0xc: {  	s8 =	sadd.s32 $0xC00, s6;
	s9 =	sadd.s32 s1, s10;
	s10 =	sadd.s32 s4, s10  }
.LBB2_1:
0xd: {  	[tilespmem:s5], [sflag:$0x5] =	stream.linear.gather [hbm4b:s3+s5], $0x100, $0x38;
	[tilespmem:$0x18100] =	vst v63  }
0xe: {  	_ =	swait.ge [sflag:s12], $0x100  }
0xf: {  	[sflag:s12] =	ssyncset.done $0x0  }
0x10: {  	[sflag:s12] =	ssyncadd.s32 $0xFFFFFF00  }
0x11: {  	[tilespmem:s13], [sflag:$0x1] =	stream.linear.gather [hbm4b:s6+s5], $0x6000, $0x38;
	[tilespmem:$0x18100] =	vst v63  }
0x12: {  	s22 =	simm.s32 $0x0  }
0x13: {  	[tilespmem:s14], [sflag:$0x2] =	stream.linear.gather [hbm4b:s8+s5], $0x6000, $0x38;
	[tilespmem:$0x18100] =	vst v63  }
.LBB2_2:
0x14: {  	_ =	swait.ge [sflag:s15], $0x6000  }
0x15: {  	p1 =	seq.s32 s22, $0x0;
	[sflag:s15] =	ssyncset.done $0x0  }
0x16: {  	s2 =	simm.s32 @!p1 $0x3;
	[sflag:s15] =	ssyncadd.s32 $0xFFFFA000  }
0x17: {  	s23 =	simm.s32 $0x0;
	_ =	swait.ge @!p1 [sflag:s2], $0x6000  }
0x18: {  	s24 =	sand.u32 $0x7000, s23;
	s23 =	sand.u32 $0x380, s23;
	[sflag:s2] =	ssyncset.done @!p1 $0x0  }
0x19: {  	s24 =	sor.u32 s23, s24;
	[sflag:s2] =	ssyncadd.s32 @!p1 $0xFFFFA000  }
0x1a: {  	v0 =	vld [tilespmem:s24+$0x100];
	_ =	sdelay $0x4  }
0x1b: {  	v1 =	vmul.f32 $2.550000000e+02, v0;
	_ =	sdelay $0x1  }
0x1c: {  	v1 =	vadd.f32 $8.388608000e+06, v1  }
0x1d: {  	v2 =	vld [tilespmem:s24+$0x110]  }
0x1e: {  	v1 =	vadd.s32 $0xB5000000, v1  }
0x1f: {  	v1 =	vmin.u32 v1, $0xFF;
	_ =	sdelay $0x2  }
0x20: {  	v3 =	vmul.f32 $2.550000000e+02, v2;
	_ =	sdelay $0x1  }
0x21: {  	v3 =	vadd.f32 $8.388608000e+06, v3;
	v1 =	vld.idx.msk [tilespmem:v1+s5+$0x0], $0xffff  }
0x22: {  	v4 =	vld [tilespmem:s24+$0x120]  }
0x23: {  	v3 =	vadd.s32 $0xB5000000, v3  }
0x24: {  	v3 =	vmin.u32 v3, $0xFF;
	_ =	sdelay $0x1  }
0x25: {  	v0 =	vmul.f32 v1, v0  }
0x26: {  	v1 =	vmul.f32 $2.550000000e+02, v4  }
0x27: {  	[tilespmem:s24+$0xC100] =	vst v0  }
0x28: {  	v1 =	vadd.f32 $8.388608000e+06, v1;
	v0 =	vld.idx.msk [tilespmem:v3+s5+$0x0], $0xffff  }
0x29: {  	v3 =	vld [tilespmem:s24+$0x130]  }
0x2a: {  	v1 =	vadd.s32 $0xB5000000, v1  }
0x2b: {  	v1 =	vmin.u32 v1, $0xFF;
	_ =	sdelay $0x1  }
0x2c: {  	v0 =	vmul.f32 v0, v2  }
0x2d: {  	v2 =	vmul.f32 $2.550000000e+02, v3  }
0x2e: {  	[tilespmem:s24+$0xC110] =	vst v0  }
0x2f: {  	v0 =	vld.idx.msk [tilespmem:v1+s5+$0x0], $0xffff;
	v1 =	vadd.f32 $8.388608000e+06, v2  }
0x30: {  	v2 =	vld [tilespmem:s24+$0x140]  }
0x31: {  	v1 =	vadd.s32 $0xB5000000, v1  }
0x32: {  	v1 =	vmin.u32 v1, $0xFF;
	_ =	sdelay $0x1  }
0x33: {  	v0 =	vmul.f32 v0, v4  }
0x34: {  	v4 =	vmul.f32 $2.550000000e+02, v2  }
0x35: {  	[tilespmem:s24+$0xC120] =	vst v0  }
0x36: {  	v0 =	vld.idx.msk [tilespmem:v1+s5+$0x0], $0xffff;
	v1 =	vadd.f32 $8.388608000e+06, v4  }
0x37: {  	v4 =	vld [tilespmem:s24+$0x150]  }
0x38: {  	v1 =	vadd.s32 $0xB5000000, v1  }
0x39: {  	v1 =	vmin.u32 v1, $0xFF;
	_ =	sdelay $0x1  }
0x3a: {  	v0 =	vmul.f32 v0, v3  }
0x3b: {  	v3 =	vmul.f32 $2.550000000e+02, v4  }
0x3c: {  	[tilespmem:s24+$0xC130] =	vst v0  }
0x3d: {  	v0 =	vld.idx.msk [tilespmem:v1+s5+$0x0], $0xffff;
	v1 =	vadd.f32 $8.388608000e+06, v3  }
0x3e: {  	v3 =	vld [tilespmem:s24+$0x160]  }
0x3f: {  	v1 =	vadd.s32 $0xB5000000, v1  }
0x40: {  	v1 =	vmin.u32 v1, $0xFF;
	_ =	sdelay $0x1  }
0x41: {  	v0 =	vmul.f32 v0, v2  }
0x42: {  	v2 =	vmul.f32 $2.550000000e+02, v3  }
0x43: {  	[tilespmem:s24+$0xC140] =	vst v0  }
0x44: {  	s25 =	simm.s32 $0x200;
	s26 =	simm.s32 $0x80;
	v0 =	vld.idx.msk [tilespmem:v1+s5+$0x0], $0xffff;
	v1 =	vadd.f32 $8.388608000e+06, v2  }
0x45: {  	s23 =	sand.u32 $0x380, s26;
	s2 =	sand.u32 $0x7000, s25;
	v2 =	vld [tilespmem:s24+$0x170]  }
0x46: {  	s25 =	sor.u32 s23, s2;
	v1 =	vadd.s32 $0xB5000000, v1  }
0x47: {  	v5 =	vld [tilespmem:s25+$0x100];
	v1 =	vmin.u32 v1, $0xFF;
	_ =	sdelay $0x1  }
0x48: {  	v0 =	vmul.f32 v0, v4  }
0x49: {  	v4 =	vmul.f32 $2.550000000e+02, v2  }
0x4a: {  	[tilespmem:s24+$0xC150] =	vst v0  }
0x4b: {  	v0 =	vmul.f32 $2.550000000e+02, v5;
	v4 =	vadd.f32 $8.388608000e+06, v4;
	v1 =	vld.idx.msk [tilespmem:v1+s5+$0x0], $0xffff;
	_ =	sdelay $0x1  }
0x4c: {  	v6 =	vld [tilespmem:s24+$0x500];
	v0 =	vadd.f32 $8.388608000e+06, v0;
	v4 =	vadd.s32 $0xB5000000, v4  }
0x4d: {  	v7 =	vld [tilespmem:s25+$0x110];
	v4 =	vmin.u32 v4, $0xFF  }
0x4e: {  	v0 =	vadd.s32 $0xB5000000, v0  }
0x4f: {  	v0 =	vmin.u32 v0, $0xFF;
	v1 =	vmul.f32 v1, v3;
	_ =	sdelay $0x1  }
0x50: {  	v3 =	vmul.f32 $2.550000000e+02, v6;
	[tilespmem:s24+$0xC160] =	vst v1  }
0x51: {  	v1 =	vmul.f32 $2.550000000e+02, v7;
	v4 =	vld.idx.msk [tilespmem:v4+s5+$0x0], $0xffff  }
0x52: {  	v8 =	vld [tilespmem:s24+$0x510];
	v3 =	vadd.f32 $8.388608000e+06, v3  }
0x53: {  	v0 =	vld.idx.msk [tilespmem:v0+s5+$0x0], $0xffff;
	v1 =	vadd.f32 $8.388608000e+06, v1  }
0x54: {  	v3 =	vadd.s32 $0xB5000000, v3  }
0x55: {  	v9 =	vld [tilespmem:s25+$0x120];
	v3 =	vmin.u32 v3, $0xFF;
	v1 =	vadd.s32 $0xB5000000, v1  }
0x56: {  	v1 =	vmin.u32 v1, $0xFF;
	v2 =	vmul.f32 v4, v2;
	_ =	sdelay $0x1  }
0x57: {  	v0 =	vmul.f32 v0, v5;
	[tilespmem:s24+$0xC170] =	vst v2;
	v2 =	vmul.f32 $2.550000000e+02, v8;
	_ =	sdelay $0x1  }
0x58: {  	[tilespmem:s25+$0xC100] =	vst v0;
	v0 =	vmul.f32 $2.550000000e+02, v9;
	v3 =	vld.idx.msk [tilespmem:v3+s5+$0x0], $0xffff;
	v2 =	vadd.f32 $8.388608000e+06, v2  }
0x59: {  	v1 =	vld.idx.msk [tilespmem:v1+s5+$0x0], $0xffff  }
0x5a: {  	v4 =	vld [tilespmem:s24+$0x520];
	v0 =	vadd.f32 $8.388608000e+06, v0;
	v2 =	vadd.s32 $0xB5000000, v2  }
0x5b: {  	v2 =	vmin.u32 v2, $0xFF  }
0x5c: {  	v5 =	vld [tilespmem:s25+$0x130];
	v0 =	vadd.s32 $0xB5000000, v0  }
0x5d: {  	v0 =	vmin.u32 v0, $0xFF;
	v3 =	vmul.f32 v3, v6  }
0x5e: {  	v1 =	vmul.f32 v1, v7  }
0x5f: {  	v6 =	vmul.f32 $2.550000000e+02, v4;
	[tilespmem:s24+$0xC500] =	vst v3  }
0x60: {  	[tilespmem:s25+$0xC110] =	vst v1;
	v1 =	vld.idx.msk [tilespmem:v2+s5+$0x0], $0xffff  }
0x61: {  	v3 =	vmul.f32 $2.550000000e+02, v5;
	v2 =	vadd.f32 $8.388608000e+06, v6;
	v6 =	vld [tilespmem:s24+$0x530]  }
0x62: {  	v0 =	vld.idx.msk [tilespmem:v0+s5+$0x0], $0xffff  }
0x63: {  	v3 =	vadd.f32 $8.388608000e+06, v3;
	v2 =	vadd.s32 $0xB5000000, v2  }
0x64: {  	v7 =	vld [tilespmem:s25+$0x140];
	v2 =	vmin.u32 v2, $0xFF  }
0x65: {  	v3 =	vadd.s32 $0xB5000000, v3;
	v1 =	vmul.f32 v1, v8  }
0x66: {  	v3 =	vmin.u32 v3, $0xFF  }
0x67: {  	v0 =	vmul.f32 v0, v9;
	[tilespmem:s24+$0xC510] =	vst v1;
	v1 =	vmul.f32 $2.550000000e+02, v6;
	_ =	sdelay $0x1  }
0x68: {  	[tilespmem:s25+$0xC120] =	vst v0;
	v0 =	vmul.f32 $2.550000000e+02, v7;
	v2 =	vld.idx.msk [tilespmem:v2+s5+$0x0], $0xffff;
	v1 =	vadd.f32 $8.388608000e+06, v1  }
0x69: {  	v8 =	vld [tilespmem:s24+$0x540]  }
0x6a: {  	v3 =	vld.idx.msk [tilespmem:v3+s5+$0x0], $0xffff;
	v0 =	vadd.f32 $8.388608000e+06, v0;
	v1 =	vadd.s32 $0xB5000000, v1  }
0x6b: {  	v1 =	vmin.u32 v1, $0xFF  }
0x6c: {  	v9 =	vld [tilespmem:s25+$0x150];
	v0 =	vadd.s32 $0xB5000000, v0  }
0x6d: {  	v0 =	vmin.u32 v0, $0xFF;
	v2 =	vmul.f32 v2, v4;
	_ =	sdelay $0x1  }
0x6e: {  	v4 =	vmul.f32 $2.550000000e+02, v8;
	v3 =	vmul.f32 v3, v5;
	[tilespmem:s24+$0xC520] =	vst v2  }
0x6f: {  	v1 =	vld.idx.msk [tilespmem:v1+s5+$0x0], $0xffff  }
0x70: {  	v2 =	vmul.f32 $2.550000000e+02, v9;
	[tilespmem:s25+$0xC130] =	vst v3;
	v3 =	vadd.f32 $8.388608000e+06, v4;
	v4 =	vld [tilespmem:s24+$0x550]  }
0x71: {  	v0 =	vld.idx.msk [tilespmem:v0+s5+$0x0], $0xffff  }
0x72: {  	v2 =	vadd.f32 $8.388608000e+06, v2;
	v3 =	vadd.s32 $0xB5000000, v3  }
0x73: {  	v5 =	vld [tilespmem:s25+$0x160];
	v3 =	vmin.u32 v3, $0xFF  }
0x74: {  	v2 =	vadd.s32 $0xB5000000, v2;
	v1 =	vmul.f32 v1, v6  }
0x75: {  	v2 =	vmin.u32 v2, $0xFF  }
0x76: {  	v0 =	vmul.f32 v0, v7;
	[tilespmem:s24+$0xC530] =	vst v1;
	v1 =	vmul.f32 $2.550000000e+02, v4;
	_ =	sdelay $0x1  }
0x77: {  	[tilespmem:s25+$0xC140] =	vst v0;
	v0 =	vmul.f32 $2.550000000e+02, v5;
	v3 =	vld.idx.msk [tilespmem:v3+s5+$0x0], $0xffff;
	v1 =	vadd.f32 $8.388608000e+06, v1  }
0x78: {  	s26 =	simm.s32 $0x100;
	s23 =	simm.s32 $0x400;
	v6 =	vld [tilespmem:s24+$0x560]  }
0x79: {  	s2 =	sand.u32 $0x7000, s23;
	s23 =	sand.u32 $0x380, s26;
	v2 =	vld.idx.msk [tilespmem:v2+s5+$0x0], $0xffff;
	v0 =	vadd.f32 $8.388608000e+06, v0;
	v1 =	vadd.s32 $0xB5000000, v1  }
0x7a: {  	s26 =	sor.u32 s23, s2;
	v7 =	vld [tilespmem:s25+$0x170];
	v1 =	vmin.u32 v1, $0xFF  }
0x7b: {  	v10 =	vld [tilespmem:s26+$0x100];
	v0 =	vadd.s32 $0xB5000000, v0  }
0x7c: {  	v0 =	vmin.u32 v0, $0xFF;
	v3 =	vmul.f32 v3, v8  }
0x7d: {  	v8 =	vmul.f32 $2.550000000e+02, v6  }
0x7e: {  	v2 =	vmul.f32 v2, v9;
	[tilespmem:s24+$0xC540] =	vst v3  }
0x7f: {  	v3 =	vmul.f32 $2.550000000e+02, v7;
	v8 =	vadd.f32 $8.388608000e+06, v8;
	v1 =	vld.idx.msk [tilespmem:v1+s5+$0x0], $0xffff  }
0x80: {  	[tilespmem:s25+$0xC150] =	vst v2;
	v2 =	vmul.f32 $2.550000000e+02, v10  }
0x81: {  	v3 =	vadd.f32 $8.388608000e+06, v3;
	v8 =	vadd.s32 $0xB5000000, v8;
	v0 =	vld.idx.msk [tilespmem:v0+s5+$0x0], $0xffff  }
0x82: {  	v9 =	vld [tilespmem:s24+$0x570];
	v2 =	vadd.f32 $8.388608000e+06, v2;
	v8 =	vmin.u32 v8, $0xFF  }
0x83: {  	v11 =	vld [tilespmem:s25+$0x500];
	v3 =	vadd.s32 $0xB5000000, v3  }
0x84: {  	v12 =	vld [tilespmem:s26+$0x110];
	v2 =	vadd.s32 $0xB5000000, v2;
	v3 =	vmin.u32 v3, $0xFF;
	v1 =	vmul.f32 v1, v4  }
0x85: {  	v2 =	vmin.u32 v2, $0xFF  }
0x86: {  	v0 =	vmul.f32 v0, v5;
	[tilespmem:s24+$0xC550] =	vst v1  }
0x87: {  	v1 =	vmul.f32 $2.550000000e+02, v9;
	v4 =	vld.idx.msk [tilespmem:v8+s5+$0x0], $0xffff  }
0x88: {  	[tilespmem:s25+$0xC160] =	vst v0;
	v0 =	vmul.f32 $2.550000000e+02, v11;
	v8 =	vld [tilespmem:s24+$0x900]  }
0x89: {  	v5 =	vmul.f32 $2.550000000e+02, v12;
	v3 =	vld.idx.msk [tilespmem:v3+s5+$0x0], $0xffff;
	v1 =	vadd.f32 $8.388608000e+06, v1  }
0x8a: {  	v2 =	vld.idx.msk [tilespmem:v2+s5+$0x0], $0xffff;
	v0 =	vadd.f32 $8.388608000e+06, v0  }
0x8b: {  	v13 =	vld [tilespmem:s25+$0x510];
	v5 =	vadd.f32 $8.388608000e+06, v5;
	v1 =	vadd.s32 $0xB5000000, v1  }
0x8c: {  	v14 =	vld [tilespmem:s26+$0x120];
	v0 =	vadd.s32 $0xB5000000, v0;
	v1 =	vmin.u32 v1, $0xFF  }
0x8d: {  	v5 =	vadd.s32 $0xB5000000, v5;
	v0 =	vmin.u32 v0, $0xFF;
	v4 =	vmul.f32 v4, v6  }
0x8e: {  	v5 =	vmin.u32 v5, $0xFF;
	v3 =	vmul.f32 v3, v7  }
0x8f: {  	v2 =	vmul.f32 v2, v10;
	[tilespmem:s24+$0xC560] =	vst v4;
	v4 =	vmul.f32 $2.550000000e+02, v8  }
0x90: {  	v6 =	vld [tilespmem:s24+$0x910];
	[tilespmem:s25+$0xC170] =	vst v3;
	v3 =	vmul.f32 $2.550000000e+02, v13  }
0x91: {  	[tilespmem:s26+$0xC100] =	vst v2;
	v2 =	vmul.f32 $2.550000000e+02, v14;
	v1 =	vld.idx.msk [tilespmem:v1+s5+$0x0], $0xffff;
	v4 =	vadd.f32 $8.388608000e+06, v4  }
0x92: {  	v0 =	vld.idx.msk [tilespmem:v0+s5+$0x0], $0xffff;
	v3 =	vadd.f32 $8.388608000e+06, v3  }
0x93: {  	v5 =	vld.idx.msk [tilespmem:v5+s5+$0x0], $0xffff;
	v2 =	vadd.f32 $8.388608000e+06, v2;
	v4 =	vadd.s32 $0xB5000000, v4  }
0x94: {  	v7 =	vld [tilespmem:s25+$0x520];
	v3 =	vadd.s32 $0xB5000000, v3;
	v4 =	vmin.u32 v4, $0xFF  }
0x95: {  	v10 =	vld [tilespmem:s26+$0x130];
	v2 =	vadd.s32 $0xB5000000, v2;
	v3 =	vmin.u32 v3, $0xFF  }
0x96: {  	v2 =	vmin.u32 v2, $0xFF;
	v1 =	vmul.f32 v1, v9  }
0x97: {  	v0 =	vmul.f32 v0, v11  }
0x98: {  	v5 =	vmul.f32 v5, v12;
	v9 =	vld [tilespmem:s24+$0x920];
	[tilespmem:s24+$0xC570] =	vst v1;
	v1 =	vmul.f32 $2.550000000e+02, v6  }
0x99: {  	[tilespmem:s25+$0xC500] =	vst v0;
	v0 =	vmul.f32 $2.550000000e+02, v7;
	v4 =	vld.idx.msk [tilespmem:v4+s5+$0x0], $0xffff  }
0x9a: {  	[tilespmem:s26+$0xC110] =	vst v5;
	v5 =	vmul.f32 $2.550000000e+02, v10;
	v3 =	vld.idx.msk [tilespmem:v3+s5+$0x0], $0xffff;
	v1 =	vadd.f32 $8.388608000e+06, v1  }
0x9b: {  	v2 =	vld.idx.msk [tilespmem:v2+s5+$0x0], $0xffff;
	v0 =	vadd.f32 $8.388608000e+06, v0  }
0x9c: {  	v11 =	vld [tilespmem:s25+$0x530];
	v5 =	vadd.f32 $8.388608000e+06, v5;
	v1 =	vadd.s32 $0xB5000000, v1  }
0x9d: {  	v12 =	vld [tilespmem:s26+$0x140];
	v0 =	vadd.s32 $0xB5000000, v0;
	v1 =	vmin.u32 v1, $0xFF  }
0x9e: {  	v5 =	vadd.s32 $0xB5000000, v5;
	v0 =	vmin.u32 v0, $0xFF;
	v4 =	vmul.f32 v4, v8  }
0x9f: {  	v5 =	vmin.u32 v5, $0xFF;
	v3 =	vmul.f32 v3, v13  }
0xa0: {  	v2 =	vmul.f32 v2, v14;
	[tilespmem:s24+$0xC900] =	vst v4;
	v4 =	vmul.f32 $2.550000000e+02, v9  }
0xa1: {  	v8 =	vld [tilespmem:s24+$0x930];
	[tilespmem:s25+$0xC510] =	vst v3;
	v3 =	vmul.f32 $2.550000000e+02, v11  }
0xa2: {  	[tilespmem:s26+$0xC120] =	vst v2;
	v2 =	vmul.f32 $2.550000000e+02, v12;
	v1 =	vld.idx.msk [tilespmem:v1+s5+$0x0], $0xffff;
	v4 =	vadd.f32 $8.388608000e+06, v4  }
0xa3: {  	v0 =	vld.idx.msk [tilespmem:v0+s5+$0x0], $0xffff;
	v3 =	vadd.f32 $8.388608000e+06, v3  }
0xa4: {  	v5 =	vld.idx.msk [tilespmem:v5+s5+$0x0], $0xffff;
	v2 =	vadd.f32 $8.388608000e+06, v2;
	v4 =	vadd.s32 $0xB5000000, v4  }
0xa5: {  	v13 =	vld [tilespmem:s25+$0x540];
	v3 =	vadd.s32 $0xB5000000, v3;
	v4 =	vmin.u32 v4, $0xFF  }
0xa6: {  	v14 =	vld [tilespmem:s26+$0x150];
	v2 =	vadd.s32 $0xB5000000, v2;
	v3 =	vmin.u32 v3, $0xFF  }
0xa7: {  	v2 =	vmin.u32 v2, $0xFF;
	v1 =	vmul.f32 v1, v6  }
0xa8: {  	v0 =	vmul.f32 v0, v7  }
0xa9: {  	v5 =	vmul.f32 v5, v10;
	v6 =	vld [tilespmem:s24+$0x940];
	[tilespmem:s24+$0xC910] =	vst v1;
	v1 =	vmul.f32 $2.550000000e+02, v8  }
0xaa: {  	[tilespmem:s25+$0xC520] =	vst v0;
	v0 =	vmul.f32 $2.550000000e+02, v13;
	v4 =	vld.idx.msk [tilespmem:v4+s5+$0x0], $0xffff  }
0xab: {  	[tilespmem:s26+$0xC130] =	vst v5;
	v5 =	vmul.f32 $2.550000000e+02, v14;
	v3 =	vld.idx.msk [tilespmem:v3+s5+$0x0], $0xffff;
	v1 =	vadd.f32 $8.388608000e+06, v1  }
0xac: {  	v2 =	vld.idx.msk [tilespmem:v2+s5+$0x0], $0xffff;
	v0 =	vadd.f32 $8.388608000e+06, v0  }
0xad: {  	v7 =	vld [tilespmem:s25+$0x550];
	v5 =	vadd.f32 $8.388608000e+06, v5;
	v1 =	vadd.s32 $0xB5000000, v1  }
0xae: {  	v10 =	vld [tilespmem:s26+$0x160];
	v0 =	vadd.s32 $0xB5000000, v0;
	v1 =	vmin.u32 v1, $0xFF  }
0xaf: {  	v5 =	vadd.s32 $0xB5000000, v5;
	v0 =	vmin.u32 v0, $0xFF;
	v4 =	vmul.f32 v4, v9  }
0xb0: {  	v5 =	vmin.u32 v5, $0xFF;
	v3 =	vmul.f32 v3, v11  }
0xb1: {  	v2 =	vmul.f32 v2, v12;
	[tilespmem:s24+$0xC920] =	vst v4;
	v4 =	vmul.f32 $2.550000000e+02, v6  }
0xb2: {  	v9 =	vld [tilespmem:s24+$0x950];
	[tilespmem:s25+$0xC530] =	vst v3;
	v3 =	vmul.f32 $2.550000000e+02, v7  }
0xb3: {  	[tilespmem:s26+$0xC140] =	vst v2;
	v2 =	vmul.f32 $2.550000000e+02, v10;
	v1 =	vld.idx.msk [tilespmem:v1+s5+$0x0], $0xffff;
	v4 =	vadd.f32 $8.388608000e+06, v4  }
0xb4: {  	v0 =	vld.idx.msk [tilespmem:v0+s5+$0x0], $0xffff;
	v3 =	vadd.f32 $8.388608000e+06, v3  }
0xb5: {  	s2 =	simm.s32 $0x600;
	s23 =	simm.s32 $0x180;
	v5 =	vld.idx.msk [tilespmem:v5+s5+$0x0], $0xffff;
	v2 =	vadd.f32 $8.388608000e+06, v2;
	v4 =	vadd.s32 $0xB5000000, v4  }
0xb6: {  	s2 =	sand.u32 $0x7000, s2;
	s23 =	sand.u32 $0x380, s23;
	v11 =	vld [tilespmem:s25+$0x560];
	v3 =	vadd.s32 $0xB5000000, v3;
	v4 =	vmin.u32 v4, $0xFF  }
0xb7: {  	s28 =	sor.u32 s23, s2;
	v12 =	vld [tilespmem:s26+$0x170];
	v2 =	vadd.s32 $0xB5000000, v2;
	v3 =	vmin.u32 v3, $0xFF  }
0xb8: {  	v15 =	vld [tilespmem:s28+$0x100];
	v2 =	vmin.u32 v2, $0xFF;
	v1 =	vmul.f32 v1, v8  }
0xb9: {  	v0 =	vmul.f32 v0, v13  }
0xba: {  	v5 =	vmul.f32 v5, v14;
	v13 =	vld [tilespmem:s24+$0x960];
	[tilespmem:s24+$0xC930] =	vst v1;
	v1 =	vmul.f32 $2.550000000e+02, v9  }
0xbb: {  	[tilespmem:s25+$0xC540] =	vst v0;
	v0 =	vmul.f32 $2.550000000e+02, v11;
	v4 =	vld.idx.msk [tilespmem:v4+s5+$0x0], $0xffff  }
0xbc: {  	[tilespmem:s26+$0xC150] =	vst v5;
	v5 =	vmul.f32 $2.550000000e+02, v12;
	v3 =	vld.idx.msk [tilespmem:v3+s5+$0x0], $0xffff;
	v1 =	vadd.f32 $8.388608000e+06, v1  }
0xbd: {  	v8 =	vmul.f32 $2.550000000e+02, v15;
	v2 =	vld.idx.msk [tilespmem:v2+s5+$0x0], $0xffff;
	v0 =	vadd.f32 $8.388608000e+06, v0  }
0xbe: {  	v14 =	vld [tilespmem:s25+$0x570];
	v5 =	vadd.f32 $8.388608000e+06, v5;
	v1 =	vadd.s32 $0xB5000000, v1  }
0xbf: {  	v16 =	vld [tilespmem:s26+$0x500];
	v8 =	vadd.f32 $8.388608000e+06, v8;
	v0 =	vadd.s32 $0xB5000000, v0;
	v1 =	vmin.u32 v1, $0xFF  }
0xc0: {  	v17 =	vld [tilespmem:s28+$0x110];
	v5 =	vadd.s32 $0xB5000000, v5;
	v0 =	vmin.u32 v0, $0xFF;
	v4 =	vmul.f32 v4, v6  }
0xc1: {  	v8 =	vadd.s32 $0xB5000000, v8;
	v5 =	vmin.u32 v5, $0xFF;
	v3 =	vmul.f32 v3, v7  }
0xc2: {  	v6 =	vmin.u32 v8, $0xFF;
	v7 =	vld [tilespmem:s24+$0x970];
	v2 =	vmul.f32 v2, v10;
	[tilespmem:s24+$0xC940] =	vst v4;
	v4 =	vmul.f32 $2.550000000e+02, v13  }
0xc3: {  	v10 =	vld [tilespmem:s25+$0x900];
	[tilespmem:s25+$0xC550] =	vst v3;
	v3 =	vmul.f32 $2.550000000e+02, v14  }
0xc4: {  	[tilespmem:s26+$0xC160] =	vst v2;
	v2 =	vmul.f32 $2.550000000e+02, v16;
	v1 =	vld.idx.msk [tilespmem:v1+s5+$0x0], $0xffff;
	v4 =	vadd.f32 $8.388608000e+06, v4  }
0xc5: {  	v8 =	vmul.f32 $2.550000000e+02, v17;
	v0 =	vld.idx.msk [tilespmem:v0+s5+$0x0], $0xffff;
	v3 =	vadd.f32 $8.388608000e+06, v3  }
0xc6: {  	v5 =	vld.idx.msk [tilespmem:v5+s5+$0x0], $0xffff;
	v2 =	vadd.f32 $8.388608000e+06, v2;
	v4 =	vadd.s32 $0xB5000000, v4  }
0xc7: {  	v8 =	vadd.f32 $8.388608000e+06, v8;
	v6 =	vld.idx.msk [tilespmem:v6+s5+$0x0], $0xffff;
	v3 =	vadd.s32 $0xB5000000, v3;
	v4 =	vmin.u32 v4, $0xFF  }
0xc8: {  	v18 =	vld [tilespmem:s26+$0x510];
	v2 =	vadd.s32 $0xB5000000, v2;
	v3 =	vmin.u32 v3, $0xFF  }
0xc9: {  	v19 =	vld [tilespmem:s28+$0x120];
	v8 =	vadd.s32 $0xB5000000, v8;
	v2 =	vmin.u32 v2, $0xFF;
	v1 =	vmul.f32 v1, v9  }
0xca: {  	v8 =	vmin.u32 v8, $0xFF;
	v0 =	vmul.f32 v0, v11  }
0xcb: {  	v9 =	vld [tilespmem:s24+$0xD00];
	v5 =	vmul.f32 v5, v12;
	[tilespmem:s24+$0xC950] =	vst v1;
	v1 =	vmul.f32 $2.550000000e+02, v7  }
0xcc: {  	v6 =	vmul.f32 v6, v15;
	[tilespmem:s25+$0xC560] =	vst v0;
	v0 =	vmul.f32 $2.550000000e+02, v10;
	v4 =	vld.idx.msk [tilespmem:v4+s5+$0x0], $0xffff  }
0xcd: {  	[tilespmem:s26+$0xC170] =	vst v5;
	v5 =	vmul.f32 $2.550000000e+02, v18;
	v3 =	vld.idx.msk [tilespmem:v3+s5+$0x0], $0xffff;
	v1 =	vadd.f32 $8.388608000e+06, v1  }
0xce: {  	[tilespmem:s28+$0xC100] =	vst v6;
	v6 =	vmul.f32 $2.550000000e+02, v19;
	v2 =	vld.idx.msk [tilespmem:v2+s5+$0x0], $0xffff;
	v0 =	vadd.f32 $8.388608000e+06, v0  }
0xcf: {  	v8 =	vld.idx.msk [tilespmem:v8+s5+$0x0], $0xffff;
	v5 =	vadd.f32 $8.388608000e+06, v5;
	v1 =	vadd.s32 $0xB5000000, v1  }
0xd0: {  	v11 =	vld [tilespmem:s25+$0x910];
	v6 =	vadd.f32 $8.388608000e+06, v6;
	v0 =	vadd.s32 $0xB5000000, v0;
	v1 =	vmin.u32 v1, $0xFF  }
0xd1: {  	v12 =	vld [tilespmem:s26+$0x520];
	v5 =	vadd.s32 $0xB5000000, v5;
	v0 =	vmin.u32 v0, $0xFF  }
0xd2: {  	v20 =	vld [tilespmem:s28+$0x130];
	v6 =	vadd.s32 $0xB5000000, v6;
	v5 =	vmin.u32 v5, $0xFF;
	v4 =	vmul.f32 v4, v13  }
0xd3: {  	v6 =	vmin.u32 v6, $0xFF;
	v13 =	vld [tilespmem:s24+$0xD10];
	v3 =	vmul.f32 v3, v14;
	v2 =	vmul.f32 v2, v16  }
0xd4: {  	v8 =	vmul.f32 v8, v17;
	v17 =	vld [tilespmem:s25+$0x920];
	[tilespmem:s24+$0xC960] =	vst v4;
	v4 =	vmul.f32 $2.550000000e+02, v9  }
0xd5: {  	[tilespmem:s25+$0xC570] =	vst v3;
	v3 =	vmul.f32 $2.550000000e+02, v11;
	v1 =	vld.idx.msk [tilespmem:v1+s5+$0x0], $0xffff  }
0xd6: {  	[tilespmem:s26+$0xC500] =	vst v2;
	v2 =	vmul.f32 $2.550000000e+02, v12;
	v4 =	vadd.f32 $8.388608000e+06, v4;
	v0 =	vld.idx.msk [tilespmem:v0+s5+$0x0], $0xffff  }
0xd7: {  	[tilespmem:s28+$0xC110] =	vst v8;
	v8 =	vmul.f32 $2.550000000e+02, v20;
	v14 =	vld.idx.msk [tilespmem:v5+s5+$0x0], $0xffff;
	v3 =	vadd.f32 $8.388608000e+06, v3  }
0xd8: {  	v6 =	vld.idx.msk [tilespmem:v6+s5+$0x0], $0xffff;
	v2 =	vadd.f32 $8.388608000e+06, v2;
	v4 =	vadd.s32 $0xB5000000, v4  }
0xd9: {  	v21 =	vld [tilespmem:s26+$0x530];
	v5 =	vadd.f32 $8.388608000e+06, v8;
	v3 =	vadd.s32 $0xB5000000, v3;
	v4 =	vmin.u32 v4, $0xFF  }
0xda: {  	v22 =	vld [tilespmem:s28+$0x140];
	v2 =	vadd.s32 $0xB5000000, v2;
	v3 =	vmin.u32 v3, $0xFF;
	v1 =	vmul.f32 v1, v7  }
0xdb: {  	v5 =	vadd.s32 $0xB5000000, v5;
	v2 =	vmin.u32 v2, $0xFF;
	v0 =	vmul.f32 v0, v10  }
0xdc: {  	v7 =	vmin.u32 v5, $0xFF;
	v8 =	vmul.f32 v14, v18;
	[tilespmem:s24+$0xC970] =	vst v1;
	v1 =	vmul.f32 $2.550000000e+02, v13  }
0xdd: {  	v5 =	vld [tilespmem:s24+$0xD20];
	v6 =	vmul.f32 v6, v19;
	[tilespmem:s25+$0xC900] =	vst v0;
	v0 =	vmul.f32 $2.550000000e+02, v17  }
0xde: {  	[tilespmem:s26+$0xC510] =	vst v8;
	v8 =	vmul.f32 $2.550000000e+02, v21;
	v4 =	vld.idx.msk [tilespmem:v4+s5+$0x0], $0xffff;
	v1 =	vadd.f32 $8.388608000e+06, v1  }
0xdf: {  	[tilespmem:s28+$0xC120] =	vst v6;
	v6 =	vmul.f32 $2.550000000e+02, v22;
	v3 =	vld.idx.msk [tilespmem:v3+s5+$0x0], $0xffff;
	v0 =	vadd.f32 $8.388608000e+06, v0  }
0xe0: {  	v2 =	vld.idx.msk [tilespmem:v2+s5+$0x0], $0xffff;
	v8 =	vadd.f32 $8.388608000e+06, v8;
	v1 =	vadd.s32 $0xB5000000, v1  }
0xe1: {  	v10 =	vld.idx.msk [tilespmem:v7+s5+$0x0], $0xffff;
	v6 =	vadd.f32 $8.388608000e+06, v6;
	v0 =	vadd.s32 $0xB5000000, v0;
	v1 =	vmin.u32 v1, $0xFF  }
0xe2: {  	v7 =	vld [tilespmem:s25+$0x930];
	v14 =	vadd.s32 $0xB5000000, v8;
	v16 =	vmin.u32 v0, $0xFF  }
0xe3: {  	v8 =	vld [tilespmem:s26+$0x540];
	v6 =	vadd.s32 $0xB5000000, v6;
	v4 =	vmul.f32 v4, v9;
	v9 =	vmin.u32 v14, $0xFF  }
0xe4: {  	v15 =	vld [tilespmem:s28+$0x150];
	v6 =	vmin.u32 v6, $0xFF;
	v11 =	vmul.f32 v3, v11  }
0xe5: {  	v2 =	vmul.f32 v2, v12;
	v3 =	vld [tilespmem:s24+$0xD30];
	[tilespmem:s24+$0xCD00] =	vst v4  }
0xe6: {  	v4 =	vmul.f32 $2.550000000e+02, v5;
	v10 =	vmul.f32 v10, v20;
	[tilespmem:s25+$0xC910] =	vst v11;
	v1 =	vld.idx.msk [tilespmem:v1+s5+$0x0], $0xffff  }
0xe7: {  	v11 =	vmul.f32 $2.550000000e+02, v7;
	[tilespmem:s26+$0xC520] =	vst v2;
	v2 =	vld.idx.msk [tilespmem:v16+s5+$0x0], $0xffff  }
0xe8: {  	v12 =	vmul.f32 $2.550000000e+02, v8;
	v4 =	vadd.f32 $8.388608000e+06, v4;
	[tilespmem:s28+$0xC130] =	vst v10;
	v10 =	vld.idx.msk [tilespmem:v9+s5+$0x0], $0xffff  }
0xe9: {  	v9 =	vmul.f32 $2.550000000e+02, v15;
	v11 =	vadd.f32 $8.388608000e+06, v11;
	v6 =	vld.idx.msk [tilespmem:v6+s5+$0x0], $0xffff  }
0xea: {  	v12 =	vadd.f32 $8.388608000e+06, v12;
	v16 =	vld [tilespmem:s28+$0x160];
	v14 =	vadd.s32 $0xB5000000, v4  }
0xeb: {  	v4 =	vld [tilespmem:s25+$0x940];
	v18 =	vadd.f32 $8.388608000e+06, v9;
	v11 =	vadd.s32 $0xB5000000, v11;
	v14 =	vmin.u32 v14, $0xFF  }
0xec: {  	v9 =	vld [tilespmem:s26+$0x550];
	v12 =	vadd.s32 $0xB5000000, v12;
	v11 =	vmin.u32 v11, $0xFF;
	v13 =	vmul.f32 v1, v13  }
0xed: {  	v0 =	vld [tilespmem:s24+$0xD70];
	v12 =	vmin.u32 v12, $0xFF;
	v17 =	vmul.f32 v2, v17  }
0xee: {  	v18 =	vadd.s32 $0xB5000000, v18;
	v1 =	vld [tilespmem:s24+$0xD60];
	v10 =	vmul.f32 v10, v21;
	[tilespmem:s24+$0xCD10] =	vst v13  }
0xef: {  	v18 =	vmin.u32 v18, $0xFF;
	v2 =	vld [tilespmem:s24+$0xD40];
	v6 =	vmul.f32 v6, v22;
	v13 =	vmul.f32 $2.550000000e+02, v3;
	[tilespmem:s25+$0xC920] =	vst v17  }
0xf0: {  	v19 =	vmul.f32 $2.550000000e+02, v4;
	v14 =	vld.idx.msk [tilespmem:v14+s5+$0x0], $0xffff;
	[tilespmem:s26+$0xC530] =	vst v10  }
0xf1: {  	v10 =	vmul.f32 $2.550000000e+02, v9;
	[tilespmem:s28+$0xC140] =	vst v6;
	v6 =	vmul.f32 $2.550000000e+02, v16;
	v11 =	vld.idx.msk [tilespmem:v11+s5+$0x0], $0xffff;
	v13 =	vadd.f32 $8.388608000e+06, v13  }
0xf2: {  	v17 =	vld.idx.msk [tilespmem:v12+s5+$0x0], $0xffff;
	v12 =	vadd.f32 $8.388608000e+06, v19  }
0xf3: {  	s29 =	simm.s32 $0x200;
	v10 =	vadd.f32 $8.388608000e+06, v10;
	v20 =	vadd.f32 $8.388608000e+06, v6;
	v6 =	vld [tilespmem:s25+$0x950];
	v13 =	vadd.s32 $0xB5000000, v13  }
0xf4: {  	s30 =	simm.s32 $0xA00;
	s23 =	sshll.u32 s22, $0x1;
	s2 =	simm.s32 $0x800;
	v19 =	vld.idx.msk [tilespmem:v18+s5+$0x0], $0xffff;
	v21 =	vadd.s32 $0xB5000000, v12;
	v12 =	vmin.u32 v13, $0xFF  }
0xf5: {  	s23 =	sadd.s32 s7, s23;
	s31 =	sand.u32 $0x7000, s2;
	s2 =	sand.u32 $0x380, s29;
	v18 =	vadd.s32 $0xB5000000, v10;
	v10 =	vld [tilespmem:s26+$0x560];
	v13 =	vmin.u32 v21, $0xFF  }
.LBB2_3:
0xf6: {  	p0 =	sne.s32 s30, $0x5E00;
	s31 =	sor.u32 s2, s31;
	v20 =	vadd.s32 $0xB5000000, v20;
	v21 =	vld [tilespmem:s28+$0x170];
	v18 =	vmin.u32 v18, $0xFF;
	v5 =	vmul.f32 v14, v5  }
0xf7: {  	v7 =	vmul.f32 v11, v7;
	v14 =	vld [tilespmem:s31+$0x100];
	v20 =	vmin.u32 v20, $0xFF  }
0xf8: {  	v11 =	vmul.f32 $2.550000000e+02, v2;
	v8 =	vmul.f32 v17, v8;
	[tilespmem:s24+$0xCD20] =	vst v5;
	v5 =	vld [tilespmem:s24+$0xD50]  }
0xf9: {  	v15 =	vmul.f32 v19, v15;
	[tilespmem:s25+$0xC930] =	vst v7;
	v7 =	vmul.f32 $2.550000000e+02, v6;
	v12 =	vld.idx.msk [tilespmem:v12+s5+$0x0], $0xffff  }
0xfa: {  	v11 =	vadd.f32 $8.388608000e+06, v11;
	[tilespmem:s26+$0xC540] =	vst v8;
	v8 =	vmul.f32 $2.550000000e+02, v10;
	v13 =	vld.idx.msk [tilespmem:v13+s5+$0x0], $0xffff  }
0xfb: {  	[tilespmem:s28+$0xC150] =	vst v15;
	v15 =	vmul.f32 $2.550000000e+02, v21;
	v17 =	vld.idx.msk [tilespmem:v18+s5+$0x0], $0xffff;
	v7 =	vadd.f32 $8.388608000e+06, v7  }
0xfc: {  	v11 =	vadd.s32 $0xB5000000, v11;
	v18 =	vmul.f32 $2.550000000e+02, v14;
	v19 =	vld.idx.msk [tilespmem:v20+s5+$0x0], $0xffff;
	v8 =	vadd.f32 $8.388608000e+06, v8  }
0xfd: {  	v11 =	vmin.u32 v11, $0xFF;
	v15 =	vadd.f32 $8.388608000e+06, v15;
	v7 =	vadd.s32 $0xB5000000, v7;
	v20 =	vld [tilespmem:s25+$0x960]  }
0xfe: {  	v18 =	vadd.f32 $8.388608000e+06, v18;
	v8 =	vadd.s32 $0xB5000000, v8;
	v22 =	vld [tilespmem:s26+$0x570];
	v7 =	vmin.u32 v7, $0xFF  }
0xff: {  	v12 =	vmul.f32 v12, v3;
	v15 =	vadd.s32 $0xB5000000, v15;
	v23 =	vld [tilespmem:s28+$0x500];
	v8 =	vmin.u32 v8, $0xFF  }
0x100: {  	v4 =	vmul.f32 v13, v4;
	v3 =	vadd.s32 $0xB5000000, v18;
	v18 =	vld [tilespmem:s31+$0x110];
	v15 =	vmin.u32 v15, $0xFF  }
0x101: {  	v9 =	vmul.f32 v17, v9;
	v13 =	vmin.u32 v3, $0xFF;
	v3 =	vld [tilespmem:s25+$0x970];
	[tilespmem:s24+$0xCD30] =	vst v12;
	v12 =	vmul.f32 $2.550000000e+02, v5  }
0x102: {  	v16 =	vmul.f32 v19, v16;
	[tilespmem:s25+$0xC940] =	vst v4;
	v4 =	vmul.f32 $2.550000000e+02, v20;
	v11 =	vld.idx.msk [tilespmem:v11+s5+$0x0], $0xffff  }
0x103: {  	[tilespmem:s26+$0xC550] =	vst v9;
	v9 =	vmul.f32 $2.550000000e+02, v22;
	v7 =	vld.idx.msk [tilespmem:v7+s5+$0x0], $0xffff;
	v12 =	vadd.f32 $8.388608000e+06, v12  }
0x104: {  	[tilespmem:s28+$0xC160] =	vst v16;
	v16 =	vmul.f32 $2.550000000e+02, v23;
	v8 =	vld.idx.msk [tilespmem:v8+s5+$0x0], $0xffff;
	v4 =	vadd.f32 $8.388608000e+06, v4  }
0x105: {  	v17 =	vmul.f32 $2.550000000e+02, v18;
	v15 =	vld.idx.msk [tilespmem:v15+s5+$0x0], $0xffff;
	v9 =	vadd.f32 $8.388608000e+06, v9;
	v12 =	vadd.s32 $0xB5000000, v12  }
0x106: {  	v13 =	vld.idx.msk [tilespmem:v13+s5+$0x0], $0xffff;
	v16 =	vadd.f32 $8.388608000e+06, v16;
	v4 =	vadd.s32 $0xB5000000, v4;
	v12 =	vmin.u32 v12, $0xFF  }
0x107: {  	v17 =	vadd.f32 $8.388608000e+06, v17;
	v9 =	vadd.s32 $0xB5000000, v9;
	v19 =	vld [tilespmem:s26+$0x900];
	v4 =	vmin.u32 v4, $0xFF  }
0x108: {  	v11 =	vmul.f32 v11, v2;
	v16 =	vadd.s32 $0xB5000000, v16;
	v24 =	vld [tilespmem:s28+$0x510];
	v9 =	vmin.u32 v9, $0xFF  }
0x109: {  	v6 =	vmul.f32 v7, v6;
	v2 =	vadd.s32 $0xB5000000, v17;
	v17 =	vld [tilespmem:s31+$0x120];
	v16 =	vmin.u32 v16, $0xFF  }
0x10a: {  	v8 =	vmul.f32 v8, v10;
	v10 =	vmul.f32 $2.550000000e+02, v1;
	v7 =	vmin.u32 v2, $0xFF;
	v2 =	vld [tilespmem:s25+$0xD00];
	[tilespmem:s24+$0xCD40] =	vst v11  }
0x10b: {  	v11 =	vmul.f32 v15, v21;
	[tilespmem:s25+$0xC950] =	vst v6;
	v6 =	vmul.f32 $2.550000000e+02, v3;
	v12 =	vld.idx.msk [tilespmem:v12+s5+$0x0], $0xffff  }
0x10c: {  	v13 =	vmul.f32 v13, v14;
	v10 =	vadd.f32 $8.388608000e+06, v10;
	[tilespmem:s26+$0xC560] =	vst v8;
	v8 =	vmul.f32 $2.550000000e+02, v19;
	v4 =	vld.idx.msk [tilespmem:v4+s5+$0x0], $0xffff  }
0x10d: {  	[tilespmem:s28+$0xC170] =	vst v11;
	v11 =	vmul.f32 $2.550000000e+02, v24;
	v9 =	vld.idx.msk [tilespmem:v9+s5+$0x0], $0xffff;
	v6 =	vadd.f32 $8.388608000e+06, v6  }
0x10e: {  	v10 =	vadd.s32 $0xB5000000, v10;
	[tilespmem:s31+$0xC100] =	vst v13;
	v13 =	vmul.f32 $2.550000000e+02, v17;
	v14 =	vld.idx.msk [tilespmem:v16+s5+$0x0], $0xffff;
	v8 =	vadd.f32 $8.388608000e+06, v8  }
0x10f: {  	v10 =	vmin.u32 v10, $0xFF;
	v7 =	vld.idx.msk [tilespmem:v7+s5+$0x0], $0xffff;
	v11 =	vadd.f32 $8.388608000e+06, v11;
	v6 =	vadd.s32 $0xB5000000, v6  }
0x110: {  	v13 =	vadd.f32 $8.388608000e+06, v13;
	v8 =	vadd.s32 $0xB5000000, v8;
	v16 =	vld [tilespmem:s26+$0x910];
	v15 =	vmin.u32 v6, $0xFF  }
0x111: {  	v5 =	vmul.f32 v12, v5;
	v6 =	vadd.s32 $0xB5000000, v11;
	v11 =	vld [tilespmem:s28+$0x520];
	v8 =	vmin.u32 v8, $0xFF  }
0x112: {  	v4 =	vmul.f32 v4, v20;
	v12 =	vadd.s32 $0xB5000000, v13;
	v13 =	vld [tilespmem:s31+$0x130];
	v21 =	vmin.u32 v6, $0xFF  }
0x113: {  	v9 =	vmul.f32 v9, v22;
	v12 =	vmin.u32 v12, $0xFF;
	v6 =	vld [tilespmem:s25+$0xD10];
	[tilespmem:s24+$0xCD50] =	vst v5;
	v5 =	vmul.f32 $2.550000000e+02, v0  }
0x114: {  	v14 =	vmul.f32 v14, v23;
	[tilespmem:s25+$0xC960] =	vst v4;
	v4 =	vmul.f32 $2.550000000e+02, v2;
	v10 =	vld.idx.msk [tilespmem:v10+s5+$0x0], $0xffff  }
0x115: {  	v7 =	vmul.f32 v7, v18;
	[tilespmem:s26+$0xC570] =	vst v9;
	v9 =	vmul.f32 $2.550000000e+02, v16;
	v15 =	vld.idx.msk [tilespmem:v15+s5+$0x0], $0xffff;
	v5 =	vadd.f32 $8.388608000e+06, v5  }
0x116: {  	[tilespmem:s28+$0xC500] =	vst v14;
	v14 =	vmul.f32 $2.550000000e+02, v11;
	v8 =	vld.idx.msk [tilespmem:v8+s5+$0x0], $0xffff;
	v4 =	vadd.f32 $8.388608000e+06, v4  }
0x117: {  	[tilespmem:s31+$0xC110] =	vst v7;
	v7 =	vmul.f32 $2.550000000e+02, v13;
	v18 =	vld.idx.msk [tilespmem:v21+s5+$0x0], $0xffff;
	v9 =	vadd.f32 $8.388608000e+06, v9;
	v5 =	vadd.s32 $0xB5000000, v5  }
0x118: {  	v12 =	vld.idx.msk [tilespmem:v12+s5+$0x0], $0xffff;
	v14 =	vadd.f32 $8.388608000e+06, v14;
	v4 =	vadd.s32 $0xB5000000, v4;
	v20 =	vmin.u32 v5, $0xFF  }
0x119: {  	v5 =	vadd.f32 $8.388608000e+06, v7;
	v7 =	vadd.s32 $0xB5000000, v9;
	v21 =	vld [tilespmem:s26+$0x920];
	v4 =	vmin.u32 v4, $0xFF  }
0x11a: {  	v1 =	vmul.f32 v10, v1;
	v9 =	vadd.s32 $0xB5000000, v14;
	v14 =	vld [tilespmem:s28+$0x530];
	v7 =	vmin.u32 v7, $0xFF  }
0x11b: {  	v3 =	vmul.f32 v15, v3;
	v5 =	vadd.s32 $0xB5000000, v5;
	v10 =	vld [tilespmem:s31+$0x140];
	v9 =	vmin.u32 v9, $0xFF  }
0x11c: {  	v8 =	vmul.f32 v8, v19;
	v15 =	vmin.u32 v5, $0xFF;
	v5 =	vld [tilespmem:s25+$0xD20];
	[tilespmem:s24+$0xCD60] =	vst v1  }
0x11d: {  	v1 =	vmul.f32 v18, v24;
	[tilespmem:s25+$0xC970] =	vst v3;
	v3 =	vmul.f32 $2.550000000e+02, v6;
	v18 =	vld.idx.msk [tilespmem:v20+s5+$0x0], $0xffff  }
0x11e: {  	v12 =	vmul.f32 v12, v17;
	[tilespmem:s26+$0xC900] =	vst v8;
	v8 =	vmul.f32 $2.550000000e+02, v21;
	v4 =	vld.idx.msk [tilespmem:v4+s5+$0x0], $0xffff  }
0x11f: {  	[tilespmem:s28+$0xC510] =	vst v1;
	v1 =	vmul.f32 $2.550000000e+02, v14;
	v17 =	vld.idx.msk [tilespmem:v7+s5+$0x0], $0xffff;
	v3 =	vadd.f32 $8.388608000e+06, v3  }
0x120: {  	[tilespmem:s31+$0xC120] =	vst v12;
	v7 =	vmul.f32 $2.550000000e+02, v10;
	v9 =	vld.idx.msk [tilespmem:v9+s5+$0x0], $0xffff;
	v8 =	vadd.f32 $8.388608000e+06, v8  }
0x121: {  	v12 =	vld.idx.msk [tilespmem:v15+s5+$0x0], $0xffff;
	v1 =	vadd.f32 $8.388608000e+06, v1;
	v3 =	vadd.s32 $0xB5000000, v3  }
0x122: {  	v15 =	vadd.f32 $8.388608000e+06, v7;
	v19 =	vadd.s32 $0xB5000000, v8;
	v7 =	vld [tilespmem:s26+$0x930];
	v20 =	vmin.u32 v3, $0xFF  }
0x123: {  	v3 =	vmul.f32 v18, v0;
	v1 =	vadd.s32 $0xB5000000, v1;
	v8 =	vld [tilespmem:s28+$0x540];
	v19 =	vmin.u32 v19, $0xFF  }
0x124: {  	v2 =	vmul.f32 v4, v2;
	v0 =	vadd.s32 $0xB5000000, v15;
	v15 =	vld [tilespmem:s31+$0x150];
	v1 =	vmin.u32 v1, $0xFF  }
0x125: {  	v16 =	vmul.f32 v17, v16;
	v4 =	vmin.u32 v0, $0xFF;
	v0 =	vld [tilespmem:s25+$0xD70];
	[tilespmem:s24+$0xCD70] =	vst v3;
	s24 =	smov.u32 s25;
	s25 =	smov.u32 s26;
	s26 =	smov.u32 s28  }
0x126: {  	v9 =	vmul.f32 v9, v11;
	s28 =	smov.u32 s31;
	[tilespmem:s24+$0xCD00] =	vst v2;
	v2 =	vmul.f32 $2.550000000e+02, v5;
	v3 =	vld [tilespmem:s24+$0xD30]  }
0x127: {  	v11 =	vmul.f32 v12, v13;
	[tilespmem:s25+$0xC910] =	vst v16;
	v12 =	vmul.f32 $2.550000000e+02, v7;
	v13 =	vld.idx.msk [tilespmem:v20+s5+$0x0], $0xffff  }
0x128: {  	[tilespmem:s26+$0xC520] =	vst v9;
	v9 =	vmul.f32 $2.550000000e+02, v8;
	v17 =	vld.idx.msk [tilespmem:v19+s5+$0x0], $0xffff;
	v2 =	vadd.f32 $8.388608000e+06, v2  }
0x129: {  	[tilespmem:s28+$0xC130] =	vst v11;
	v11 =	vmul.f32 $2.550000000e+02, v15;
	v18 =	vld.idx.msk [tilespmem:v1+s5+$0x0], $0xffff;
	v1 =	vadd.f32 $8.388608000e+06, v12  }
0x12a: {  	v12 =	vld.idx.msk [tilespmem:v4+s5+$0x0], $0xffff;
	v9 =	vadd.f32 $8.388608000e+06, v9;
	v2 =	vadd.s32 $0xB5000000, v2  }
0x12b: {  	v11 =	vadd.f32 $8.388608000e+06, v11;
	v1 =	vadd.s32 $0xB5000000, v1;
	v4 =	vld [tilespmem:s25+$0x940];
	v19 =	vmin.u32 v2, $0xFF  }
0x12c: {  	v2 =	vadd.s32 $0xB5000000, v9;
	v9 =	vld [tilespmem:s26+$0x550];
	v20 =	vmin.u32 v1, $0xFF  }
0x12d: {  	v1 =	vadd.s32 $0xB5000000, v11;
	v16 =	vld [tilespmem:s28+$0x160];
	v22 =	vmin.u32 v2, $0xFF;
	v2 =	vmul.f32 v13, v6  }
0x12e: {  	v11 =	vmul.f32 v17, v21;
	v6 =	vmin.u32 v1, $0xFF;
	v1 =	vld [tilespmem:s24+$0xD60]  }
0x12f: {  	v17 =	vmul.f32 $2.550000000e+02, v3;
	v13 =	vmul.f32 v18, v14;
	[tilespmem:s24+$0xCD10] =	vst v2;
	v2 =	vld [tilespmem:s24+$0xD40]  }
0x130: {  	v10 =	vmul.f32 v12, v10;
	[tilespmem:s25+$0xC920] =	vst v11;
	v12 =	vmul.f32 $2.550000000e+02, v4;
	v14 =	vld.idx.msk [tilespmem:v19+s5+$0x0], $0xffff  }
.Ltmp0:
0x131: {  	v18 =	vadd.f32 $8.388608000e+06, v17;
	[tilespmem:s26+$0xC530] =	vst v13;
	v13 =	vmul.f32 $2.550000000e+02, v9;
	v11 =	vld.idx.msk [tilespmem:v20+s5+$0x0], $0xffff;
	(pc) =	sbr.rel @p0 .LBB2_3-.Ltmp0, $4  }
0x132: {  	[tilespmem:s28+$0xC140] =	vst v10;
	v10 =	vmul.f32 $2.550000000e+02, v16;
	v17 =	vld.idx.msk [tilespmem:v22+s5+$0x0], $0xffff;
	v12 =	vadd.f32 $8.388608000e+06, v12  }
0x133: {  	v18 =	vadd.s32 $0xB5000000, v18;
	v19 =	vld.idx.msk [tilespmem:v6+s5+$0x0], $0xffff;
	v13 =	vadd.f32 $8.388608000e+06, v13  }
0x134: {  	s29 =	sadd.s32 $0x80, s29;
	v20 =	vadd.f32 $8.388608000e+06, v10;
	v21 =	vadd.s32 $0xB5000000, v12;
	v6 =	vld [tilespmem:s25+$0x950];
	v12 =	vmin.u32 v18, $0xFF  }
0x135: {  	s2 =	sand.u32 $0x380, s29;
	s31 =	sand.u32 $0x7000, s30;
	s30 =	sadd.s32 $0x200, s30;
	v18 =	vadd.s32 $0xB5000000, v13;
	v10 =	vld [tilespmem:s26+$0x560];
	v13 =	vmin.u32 v21, $0xFF  }
0x136: {  	s29 =	sor.u32 s2, s31  }
0x137: {  	v21 =	vld [tilespmem:s29+$0x100];
	_ =	sdelay $0x4  }
0x138: {  	v22 =	vmul.f32 $2.550000000e+02, v21;
	_ =	sdelay $0x1  }
0x139: {  	v22 =	vadd.f32 $8.388608000e+06, v22  }
0x13a: {  	v23 =	vld [tilespmem:s29+$0x110]  }
0x13b: {  	v22 =	vadd.s32 $0xB5000000, v22  }
0x13c: {  	v22 =	vmin.u32 v22, $0xFF;
	_ =	sdelay $0x2  }
0x13d: {  	v24 =	vmul.f32 $2.550000000e+02, v23;
	_ =	sdelay $0x1  }
0x13e: {  	v24 =	vadd.f32 $8.388608000e+06, v24;
	v22 =	vld.idx.msk [tilespmem:v22+s5+$0x0], $0xffff  }
0x13f: {  	v25 =	vld [tilespmem:s29+$0x120]  }
0x140: {  	v24 =	vadd.s32 $0xB5000000, v24  }
0x141: {  	v24 =	vmin.u32 v24, $0xFF;
	_ =	sdelay $0x1  }
0x142: {  	v21 =	vmul.f32 v22, v21  }
0x143: {  	v22 =	vmul.f32 $2.550000000e+02, v25  }
0x144: {  	[tilespmem:s29+$0xC100] =	vst v21  }
0x145: {  	v22 =	vadd.f32 $8.388608000e+06, v22;
	v21 =	vld.idx.msk [tilespmem:v24+s5+$0x0], $0xffff  }
0x146: {  	v59 =	vld [tilespmem:s29+$0x130]  }
0x147: {  	v22 =	vadd.s32 $0xB5000000, v22  }
0x148: {  	v22 =	vmin.u32 v22, $0xFF;
	_ =	sdelay $0x1  }
0x149: {  	v21 =	vmul.f32 v21, v23  }
0x14a: {  	v23 =	vmul.f32 $2.550000000e+02, v59  }
0x14b: {  	[tilespmem:s29+$0xC110] =	vst v21  }
0x14c: {  	v21 =	vld.idx.msk [tilespmem:v22+s5+$0x0], $0xffff;
	v22 =	vadd.f32 $8.388608000e+06, v23  }
0x14d: {  	v23 =	vld [tilespmem:s29+$0x140]  }
0x14e: {  	v22 =	vadd.s32 $0xB5000000, v22  }
0x14f: {  	v22 =	vmin.u32 v22, $0xFF;
	_ =	sdelay $0x1  }
0x150: {  	v21 =	vmul.f32 v21, v25  }
0x151: {  	v60 =	vmul.f32 $2.550000000e+02, v23  }
0x152: {  	[tilespmem:s29+$0xC120] =	vst v21  }
0x153: {  	v21 =	vld.idx.msk [tilespmem:v22+s5+$0x0], $0xffff;
	v22 =	vadd.f32 $8.388608000e+06, v60  }
0x154: {  	v61 =	vld [tilespmem:s29+$0x150]  }
0x155: {  	v22 =	vadd.s32 $0xB5000000, v22  }
0x156: {  	v22 =	vmin.u32 v22, $0xFF;
	_ =	sdelay $0x1  }
0x157: {  	v21 =	vmul.f32 v21, v59  }
0x158: {  	v62 =	vmul.f32 $2.550000000e+02, v61  }
0x159: {  	[tilespmem:s29+$0xC130] =	vst v21  }
0x15a: {  	v21 =	vld.idx.msk [tilespmem:v22+s5+$0x0], $0xffff;
	v22 =	vadd.f32 $8.388608000e+06, v62  }
0x15b: {  	v63 =	vld [tilespmem:s29+$0x160]  }
0x15c: {  	v22 =	vadd.s32 $0xB5000000, v22  }
0x15d: {  	v22 =	vmin.u32 v22, $0xFF;
	_ =	sdelay $0x1  }
0x15e: {  	v21 =	vmul.f32 v21, v23  }
0x15f: {  	v23 =	vmul.f32 $2.550000000e+02, v63  }
0x160: {  	v26 =	vld [tilespmem:s28+$0x170];
	[tilespmem:s29+$0xC140] =	vst v21  }
0x161: {  	v20 =	vadd.s32 $0xB5000000, v20;
	v21 =	vld.idx.msk [tilespmem:v22+s5+$0x0], $0xffff;
	v22 =	vadd.f32 $8.388608000e+06, v23  }
0x162: {  	v20 =	vmin.u32 v20, $0xFF;
	v23 =	vld [tilespmem:s29+$0x170]  }
0x163: {  	v22 =	vadd.s32 $0xB5000000, v22  }
0x164: {  	v15 =	vmul.f32 v19, v15;
	v19 =	vmin.u32 v22, $0xFF  }
0x165: {  	v22 =	vmul.f32 $2.550000000e+02, v26  }
0x166: {  	[tilespmem:s28+$0xC150] =	vst v15;
	v15 =	vmul.f32 v21, v61  }
0x167: {  	v20 =	vld.idx.msk [tilespmem:v20+s5+$0x0], $0xffff;
	v21 =	vadd.f32 $8.388608000e+06, v22;
	v22 =	vmul.f32 $2.550000000e+02, v23  }
0x168: {  	v28 =	vld [tilespmem:s28+$0x500];
	[tilespmem:s29+$0xC150] =	vst v15  }
0x169: {  	v15 =	vadd.s32 $0xB5000000, v21;
	v21 =	vadd.f32 $8.388608000e+06, v22;
	v19 =	vld.idx.msk [tilespmem:v19+s5+$0x0], $0xffff  }
0x16a: {  	v22 =	vld [tilespmem:s29+$0x500];
	v15 =	vmin.u32 v15, $0xFF  }
0x16b: {  	v21 =	vadd.s32 $0xB5000000, v21  }
0x16c: {  	v16 =	vmul.f32 v20, v16;
	v20 =	vmin.u32 v21, $0xFF  }
0x16d: {  	v21 =	vmul.f32 $2.550000000e+02, v28  }
0x16e: {  	[tilespmem:s28+$0xC160] =	vst v16;
	v16 =	vmul.f32 v19, v63  }
0x16f: {  	v15 =	vld.idx.msk [tilespmem:v15+s5+$0x0], $0xffff;
	v19 =	vadd.f32 $8.388608000e+06, v21;
	v21 =	vmul.f32 $2.550000000e+02, v22  }
0x170: {  	v29 =	vld [tilespmem:s28+$0x510];
	[tilespmem:s29+$0xC160] =	vst v16  }
0x171: {  	v16 =	vadd.s32 $0xB5000000, v19;
	v19 =	vld.idx.msk [tilespmem:v20+s5+$0x0], $0xffff;
	v20 =	vadd.f32 $8.388608000e+06, v21  }
0x172: {  	v16 =	vmin.u32 v16, $0xFF;
	v21 =	vld [tilespmem:s29+$0x510]  }
0x173: {  	v20 =	vadd.s32 $0xB5000000, v20  }
0x174: {  	v15 =	vmul.f32 v15, v26;
	v20 =	vmin.u32 v20, $0xFF  }
0x175: {  	v30 =	vmul.f32 $2.550000000e+02, v29  }
0x176: {  	[tilespmem:s28+$0xC170] =	vst v15;
	v15 =	vmul.f32 v19, v23  }
0x177: {  	v16 =	vld.idx.msk [tilespmem:v16+s5+$0x0], $0xffff;
	v19 =	vadd.f32 $8.388608000e+06, v30;
	v23 =	vmul.f32 $2.550000000e+02, v21  }
0x178: {  	v31 =	vld [tilespmem:s28+$0x520];
	[tilespmem:s29+$0xC170] =	vst v15  }
0x179: {  	v15 =	vadd.s32 $0xB5000000, v19;
	v19 =	vld.idx.msk [tilespmem:v20+s5+$0x0], $0xffff;
	v20 =	vadd.f32 $8.388608000e+06, v23  }
0x17a: {  	v15 =	vmin.u32 v15, $0xFF;
	v23 =	vld [tilespmem:s29+$0x520]  }
0x17b: {  	v20 =	vadd.s32 $0xB5000000, v20  }
0x17c: {  	v16 =	vmul.f32 v16, v28;
	v20 =	vmin.u32 v20, $0xFF  }
0x17d: {  	v32 =	vmul.f32 $2.550000000e+02, v31  }
0x17e: {  	[tilespmem:s28+$0xC500] =	vst v16;
	v16 =	vmul.f32 v19, v22  }
0x17f: {  	v15 =	vld.idx.msk [tilespmem:v15+s5+$0x0], $0xffff;
	v19 =	vadd.f32 $8.388608000e+06, v32;
	v22 =	vmul.f32 $2.550000000e+02, v23  }
0x180: {  	v33 =	vld [tilespmem:s28+$0x530];
	[tilespmem:s29+$0xC500] =	vst v16  }
0x181: {  	v16 =	vadd.s32 $0xB5000000, v19;
	v19 =	vld.idx.msk [tilespmem:v20+s5+$0x0], $0xffff;
	v20 =	vadd.f32 $8.388608000e+06, v22  }
0x182: {  	v16 =	vmin.u32 v16, $0xFF;
	v22 =	vld [tilespmem:s29+$0x530]  }
0x183: {  	v20 =	vadd.s32 $0xB5000000, v20  }
0x184: {  	v15 =	vmul.f32 v15, v29;
	v20 =	vmin.u32 v20, $0xFF  }
0x185: {  	v34 =	vmul.f32 $2.550000000e+02, v33  }
0x186: {  	[tilespmem:s28+$0xC510] =	vst v15;
	v15 =	vmul.f32 v19, v21  }
0x187: {  	v16 =	vld.idx.msk [tilespmem:v16+s5+$0x0], $0xffff;
	v19 =	vadd.f32 $8.388608000e+06, v34;
	v21 =	vmul.f32 $2.550000000e+02, v22  }
0x188: {  	v35 =	vld [tilespmem:s28+$0x540];
	[tilespmem:s29+$0xC510] =	vst v15  }
0x189: {  	v15 =	vadd.s32 $0xB5000000, v19;
	v19 =	vld.idx.msk [tilespmem:v20+s5+$0x0], $0xffff;
	v20 =	vadd.f32 $8.388608000e+06, v21  }
0x18a: {  	v15 =	vmin.u32 v15, $0xFF;
	v21 =	vld [tilespmem:s29+$0x540]  }
0x18b: {  	v20 =	vadd.s32 $0xB5000000, v20  }
0x18c: {  	v16 =	vmul.f32 v16, v31;
	v20 =	vmin.u32 v20, $0xFF  }
0x18d: {  	v36 =	vmul.f32 $2.550000000e+02, v35  }
0x18e: {  	[tilespmem:s28+$0xC520] =	vst v16;
	v16 =	vmul.f32 v19, v23  }
0x18f: {  	v15 =	vld.idx.msk [tilespmem:v15+s5+$0x0], $0xffff;
	v19 =	vadd.f32 $8.388608000e+06, v36;
	v23 =	vmul.f32 $2.550000000e+02, v21  }
0x190: {  	v37 =	vld [tilespmem:s28+$0x550];
	[tilespmem:s29+$0xC520] =	vst v16  }
0x191: {  	v16 =	vadd.s32 $0xB5000000, v19;
	v19 =	vld.idx.msk [tilespmem:v20+s5+$0x0], $0xffff;
	v20 =	vadd.f32 $8.388608000e+06, v23  }
0x192: {  	v16 =	vmin.u32 v16, $0xFF;
	v23 =	vld [tilespmem:s29+$0x550]  }
0x193: {  	v20 =	vadd.s32 $0xB5000000, v20  }
0x194: {  	v15 =	vmul.f32 v15, v33;
	v20 =	vmin.u32 v20, $0xFF  }
0x195: {  	v38 =	vmul.f32 $2.550000000e+02, v37  }
0x196: {  	v18 =	vmin.u32 v18, $0xFF;
	[tilespmem:s28+$0xC530] =	vst v15;
	v15 =	vmul.f32 v19, v22  }
0x197: {  	v16 =	vld.idx.msk [tilespmem:v16+s5+$0x0], $0xffff;
	v19 =	vadd.f32 $8.388608000e+06, v38;
	v22 =	vmul.f32 $2.550000000e+02, v23  }
0x198: {  	v8 =	vmul.f32 v17, v8;
	v17 =	vld [tilespmem:s28+$0x560];
	[tilespmem:s29+$0xC530] =	vst v15  }
0x199: {  	v15 =	vmul.f32 $2.550000000e+02, v10;
	v19 =	vadd.s32 $0xB5000000, v19;
	v22 =	vadd.f32 $8.388608000e+06, v22;
	v20 =	vld.idx.msk [tilespmem:v20+s5+$0x0], $0xffff  }
0x19a: {  	[tilespmem:s26+$0xC540] =	vst v8;
	v8 =	vmin.u32 v19, $0xFF;
	v19 =	vld [tilespmem:s29+$0x560]  }
0x19b: {  	v18 =	vld.idx.msk [tilespmem:v18+s5+$0x0], $0xffff;
	v15 =	vadd.f32 $8.388608000e+06, v15;
	v22 =	vadd.s32 $0xB5000000, v22  }
0x19c: {  	v39 =	vld [tilespmem:s26+$0x570];
	v16 =	vmul.f32 v16, v35;
	v22 =	vmin.u32 v22, $0xFF  }
0x19d: {  	v40 =	vmul.f32 $2.550000000e+02, v17;
	v15 =	vadd.s32 $0xB5000000, v15  }
0x19e: {  	v15 =	vmin.u32 v15, $0xFF;
	[tilespmem:s28+$0xC540] =	vst v16;
	v16 =	vmul.f32 v20, v21  }
0x19f: {  	v8 =	vld.idx.msk [tilespmem:v8+s5+$0x0], $0xffff;
	v20 =	vadd.f32 $8.388608000e+06, v40;
	v21 =	vmul.f32 $2.550000000e+02, v19  }
0x1a0: {  	v9 =	vmul.f32 v18, v9;
	v18 =	vld [tilespmem:s28+$0x570];
	[tilespmem:s29+$0xC540] =	vst v16  }
0x1a1: {  	v16 =	vmul.f32 $2.550000000e+02, v39;
	v20 =	vadd.s32 $0xB5000000, v20;
	v21 =	vadd.f32 $8.388608000e+06, v21;
	v22 =	vld.idx.msk [tilespmem:v22+s5+$0x0], $0xffff  }
0x1a2: {  	[tilespmem:s26+$0xC550] =	vst v9;
	v9 =	vmin.u32 v20, $0xFF;
	v20 =	vld [tilespmem:s29+$0x570]  }
0x1a3: {  	v15 =	vld.idx.msk [tilespmem:v15+s5+$0x0], $0xffff;
	v16 =	vadd.f32 $8.388608000e+06, v16;
	v21 =	vadd.s32 $0xB5000000, v21  }
0x1a4: {  	v41 =	vld [tilespmem:s26+$0x900];
	v8 =	vmul.f32 v8, v37;
	v21 =	vmin.u32 v21, $0xFF  }
0x1a5: {  	v42 =	vmul.f32 $2.550000000e+02, v18;
	v16 =	vadd.s32 $0xB5000000, v16  }
0x1a6: {  	v16 =	vmin.u32 v16, $0xFF;
	[tilespmem:s28+$0xC550] =	vst v8;
	v8 =	vmul.f32 v22, v23  }
0x1a7: {  	v9 =	vld.idx.msk [tilespmem:v9+s5+$0x0], $0xffff;
	v22 =	vadd.f32 $8.388608000e+06, v42;
	v23 =	vmul.f32 $2.550000000e+02, v20  }
0x1a8: {  	v10 =	vmul.f32 v15, v10;
	v15 =	vld [tilespmem:s28+$0x900];
	[tilespmem:s29+$0xC550] =	vst v8  }
0x1a9: {  	v8 =	vmul.f32 $2.550000000e+02, v41;
	v22 =	vadd.s32 $0xB5000000, v22;
	v23 =	vadd.f32 $8.388608000e+06, v23;
	v21 =	vld.idx.msk [tilespmem:v21+s5+$0x0], $0xffff  }
0x1aa: {  	[tilespmem:s26+$0xC560] =	vst v10;
	v10 =	vmin.u32 v22, $0xFF;
	v22 =	vld [tilespmem:s29+$0x900]  }
0x1ab: {  	v5 =	vmul.f32 v14, v5;
	v14 =	vld.idx.msk [tilespmem:v16+s5+$0x0], $0xffff;
	v8 =	vadd.f32 $8.388608000e+06, v8;
	v16 =	vadd.s32 $0xB5000000, v23  }
0x1ac: {  	v23 =	vld [tilespmem:s26+$0x910];
	v9 =	vmul.f32 v9, v17;
	v16 =	vmin.u32 v16, $0xFF  }
0x1ad: {  	v8 =	vadd.s32 $0xB5000000, v8;
	v17 =	vmul.f32 $2.550000000e+02, v15  }
0x1ae: {  	v8 =	vmin.u32 v8, $0xFF;
	[tilespmem:s28+$0xC560] =	vst v9;
	v9 =	vmul.f32 v21, v19  }
0x1af: {  	v10 =	vld.idx.msk [tilespmem:v10+s5+$0x0], $0xffff;
	v17 =	vadd.f32 $8.388608000e+06, v17;
	v19 =	vmul.f32 $2.550000000e+02, v22  }
0x1b0: {  	v21 =	vld [tilespmem:s28+$0x910];
	v14 =	vmul.f32 v14, v39;
	[tilespmem:s29+$0xC560] =	vst v9  }
0x1b1: {  	v9 =	vmul.f32 $2.550000000e+02, v23;
	v17 =	vadd.s32 $0xB5000000, v17;
	v19 =	vadd.f32 $8.388608000e+06, v19;
	v16 =	vld.idx.msk [tilespmem:v16+s5+$0x0], $0xffff  }
0x1b2: {  	[tilespmem:s26+$0xC570] =	vst v14;
	v14 =	vmin.u32 v17, $0xFF;
	v17 =	vld [tilespmem:s29+$0x910]  }
0x1b3: {  	v7 =	vmul.f32 v11, v7;
	v8 =	vld.idx.msk [tilespmem:v8+s5+$0x0], $0xffff;
	v9 =	vadd.f32 $8.388608000e+06, v9;
	v11 =	vadd.s32 $0xB5000000, v19  }
0x1b4: {  	[tilespmem:s24+$0xCD20] =	vst v5;
	v19 =	vld [tilespmem:s26+$0x920];
	v10 =	vmul.f32 v10, v18;
	v11 =	vmin.u32 v11, $0xFF  }
0x1b5: {  	[tilespmem:s25+$0xC930] =	vst v7;
	v7 =	vld.idx.msk [tilespmem:v12+s5+$0x0], $0xffff;
	v12 =	vmul.f32 $2.550000000e+02, v21;
	v9 =	vadd.s32 $0xB5000000, v9  }
0x1b6: {  	v9 =	vmin.u32 v9, $0xFF;
	[tilespmem:s28+$0xC570] =	vst v10;
	v10 =	vmul.f32 v16, v20  }
0x1b7: {  	v12 =	vadd.f32 $8.388608000e+06, v12;
	v14 =	vld.idx.msk [tilespmem:v14+s5+$0x0], $0xffff;
	v16 =	vmul.f32 $2.550000000e+02, v17  }
0x1b8: {  	v18 =	vld [tilespmem:s28+$0x920];
	v8 =	vmul.f32 v8, v41;
	[tilespmem:s29+$0xC570] =	vst v10  }
0x1b9: {  	v12 =	vadd.s32 $0xB5000000, v12;
	v10 =	vmul.f32 $2.550000000e+02, v19;
	v16 =	vadd.f32 $8.388608000e+06, v16;
	v11 =	vld.idx.msk [tilespmem:v11+s5+$0x0], $0xffff  }
0x1ba: {  	[tilespmem:s26+$0xC900] =	vst v8;
	v8 =	vmin.u32 v12, $0xFF;
	v12 =	vld [tilespmem:s29+$0x920]  }
0x1bb: {  	v20 =	vmul.f32 $2.550000000e+02, v6;
	v9 =	vld.idx.msk [tilespmem:v9+s5+$0x0], $0xffff;
	v10 =	vadd.f32 $8.388608000e+06, v10;
	v16 =	vadd.s32 $0xB5000000, v16  }
0x1bc: {  	v43 =	vld [tilespmem:s26+$0x930];
	v14 =	vmul.f32 v14, v15;
	v15 =	vmin.u32 v16, $0xFF  }
0x1bd: {  	v13 =	vld.idx.msk [tilespmem:v13+s5+$0x0], $0xffff;
	v44 =	vmul.f32 $2.550000000e+02, v18;
	v16 =	vadd.f32 $8.388608000e+06, v20;
	v10 =	vadd.s32 $0xB5000000, v10  }
0x1be: {  	v20 =	vld [tilespmem:s25+$0x960];
	v10 =	vmin.u32 v10, $0xFF;
	[tilespmem:s28+$0xC900] =	vst v14;
	v11 =	vmul.f32 v11, v22  }
0x1bf: {  	v14 =	vadd.s32 $0xB5000000, v16;
	v16 =	vadd.f32 $8.388608000e+06, v44;
	v8 =	vld.idx.msk [tilespmem:v8+s5+$0x0], $0xffff;
	v22 =	vmul.f32 $2.550000000e+02, v12  }
0x1c0: {  	v14 =	vmin.u32 v14, $0xFF;
	v9 =	vmul.f32 v9, v23;
	v23 =	vld [tilespmem:s28+$0x930];
	[tilespmem:s29+$0xC900] =	vst v11  }
0x1c1: {  	v16 =	vadd.s32 $0xB5000000, v16;
	v11 =	vmul.f32 $2.550000000e+02, v43;
	v22 =	vadd.f32 $8.388608000e+06, v22;
	v15 =	vld.idx.msk [tilespmem:v15+s5+$0x0], $0xffff  }
0x1c2: {  	v4 =	vmul.f32 v13, v4;
	v13 =	vmin.u32 v16, $0xFF;
	v16 =	vld [tilespmem:s29+$0x930];
	[tilespmem:s26+$0xC910] =	vst v9  }
0x1c3: {  	v9 =	vmul.f32 $2.550000000e+02, v20;
	v10 =	vld.idx.msk [tilespmem:v10+s5+$0x0], $0xffff;
	v11 =	vadd.f32 $8.388608000e+06, v11;
	v22 =	vadd.s32 $0xB5000000, v22  }
0x1c4: {  	v46 =	vld [tilespmem:s26+$0x940];
	[tilespmem:s25+$0xC940] =	vst v4;
	v4 =	vmul.f32 v8, v21;
	v8 =	vmin.u32 v22, $0xFF  }
0x1c5: {  	v14 =	vld.idx.msk [tilespmem:v14+s5+$0x0], $0xffff;
	v21 =	vadd.f32 $8.388608000e+06, v9;
	v11 =	vadd.s32 $0xB5000000, v11;
	v22 =	vmul.f32 $2.550000000e+02, v23  }
0x1c6: {  	v45 =	vld [tilespmem:s25+$0x970];
	v11 =	vmin.u32 v11, $0xFF;
	[tilespmem:s28+$0xC910] =	vst v4;
	v4 =	vmul.f32 v15, v17  }
0x1c7: {  	v15 =	vadd.s32 $0xB5000000, v21;
	v13 =	vld.idx.msk [tilespmem:v13+s5+$0x0], $0xffff;
	v17 =	vadd.f32 $8.388608000e+06, v22;
	v21 =	vmul.f32 $2.550000000e+02, v16  }
0x1c8: {  	v15 =	vmin.u32 v15, $0xFF;
	v10 =	vmul.f32 v10, v19;
	v19 =	vld [tilespmem:s28+$0x940];
	[tilespmem:s29+$0xC910] =	vst v4  }
0x1c9: {  	v4 =	vmul.f32 $2.550000000e+02, v46;
	v17 =	vadd.s32 $0xB5000000, v17;
	v21 =	vadd.f32 $8.388608000e+06, v21;
	v8 =	vld.idx.msk [tilespmem:v8+s5+$0x0], $0xffff  }
0x1ca: {  	v6 =	vmul.f32 v14, v6;
	v14 =	vld [tilespmem:s29+$0x940];
	[tilespmem:s26+$0xC920] =	vst v10;
	v10 =	vmin.u32 v17, $0xFF  }
0x1cb: {  	v17 =	vmul.f32 $2.550000000e+02, v45;
	v11 =	vld.idx.msk [tilespmem:v11+s5+$0x0], $0xffff;
	v4 =	vadd.f32 $8.388608000e+06, v4;
	v21 =	vadd.s32 $0xB5000000, v21  }
0x1cc: {  	[tilespmem:s25+$0xC950] =	vst v6;
	v6 =	vld [tilespmem:s26+$0x950];
	v13 =	vmul.f32 v13, v18;
	v18 =	vmin.u32 v21, $0xFF  }
0x1cd: {  	v17 =	vadd.f32 $8.388608000e+06, v17;
	v15 =	vld.idx.msk [tilespmem:v15+s5+$0x0], $0xffff;
	v21 =	vadd.s32 $0xB5000000, v4;
	v22 =	vmul.f32 $2.550000000e+02, v19  }
0x1ce: {  	v9 =	vld [tilespmem:s25+$0xD00];
	v21 =	vmin.u32 v21, $0xFF;
	[tilespmem:s28+$0xC920] =	vst v13;
	v8 =	vmul.f32 v8, v12  }
0x1cf: {  	v12 =	vadd.s32 $0xB5000000, v17;
	v10 =	vld.idx.msk [tilespmem:v10+s5+$0x0], $0xffff;
	v13 =	vadd.f32 $8.388608000e+06, v22;
	v17 =	vmul.f32 $2.550000000e+02, v14  }
0x1d0: {  	v22 =	vld [tilespmem:s28+$0x950];
	v12 =	vmin.u32 v12, $0xFF;
	v11 =	vmul.f32 v11, v43;
	[tilespmem:s29+$0xC920] =	vst v8  }
0x1d1: {  	v8 =	vmul.f32 $2.550000000e+02, v6;
	v13 =	vadd.s32 $0xB5000000, v13;
	v17 =	vadd.f32 $8.388608000e+06, v17;
	v18 =	vld.idx.msk [tilespmem:v18+s5+$0x0], $0xffff  }
0x1d2: {  	v15 =	vmul.f32 v15, v20;
	[tilespmem:s26+$0xC930] =	vst v11;
	v11 =	vmin.u32 v13, $0xFF;
	v13 =	vld [tilespmem:s29+$0x950]  }
0x1d3: {  	v20 =	vmul.f32 $2.550000000e+02, v9;
	v21 =	vld.idx.msk [tilespmem:v21+s5+$0x0], $0xffff;
	v8 =	vadd.f32 $8.388608000e+06, v8;
	v17 =	vadd.s32 $0xB5000000, v17  }
0x1d4: {  	[tilespmem:s25+$0xC960] =	vst v15;
	v15 =	vld [tilespmem:s26+$0x960];
	v10 =	vmul.f32 v10, v23;
	v17 =	vmin.u32 v17, $0xFF  }
0x1d5: {  	v47 =	vld [tilespmem:s26+$0x970];
	v20 =	vadd.f32 $8.388608000e+06, v20;
	v23 =	vmul.f32 $2.550000000e+02, v22;
	v8 =	vadd.s32 $0xB5000000, v8  }
0x1d6: {  	v12 =	vld.idx.msk [tilespmem:v12+s5+$0x0], $0xffff;
	v8 =	vmin.u32 v8, $0xFF;
	[tilespmem:s28+$0xC930] =	vst v10;
	v10 =	vmul.f32 v18, v16  }
0x1d7: {  	v16 =	vadd.s32 $0xB5000000, v20;
	v18 =	vld.idx.msk [tilespmem:v11+s5+$0x0], $0xffff;
	v11 =	vadd.f32 $8.388608000e+06, v23;
	v20 =	vmul.f32 $2.550000000e+02, v13  }
0x1d8: {  	v48 =	vmul.f32 $2.550000000e+02, v2;
	v23 =	vld [tilespmem:s28+$0x960];
	v21 =	vmul.f32 v21, v46;
	[tilespmem:s29+$0xC930] =	vst v10  }
0x1d9: {  	v10 =	vmul.f32 $2.550000000e+02, v15;
	v11 =	vadd.s32 $0xB5000000, v11;
	v20 =	vadd.f32 $8.388608000e+06, v20;
	v17 =	vld.idx.msk [tilespmem:v17+s5+$0x0], $0xffff  }
0x1da: {  	v3 =	vmul.f32 v7, v3;
	v27 =	vld [tilespmem:s29+$0x960];
	v16 =	vmin.u32 v16, $0xFF;
	[tilespmem:s26+$0xC940] =	vst v21;
	v21 =	vmin.u32 v11, $0xFF  }
0x1db: {  	v12 =	vmul.f32 v12, v45;
	v8 =	vld.idx.msk [tilespmem:v8+s5+$0x0], $0xffff;
	v10 =	vadd.f32 $8.388608000e+06, v10;
	v20 =	vadd.s32 $0xB5000000, v20  }
0x1dc: {  	v7 =	vld [tilespmem:s26+$0xD00];
	v25 =	vadd.f32 $8.388608000e+06, v48;
	v18 =	vmul.f32 v18, v19;
	v19 =	vmin.u32 v20, $0xFF  }
0x1dd: {  	v4 =	vld [tilespmem:s25+$0xD10];
	[tilespmem:s25+$0xC970] =	vst v12;
	v20 =	vmul.f32 $2.550000000e+02, v23;
	v10 =	vadd.s32 $0xB5000000, v10  }
0x1de: {  	v25 =	vadd.s32 $0xB5000000, v25;
	v12 =	vld [tilespmem:s28+$0x970];
	v10 =	vmin.u32 v10, $0xFF;
	[tilespmem:s28+$0xC940] =	vst v18;
	v14 =	vmul.f32 v17, v14  }
0x1df: {  	v20 =	vadd.f32 $8.388608000e+06, v20;
	v17 =	vmin.u32 v25, $0xFF;
	v18 =	vld.idx.msk [tilespmem:v21+s5+$0x0], $0xffff;
	v21 =	vmul.f32 $2.550000000e+02, v27  }
0x1e0: {  	v16 =	vld.idx.msk [tilespmem:v16+s5+$0x0], $0xffff;
	v6 =	vmul.f32 v8, v6;
	[tilespmem:s29+$0xC940] =	vst v14  }
0x1e1: {  	v8 =	vmul.f32 $2.550000000e+02, v47;
	v14 =	vadd.s32 $0xB5000000, v20;
	v20 =	vadd.f32 $8.388608000e+06, v21;
	v19 =	vld.idx.msk [tilespmem:v19+s5+$0x0], $0xffff  }
0x1e2: {  	[tilespmem:s26+$0xC950] =	vst v6;
	v6 =	vmin.u32 v14, $0xFF;
	v14 =	vld [tilespmem:s29+$0x970]  }
0x1e3: {  	[tilespmem:s24+$0xCD30] =	vst v3;
	v3 =	vmul.f32 $2.550000000e+02, v4;
	v21 =	vadd.f32 $8.388608000e+06, v8;
	v10 =	vld.idx.msk [tilespmem:v10+s5+$0x0], $0xffff;
	v20 =	vadd.s32 $0xB5000000, v20  }
0x1e4: {  	v8 =	vld.idx.msk [tilespmem:v17+s5+$0x0], $0xffff;
	v17 =	vmul.f32 v18, v22;
	v18 =	vmin.u32 v20, $0xFF  }
0x1e5: {  	v49 =	vmul.f32 $2.550000000e+02, v12;
	v20 =	vadd.f32 $8.388608000e+06, v3;
	v21 =	vadd.s32 $0xB5000000, v21  }
0x1e6: {  	v21 =	vmin.u32 v21, $0xFF;
	[tilespmem:s28+$0xC950] =	vst v17;
	v13 =	vmul.f32 v19, v13  }
0x1e7: {  	v17 =	vadd.s32 $0xB5000000, v20;
	v6 =	vld.idx.msk [tilespmem:v6+s5+$0x0], $0xffff;
	v19 =	vadd.f32 $8.388608000e+06, v49;
	v20 =	vmul.f32 $2.550000000e+02, v14  }
0x1e8: {  	v9 =	vmul.f32 v16, v9;
	v22 =	vld [tilespmem:s28+$0xD00];
	v17 =	vmin.u32 v17, $0xFF;
	v10 =	vmul.f32 v10, v15;
	[tilespmem:s29+$0xC950] =	vst v13  }
0x1e9: {  	v13 =	vmul.f32 $2.550000000e+02, v7;
	v16 =	vadd.s32 $0xB5000000, v19;
	v19 =	vadd.f32 $8.388608000e+06, v20;
	v18 =	vld.idx.msk [tilespmem:v18+s5+$0x0], $0xffff  }
0x1ea: {  	[tilespmem:s26+$0xC960] =	vst v10;
	v10 =	vmin.u32 v16, $0xFF;
	v16 =	vld [tilespmem:s29+$0xD00]  }
0x1eb: {  	[tilespmem:s25+$0xCD00] =	vst v9;
	v9 =	vld.idx.msk [tilespmem:v21+s5+$0x0], $0xffff;
	v20 =	vadd.f32 $8.388608000e+06, v13;
	v19 =	vadd.s32 $0xB5000000, v19  }
0x1ec: {  	v6 =	vmul.f32 v6, v23;
	v19 =	vmin.u32 v19, $0xFF  }
0x1ed: {  	v15 =	vld [tilespmem:s26+$0xD10];
	v23 =	vmul.f32 $2.550000000e+02, v22;
	v20 =	vadd.s32 $0xB5000000, v20  }
0x1ee: {  	v17 =	vld.idx.msk [tilespmem:v17+s5+$0x0], $0xffff;
	v20 =	vmin.u32 v20, $0xFF;
	[tilespmem:s28+$0xC960] =	vst v6;
	v6 =	vmul.f32 v18, v27  }
0x1ef: {  	v10 =	vld.idx.msk [tilespmem:v10+s5+$0x0], $0xffff;
	v18 =	vadd.f32 $8.388608000e+06, v23;
	v23 =	vmul.f32 $2.550000000e+02, v16  }
0x1f0: {  	v21 =	vld [tilespmem:s28+$0xD10];
	v9 =	vmul.f32 v9, v47;
	[tilespmem:s29+$0xC960] =	vst v6  }
0x1f1: {  	v6 =	vadd.s32 $0xB5000000, v18;
	v18 =	vld.idx.msk [tilespmem:v19+s5+$0x0], $0xffff;
	v19 =	vadd.f32 $8.388608000e+06, v23  }
0x1f2: {  	v51 =	vld [tilespmem:s29+$0xD10];
	[tilespmem:s26+$0xC970] =	vst v9;
	v9 =	vmul.f32 $2.550000000e+02, v15;
	v23 =	vmin.u32 v6, $0xFF  }
0x1f3: {  	v4 =	vmul.f32 v17, v4;
	v17 =	vld.idx.msk [tilespmem:v20+s5+$0x0], $0xffff;
	v19 =	vadd.s32 $0xB5000000, v19  }
0x1f4: {  	v11 =	vld [tilespmem:s25+$0xD20];
	v9 =	vadd.f32 $8.388608000e+06, v9;
	v10 =	vmul.f32 v10, v12;
	v19 =	vmin.u32 v19, $0xFF  }
0x1f5: {  	[tilespmem:s25+$0xCD10] =	vst v4;
	v4 =	vmul.f32 $2.550000000e+02, v21  }
0x1f6: {  	v50 =	vld [tilespmem:s26+$0xD20];
	v9 =	vadd.s32 $0xB5000000, v9;
	[tilespmem:s28+$0xC970] =	vst v10;
	v10 =	vmul.f32 v18, v14  }
0x1f7: {  	v9 =	vmin.u32 v9, $0xFF;
	v14 =	vld.idx.msk [tilespmem:v23+s5+$0x0], $0xffff;
	v18 =	vadd.f32 $8.388608000e+06, v4;
	v23 =	vmul.f32 $2.550000000e+02, v51  }
0x1f8: {  	v20 =	vld [tilespmem:s28+$0xD20];
	v7 =	vmul.f32 v17, v7;
	[tilespmem:s29+$0xC970] =	vst v10  }
0x1f9: {  	v10 =	vmul.f32 $2.550000000e+02, v11;
	v17 =	vadd.s32 $0xB5000000, v18;
	v18 =	vld.idx.msk [tilespmem:v19+s5+$0x0], $0xffff;
	v19 =	vadd.f32 $8.388608000e+06, v23  }
0x1fa: {  	v17 =	vmin.u32 v17, $0xFF;
	v23 =	vld [tilespmem:s29+$0xD20]  }
0x1fb: {  	v13 =	vld [tilespmem:s25+$0xD30];
	[tilespmem:s26+$0xCD00] =	vst v7;
	v7 =	vmul.f32 $2.550000000e+02, v50;
	v10 =	vadd.f32 $8.388608000e+06, v10;
	v19 =	vadd.s32 $0xB5000000, v19  }
0x1fc: {  	v53 =	vld.idx.msk [tilespmem:v9+s5+$0x0], $0xffff;
	v14 =	vmul.f32 v14, v22;
	v19 =	vmin.u32 v19, $0xFF  }
0x1fd: {  	v5 =	vld [tilespmem:s24+$0xD50];
	v9 =	vadd.f32 $8.388608000e+06, v7;
	v22 =	vmul.f32 $2.550000000e+02, v20;
	v10 =	vadd.s32 $0xB5000000, v10  }
0x1fe: {  	v52 =	vld [tilespmem:s26+$0xD30];
	v10 =	vmin.u32 v10, $0xFF;
	[tilespmem:s28+$0xCD00] =	vst v14;
	v14 =	vmul.f32 v18, v16  }
0x1ff: {  	v28 =	vadd.s32 $0xB5000000, v9;
	v17 =	vld.idx.msk [tilespmem:v17+s5+$0x0], $0xffff;
	v18 =	vadd.f32 $8.388608000e+06, v22;
	v22 =	vmul.f32 $2.550000000e+02, v23  }
0x200: {  	v29 =	vld [tilespmem:s28+$0xD30];
	v54 =	vmul.f32 $2.550000000e+02, v13;
	v16 =	vmin.u32 v28, $0xFF;
	[tilespmem:s29+$0xCD00] =	vst v14  }
0x201: {  	v14 =	vmul.f32 v53, v15;
	v15 =	vadd.s32 $0xB5000000, v18;
	v18 =	vld.idx.msk [tilespmem:v19+s5+$0x0], $0xffff;
	v19 =	vadd.f32 $8.388608000e+06, v22  }
0x202: {  	v15 =	vmin.u32 v15, $0xFF;
	v22 =	vld [tilespmem:s29+$0xD30]  }
0x203: {  	v55 =	vld.idx.msk [tilespmem:v10+s5+$0x0], $0xffff;
	v10 =	vadd.f32 $8.388608000e+06, v54;
	[tilespmem:s26+$0xCD10] =	vst v14;
	v14 =	vadd.s32 $0xB5000000, v19;
	v19 =	vmul.f32 $2.550000000e+02, v52  }
0x204: {  	v12 =	vld [tilespmem:s25+$0xD40];
	v17 =	vmul.f32 v17, v21;
	v14 =	vmin.u32 v14, $0xFF  }
0x205: {  	v16 =	vld.idx.msk [tilespmem:v16+s5+$0x0], $0xffff;
	v21 =	vadd.s32 $0xB5000000, v10;
	v19 =	vadd.f32 $8.388608000e+06, v19  }
0x206: {  	v58 =	vld [tilespmem:s28+$0xD40];
	[tilespmem:s28+$0xCD10] =	vst v17;
	v17 =	vmul.f32 $2.550000000e+02, v29;
	v21 =	vmin.u32 v21, $0xFF;
	v18 =	vmul.f32 v18, v51  }
0x207: {  	v15 =	vld.idx.msk [tilespmem:v15+s5+$0x0], $0xffff;
	v57 =	vmul.f32 $2.550000000e+02, v22  }
0x208: {  	v56 =	vld [tilespmem:s26+$0xD40];
	v11 =	vmul.f32 v55, v11;
	v19 =	vadd.s32 $0xB5000000, v19;
	v17 =	vadd.f32 $8.388608000e+06, v17;
	[tilespmem:s29+$0xCD10] =	vst v18  }
0x209: {  	v59 =	vmul.f32 $2.550000000e+02, v12;
	v18 =	vmin.u32 v19, $0xFF;
	v14 =	vld.idx.msk [tilespmem:v14+s5+$0x0], $0xffff  }
0x20a: {  	v19 =	vadd.f32 $8.388608000e+06, v57;
	[tilespmem:s25+$0xCD20] =	vst v11;
	v11 =	vmul.f32 v16, v50;
	v16 =	vadd.s32 $0xB5000000, v17;
	v17 =	vld [tilespmem:s29+$0xD40]  }
0x20b: {  	v16 =	vmin.u32 v16, $0xFF;
	v21 =	vld.idx.msk [tilespmem:v21+s5+$0x0], $0xffff  }
0x20c: {  	v60 =	vld [tilespmem:s25+$0xD50];
	v19 =	vadd.s32 $0xB5000000, v19;
	[tilespmem:s26+$0xCD20] =	vst v11;
	v11 =	vmul.f32 v15, v20;
	v20 =	vadd.f32 $8.388608000e+06, v59  }
0x20d: {  	v30 =	vld [tilespmem:s26+$0xD50];
	v61 =	vmul.f32 $2.550000000e+02, v56;
	v15 =	vmin.u32 v19, $0xFF;
	v19 =	vmul.f32 $2.550000000e+02, v5  }
0x20e: {  	v62 =	vld [tilespmem:s28+$0xD50];
	[tilespmem:s28+$0xCD20] =	vst v11;
	v11 =	vmul.f32 $2.550000000e+02, v58;
	v20 =	vadd.s32 $0xB5000000, v20  }
0x20f: {  	v18 =	vld.idx.msk [tilespmem:v18+s5+$0x0], $0xffff;
	v19 =	vadd.f32 $8.388608000e+06, v19;
	v14 =	vmul.f32 v14, v23;
	v23 =	vadd.f32 $8.388608000e+06, v61  }
0x210: {  	v6 =	vld [tilespmem:s25+$0xD60];
	v31 =	vmul.f32 $2.550000000e+02, v17;
	v11 =	vadd.f32 $8.388608000e+06, v11;
	v13 =	vmul.f32 v21, v13  }
0x211: {  	v16 =	vld.idx.msk [tilespmem:v16+s5+$0x0], $0xffff;
	v19 =	vadd.s32 $0xB5000000, v19;
	[tilespmem:s29+$0xCD20] =	vst v14;
	v14 =	vmin.u32 v20, $0xFF;
	v20 =	vadd.s32 $0xB5000000, v23  }
0x212: {  	v23 =	vadd.f32 $8.388608000e+06, v31;
	v19 =	vmin.u32 v19, $0xFF;
	v15 =	vld.idx.msk [tilespmem:v15+s5+$0x0], $0xffff;
	v11 =	vadd.s32 $0xB5000000, v11  }
0x213: {  	v2 =	vmul.f32 v8, v2;
	v21 =	vld [tilespmem:s29+$0xD50];
	v20 =	vmin.u32 v20, $0xFF;
	v11 =	vmin.u32 v11, $0xFF  }
0x214: {  	v9 =	vld [tilespmem:s26+$0xD60];
	[tilespmem:s25+$0xCD30] =	vst v13;
	v23 =	vadd.s32 $0xB5000000, v23;
	v13 =	vmul.f32 v18, v52;
	v18 =	vmul.f32 $2.550000000e+02, v60  }
0x215: {  	[tilespmem:s24+$0xCD40] =	vst v2;
	v10 =	vld [tilespmem:s28+$0xD60];
	v23 =	vmin.u32 v23, $0xFF  }
0x216: {  	v63 =	vmul.f32 $2.550000000e+02, v30;
	v16 =	vmul.f32 v16, v29;
	[tilespmem:s26+$0xCD30] =	vst v13;
	v13 =	vadd.f32 $8.388608000e+06, v18;
	v14 =	vld.idx.msk [tilespmem:v14+s5+$0x0], $0xffff  }
0x217: {  	v18 =	vmul.f32 $2.550000000e+02, v62;
	v19 =	vld.idx.msk [tilespmem:v19+s5+$0x0], $0xffff;
	v15 =	vmul.f32 v15, v22  }
0x218: {  	v8 =	vld.idx.msk [tilespmem:v20+s5+$0x0], $0xffff;
	v20 =	vadd.f32 $8.388608000e+06, v63;
	[tilespmem:s28+$0xCD30] =	vst v16;
	v16 =	vmul.f32 $2.550000000e+02, v21;
	v13 =	vadd.s32 $0xB5000000, v13  }
0x219: {  	v18 =	vadd.f32 $8.388608000e+06, v18;
	v11 =	vld.idx.msk [tilespmem:v11+s5+$0x0], $0xffff;
	v13 =	vmin.u32 v13, $0xFF;
	[tilespmem:s29+$0xCD30] =	vst v15  }
0x21a: {  	v15 =	vmul.f32 $2.550000000e+02, v1;
	v20 =	vadd.s32 $0xB5000000, v20;
	v16 =	vadd.f32 $8.388608000e+06, v16;
	v22 =	vld.idx.msk [tilespmem:v23+s5+$0x0], $0xffff  }
0x21b: {  	v2 =	vmul.f32 v14, v12;
	v12 =	vmin.u32 v20, $0xFF;
	v14 =	vadd.s32 $0xB5000000, v18;
	v18 =	vld [tilespmem:s29+$0xD60]  }
0x21c: {  	v3 =	vld [tilespmem:s25+$0xD70];
	v15 =	vadd.f32 $8.388608000e+06, v15;
	v16 =	vadd.s32 $0xB5000000, v16;
	v14 =	vmin.u32 v14, $0xFF  }
0x21d: {  	v4 =	vld [tilespmem:s26+$0xD70];
	v20 =	vmul.f32 $2.550000000e+02, v6;
	v8 =	vmul.f32 v8, v56;
	v16 =	vmin.u32 v16, $0xFF  }
0x21e: {  	v7 =	vld [tilespmem:s28+$0xD70];
	[tilespmem:s25+$0xCD40] =	vst v2;
	v2 =	vadd.s32 $0xB5000000, v15;
	v11 =	vmul.f32 v11, v58;
	v15 =	vmul.f32 $2.550000000e+02, v9  }
0x21f: {  	[tilespmem:s26+$0xCD40] =	vst v8;
	v8 =	vld.idx.msk [tilespmem:v13+s5+$0x0], $0xffff;
	v13 =	vadd.f32 $8.388608000e+06, v20;
	v20 =	vmul.f32 $2.550000000e+02, v10;
	v17 =	vmul.f32 v22, v17  }
0x220: {  	v5 =	vmul.f32 v19, v5;
	v15 =	vadd.f32 $8.388608000e+06, v15;
	[tilespmem:s28+$0xCD40] =	vst v11;
	v12 =	vld.idx.msk [tilespmem:v12+s5+$0x0], $0xffff;
	v11 =	vmul.f32 $2.550000000e+02, v18  }
0x221: {  	v2 =	vmin.u32 v2, $0xFF;
	v13 =	vadd.s32 $0xB5000000, v13;
	v19 =	vadd.f32 $8.388608000e+06, v20;
	v14 =	vld.idx.msk [tilespmem:v14+s5+$0x0], $0xffff;
	[tilespmem:s29+$0xCD40] =	vst v17  }
0x222: {  	v13 =	vmin.u32 v13, $0xFF;
	v15 =	vadd.s32 $0xB5000000, v15;
	v16 =	vld.idx.msk [tilespmem:v16+s5+$0x0], $0xffff;
	v11 =	vadd.f32 $8.388608000e+06, v11  }
0x223: {  	v20 =	vld [tilespmem:s29+$0xD70];
	v17 =	vmul.f32 $2.550000000e+02, v0;
	v15 =	vmin.u32 v15, $0xFF;
	v19 =	vadd.s32 $0xB5000000, v19  }
0x224: {  	v8 =	vmul.f32 v8, v60;
	v19 =	vmin.u32 v19, $0xFF;
	v11 =	vadd.s32 $0xB5000000, v11  }
0x225: {  	[tilespmem:s24+$0xCD50] =	vst v5;
	v5 =	vmul.f32 $2.550000000e+02, v3;
	v12 =	vmul.f32 v12, v30;
	v11 =	vmin.u32 v11, $0xFF  }
0x226: {  	v2 =	vld.idx.msk [tilespmem:v2+s5+$0x0], $0xffff;
	v17 =	vadd.f32 $8.388608000e+06, v17;
	[tilespmem:s25+$0xCD50] =	vst v8;
	v8 =	vmul.f32 $2.550000000e+02, v4;
	v14 =	vmul.f32 v14, v62  }
0x227: {  	v5 =	vadd.f32 $8.388608000e+06, v5;
	v13 =	vld.idx.msk [tilespmem:v13+s5+$0x0], $0xffff;
	[tilespmem:s26+$0xCD50] =	vst v12;
	v12 =	vmul.f32 $2.550000000e+02, v7;
	v16 =	vmul.f32 v16, v21  }
0x228: {  	v17 =	vadd.s32 $0xB5000000, v17;
	v8 =	vadd.f32 $8.388608000e+06, v8;
	v15 =	vld.idx.msk [tilespmem:v15+s5+$0x0], $0xffff;
	[tilespmem:s28+$0xCD50] =	vst v14;
	v14 =	vmul.f32 $2.550000000e+02, v20  }
0x229: {  	v5 =	vadd.s32 $0xB5000000, v5;
	v17 =	vmin.u32 v17, $0xFF;
	v19 =	vld.idx.msk [tilespmem:v19+s5+$0x0], $0xffff;
	v12 =	vadd.f32 $8.388608000e+06, v12;
	[tilespmem:s29+$0xCD50] =	vst v16  }
0x22a: {  	v5 =	vmin.u32 v5, $0xFF;
	v8 =	vadd.s32 $0xB5000000, v8;
	v11 =	vld.idx.msk [tilespmem:v11+s5+$0x0], $0xffff;
	v14 =	vadd.f32 $8.388608000e+06, v14  }
0x22b: {  	v1 =	vmul.f32 v2, v1;
	v2 =	vmin.u32 v8, $0xFF;
	v8 =	vadd.s32 $0xB5000000, v12  }
0x22c: {  	v6 =	vmul.f32 v13, v6;
	v8 =	vmin.u32 v8, $0xFF;
	v12 =	vadd.s32 $0xB5000000, v14  }
0x22d: {  	[tilespmem:s24+$0xCD60] =	vst v1;
	v1 =	vmul.f32 v15, v9;
	v9 =	vmin.u32 v12, $0xFF  }
0x22e: {  	v12 =	vld.idx.msk [tilespmem:v17+s5+$0x0], $0xffff;
	[tilespmem:s25+$0xCD60] =	vst v6;
	v6 =	vmul.f32 v19, v10  }
0x22f: {  	v5 =	vld.idx.msk [tilespmem:v5+s5+$0x0], $0xffff;
	[tilespmem:s26+$0xCD60] =	vst v1;
	v1 =	vmul.f32 v11, v18  }
0x230: {  	v2 =	vld.idx.msk [tilespmem:v2+s5+$0x0], $0xffff;
	[tilespmem:s28+$0xCD60] =	vst v6  }
0x231: {  	v6 =	vld.idx.msk [tilespmem:v8+s5+$0x0], $0xffff;
	[tilespmem:s29+$0xCD60] =	vst v1  }
0x232: {  	v1 =	vld.idx.msk [tilespmem:v9+s5+$0x0], $0xffff  }
0x233: {  	p0 =	seq.s32 s22, $0xF;
	v0 =	vmul.f32 v12, v0  }
0x234: {  	s2 =	smul.u32 @!p0 $0x6000, s23;
	v3 =	vmul.f32 v5, v3  }
0x235: {  	[tilespmem:s24+$0xCD70] =	vst v0;
	v0 =	vmul.f32 v2, v4  }
0x236: {  	s2 =	sshrl.u32 @!p0 s2, $0x3;
	[tilespmem:s25+$0xCD70] =	vst v3;
	v2 =	vmul.f32 v6, v7  }
0x237: {  	s2 =	sadd.s32 @!p0 s1, s2;
	[tilespmem:s26+$0xCD70] =	vst v0;
	v0 =	vmul.f32 v1, v20  }
0x238: {  	s2 =	sadd.s32 @!p0 $0x1800, s2;
	[tilespmem:s28+$0xCD70] =	vst v2  }
0x239: {  	s24 =	simm.s32 @!p0 $0x0;
	s25 =	simm.s32 @!p0 $0x100;
	s26 =	smul.u32 $0xC00, s23;
	[tilespmem:s29+$0xCD70] =	vst v0  }
0x23a: {  	[tilespmem:s25], [sflag:$0x1] =	stream.linear.gather @!p0 [hbm4b:s2+s24], $0x6000, $0x38;
	[tilespmem:$0x18100] =	vst v63  }
0x23b: {  	s24 =	sadd.s32 s4, s26  }
0x23c: {  	[hbm4b:s24+s5] =	stream.linear.scatter [tilespmem:s16], [sflag:$0x3], $0x6000, $0x38;
	[tilespmem:$0x18100] =	vst v63  }
0x23d: {  	_ =	swait.ge [sflag:s17], $0x6000  }
0x23e: {  	[sflag:s17] =	ssyncset.done $0x0  }
0x23f: {  	s2 =	simm.s32 @!p1 $0x4;
	[sflag:s17] =	ssyncadd.s32 $0xFFFFA000  }
0x240: {  	s25 =	simm.s32 $0x0;
	_ =	swait.ge @!p1 [sflag:s2], $0x6000  }
0x241: {  	s26 =	sand.u32 $0x7000, s25;
	s24 =	sand.u32 $0x380, s25;
	[sflag:s2] =	ssyncset.done @!p1 $0x0  }
0x242: {  	s24 =	sor.u32 s24, s26;
	[sflag:s2] =	ssyncadd.s32 @!p1 $0xFFFFA000  }
0x243: {  	v0 =	vld [tilespmem:s24+$0x6100];
	_ =	sdelay $0x4  }
0x244: {  	v1 =	vmul.f32 $2.550000000e+02, v0;
	_ =	sdelay $0x1  }
0x245: {  	v1 =	vadd.f32 $8.388608000e+06, v1  }
0x246: {  	v2 =	vld [tilespmem:s24+$0x6110]  }
0x247: {  	v1 =	vadd.s32 $0xB5000000, v1  }
0x248: {  	v1 =	vmin.u32 v1, $0xFF;
	_ =	sdelay $0x2  }
0x249: {  	v3 =	vmul.f32 $2.550000000e+02, v2;
	_ =	sdelay $0x1  }
0x24a: {  	v3 =	vadd.f32 $8.388608000e+06, v3;
	v1 =	vld.idx.msk [tilespmem:v1+s5+$0x0], $0xffff  }
0x24b: {  	v4 =	vld [tilespmem:s24+$0x6120]  }
0x24c: {  	v3 =	vadd.s32 $0xB5000000, v3  }
0x24d: {  	v3 =	vmin.u32 v3, $0xFF;
	_ =	sdelay $0x1  }
0x24e: {  	v0 =	vmul.f32 v1, v0  }
0x24f: {  	v1 =	vmul.f32 $2.550000000e+02, v4  }
0x250: {  	[tilespmem:s24+$0x12100] =	vst v0  }
0x251: {  	v1 =	vadd.f32 $8.388608000e+06, v1;
	v0 =	vld.idx.msk [tilespmem:v3+s5+$0x0], $0xffff  }
0x252: {  	v3 =	vld [tilespmem:s24+$0x6130]  }
0x253: {  	v1 =	vadd.s32 $0xB5000000, v1  }
0x254: {  	v1 =	vmin.u32 v1, $0xFF;
	_ =	sdelay $0x1  }
0x255: {  	v0 =	vmul.f32 v0, v2  }
0x256: {  	v2 =	vmul.f32 $2.550000000e+02, v3  }
0x257: {  	[tilespmem:s24+$0x12110] =	vst v0  }
0x258: {  	v0 =	vld.idx.msk [tilespmem:v1+s5+$0x0], $0xffff;
	v1 =	vadd.f32 $8.388608000e+06, v2  }
0x259: {  	v2 =	vld [tilespmem:s24+$0x6140]  }
0x25a: {  	v1 =	vadd.s32 $0xB5000000, v1  }
0x25b: {  	v1 =	vmin.u32 v1, $0xFF;
	_ =	sdelay $0x1  }
0x25c: {  	v0 =	vmul.f32 v0, v4  }
0x25d: {  	v4 =	vmul.f32 $2.550000000e+02, v2  }
0x25e: {  	[tilespmem:s24+$0x12120] =	vst v0  }
0x25f: {  	v0 =	vld.idx.msk [tilespmem:v1+s5+$0x0], $0xffff;
	v1 =	vadd.f32 $8.388608000e+06, v4  }
0x260: {  	v4 =	vld [tilespmem:s24+$0x6150]  }
0x261: {  	v1 =	vadd.s32 $0xB5000000, v1  }
0x262: {  	v1 =	vmin.u32 v1, $0xFF;
	_ =	sdelay $0x1  }
0x263: {  	v0 =	vmul.f32 v0, v3  }
0x264: {  	v3 =	vmul.f32 $2.550000000e+02, v4  }
0x265: {  	[tilespmem:s24+$0x12130] =	vst v0  }
0x266: {  	v0 =	vld.idx.msk [tilespmem:v1+s5+$0x0], $0xffff;
	v1 =	vadd.f32 $8.388608000e+06, v3  }
0x267: {  	v3 =	vld [tilespmem:s24+$0x6160]  }
0x268: {  	v1 =	vadd.s32 $0xB5000000, v1  }
0x269: {  	v1 =	vmin.u32 v1, $0xFF;
	_ =	sdelay $0x1  }
0x26a: {  	v0 =	vmul.f32 v0, v2  }
0x26b: {  	v2 =	vmul.f32 $2.550000000e+02, v3  }
0x26c: {  	[tilespmem:s24+$0x12140] =	vst v0  }
0x26d: {  	s25 =	simm.s32 $0x200;
	s26 =	simm.s32 $0x80;
	v0 =	vld.idx.msk [tilespmem:v1+s5+$0x0], $0xffff;
	v1 =	vadd.f32 $8.388608000e+06, v2  }
0x26e: {  	s2 =	sand.u32 $0x7000, s25;
	s25 =	sand.u32 $0x380, s26;
	v2 =	vld [tilespmem:s24+$0x6170]  }
0x26f: {  	s25 =	sor.u32 s25, s2;
	v1 =	vadd.s32 $0xB5000000, v1  }
0x270: {  	v5 =	vld [tilespmem:s25+$0x6100];
	v1 =	vmin.u32 v1, $0xFF;
	_ =	sdelay $0x1  }
0x271: {  	v0 =	vmul.f32 v0, v4  }
0x272: {  	v4 =	vmul.f32 $2.550000000e+02, v2  }
0x273: {  	[tilespmem:s24+$0x12150] =	vst v0  }
0x274: {  	v0 =	vmul.f32 $2.550000000e+02, v5;
	v4 =	vadd.f32 $8.388608000e+06, v4;
	v1 =	vld.idx.msk [tilespmem:v1+s5+$0x0], $0xffff;
	_ =	sdelay $0x1  }
0x275: {  	v6 =	vld [tilespmem:s24+$0x6500];
	v0 =	vadd.f32 $8.388608000e+06, v0;
	v4 =	vadd.s32 $0xB5000000, v4  }
0x276: {  	v7 =	vld [tilespmem:s25+$0x6110];
	v4 =	vmin.u32 v4, $0xFF  }
0x277: {  	v0 =	vadd.s32 $0xB5000000, v0  }
0x278: {  	v0 =	vmin.u32 v0, $0xFF;
	v1 =	vmul.f32 v1, v3;
	_ =	sdelay $0x1  }
0x279: {  	v3 =	vmul.f32 $2.550000000e+02, v6;
	[tilespmem:s24+$0x12160] =	vst v1  }
0x27a: {  	v1 =	vmul.f32 $2.550000000e+02, v7;
	v4 =	vld.idx.msk [tilespmem:v4+s5+$0x0], $0xffff  }
0x27b: {  	v8 =	vld [tilespmem:s24+$0x6510];
	v3 =	vadd.f32 $8.388608000e+06, v3  }
0x27c: {  	v0 =	vld.idx.msk [tilespmem:v0+s5+$0x0], $0xffff;
	v1 =	vadd.f32 $8.388608000e+06, v1  }
0x27d: {  	v3 =	vadd.s32 $0xB5000000, v3  }
0x27e: {  	v9 =	vld [tilespmem:s25+$0x6120];
	v3 =	vmin.u32 v3, $0xFF;
	v1 =	vadd.s32 $0xB5000000, v1  }
0x27f: {  	v1 =	vmin.u32 v1, $0xFF;
	v2 =	vmul.f32 v4, v2;
	_ =	sdelay $0x1  }
0x280: {  	v0 =	vmul.f32 v0, v5;
	[tilespmem:s24+$0x12170] =	vst v2;
	v2 =	vmul.f32 $2.550000000e+02, v8;
	_ =	sdelay $0x1  }
0x281: {  	[tilespmem:s25+$0x12100] =	vst v0;
	v0 =	vmul.f32 $2.550000000e+02, v9;
	v3 =	vld.idx.msk [tilespmem:v3+s5+$0x0], $0xffff;
	v2 =	vadd.f32 $8.388608000e+06, v2  }
0x282: {  	v1 =	vld.idx.msk [tilespmem:v1+s5+$0x0], $0xffff  }
0x283: {  	v4 =	vld [tilespmem:s24+$0x6520];
	v0 =	vadd.f32 $8.388608000e+06, v0;
	v2 =	vadd.s32 $0xB5000000, v2  }
0x284: {  	v2 =	vmin.u32 v2, $0xFF  }
0x285: {  	v5 =	vld [tilespmem:s25+$0x6130];
	v0 =	vadd.s32 $0xB5000000, v0  }
0x286: {  	v0 =	vmin.u32 v0, $0xFF;
	v3 =	vmul.f32 v3, v6  }
0x287: {  	v1 =	vmul.f32 v1, v7  }
0x288: {  	v6 =	vmul.f32 $2.550000000e+02, v4;
	[tilespmem:s24+$0x12500] =	vst v3  }
0x289: {  	[tilespmem:s25+$0x12110] =	vst v1;
	v1 =	vld.idx.msk [tilespmem:v2+s5+$0x0], $0xffff  }
0x28a: {  	v3 =	vmul.f32 $2.550000000e+02, v5;
	v2 =	vadd.f32 $8.388608000e+06, v6;
	v6 =	vld [tilespmem:s24+$0x6530]  }
0x28b: {  	v0 =	vld.idx.msk [tilespmem:v0+s5+$0x0], $0xffff  }
0x28c: {  	v3 =	vadd.f32 $8.388608000e+06, v3;
	v2 =	vadd.s32 $0xB5000000, v2  }
0x28d: {  	v7 =	vld [tilespmem:s25+$0x6140];
	v2 =	vmin.u32 v2, $0xFF  }
0x28e: {  	v3 =	vadd.s32 $0xB5000000, v3;
	v1 =	vmul.f32 v1, v8  }
0x28f: {  	v3 =	vmin.u32 v3, $0xFF  }
0x290: {  	v0 =	vmul.f32 v0, v9;
	[tilespmem:s24+$0x12510] =	vst v1;
	v1 =	vmul.f32 $2.550000000e+02, v6;
	_ =	sdelay $0x1  }
0x291: {  	[tilespmem:s25+$0x12120] =	vst v0;
	v0 =	vmul.f32 $2.550000000e+02, v7;
	v2 =	vld.idx.msk [tilespmem:v2+s5+$0x0], $0xffff;
	v1 =	vadd.f32 $8.388608000e+06, v1  }
0x292: {  	v8 =	vld [tilespmem:s24+$0x6540]  }
0x293: {  	v3 =	vld.idx.msk [tilespmem:v3+s5+$0x0], $0xffff;
	v0 =	vadd.f32 $8.388608000e+06, v0;
	v1 =	vadd.s32 $0xB5000000, v1  }
0x294: {  	v1 =	vmin.u32 v1, $0xFF  }
0x295: {  	v9 =	vld [tilespmem:s25+$0x6150];
	v0 =	vadd.s32 $0xB5000000, v0  }
0x296: {  	v0 =	vmin.u32 v0, $0xFF;
	v2 =	vmul.f32 v2, v4;
	_ =	sdelay $0x1  }
0x297: {  	v4 =	vmul.f32 $2.550000000e+02, v8;
	v3 =	vmul.f32 v3, v5;
	[tilespmem:s24+$0x12520] =	vst v2  }
0x298: {  	v1 =	vld.idx.msk [tilespmem:v1+s5+$0x0], $0xffff  }
0x299: {  	v2 =	vmul.f32 $2.550000000e+02, v9;
	[tilespmem:s25+$0x12130] =	vst v3;
	v3 =	vadd.f32 $8.388608000e+06, v4;
	v4 =	vld [tilespmem:s24+$0x6550]  }
0x29a: {  	v0 =	vld.idx.msk [tilespmem:v0+s5+$0x0], $0xffff  }
0x29b: {  	v2 =	vadd.f32 $8.388608000e+06, v2;
	v3 =	vadd.s32 $0xB5000000, v3  }
0x29c: {  	v5 =	vld [tilespmem:s25+$0x6160];
	v3 =	vmin.u32 v3, $0xFF  }
0x29d: {  	v2 =	vadd.s32 $0xB5000000, v2;
	v1 =	vmul.f32 v1, v6  }
0x29e: {  	v2 =	vmin.u32 v2, $0xFF  }
0x29f: {  	v0 =	vmul.f32 v0, v7;
	[tilespmem:s24+$0x12530] =	vst v1;
	v1 =	vmul.f32 $2.550000000e+02, v4;
	_ =	sdelay $0x1  }
0x2a0: {  	[tilespmem:s25+$0x12140] =	vst v0;
	v0 =	vmul.f32 $2.550000000e+02, v5;
	v3 =	vld.idx.msk [tilespmem:v3+s5+$0x0], $0xffff;
	v1 =	vadd.f32 $8.388608000e+06, v1  }
0x2a1: {  	s26 =	simm.s32 $0x100;
	s2 =	simm.s32 $0x400;
	v6 =	vld [tilespmem:s24+$0x6560]  }
0x2a2: {  	s26 =	sand.u32 $0x380, s26;
	s2 =	sand.u32 $0x7000, s2;
	v2 =	vld.idx.msk [tilespmem:v2+s5+$0x0], $0xffff;
	v0 =	vadd.f32 $8.388608000e+06, v0;
	v1 =	vadd.s32 $0xB5000000, v1  }
0x2a3: {  	s26 =	sor.u32 s26, s2;
	v7 =	vld [tilespmem:s25+$0x6170];
	v1 =	vmin.u32 v1, $0xFF  }
0x2a4: {  	v10 =	vld [tilespmem:s26+$0x6100];
	v0 =	vadd.s32 $0xB5000000, v0  }
0x2a5: {  	v0 =	vmin.u32 v0, $0xFF;
	v3 =	vmul.f32 v3, v8  }
0x2a6: {  	v8 =	vmul.f32 $2.550000000e+02, v6  }
0x2a7: {  	v2 =	vmul.f32 v2, v9;
	[tilespmem:s24+$0x12540] =	vst v3  }
0x2a8: {  	v3 =	vmul.f32 $2.550000000e+02, v7;
	v8 =	vadd.f32 $8.388608000e+06, v8;
	v1 =	vld.idx.msk [tilespmem:v1+s5+$0x0], $0xffff  }
0x2a9: {  	[tilespmem:s25+$0x12150] =	vst v2;
	v2 =	vmul.f32 $2.550000000e+02, v10  }
0x2aa: {  	v3 =	vadd.f32 $8.388608000e+06, v3;
	v8 =	vadd.s32 $0xB5000000, v8;
	v0 =	vld.idx.msk [tilespmem:v0+s5+$0x0], $0xffff  }
0x2ab: {  	v9 =	vld [tilespmem:s24+$0x6570];
	v2 =	vadd.f32 $8.388608000e+06, v2;
	v8 =	vmin.u32 v8, $0xFF  }
0x2ac: {  	v11 =	vld [tilespmem:s25+$0x6500];
	v3 =	vadd.s32 $0xB5000000, v3  }
0x2ad: {  	v12 =	vld [tilespmem:s26+$0x6110];
	v2 =	vadd.s32 $0xB5000000, v2;
	v3 =	vmin.u32 v3, $0xFF;
	v1 =	vmul.f32 v1, v4  }
0x2ae: {  	v2 =	vmin.u32 v2, $0xFF  }
0x2af: {  	v0 =	vmul.f32 v0, v5;
	[tilespmem:s24+$0x12550] =	vst v1  }
0x2b0: {  	v1 =	vmul.f32 $2.550000000e+02, v9;
	v4 =	vld.idx.msk [tilespmem:v8+s5+$0x0], $0xffff  }
0x2b1: {  	[tilespmem:s25+$0x12160] =	vst v0;
	v0 =	vmul.f32 $2.550000000e+02, v11;
	v8 =	vld [tilespmem:s24+$0x6900]  }
0x2b2: {  	v5 =	vmul.f32 $2.550000000e+02, v12;
	v3 =	vld.idx.msk [tilespmem:v3+s5+$0x0], $0xffff;
	v1 =	vadd.f32 $8.388608000e+06, v1  }
0x2b3: {  	v2 =	vld.idx.msk [tilespmem:v2+s5+$0x0], $0xffff;
	v0 =	vadd.f32 $8.388608000e+06, v0  }
0x2b4: {  	v13 =	vld [tilespmem:s25+$0x6510];
	v5 =	vadd.f32 $8.388608000e+06, v5;
	v1 =	vadd.s32 $0xB5000000, v1  }
0x2b5: {  	v14 =	vld [tilespmem:s26+$0x6120];
	v0 =	vadd.s32 $0xB5000000, v0;
	v1 =	vmin.u32 v1, $0xFF  }
0x2b6: {  	v5 =	vadd.s32 $0xB5000000, v5;
	v0 =	vmin.u32 v0, $0xFF;
	v4 =	vmul.f32 v4, v6  }
0x2b7: {  	v5 =	vmin.u32 v5, $0xFF;
	v3 =	vmul.f32 v3, v7  }
0x2b8: {  	v2 =	vmul.f32 v2, v10;
	[tilespmem:s24+$0x12560] =	vst v4;
	v4 =	vmul.f32 $2.550000000e+02, v8  }
0x2b9: {  	v6 =	vld [tilespmem:s24+$0x6910];
	[tilespmem:s25+$0x12170] =	vst v3;
	v3 =	vmul.f32 $2.550000000e+02, v13  }
0x2ba: {  	[tilespmem:s26+$0x12100] =	vst v2;
	v2 =	vmul.f32 $2.550000000e+02, v14;
	v1 =	vld.idx.msk [tilespmem:v1+s5+$0x0], $0xffff;
	v4 =	vadd.f32 $8.388608000e+06, v4  }
0x2bb: {  	v0 =	vld.idx.msk [tilespmem:v0+s5+$0x0], $0xffff;
	v3 =	vadd.f32 $8.388608000e+06, v3  }
0x2bc: {  	v5 =	vld.idx.msk [tilespmem:v5+s5+$0x0], $0xffff;
	v2 =	vadd.f32 $8.388608000e+06, v2;
	v4 =	vadd.s32 $0xB5000000, v4  }
0x2bd: {  	v7 =	vld [tilespmem:s25+$0x6520];
	v3 =	vadd.s32 $0xB5000000, v3;
	v4 =	vmin.u32 v4, $0xFF  }
0x2be: {  	v10 =	vld [tilespmem:s26+$0x6130];
	v2 =	vadd.s32 $0xB5000000, v2;
	v3 =	vmin.u32 v3, $0xFF  }
0x2bf: {  	v2 =	vmin.u32 v2, $0xFF;
	v1 =	vmul.f32 v1, v9  }
0x2c0: {  	v0 =	vmul.f32 v0, v11  }
0x2c1: {  	v5 =	vmul.f32 v5, v12;
	v9 =	vld [tilespmem:s24+$0x6920];
	[tilespmem:s24+$0x12570] =	vst v1;
	v1 =	vmul.f32 $2.550000000e+02, v6  }
0x2c2: {  	[tilespmem:s25+$0x12500] =	vst v0;
	v0 =	vmul.f32 $2.550000000e+02, v7;
	v4 =	vld.idx.msk [tilespmem:v4+s5+$0x0], $0xffff  }
0x2c3: {  	[tilespmem:s26+$0x12110] =	vst v5;
	v5 =	vmul.f32 $2.550000000e+02, v10;
	v3 =	vld.idx.msk [tilespmem:v3+s5+$0x0], $0xffff;
	v1 =	vadd.f32 $8.388608000e+06, v1  }
0x2c4: {  	v2 =	vld.idx.msk [tilespmem:v2+s5+$0x0], $0xffff;
	v0 =	vadd.f32 $8.388608000e+06, v0  }
0x2c5: {  	v11 =	vld [tilespmem:s25+$0x6530];
	v5 =	vadd.f32 $8.388608000e+06, v5;
	v1 =	vadd.s32 $0xB5000000, v1  }
0x2c6: {  	v12 =	vld [tilespmem:s26+$0x6140];
	v0 =	vadd.s32 $0xB5000000, v0;
	v1 =	vmin.u32 v1, $0xFF  }
0x2c7: {  	v5 =	vadd.s32 $0xB5000000, v5;
	v0 =	vmin.u32 v0, $0xFF;
	v4 =	vmul.f32 v4, v8  }
0x2c8: {  	v5 =	vmin.u32 v5, $0xFF;
	v3 =	vmul.f32 v3, v13  }
0x2c9: {  	v2 =	vmul.f32 v2, v14;
	[tilespmem:s24+$0x12900] =	vst v4;
	v4 =	vmul.f32 $2.550000000e+02, v9  }
0x2ca: {  	v8 =	vld [tilespmem:s24+$0x6930];
	[tilespmem:s25+$0x12510] =	vst v3;
	v3 =	vmul.f32 $2.550000000e+02, v11  }
0x2cb: {  	[tilespmem:s26+$0x12120] =	vst v2;
	v2 =	vmul.f32 $2.550000000e+02, v12;
	v1 =	vld.idx.msk [tilespmem:v1+s5+$0x0], $0xffff;
	v4 =	vadd.f32 $8.388608000e+06, v4  }
0x2cc: {  	v0 =	vld.idx.msk [tilespmem:v0+s5+$0x0], $0xffff;
	v3 =	vadd.f32 $8.388608000e+06, v3  }
0x2cd: {  	v5 =	vld.idx.msk [tilespmem:v5+s5+$0x0], $0xffff;
	v2 =	vadd.f32 $8.388608000e+06, v2;
	v4 =	vadd.s32 $0xB5000000, v4  }
0x2ce: {  	v13 =	vld [tilespmem:s25+$0x6540];
	v3 =	vadd.s32 $0xB5000000, v3;
	v4 =	vmin.u32 v4, $0xFF  }
0x2cf: {  	v14 =	vld [tilespmem:s26+$0x6150];
	v2 =	vadd.s32 $0xB5000000, v2;
	v3 =	vmin.u32 v3, $0xFF  }
0x2d0: {  	v2 =	vmin.u32 v2, $0xFF;
	v1 =	vmul.f32 v1, v6  }
0x2d1: {  	v0 =	vmul.f32 v0, v7  }
0x2d2: {  	v5 =	vmul.f32 v5, v10;
	v6 =	vld [tilespmem:s24+$0x6940];
	[tilespmem:s24+$0x12910] =	vst v1;
	v1 =	vmul.f32 $2.550000000e+02, v8  }
0x2d3: {  	[tilespmem:s25+$0x12520] =	vst v0;
	v0 =	vmul.f32 $2.550000000e+02, v13;
	v4 =	vld.idx.msk [tilespmem:v4+s5+$0x0], $0xffff  }
0x2d4: {  	[tilespmem:s26+$0x12130] =	vst v5;
	v5 =	vmul.f32 $2.550000000e+02, v14;
	v3 =	vld.idx.msk [tilespmem:v3+s5+$0x0], $0xffff;
	v1 =	vadd.f32 $8.388608000e+06, v1  }
0x2d5: {  	v2 =	vld.idx.msk [tilespmem:v2+s5+$0x0], $0xffff;
	v0 =	vadd.f32 $8.388608000e+06, v0  }
0x2d6: {  	v7 =	vld [tilespmem:s25+$0x6550];
	v5 =	vadd.f32 $8.388608000e+06, v5;
	v1 =	vadd.s32 $0xB5000000, v1  }
0x2d7: {  	v10 =	vld [tilespmem:s26+$0x6160];
	v0 =	vadd.s32 $0xB5000000, v0;
	v1 =	vmin.u32 v1, $0xFF  }
0x2d8: {  	v5 =	vadd.s32 $0xB5000000, v5;
	v0 =	vmin.u32 v0, $0xFF;
	v4 =	vmul.f32 v4, v9  }
0x2d9: {  	v5 =	vmin.u32 v5, $0xFF;
	v3 =	vmul.f32 v3, v11  }
0x2da: {  	v2 =	vmul.f32 v2, v12;
	[tilespmem:s24+$0x12920] =	vst v4;
	v4 =	vmul.f32 $2.550000000e+02, v6  }
0x2db: {  	v9 =	vld [tilespmem:s24+$0x6950];
	[tilespmem:s25+$0x12530] =	vst v3;
	v3 =	vmul.f32 $2.550000000e+02, v7  }
0x2dc: {  	[tilespmem:s26+$0x12140] =	vst v2;
	v2 =	vmul.f32 $2.550000000e+02, v10;
	v1 =	vld.idx.msk [tilespmem:v1+s5+$0x0], $0xffff;
	v4 =	vadd.f32 $8.388608000e+06, v4  }
0x2dd: {  	v0 =	vld.idx.msk [tilespmem:v0+s5+$0x0], $0xffff;
	v3 =	vadd.f32 $8.388608000e+06, v3  }
0x2de: {  	s28 =	simm.s32 $0x180;
	s2 =	simm.s32 $0x600;
	v5 =	vld.idx.msk [tilespmem:v5+s5+$0x0], $0xffff;
	v2 =	vadd.f32 $8.388608000e+06, v2;
	v4 =	vadd.s32 $0xB5000000, v4  }
0x2df: {  	s28 =	sand.u32 $0x380, s28;
	s2 =	sand.u32 $0x7000, s2;
	v11 =	vld [tilespmem:s25+$0x6560];
	v3 =	vadd.s32 $0xB5000000, v3;
	v4 =	vmin.u32 v4, $0xFF  }
0x2e0: {  	s28 =	sor.u32 s28, s2;
	v12 =	vld [tilespmem:s26+$0x6170];
	v2 =	vadd.s32 $0xB5000000, v2;
	v3 =	vmin.u32 v3, $0xFF  }
0x2e1: {  	v15 =	vld [tilespmem:s28+$0x6100];
	v2 =	vmin.u32 v2, $0xFF;
	v1 =	vmul.f32 v1, v8  }
0x2e2: {  	v0 =	vmul.f32 v0, v13  }
0x2e3: {  	v5 =	vmul.f32 v5, v14;
	v13 =	vld [tilespmem:s24+$0x6960];
	[tilespmem:s24+$0x12930] =	vst v1;
	v1 =	vmul.f32 $2.550000000e+02, v9  }
0x2e4: {  	[tilespmem:s25+$0x12540] =	vst v0;
	v0 =	vmul.f32 $2.550000000e+02, v11;
	v4 =	vld.idx.msk [tilespmem:v4+s5+$0x0], $0xffff  }
0x2e5: {  	[tilespmem:s26+$0x12150] =	vst v5;
	v5 =	vmul.f32 $2.550000000e+02, v12;
	v3 =	vld.idx.msk [tilespmem:v3+s5+$0x0], $0xffff;
	v1 =	vadd.f32 $8.388608000e+06, v1  }
0x2e6: {  	v8 =	vmul.f32 $2.550000000e+02, v15;
	v2 =	vld.idx.msk [tilespmem:v2+s5+$0x0], $0xffff;
	v0 =	vadd.f32 $8.388608000e+06, v0  }
0x2e7: {  	v14 =	vld [tilespmem:s25+$0x6570];
	v5 =	vadd.f32 $8.388608000e+06, v5;
	v1 =	vadd.s32 $0xB5000000, v1  }
0x2e8: {  	v16 =	vld [tilespmem:s26+$0x6500];
	v8 =	vadd.f32 $8.388608000e+06, v8;
	v0 =	vadd.s32 $0xB5000000, v0;
	v1 =	vmin.u32 v1, $0xFF  }
0x2e9: {  	v17 =	vld [tilespmem:s28+$0x6110];
	v5 =	vadd.s32 $0xB5000000, v5;
	v0 =	vmin.u32 v0, $0xFF;
	v4 =	vmul.f32 v4, v6  }
0x2ea: {  	v8 =	vadd.s32 $0xB5000000, v8;
	v5 =	vmin.u32 v5, $0xFF;
	v3 =	vmul.f32 v3, v7  }
0x2eb: {  	v6 =	vmin.u32 v8, $0xFF;
	v7 =	vld [tilespmem:s24+$0x6970];
	v2 =	vmul.f32 v2, v10;
	[tilespmem:s24+$0x12940] =	vst v4;
	v4 =	vmul.f32 $2.550000000e+02, v13  }
0x2ec: {  	v10 =	vld [tilespmem:s25+$0x6900];
	[tilespmem:s25+$0x12550] =	vst v3;
	v3 =	vmul.f32 $2.550000000e+02, v14  }
0x2ed: {  	[tilespmem:s26+$0x12160] =	vst v2;
	v2 =	vmul.f32 $2.550000000e+02, v16;
	v1 =	vld.idx.msk [tilespmem:v1+s5+$0x0], $0xffff;
	v4 =	vadd.f32 $8.388608000e+06, v4  }
0x2ee: {  	v8 =	vmul.f32 $2.550000000e+02, v17;
	v0 =	vld.idx.msk [tilespmem:v0+s5+$0x0], $0xffff;
	v3 =	vadd.f32 $8.388608000e+06, v3  }
0x2ef: {  	v5 =	vld.idx.msk [tilespmem:v5+s5+$0x0], $0xffff;
	v2 =	vadd.f32 $8.388608000e+06, v2;
	v4 =	vadd.s32 $0xB5000000, v4  }
0x2f0: {  	v8 =	vadd.f32 $8.388608000e+06, v8;
	v6 =	vld.idx.msk [tilespmem:v6+s5+$0x0], $0xffff;
	v3 =	vadd.s32 $0xB5000000, v3;
	v4 =	vmin.u32 v4, $0xFF  }
0x2f1: {  	v18 =	vld [tilespmem:s26+$0x6510];
	v2 =	vadd.s32 $0xB5000000, v2;
	v3 =	vmin.u32 v3, $0xFF  }
0x2f2: {  	v19 =	vld [tilespmem:s28+$0x6120];
	v8 =	vadd.s32 $0xB5000000, v8;
	v2 =	vmin.u32 v2, $0xFF;
	v1 =	vmul.f32 v1, v9  }
0x2f3: {  	v8 =	vmin.u32 v8, $0xFF;
	v0 =	vmul.f32 v0, v11  }
0x2f4: {  	v9 =	vld [tilespmem:s24+$0x6D00];
	v5 =	vmul.f32 v5, v12;
	[tilespmem:s24+$0x12950] =	vst v1;
	v1 =	vmul.f32 $2.550000000e+02, v7  }
0x2f5: {  	v6 =	vmul.f32 v6, v15;
	[tilespmem:s25+$0x12560] =	vst v0;
	v0 =	vmul.f32 $2.550000000e+02, v10;
	v4 =	vld.idx.msk [tilespmem:v4+s5+$0x0], $0xffff  }
0x2f6: {  	[tilespmem:s26+$0x12170] =	vst v5;
	v5 =	vmul.f32 $2.550000000e+02, v18;
	v3 =	vld.idx.msk [tilespmem:v3+s5+$0x0], $0xffff;
	v1 =	vadd.f32 $8.388608000e+06, v1  }
0x2f7: {  	[tilespmem:s28+$0x12100] =	vst v6;
	v6 =	vmul.f32 $2.550000000e+02, v19;
	v2 =	vld.idx.msk [tilespmem:v2+s5+$0x0], $0xffff;
	v0 =	vadd.f32 $8.388608000e+06, v0  }
0x2f8: {  	v8 =	vld.idx.msk [tilespmem:v8+s5+$0x0], $0xffff;
	v5 =	vadd.f32 $8.388608000e+06, v5;
	v1 =	vadd.s32 $0xB5000000, v1  }
0x2f9: {  	v11 =	vld [tilespmem:s25+$0x6910];
	v6 =	vadd.f32 $8.388608000e+06, v6;
	v0 =	vadd.s32 $0xB5000000, v0;
	v1 =	vmin.u32 v1, $0xFF  }
0x2fa: {  	v12 =	vld [tilespmem:s26+$0x6520];
	v5 =	vadd.s32 $0xB5000000, v5;
	v0 =	vmin.u32 v0, $0xFF  }
0x2fb: {  	v20 =	vld [tilespmem:s28+$0x6130];
	v6 =	vadd.s32 $0xB5000000, v6;
	v5 =	vmin.u32 v5, $0xFF;
	v4 =	vmul.f32 v4, v13  }
0x2fc: {  	v6 =	vmin.u32 v6, $0xFF;
	v13 =	vld [tilespmem:s24+$0x6D10];
	v3 =	vmul.f32 v3, v14;
	v2 =	vmul.f32 v2, v16  }
0x2fd: {  	v8 =	vmul.f32 v8, v17;
	v17 =	vld [tilespmem:s25+$0x6920];
	[tilespmem:s24+$0x12960] =	vst v4;
	v4 =	vmul.f32 $2.550000000e+02, v9  }
0x2fe: {  	[tilespmem:s25+$0x12570] =	vst v3;
	v3 =	vmul.f32 $2.550000000e+02, v11;
	v1 =	vld.idx.msk [tilespmem:v1+s5+$0x0], $0xffff  }
0x2ff: {  	[tilespmem:s26+$0x12500] =	vst v2;
	v2 =	vmul.f32 $2.550000000e+02, v12;
	v4 =	vadd.f32 $8.388608000e+06, v4;
	v0 =	vld.idx.msk [tilespmem:v0+s5+$0x0], $0xffff  }
0x300: {  	[tilespmem:s28+$0x12110] =	vst v8;
	v8 =	vmul.f32 $2.550000000e+02, v20;
	v14 =	vld.idx.msk [tilespmem:v5+s5+$0x0], $0xffff;
	v3 =	vadd.f32 $8.388608000e+06, v3  }
0x301: {  	v6 =	vld.idx.msk [tilespmem:v6+s5+$0x0], $0xffff;
	v2 =	vadd.f32 $8.388608000e+06, v2;
	v4 =	vadd.s32 $0xB5000000, v4  }
0x302: {  	v21 =	vld [tilespmem:s26+$0x6530];
	v5 =	vadd.f32 $8.388608000e+06, v8;
	v3 =	vadd.s32 $0xB5000000, v3;
	v4 =	vmin.u32 v4, $0xFF  }
0x303: {  	v22 =	vld [tilespmem:s28+$0x6140];
	v2 =	vadd.s32 $0xB5000000, v2;
	v3 =	vmin.u32 v3, $0xFF;
	v1 =	vmul.f32 v1, v7  }
0x304: {  	v5 =	vadd.s32 $0xB5000000, v5;
	v2 =	vmin.u32 v2, $0xFF;
	v0 =	vmul.f32 v0, v10  }
0x305: {  	v7 =	vmin.u32 v5, $0xFF;
	v8 =	vmul.f32 v14, v18;
	[tilespmem:s24+$0x12970] =	vst v1;
	v1 =	vmul.f32 $2.550000000e+02, v13  }
0x306: {  	v5 =	vld [tilespmem:s24+$0x6D20];
	v6 =	vmul.f32 v6, v19;
	[tilespmem:s25+$0x12900] =	vst v0;
	v0 =	vmul.f32 $2.550000000e+02, v17  }
0x307: {  	[tilespmem:s26+$0x12510] =	vst v8;
	v8 =	vmul.f32 $2.550000000e+02, v21;
	v4 =	vld.idx.msk [tilespmem:v4+s5+$0x0], $0xffff;
	v1 =	vadd.f32 $8.388608000e+06, v1  }
0x308: {  	[tilespmem:s28+$0x12120] =	vst v6;
	v6 =	vmul.f32 $2.550000000e+02, v22;
	v3 =	vld.idx.msk [tilespmem:v3+s5+$0x0], $0xffff;
	v0 =	vadd.f32 $8.388608000e+06, v0  }
0x309: {  	v2 =	vld.idx.msk [tilespmem:v2+s5+$0x0], $0xffff;
	v8 =	vadd.f32 $8.388608000e+06, v8;
	v1 =	vadd.s32 $0xB5000000, v1  }
0x30a: {  	v10 =	vld.idx.msk [tilespmem:v7+s5+$0x0], $0xffff;
	v6 =	vadd.f32 $8.388608000e+06, v6;
	v0 =	vadd.s32 $0xB5000000, v0;
	v1 =	vmin.u32 v1, $0xFF  }
0x30b: {  	v7 =	vld [tilespmem:s25+$0x6930];
	v14 =	vadd.s32 $0xB5000000, v8;
	v16 =	vmin.u32 v0, $0xFF  }
0x30c: {  	v8 =	vld [tilespmem:s26+$0x6540];
	v6 =	vadd.s32 $0xB5000000, v6;
	v4 =	vmul.f32 v4, v9;
	v9 =	vmin.u32 v14, $0xFF  }
0x30d: {  	v15 =	vld [tilespmem:s28+$0x6150];
	v6 =	vmin.u32 v6, $0xFF;
	v11 =	vmul.f32 v3, v11  }
0x30e: {  	v2 =	vmul.f32 v2, v12;
	v3 =	vld [tilespmem:s24+$0x6D30];
	[tilespmem:s24+$0x12D00] =	vst v4  }
0x30f: {  	v4 =	vmul.f32 $2.550000000e+02, v5;
	v10 =	vmul.f32 v10, v20;
	[tilespmem:s25+$0x12910] =	vst v11;
	v1 =	vld.idx.msk [tilespmem:v1+s5+$0x0], $0xffff  }
0x310: {  	v11 =	vmul.f32 $2.550000000e+02, v7;
	[tilespmem:s26+$0x12520] =	vst v2;
	v2 =	vld.idx.msk [tilespmem:v16+s5+$0x0], $0xffff  }
0x311: {  	v12 =	vmul.f32 $2.550000000e+02, v8;
	v4 =	vadd.f32 $8.388608000e+06, v4;
	[tilespmem:s28+$0x12130] =	vst v10;
	v10 =	vld.idx.msk [tilespmem:v9+s5+$0x0], $0xffff  }
0x312: {  	v9 =	vmul.f32 $2.550000000e+02, v15;
	v11 =	vadd.f32 $8.388608000e+06, v11;
	v6 =	vld.idx.msk [tilespmem:v6+s5+$0x0], $0xffff  }
0x313: {  	v12 =	vadd.f32 $8.388608000e+06, v12;
	v16 =	vld [tilespmem:s28+$0x6160];
	v14 =	vadd.s32 $0xB5000000, v4  }
0x314: {  	v4 =	vld [tilespmem:s25+$0x6940];
	v18 =	vadd.f32 $8.388608000e+06, v9;
	v11 =	vadd.s32 $0xB5000000, v11;
	v14 =	vmin.u32 v14, $0xFF  }
0x315: {  	v9 =	vld [tilespmem:s26+$0x6550];
	v12 =	vadd.s32 $0xB5000000, v12;
	v11 =	vmin.u32 v11, $0xFF;
	v13 =	vmul.f32 v1, v13  }
0x316: {  	v0 =	vld [tilespmem:s24+$0x6D70];
	v12 =	vmin.u32 v12, $0xFF;
	v17 =	vmul.f32 v2, v17  }
0x317: {  	v18 =	vadd.s32 $0xB5000000, v18;
	v1 =	vld [tilespmem:s24+$0x6D60];
	v10 =	vmul.f32 v10, v21;
	[tilespmem:s24+$0x12D10] =	vst v13  }
0x318: {  	v18 =	vmin.u32 v18, $0xFF;
	v2 =	vld [tilespmem:s24+$0x6D40];
	v6 =	vmul.f32 v6, v22;
	v13 =	vmul.f32 $2.550000000e+02, v3;
	[tilespmem:s25+$0x12920] =	vst v17  }
0x319: {  	v19 =	vmul.f32 $2.550000000e+02, v4;
	v14 =	vld.idx.msk [tilespmem:v14+s5+$0x0], $0xffff;
	[tilespmem:s26+$0x12530] =	vst v10  }
0x31a: {  	v10 =	vmul.f32 $2.550000000e+02, v9;
	[tilespmem:s28+$0x12140] =	vst v6;
	v6 =	vmul.f32 $2.550000000e+02, v16;
	v11 =	vld.idx.msk [tilespmem:v11+s5+$0x0], $0xffff;
	v13 =	vadd.f32 $8.388608000e+06, v13  }
0x31b: {  	v17 =	vld.idx.msk [tilespmem:v12+s5+$0x0], $0xffff;
	v12 =	vadd.f32 $8.388608000e+06, v19  }
0x31c: {  	v10 =	vadd.f32 $8.388608000e+06, v10;
	v20 =	vadd.f32 $8.388608000e+06, v6;
	v6 =	vld [tilespmem:s25+$0x6950];
	v13 =	vadd.s32 $0xB5000000, v13  }
0x31d: {  	s29 =	simm.s32 $0x200;
	s2 =	simm.s32 $0x800;
	v19 =	vld.idx.msk [tilespmem:v18+s5+$0x0], $0xffff;
	v21 =	vadd.s32 $0xB5000000, v12;
	v12 =	vmin.u32 v13, $0xFF  }
0x31e: {  	s30 =	simm.s32 $0xA00;
	s31 =	sand.u32 $0x7000, s2;
	s2 =	sand.u32 $0x380, s29;
	v18 =	vadd.s32 $0xB5000000, v10;
	v10 =	vld [tilespmem:s26+$0x6560];
	v13 =	vmin.u32 v21, $0xFF  }
.LBB2_5:
0x31f: {  	p1 =	sne.s32 s30, $0x5E00;
	s31 =	sor.u32 s2, s31;
	v20 =	vadd.s32 $0xB5000000, v20;
	v21 =	vld [tilespmem:s28+$0x6170];
	v18 =	vmin.u32 v18, $0xFF;
	v5 =	vmul.f32 v14, v5  }
0x320: {  	v7 =	vmul.f32 v11, v7;
	v14 =	vld [tilespmem:s31+$0x6100];
	v20 =	vmin.u32 v20, $0xFF  }
0x321: {  	v11 =	vmul.f32 $2.550000000e+02, v2;
	v8 =	vmul.f32 v17, v8;
	[tilespmem:s24+$0x12D20] =	vst v5;
	v5 =	vld [tilespmem:s24+$0x6D50]  }
0x322: {  	v15 =	vmul.f32 v19, v15;
	[tilespmem:s25+$0x12930] =	vst v7;
	v7 =	vmul.f32 $2.550000000e+02, v6;
	v12 =	vld.idx.msk [tilespmem:v12+s5+$0x0], $0xffff  }
0x323: {  	v11 =	vadd.f32 $8.388608000e+06, v11;
	[tilespmem:s26+$0x12540] =	vst v8;
	v8 =	vmul.f32 $2.550000000e+02, v10;
	v13 =	vld.idx.msk [tilespmem:v13+s5+$0x0], $0xffff  }
0x324: {  	[tilespmem:s28+$0x12150] =	vst v15;
	v15 =	vmul.f32 $2.550000000e+02, v21;
	v17 =	vld.idx.msk [tilespmem:v18+s5+$0x0], $0xffff;
	v7 =	vadd.f32 $8.388608000e+06, v7  }
0x325: {  	v11 =	vadd.s32 $0xB5000000, v11;
	v18 =	vmul.f32 $2.550000000e+02, v14;
	v19 =	vld.idx.msk [tilespmem:v20+s5+$0x0], $0xffff;
	v8 =	vadd.f32 $8.388608000e+06, v8  }
0x326: {  	v11 =	vmin.u32 v11, $0xFF;
	v15 =	vadd.f32 $8.388608000e+06, v15;
	v7 =	vadd.s32 $0xB5000000, v7;
	v20 =	vld [tilespmem:s25+$0x6960]  }
0x327: {  	v18 =	vadd.f32 $8.388608000e+06, v18;
	v8 =	vadd.s32 $0xB5000000, v8;
	v22 =	vld [tilespmem:s26+$0x6570];
	v7 =	vmin.u32 v7, $0xFF  }
0x328: {  	v12 =	vmul.f32 v12, v3;
	v15 =	vadd.s32 $0xB5000000, v15;
	v23 =	vld [tilespmem:s28+$0x6500];
	v8 =	vmin.u32 v8, $0xFF  }
0x329: {  	v4 =	vmul.f32 v13, v4;
	v3 =	vadd.s32 $0xB5000000, v18;
	v18 =	vld [tilespmem:s31+$0x6110];
	v15 =	vmin.u32 v15, $0xFF  }
0x32a: {  	v9 =	vmul.f32 v17, v9;
	v13 =	vmin.u32 v3, $0xFF;
	v3 =	vld [tilespmem:s25+$0x6970];
	[tilespmem:s24+$0x12D30] =	vst v12;
	v12 =	vmul.f32 $2.550000000e+02, v5  }
0x32b: {  	v16 =	vmul.f32 v19, v16;
	[tilespmem:s25+$0x12940] =	vst v4;
	v4 =	vmul.f32 $2.550000000e+02, v20;
	v11 =	vld.idx.msk [tilespmem:v11+s5+$0x0], $0xffff  }
0x32c: {  	[tilespmem:s26+$0x12550] =	vst v9;
	v9 =	vmul.f32 $2.550000000e+02, v22;
	v7 =	vld.idx.msk [tilespmem:v7+s5+$0x0], $0xffff;
	v12 =	vadd.f32 $8.388608000e+06, v12  }
0x32d: {  	[tilespmem:s28+$0x12160] =	vst v16;
	v16 =	vmul.f32 $2.550000000e+02, v23;
	v8 =	vld.idx.msk [tilespmem:v8+s5+$0x0], $0xffff;
	v4 =	vadd.f32 $8.388608000e+06, v4  }
0x32e: {  	v17 =	vmul.f32 $2.550000000e+02, v18;
	v15 =	vld.idx.msk [tilespmem:v15+s5+$0x0], $0xffff;
	v9 =	vadd.f32 $8.388608000e+06, v9;
	v12 =	vadd.s32 $0xB5000000, v12  }
0x32f: {  	v13 =	vld.idx.msk [tilespmem:v13+s5+$0x0], $0xffff;
	v16 =	vadd.f32 $8.388608000e+06, v16;
	v4 =	vadd.s32 $0xB5000000, v4;
	v12 =	vmin.u32 v12, $0xFF  }
0x330: {  	v17 =	vadd.f32 $8.388608000e+06, v17;
	v9 =	vadd.s32 $0xB5000000, v9;
	v19 =	vld [tilespmem:s26+$0x6900];
	v4 =	vmin.u32 v4, $0xFF  }
0x331: {  	v11 =	vmul.f32 v11, v2;
	v16 =	vadd.s32 $0xB5000000, v16;
	v24 =	vld [tilespmem:s28+$0x6510];
	v9 =	vmin.u32 v9, $0xFF  }
0x332: {  	v6 =	vmul.f32 v7, v6;
	v2 =	vadd.s32 $0xB5000000, v17;
	v17 =	vld [tilespmem:s31+$0x6120];
	v16 =	vmin.u32 v16, $0xFF  }
0x333: {  	v8 =	vmul.f32 v8, v10;
	v10 =	vmul.f32 $2.550000000e+02, v1;
	v7 =	vmin.u32 v2, $0xFF;
	v2 =	vld [tilespmem:s25+$0x6D00];
	[tilespmem:s24+$0x12D40] =	vst v11  }
0x334: {  	v11 =	vmul.f32 v15, v21;
	[tilespmem:s25+$0x12950] =	vst v6;
	v6 =	vmul.f32 $2.550000000e+02, v3;
	v12 =	vld.idx.msk [tilespmem:v12+s5+$0x0], $0xffff  }
0x335: {  	v13 =	vmul.f32 v13, v14;
	v10 =	vadd.f32 $8.388608000e+06, v10;
	[tilespmem:s26+$0x12560] =	vst v8;
	v8 =	vmul.f32 $2.550000000e+02, v19;
	v4 =	vld.idx.msk [tilespmem:v4+s5+$0x0], $0xffff  }
0x336: {  	[tilespmem:s28+$0x12170] =	vst v11;
	v11 =	vmul.f32 $2.550000000e+02, v24;
	v9 =	vld.idx.msk [tilespmem:v9+s5+$0x0], $0xffff;
	v6 =	vadd.f32 $8.388608000e+06, v6  }
0x337: {  	v10 =	vadd.s32 $0xB5000000, v10;
	[tilespmem:s31+$0x12100] =	vst v13;
	v13 =	vmul.f32 $2.550000000e+02, v17;
	v14 =	vld.idx.msk [tilespmem:v16+s5+$0x0], $0xffff;
	v8 =	vadd.f32 $8.388608000e+06, v8  }
0x338: {  	v10 =	vmin.u32 v10, $0xFF;
	v7 =	vld.idx.msk [tilespmem:v7+s5+$0x0], $0xffff;
	v11 =	vadd.f32 $8.388608000e+06, v11;
	v6 =	vadd.s32 $0xB5000000, v6  }
0x339: {  	v13 =	vadd.f32 $8.388608000e+06, v13;
	v8 =	vadd.s32 $0xB5000000, v8;
	v16 =	vld [tilespmem:s26+$0x6910];
	v15 =	vmin.u32 v6, $0xFF  }
0x33a: {  	v5 =	vmul.f32 v12, v5;
	v6 =	vadd.s32 $0xB5000000, v11;
	v11 =	vld [tilespmem:s28+$0x6520];
	v8 =	vmin.u32 v8, $0xFF  }
0x33b: {  	v4 =	vmul.f32 v4, v20;
	v12 =	vadd.s32 $0xB5000000, v13;
	v13 =	vld [tilespmem:s31+$0x6130];
	v21 =	vmin.u32 v6, $0xFF  }
0x33c: {  	v9 =	vmul.f32 v9, v22;
	v12 =	vmin.u32 v12, $0xFF;
	v6 =	vld [tilespmem:s25+$0x6D10];
	[tilespmem:s24+$0x12D50] =	vst v5;
	v5 =	vmul.f32 $2.550000000e+02, v0  }
0x33d: {  	v14 =	vmul.f32 v14, v23;
	[tilespmem:s25+$0x12960] =	vst v4;
	v4 =	vmul.f32 $2.550000000e+02, v2;
	v10 =	vld.idx.msk [tilespmem:v10+s5+$0x0], $0xffff  }
0x33e: {  	v7 =	vmul.f32 v7, v18;
	[tilespmem:s26+$0x12570] =	vst v9;
	v9 =	vmul.f32 $2.550000000e+02, v16;
	v15 =	vld.idx.msk [tilespmem:v15+s5+$0x0], $0xffff;
	v5 =	vadd.f32 $8.388608000e+06, v5  }
0x33f: {  	[tilespmem:s28+$0x12500] =	vst v14;
	v14 =	vmul.f32 $2.550000000e+02, v11;
	v8 =	vld.idx.msk [tilespmem:v8+s5+$0x0], $0xffff;
	v4 =	vadd.f32 $8.388608000e+06, v4  }
0x340: {  	[tilespmem:s31+$0x12110] =	vst v7;
	v7 =	vmul.f32 $2.550000000e+02, v13;
	v18 =	vld.idx.msk [tilespmem:v21+s5+$0x0], $0xffff;
	v9 =	vadd.f32 $8.388608000e+06, v9;
	v5 =	vadd.s32 $0xB5000000, v5  }
0x341: {  	v12 =	vld.idx.msk [tilespmem:v12+s5+$0x0], $0xffff;
	v14 =	vadd.f32 $8.388608000e+06, v14;
	v4 =	vadd.s32 $0xB5000000, v4;
	v20 =	vmin.u32 v5, $0xFF  }
0x342: {  	v5 =	vadd.f32 $8.388608000e+06, v7;
	v7 =	vadd.s32 $0xB5000000, v9;
	v21 =	vld [tilespmem:s26+$0x6920];
	v4 =	vmin.u32 v4, $0xFF  }
0x343: {  	v1 =	vmul.f32 v10, v1;
	v9 =	vadd.s32 $0xB5000000, v14;
	v14 =	vld [tilespmem:s28+$0x6530];
	v7 =	vmin.u32 v7, $0xFF  }
0x344: {  	v3 =	vmul.f32 v15, v3;
	v5 =	vadd.s32 $0xB5000000, v5;
	v10 =	vld [tilespmem:s31+$0x6140];
	v9 =	vmin.u32 v9, $0xFF  }
0x345: {  	v8 =	vmul.f32 v8, v19;
	v15 =	vmin.u32 v5, $0xFF;
	v5 =	vld [tilespmem:s25+$0x6D20];
	[tilespmem:s24+$0x12D60] =	vst v1  }
0x346: {  	v1 =	vmul.f32 v18, v24;
	[tilespmem:s25+$0x12970] =	vst v3;
	v3 =	vmul.f32 $2.550000000e+02, v6;
	v18 =	vld.idx.msk [tilespmem:v20+s5+$0x0], $0xffff  }
0x347: {  	v12 =	vmul.f32 v12, v17;
	[tilespmem:s26+$0x12900] =	vst v8;
	v8 =	vmul.f32 $2.550000000e+02, v21;
	v4 =	vld.idx.msk [tilespmem:v4+s5+$0x0], $0xffff  }
0x348: {  	[tilespmem:s28+$0x12510] =	vst v1;
	v1 =	vmul.f32 $2.550000000e+02, v14;
	v17 =	vld.idx.msk [tilespmem:v7+s5+$0x0], $0xffff;
	v3 =	vadd.f32 $8.388608000e+06, v3  }
0x349: {  	[tilespmem:s31+$0x12120] =	vst v12;
	v7 =	vmul.f32 $2.550000000e+02, v10;
	v9 =	vld.idx.msk [tilespmem:v9+s5+$0x0], $0xffff;
	v8 =	vadd.f32 $8.388608000e+06, v8  }
0x34a: {  	v12 =	vld.idx.msk [tilespmem:v15+s5+$0x0], $0xffff;
	v1 =	vadd.f32 $8.388608000e+06, v1;
	v3 =	vadd.s32 $0xB5000000, v3  }
0x34b: {  	v15 =	vadd.f32 $8.388608000e+06, v7;
	v19 =	vadd.s32 $0xB5000000, v8;
	v7 =	vld [tilespmem:s26+$0x6930];
	v20 =	vmin.u32 v3, $0xFF  }
0x34c: {  	v3 =	vmul.f32 v18, v0;
	v1 =	vadd.s32 $0xB5000000, v1;
	v8 =	vld [tilespmem:s28+$0x6540];
	v19 =	vmin.u32 v19, $0xFF  }
0x34d: {  	v2 =	vmul.f32 v4, v2;
	v0 =	vadd.s32 $0xB5000000, v15;
	v15 =	vld [tilespmem:s31+$0x6150];
	v1 =	vmin.u32 v1, $0xFF  }
0x34e: {  	v16 =	vmul.f32 v17, v16;
	v4 =	vmin.u32 v0, $0xFF;
	v0 =	vld [tilespmem:s25+$0x6D70];
	[tilespmem:s24+$0x12D70] =	vst v3;
	s24 =	smov.u32 s25;
	s25 =	smov.u32 s26;
	s26 =	smov.u32 s28  }
0x34f: {  	v9 =	vmul.f32 v9, v11;
	s28 =	smov.u32 s31;
	[tilespmem:s24+$0x12D00] =	vst v2;
	v2 =	vmul.f32 $2.550000000e+02, v5;
	v3 =	vld [tilespmem:s24+$0x6D30]  }
0x350: {  	v11 =	vmul.f32 v12, v13;
	[tilespmem:s25+$0x12910] =	vst v16;
	v12 =	vmul.f32 $2.550000000e+02, v7;
	v13 =	vld.idx.msk [tilespmem:v20+s5+$0x0], $0xffff  }
0x351: {  	[tilespmem:s26+$0x12520] =	vst v9;
	v9 =	vmul.f32 $2.550000000e+02, v8;
	v17 =	vld.idx.msk [tilespmem:v19+s5+$0x0], $0xffff;
	v2 =	vadd.f32 $8.388608000e+06, v2  }
0x352: {  	[tilespmem:s28+$0x12130] =	vst v11;
	v11 =	vmul.f32 $2.550000000e+02, v15;
	v18 =	vld.idx.msk [tilespmem:v1+s5+$0x0], $0xffff;
	v1 =	vadd.f32 $8.388608000e+06, v12  }
0x353: {  	v12 =	vld.idx.msk [tilespmem:v4+s5+$0x0], $0xffff;
	v9 =	vadd.f32 $8.388608000e+06, v9;
	v2 =	vadd.s32 $0xB5000000, v2  }
0x354: {  	v11 =	vadd.f32 $8.388608000e+06, v11;
	v1 =	vadd.s32 $0xB5000000, v1;
	v4 =	vld [tilespmem:s25+$0x6940];
	v19 =	vmin.u32 v2, $0xFF  }
0x355: {  	v2 =	vadd.s32 $0xB5000000, v9;
	v9 =	vld [tilespmem:s26+$0x6550];
	v20 =	vmin.u32 v1, $0xFF  }
0x356: {  	v1 =	vadd.s32 $0xB5000000, v11;
	v16 =	vld [tilespmem:s28+$0x6160];
	v22 =	vmin.u32 v2, $0xFF;
	v2 =	vmul.f32 v13, v6  }
0x357: {  	v11 =	vmul.f32 v17, v21;
	v6 =	vmin.u32 v1, $0xFF;
	v1 =	vld [tilespmem:s24+$0x6D60]  }
0x358: {  	v17 =	vmul.f32 $2.550000000e+02, v3;
	v13 =	vmul.f32 v18, v14;
	[tilespmem:s24+$0x12D10] =	vst v2;
	v2 =	vld [tilespmem:s24+$0x6D40]  }
0x359: {  	v10 =	vmul.f32 v12, v10;
	[tilespmem:s25+$0x12920] =	vst v11;
	v12 =	vmul.f32 $2.550000000e+02, v4;
	v14 =	vld.idx.msk [tilespmem:v19+s5+$0x0], $0xffff  }
.Ltmp1:
0x35a: {  	v18 =	vadd.f32 $8.388608000e+06, v17;
	[tilespmem:s26+$0x12530] =	vst v13;
	v13 =	vmul.f32 $2.550000000e+02, v9;
	v11 =	vld.idx.msk [tilespmem:v20+s5+$0x0], $0xffff;
	(pc) =	sbr.rel @p1 .LBB2_5-.Ltmp1, $4  }
0x35b: {  	[tilespmem:s28+$0x12140] =	vst v10;
	v10 =	vmul.f32 $2.550000000e+02, v16;
	v17 =	vld.idx.msk [tilespmem:v22+s5+$0x0], $0xffff;
	v12 =	vadd.f32 $8.388608000e+06, v12  }
0x35c: {  	v18 =	vadd.s32 $0xB5000000, v18;
	v19 =	vld.idx.msk [tilespmem:v6+s5+$0x0], $0xffff;
	v13 =	vadd.f32 $8.388608000e+06, v13  }
0x35d: {  	s29 =	sadd.s32 $0x80, s29;
	v20 =	vadd.f32 $8.388608000e+06, v10;
	v21 =	vadd.s32 $0xB5000000, v12;
	v6 =	vld [tilespmem:s25+$0x6950];
	v12 =	vmin.u32 v18, $0xFF  }
0x35e: {  	s2 =	sand.u32 $0x380, s29;
	s31 =	sand.u32 $0x7000, s30;
	s30 =	sadd.s32 $0x200, s30;
	v18 =	vadd.s32 $0xB5000000, v13;
	v10 =	vld [tilespmem:s26+$0x6560];
	v13 =	vmin.u32 v21, $0xFF  }
0x35f: {  	s29 =	sor.u32 s2, s31  }
0x360: {  	v21 =	vld [tilespmem:s29+$0x6100];
	_ =	sdelay $0x4  }
0x361: {  	v22 =	vmul.f32 $2.550000000e+02, v21;
	_ =	sdelay $0x1  }
0x362: {  	v22 =	vadd.f32 $8.388608000e+06, v22  }
0x363: {  	v23 =	vld [tilespmem:s29+$0x6110]  }
0x364: {  	v22 =	vadd.s32 $0xB5000000, v22  }
0x365: {  	v22 =	vmin.u32 v22, $0xFF;
	_ =	sdelay $0x2  }
0x366: {  	v24 =	vmul.f32 $2.550000000e+02, v23;
	_ =	sdelay $0x1  }
0x367: {  	v24 =	vadd.f32 $8.388608000e+06, v24;
	v22 =	vld.idx.msk [tilespmem:v22+s5+$0x0], $0xffff  }
0x368: {  	v25 =	vld [tilespmem:s29+$0x6120]  }
0x369: {  	v24 =	vadd.s32 $0xB5000000, v24  }
0x36a: {  	v24 =	vmin.u32 v24, $0xFF;
	_ =	sdelay $0x1  }
0x36b: {  	v21 =	vmul.f32 v22, v21  }
0x36c: {  	v52 =	vmul.f32 $2.550000000e+02, v25  }
0x36d: {  	[tilespmem:s29+$0x12100] =	vst v21  }
0x36e: {  	v22 =	vadd.f32 $8.388608000e+06, v52;
	v21 =	vld.idx.msk [tilespmem:v24+s5+$0x0], $0xffff  }
0x36f: {  	v53 =	vld [tilespmem:s29+$0x6130]  }
0x370: {  	v22 =	vadd.s32 $0xB5000000, v22  }
0x371: {  	v22 =	vmin.u32 v22, $0xFF;
	_ =	sdelay $0x1  }
0x372: {  	v21 =	vmul.f32 v21, v23  }
0x373: {  	v54 =	vmul.f32 $2.550000000e+02, v53  }
0x374: {  	[tilespmem:s29+$0x12110] =	vst v21  }
0x375: {  	v55 =	vadd.f32 $8.388608000e+06, v54;
	v21 =	vld.idx.msk [tilespmem:v22+s5+$0x0], $0xffff  }
0x376: {  	v56 =	vld [tilespmem:s29+$0x6140]  }
0x377: {  	v22 =	vadd.s32 $0xB5000000, v55  }
0x378: {  	v22 =	vmin.u32 v22, $0xFF;
	_ =	sdelay $0x1  }
0x379: {  	v21 =	vmul.f32 v21, v25  }
0x37a: {  	v57 =	vmul.f32 $2.550000000e+02, v56  }
0x37b: {  	[tilespmem:s29+$0x12120] =	vst v21  }
0x37c: {  	v58 =	vadd.f32 $8.388608000e+06, v57;
	v21 =	vld.idx.msk [tilespmem:v22+s5+$0x0], $0xffff  }
0x37d: {  	v59 =	vld [tilespmem:s29+$0x6150]  }
0x37e: {  	v22 =	vadd.s32 $0xB5000000, v58  }
0x37f: {  	v22 =	vmin.u32 v22, $0xFF;
	_ =	sdelay $0x1  }
0x380: {  	v21 =	vmul.f32 v21, v53  }
0x381: {  	v60 =	vmul.f32 $2.550000000e+02, v59  }
0x382: {  	[tilespmem:s29+$0x12130] =	vst v21  }
0x383: {  	v61 =	vadd.f32 $8.388608000e+06, v60;
	v21 =	vld.idx.msk [tilespmem:v22+s5+$0x0], $0xffff  }
0x384: {  	v62 =	vld [tilespmem:s29+$0x6160]  }
0x385: {  	v22 =	vadd.s32 $0xB5000000, v61  }
0x386: {  	v22 =	vmin.u32 v22, $0xFF;
	_ =	sdelay $0x1  }
0x387: {  	v21 =	vmul.f32 v21, v56  }
0x388: {  	v63 =	vmul.f32 $2.550000000e+02, v62  }
0x389: {  	v26 =	vld [tilespmem:s28+$0x6170];
	[tilespmem:s29+$0x12140] =	vst v21  }
0x38a: {  	v20 =	vadd.s32 $0xB5000000, v20;
	v27 =	vadd.f32 $8.388608000e+06, v63;
	v21 =	vld.idx.msk [tilespmem:v22+s5+$0x0], $0xffff  }
0x38b: {  	v20 =	vmin.u32 v20, $0xFF;
	v28 =	vld [tilespmem:s29+$0x6170]  }
0x38c: {  	v22 =	vadd.s32 $0xB5000000, v27  }
0x38d: {  	v15 =	vmul.f32 v19, v15;
	v29 =	vmin.u32 v22, $0xFF  }
0x38e: {  	v30 =	vmul.f32 $2.550000000e+02, v26  }
0x38f: {  	[tilespmem:s28+$0x12150] =	vst v15;
	v31 =	vmul.f32 v21, v59  }
0x390: {  	v20 =	vld.idx.msk [tilespmem:v20+s5+$0x0], $0xffff;
	v33 =	vmul.f32 $2.550000000e+02, v28;
	v32 =	vadd.f32 $8.388608000e+06, v30  }
0x391: {  	v34 =	vld [tilespmem:s28+$0x6500];
	[tilespmem:s29+$0x12150] =	vst v31  }
0x392: {  	v36 =	vadd.f32 $8.388608000e+06, v33;
	v35 =	vadd.s32 $0xB5000000, v32;
	v19 =	vld.idx.msk [tilespmem:v29+s5+$0x0], $0xffff  }
0x393: {  	v37 =	vld [tilespmem:s29+$0x6500];
	v15 =	vmin.u32 v35, $0xFF  }
0x394: {  	v21 =	vadd.s32 $0xB5000000, v36  }
0x395: {  	v16 =	vmul.f32 v20, v16;
	v38 =	vmin.u32 v21, $0xFF  }
0x396: {  	v39 =	vmul.f32 $2.550000000e+02, v34  }
0x397: {  	[tilespmem:s28+$0x12160] =	vst v16;
	v40 =	vmul.f32 v19, v62  }
0x398: {  	v42 =	vmul.f32 $2.550000000e+02, v37;
	v41 =	vadd.f32 $8.388608000e+06, v39;
	v15 =	vld.idx.msk [tilespmem:v15+s5+$0x0], $0xffff  }
0x399: {  	v43 =	vld [tilespmem:s28+$0x6510];
	[tilespmem:s29+$0x12160] =	vst v40  }
0x39a: {  	v46 =	vadd.f32 $8.388608000e+06, v42;
	v44 =	vadd.s32 $0xB5000000, v41;
	v45 =	vld.idx.msk [tilespmem:v38+s5+$0x0], $0xffff  }
0x39b: {  	v47 =	vld [tilespmem:s29+$0x6510];
	v16 =	vmin.u32 v44, $0xFF  }
0x39c: {  	v20 =	vadd.s32 $0xB5000000, v46  }
0x39d: {  	v20 =	vmin.u32 v20, $0xFF;
	v15 =	vmul.f32 v15, v26  }
0x39e: {  	v48 =	vmul.f32 $2.550000000e+02, v43  }
0x39f: {  	[tilespmem:s28+$0x12170] =	vst v15;
	v49 =	vmul.f32 v45, v28  }
0x3a0: {  	v51 =	vmul.f32 $2.550000000e+02, v47;
	v50 =	vadd.f32 $8.388608000e+06, v48;
	v16 =	vld.idx.msk [tilespmem:v16+s5+$0x0], $0xffff  }
0x3a1: {  	v52 =	vld [tilespmem:s28+$0x6520];
	[tilespmem:s29+$0x12170] =	vst v49  }
0x3a2: {  	v55 =	vadd.f32 $8.388608000e+06, v51;
	v53 =	vadd.s32 $0xB5000000, v50;
	v54 =	vld.idx.msk [tilespmem:v20+s5+$0x0], $0xffff  }
0x3a3: {  	v15 =	vmin.u32 v53, $0xFF;
	v56 =	vld [tilespmem:s29+$0x6520]  }
0x3a4: {  	v20 =	vadd.s32 $0xB5000000, v55  }
0x3a5: {  	v16 =	vmul.f32 v16, v34;
	v20 =	vmin.u32 v20, $0xFF  }
0x3a6: {  	v57 =	vmul.f32 $2.550000000e+02, v52  }
0x3a7: {  	[tilespmem:s28+$0x12500] =	vst v16;
	v58 =	vmul.f32 v54, v37  }
0x3a8: {  	v15 =	vld.idx.msk [tilespmem:v15+s5+$0x0], $0xffff;
	v60 =	vmul.f32 $2.550000000e+02, v56;
	v59 =	vadd.f32 $8.388608000e+06, v57  }
0x3a9: {  	v61 =	vld [tilespmem:s28+$0x6530];
	[tilespmem:s29+$0x12500] =	vst v58  }
0x3aa: {  	v62 =	vadd.s32 $0xB5000000, v59;
	v28 =	vadd.f32 $8.388608000e+06, v60;
	v63 =	vld.idx.msk [tilespmem:v20+s5+$0x0], $0xffff  }
0x3ab: {  	v29 =	vld [tilespmem:s29+$0x6530];
	v16 =	vmin.u32 v62, $0xFF  }
0x3ac: {  	v20 =	vadd.s32 $0xB5000000, v28  }
0x3ad: {  	v15 =	vmul.f32 v15, v43;
	v20 =	vmin.u32 v20, $0xFF  }
0x3ae: {  	v30 =	vmul.f32 $2.550000000e+02, v61  }
0x3af: {  	[tilespmem:s28+$0x12510] =	vst v15;
	v31 =	vmul.f32 v63, v47  }
0x3b0: {  	v32 =	vadd.f32 $8.388608000e+06, v30;
	v33 =	vmul.f32 $2.550000000e+02, v29;
	v16 =	vld.idx.msk [tilespmem:v16+s5+$0x0], $0xffff  }
0x3b1: {  	v34 =	vld [tilespmem:s28+$0x6540];
	[tilespmem:s29+$0x12510] =	vst v31  }
0x3b2: {  	v35 =	vadd.s32 $0xB5000000, v32;
	v37 =	vadd.f32 $8.388608000e+06, v33;
	v36 =	vld.idx.msk [tilespmem:v20+s5+$0x0], $0xffff  }
0x3b3: {  	v15 =	vmin.u32 v35, $0xFF;
	v38 =	vld [tilespmem:s29+$0x6540]  }
0x3b4: {  	v20 =	vadd.s32 $0xB5000000, v37  }
0x3b5: {  	v16 =	vmul.f32 v16, v52;
	v20 =	vmin.u32 v20, $0xFF  }
0x3b6: {  	v39 =	vmul.f32 $2.550000000e+02, v34  }
0x3b7: {  	[tilespmem:s28+$0x12520] =	vst v16;
	v40 =	vmul.f32 v36, v56  }
0x3b8: {  	v41 =	vadd.f32 $8.388608000e+06, v39;
	v42 =	vmul.f32 $2.550000000e+02, v38;
	v15 =	vld.idx.msk [tilespmem:v15+s5+$0x0], $0xffff  }
0x3b9: {  	v43 =	vld [tilespmem:s28+$0x6550];
	[tilespmem:s29+$0x12520] =	vst v40  }
0x3ba: {  	v44 =	vadd.s32 $0xB5000000, v41;
	v46 =	vadd.f32 $8.388608000e+06, v42;
	v45 =	vld.idx.msk [tilespmem:v20+s5+$0x0], $0xffff  }
0x3bb: {  	v16 =	vmin.u32 v44, $0xFF;
	v47 =	vld [tilespmem:s29+$0x6550]  }
0x3bc: {  	v20 =	vadd.s32 $0xB5000000, v46  }
0x3bd: {  	v15 =	vmul.f32 v15, v61;
	v20 =	vmin.u32 v20, $0xFF  }
0x3be: {  	v48 =	vmul.f32 $2.550000000e+02, v43  }
0x3bf: {  	v18 =	vmin.u32 v18, $0xFF;
	[tilespmem:s28+$0x12530] =	vst v15;
	v49 =	vmul.f32 v45, v29  }
0x3c0: {  	v50 =	vadd.f32 $8.388608000e+06, v48;
	v16 =	vld.idx.msk [tilespmem:v16+s5+$0x0], $0xffff;
	v51 =	vmul.f32 $2.550000000e+02, v47  }
0x3c1: {  	v8 =	vmul.f32 v17, v8;
	v52 =	vld [tilespmem:s28+$0x6560];
	[tilespmem:s29+$0x12530] =	vst v49  }
0x3c2: {  	v53 =	vmul.f32 $2.550000000e+02, v10;
	v19 =	vadd.s32 $0xB5000000, v50;
	v22 =	vadd.f32 $8.388608000e+06, v51;
	v20 =	vld.idx.msk [tilespmem:v20+s5+$0x0], $0xffff  }
0x3c3: {  	[tilespmem:s26+$0x12540] =	vst v8;
	v55 =	vld [tilespmem:s29+$0x6560];
	v54 =	vmin.u32 v19, $0xFF  }
0x3c4: {  	v18 =	vld.idx.msk [tilespmem:v18+s5+$0x0], $0xffff;
	v15 =	vadd.f32 $8.388608000e+06, v53;
	v22 =	vadd.s32 $0xB5000000, v22  }
0x3c5: {  	v16 =	vmul.f32 v16, v34;
	v56 =	vld [tilespmem:s26+$0x6570];
	v22 =	vmin.u32 v22, $0xFF  }
0x3c6: {  	v57 =	vmul.f32 $2.550000000e+02, v52;
	v15 =	vadd.s32 $0xB5000000, v15  }
0x3c7: {  	v15 =	vmin.u32 v15, $0xFF;
	[tilespmem:s28+$0x12540] =	vst v16;
	v58 =	vmul.f32 v20, v38  }
0x3c8: {  	v60 =	vmul.f32 $2.550000000e+02, v55;
	v59 =	vadd.f32 $8.388608000e+06, v57;
	v8 =	vld.idx.msk [tilespmem:v54+s5+$0x0], $0xffff  }
0x3c9: {  	v9 =	vmul.f32 v18, v9;
	v61 =	vld [tilespmem:s28+$0x6570];
	[tilespmem:s29+$0x12540] =	vst v58  }
0x3ca: {  	v21 =	vadd.f32 $8.388608000e+06, v60;
	v62 =	vmul.f32 $2.550000000e+02, v56;
	v20 =	vadd.s32 $0xB5000000, v59;
	v22 =	vld.idx.msk [tilespmem:v22+s5+$0x0], $0xffff  }
0x3cb: {  	[tilespmem:s26+$0x12550] =	vst v9;
	v28 =	vld [tilespmem:s29+$0x6570];
	v63 =	vmin.u32 v20, $0xFF  }
0x3cc: {  	v21 =	vadd.s32 $0xB5000000, v21;
	v15 =	vld.idx.msk [tilespmem:v15+s5+$0x0], $0xffff;
	v16 =	vadd.f32 $8.388608000e+06, v62  }
0x3cd: {  	v21 =	vmin.u32 v21, $0xFF;
	v8 =	vmul.f32 v8, v43;
	v29 =	vld [tilespmem:s26+$0x6900]  }
0x3ce: {  	v30 =	vmul.f32 $2.550000000e+02, v61;
	v16 =	vadd.s32 $0xB5000000, v16  }
0x3cf: {  	[tilespmem:s28+$0x12550] =	vst v8;
	v16 =	vmin.u32 v16, $0xFF;
	v31 =	vmul.f32 v22, v47  }
0x3d0: {  	v33 =	vmul.f32 $2.550000000e+02, v28;
	v32 =	vadd.f32 $8.388608000e+06, v30;
	v9 =	vld.idx.msk [tilespmem:v63+s5+$0x0], $0xffff  }
0x3d1: {  	v35 =	vld [tilespmem:s28+$0x6900];
	v34 =	vmul.f32 v15, v10;
	[tilespmem:s29+$0x12550] =	vst v31  }
0x3d2: {  	v23 =	vadd.f32 $8.388608000e+06, v33;
	v36 =	vmul.f32 $2.550000000e+02, v29;
	v22 =	vadd.s32 $0xB5000000, v32;
	v21 =	vld.idx.msk [tilespmem:v21+s5+$0x0], $0xffff  }
0x3d3: {  	[tilespmem:s26+$0x12560] =	vst v34;
	v38 =	vld [tilespmem:s29+$0x6900];
	v37 =	vmin.u32 v22, $0xFF  }
0x3d4: {  	v40 =	vadd.s32 $0xB5000000, v23;
	v39 =	vld.idx.msk [tilespmem:v16+s5+$0x0], $0xffff;
	v8 =	vadd.f32 $8.388608000e+06, v36  }
0x3d5: {  	v41 =	vld [tilespmem:s26+$0x6910];
	v16 =	vmin.u32 v40, $0xFF;
	v9 =	vmul.f32 v9, v52  }
0x3d6: {  	v42 =	vmul.f32 $2.550000000e+02, v35;
	v8 =	vadd.s32 $0xB5000000, v8  }
0x3d7: {  	v8 =	vmin.u32 v8, $0xFF;
	[tilespmem:s28+$0x12560] =	vst v9;
	v43 =	vmul.f32 v21, v55  }
0x3d8: {  	v17 =	vadd.f32 $8.388608000e+06, v42;
	v44 =	vmul.f32 $2.550000000e+02, v38;
	v10 =	vld.idx.msk [tilespmem:v37+s5+$0x0], $0xffff  }
0x3d9: {  	v5 =	vmul.f32 v14, v5;
	v45 =	vld [tilespmem:s28+$0x6910];
	v14 =	vmul.f32 v39, v56;
	[tilespmem:s29+$0x12560] =	vst v43  }
0x3da: {  	v17 =	vadd.s32 $0xB5000000, v17;
	v46 =	vmul.f32 $2.550000000e+02, v41;
	v19 =	vadd.f32 $8.388608000e+06, v44;
	v16 =	vld.idx.msk [tilespmem:v16+s5+$0x0], $0xffff  }
0x3db: {  	v48 =	vld [tilespmem:s29+$0x6910];
	[tilespmem:s26+$0x12570] =	vst v14;
	v47 =	vmin.u32 v17, $0xFF  }
0x3dc: {  	v7 =	vmul.f32 v11, v7;
	v8 =	vld.idx.msk [tilespmem:v8+s5+$0x0], $0xffff;
	v49 =	vadd.s32 $0xB5000000, v19;
	v9 =	vadd.f32 $8.388608000e+06, v46  }
0x3dd: {  	[tilespmem:s24+$0x12D20] =	vst v5;
	v50 =	vld [tilespmem:s26+$0x6920];
	v11 =	vmin.u32 v49, $0xFF;
	v10 =	vmul.f32 v10, v61  }
0x3de: {  	[tilespmem:s25+$0x12930] =	vst v7;
	v7 =	vld.idx.msk [tilespmem:v12+s5+$0x0], $0xffff;
	v51 =	vmul.f32 $2.550000000e+02, v45;
	v9 =	vadd.s32 $0xB5000000, v9  }
0x3df: {  	v57 =	vld [tilespmem:s29+$0x6920];
	v9 =	vmin.u32 v9, $0xFF;
	[tilespmem:s28+$0x12570] =	vst v10;
	v52 =	vmul.f32 v16, v28  }
0x3e0: {  	v53 =	vmul.f32 $2.550000000e+02, v48;
	v12 =	vadd.f32 $8.388608000e+06, v51;
	v14 =	vld.idx.msk [tilespmem:v47+s5+$0x0], $0xffff  }
0x3e1: {  	v54 =	vld [tilespmem:s28+$0x6920];
	v8 =	vmul.f32 v8, v29;
	[tilespmem:s29+$0x12570] =	vst v52  }
0x3e2: {  	v12 =	vadd.s32 $0xB5000000, v12;
	v55 =	vmul.f32 $2.550000000e+02, v50;
	v16 =	vadd.f32 $8.388608000e+06, v53;
	v11 =	vld.idx.msk [tilespmem:v11+s5+$0x0], $0xffff  }
0x3e3: {  	v59 =	vld [tilespmem:s26+$0x6930];
	v56 =	vmin.u32 v12, $0xFF;
	[tilespmem:s26+$0x12900] =	vst v8  }
0x3e4: {  	v9 =	vld.idx.msk [tilespmem:v9+s5+$0x0], $0xffff;
	v10 =	vadd.f32 $8.388608000e+06, v55;
	v16 =	vadd.s32 $0xB5000000, v16  }
0x3e5: {  	v13 =	vld.idx.msk [tilespmem:v13+s5+$0x0], $0xffff;
	v58 =	vmul.f32 $2.550000000e+02, v6;
	v14 =	vmul.f32 v14, v35;
	v60 =	vmin.u32 v16, $0xFF  }
0x3e6: {  	v34 =	vld [tilespmem:s29+$0x6930];
	v63 =	vmul.f32 $2.550000000e+02, v54;
	v10 =	vadd.s32 $0xB5000000, v10  }
0x3e7: {  	v62 =	vld [tilespmem:s25+$0x6960];
	v61 =	vadd.f32 $8.388608000e+06, v58;
	v10 =	vmin.u32 v10, $0xFF;
	[tilespmem:s28+$0x12900] =	vst v14;
	v11 =	vmul.f32 v11, v38  }
0x3e8: {  	v30 =	vmul.f32 $2.550000000e+02, v57;
	v29 =	vadd.f32 $8.388608000e+06, v63;
	v8 =	vld.idx.msk [tilespmem:v56+s5+$0x0], $0xffff  }
0x3e9: {  	v32 =	vmul.f32 $2.550000000e+02, v59;
	v31 =	vld [tilespmem:s28+$0x6930];
	v28 =	vadd.s32 $0xB5000000, v61;
	v9 =	vmul.f32 v9, v41;
	[tilespmem:s29+$0x12900] =	vst v11  }
0x3ea: {  	v22 =	vadd.f32 $8.388608000e+06, v30;
	v16 =	vadd.s32 $0xB5000000, v29;
	v14 =	vmin.u32 v28, $0xFF;
	v15 =	vld.idx.msk [tilespmem:v60+s5+$0x0], $0xffff  }
0x3eb: {  	v36 =	vld [tilespmem:s26+$0x6940];
	[tilespmem:s26+$0x12910] =	vst v9;
	v33 =	vmin.u32 v16, $0xFF  }
0x3ec: {  	v4 =	vmul.f32 v13, v4;
	v22 =	vadd.s32 $0xB5000000, v22;
	v10 =	vld.idx.msk [tilespmem:v10+s5+$0x0], $0xffff;
	v11 =	vadd.f32 $8.388608000e+06, v32  }
0x3ed: {  	v35 =	vmul.f32 $2.550000000e+02, v62;
	v38 =	vmin.u32 v22, $0xFF;
	v37 =	vmul.f32 v8, v45  }
0x3ee: {  	[tilespmem:s25+$0x12940] =	vst v4;
	v26 =	vld [tilespmem:s25+$0x6970];
	v40 =	vmul.f32 $2.550000000e+02, v31;
	v11 =	vadd.s32 $0xB5000000, v11  }
0x3ef: {  	v39 =	vadd.f32 $8.388608000e+06, v35;
	v14 =	vld.idx.msk [tilespmem:v14+s5+$0x0], $0xffff;
	v11 =	vmin.u32 v11, $0xFF;
	[tilespmem:s28+$0x12910] =	vst v37;
	v41 =	vmul.f32 v15, v48  }
0x3f0: {  	v44 =	vmul.f32 $2.550000000e+02, v34;
	v43 =	vadd.f32 $8.388608000e+06, v40;
	v13 =	vld.idx.msk [tilespmem:v33+s5+$0x0], $0xffff  }
0x3f1: {  	v46 =	vmul.f32 $2.550000000e+02, v36;
	v42 =	vadd.s32 $0xB5000000, v39;
	v10 =	vmul.f32 v10, v50;
	v45 =	vld [tilespmem:s28+$0x6940];
	[tilespmem:s29+$0x12910] =	vst v41  }
0x3f2: {  	v21 =	vadd.f32 $8.388608000e+06, v44;
	v17 =	vadd.s32 $0xB5000000, v43;
	v15 =	vmin.u32 v42, $0xFF;
	v8 =	vld.idx.msk [tilespmem:v38+s5+$0x0], $0xffff  }
0x3f3: {  	v49 =	vld [tilespmem:s29+$0x6940];
	[tilespmem:s26+$0x12920] =	vst v10;
	v48 =	vmin.u32 v17, $0xFF  }
0x3f4: {  	v4 =	vadd.f32 $8.388608000e+06, v46;
	v21 =	vadd.s32 $0xB5000000, v21;
	v47 =	vmul.f32 v14, v6;
	v11 =	vld.idx.msk [tilespmem:v11+s5+$0x0], $0xffff  }
0x3f5: {  	v51 =	vld [tilespmem:s26+$0x6950];
	v52 =	vmin.u32 v21, $0xFF;
	v50 =	vmul.f32 $2.550000000e+02, v26;
	v13 =	vmul.f32 v13, v54  }
0x3f6: {  	v58 =	vld [tilespmem:s28+$0x6950];
	v53 =	vadd.s32 $0xB5000000, v4;
	[tilespmem:s25+$0x12950] =	vst v47;
	v54 =	vmul.f32 $2.550000000e+02, v45  }
0x3f7: {  	v21 =	vmin.u32 v53, $0xFF;
	v17 =	vadd.f32 $8.388608000e+06, v50;
	v15 =	vld.idx.msk [tilespmem:v15+s5+$0x0], $0xffff;
	[tilespmem:s28+$0x12920] =	vst v13;
	v8 =	vmul.f32 v8, v57  }
0x3f8: {  	v56 =	vadd.f32 $8.388608000e+06, v54;
	v10 =	vld.idx.msk [tilespmem:v48+s5+$0x0], $0xffff;
	v57 =	vmul.f32 $2.550000000e+02, v49  }
0x3f9: {  	v9 =	vld [tilespmem:s25+$0x6D00];
	v55 =	vadd.s32 $0xB5000000, v17;
	v11 =	vmul.f32 v11, v59;
	[tilespmem:s29+$0x12920] =	vst v8  }
0x3fa: {  	v12 =	vmin.u32 v55, $0xFF;
	v13 =	vadd.s32 $0xB5000000, v56;
	v17 =	vadd.f32 $8.388608000e+06, v57;
	v18 =	vld.idx.msk [tilespmem:v52+s5+$0x0], $0xffff  }
0x3fb: {  	v61 =	vld [tilespmem:s29+$0x6950];
	v60 =	vmin.u32 v13, $0xFF;
	[tilespmem:s26+$0x12930] =	vst v11  }
0x3fc: {  	v59 =	vmul.f32 $2.550000000e+02, v51;
	v15 =	vmul.f32 v15, v62;
	v21 =	vld.idx.msk [tilespmem:v21+s5+$0x0], $0xffff;
	v17 =	vadd.s32 $0xB5000000, v17  }
0x3fd: {  	v10 =	vmul.f32 v10, v31;
	v17 =	vmin.u32 v17, $0xFF  }
0x3fe: {  	v63 =	vld [tilespmem:s26+$0x6960];
	v62 =	vmul.f32 $2.550000000e+02, v9;
	v8 =	vadd.f32 $8.388608000e+06, v59;
	[tilespmem:s25+$0x12960] =	vst v15  }
0x3ff: {  	v30 =	vmul.f32 $2.550000000e+02, v58;
	v12 =	vld.idx.msk [tilespmem:v12+s5+$0x0], $0xffff;
	[tilespmem:s28+$0x12930] =	vst v10;
	v31 =	vmul.f32 v18, v34  }
0x400: {  	v35 =	vmul.f32 $2.550000000e+02, v61;
	v20 =	vadd.f32 $8.388608000e+06, v62;
	v8 =	vadd.s32 $0xB5000000, v8;
	v33 =	vld.idx.msk [tilespmem:v60+s5+$0x0], $0xffff  }
0x401: {  	v8 =	vmin.u32 v8, $0xFF;
	v21 =	vmul.f32 v21, v36;
	v36 =	vld [tilespmem:s28+$0x6960];
	v34 =	vadd.f32 $8.388608000e+06, v30;
	[tilespmem:s29+$0x12930] =	vst v31  }
0x402: {  	v32 =	vadd.s32 $0xB5000000, v20;
	v20 =	vadd.f32 $8.388608000e+06, v35;
	v17 =	vld.idx.msk [tilespmem:v17+s5+$0x0], $0xffff  }
0x403: {  	v27 =	vld [tilespmem:s29+$0x6960];
	v11 =	vadd.s32 $0xB5000000, v34  }
0x404: {  	v37 =	vmul.f32 $2.550000000e+02, v63;
	v20 =	vadd.s32 $0xB5000000, v20;
	v39 =	vmin.u32 v11, $0xFF  }
0x405: {  	[tilespmem:s26+$0x12940] =	vst v21;
	v40 =	vmin.u32 v20, $0xFF;
	v12 =	vmul.f32 v12, v26  }
0x406: {  	v10 =	vadd.f32 $8.388608000e+06, v37;
	v8 =	vld.idx.msk [tilespmem:v8+s5+$0x0], $0xffff;
	v18 =	vmul.f32 v33, v45  }
0x407: {  	v24 =	vld [tilespmem:s26+$0x6970];
	[tilespmem:s25+$0x12970] =	vst v12;
	v41 =	vmul.f32 $2.550000000e+02, v36;
	v14 =	vmul.f32 v17, v49  }
0x408: {  	v43 =	vmul.f32 $2.550000000e+02, v27;
	v10 =	vadd.s32 $0xB5000000, v10;
	v12 =	vld [tilespmem:s28+$0x6970];
	[tilespmem:s28+$0x12940] =	vst v18  }
0x409: {  	v10 =	vmin.u32 v10, $0xFF;
	v20 =	vadd.f32 $8.388608000e+06, v41;
	v18 =	vld.idx.msk [tilespmem:v39+s5+$0x0], $0xffff;
	[tilespmem:s29+$0x12940] =	vst v14  }
0x40a: {  	v46 =	vadd.f32 $8.388608000e+06, v43;
	v19 =	vld.idx.msk [tilespmem:v40+s5+$0x0], $0xffff  }
0x40b: {  	v48 =	vld [tilespmem:s29+$0x6970];
	v6 =	vmul.f32 v8, v51;
	v45 =	vadd.s32 $0xB5000000, v20  }
0x40c: {  	v5 =	vld [tilespmem:s24+$0x6D50];
	v20 =	vadd.s32 $0xB5000000, v46;
	v47 =	vmin.u32 v45, $0xFF  }
0x40d: {  	v44 =	vmul.f32 $2.550000000e+02, v24;
	v4 =	vld [tilespmem:s25+$0x6D10];
	[tilespmem:s26+$0x12950] =	vst v6;
	v52 =	vmin.u32 v20, $0xFF  }
0x40e: {  	v3 =	vmul.f32 v7, v3;
	v10 =	vld.idx.msk [tilespmem:v10+s5+$0x0], $0xffff;
	v51 =	vmul.f32 v18, v58  }
0x40f: {  	v7 =	vld [tilespmem:s26+$0x6D00];
	v50 =	vadd.f32 $8.388608000e+06, v44;
	v55 =	vmul.f32 $2.550000000e+02, v12;
	v13 =	vmul.f32 v19, v61  }
0x410: {  	v38 =	vmul.f32 $2.550000000e+02, v2;
	v54 =	vld [tilespmem:s28+$0x6D00];
	v16 =	vmin.u32 v32, $0xFF;
	v58 =	vmul.f32 $2.550000000e+02, v48;
	[tilespmem:s28+$0x12950] =	vst v51  }
0x411: {  	v21 =	vadd.s32 $0xB5000000, v50;
	v57 =	vadd.f32 $8.388608000e+06, v55;
	v6 =	vld.idx.msk [tilespmem:v47+s5+$0x0], $0xffff;
	[tilespmem:s29+$0x12950] =	vst v13  }
0x412: {  	v25 =	vadd.f32 $8.388608000e+06, v38;
	v21 =	vmin.u32 v21, $0xFF;
	v61 =	vadd.f32 $8.388608000e+06, v58;
	v18 =	vld.idx.msk [tilespmem:v52+s5+$0x0], $0xffff  }
0x413: {  	v49 =	vmul.f32 $2.550000000e+02, v4;
	v60 =	vadd.s32 $0xB5000000, v57;
	v10 =	vmul.f32 v10, v63;
	v63 =	vld [tilespmem:s29+$0x6D00]  }
0x414: {  	v59 =	vmul.f32 $2.550000000e+02, v7;
	v15 =	vld [tilespmem:s26+$0x6D10];
	v62 =	vmin.u32 v60, $0xFF;
	v19 =	vadd.s32 $0xB5000000, v61  }
0x415: {  	v25 =	vadd.s32 $0xB5000000, v25;
	v16 =	vld.idx.msk [tilespmem:v16+s5+$0x0], $0xffff;
	v53 =	vadd.f32 $8.388608000e+06, v49;
	v19 =	vmin.u32 v19, $0xFF  }
0x416: {  	v42 =	vmin.u32 v25, $0xFF;
	v29 =	vadd.f32 $8.388608000e+06, v59;
	v11 =	vld [tilespmem:s25+$0x6D20];
	[tilespmem:s26+$0x12960] =	vst v10;
	v6 =	vmul.f32 v6, v36  }
0x417: {  	v30 =	vmul.f32 $2.550000000e+02, v54;
	v56 =	vadd.s32 $0xB5000000, v53;
	v28 =	vld.idx.msk [tilespmem:v21+s5+$0x0], $0xffff;
	v31 =	vmul.f32 v18, v27  }
0x418: {  	v17 =	vmin.u32 v56, $0xFF;
	v21 =	vld [tilespmem:s28+$0x6D10];
	v33 =	vmul.f32 $2.550000000e+02, v63;
	[tilespmem:s28+$0x12960] =	vst v6  }
0x419: {  	v32 =	vadd.f32 $8.388608000e+06, v30;
	v20 =	vadd.s32 $0xB5000000, v29;
	v10 =	vld.idx.msk [tilespmem:v62+s5+$0x0], $0xffff;
	[tilespmem:s29+$0x12960] =	vst v31  }
0x41a: {  	v9 =	vmul.f32 v16, v9;
	v20 =	vmin.u32 v20, $0xFF;
	v36 =	vadd.f32 $8.388608000e+06, v33;
	v35 =	vld.idx.msk [tilespmem:v19+s5+$0x0], $0xffff  }
0x41b: {  	[tilespmem:s24+$0x12D30] =	vst v3;
	v34 =	vadd.s32 $0xB5000000, v32;
	v39 =	vld [tilespmem:s29+$0x6D10]  }
0x41c: {  	v38 =	vmin.u32 v34, $0xFF;
	v8 =	vld.idx.msk [tilespmem:v42+s5+$0x0], $0xffff;
	[tilespmem:s25+$0x12D00] =	vst v9;
	v9 =	vmul.f32 v28, v24;
	v19 =	vadd.s32 $0xB5000000, v36  }
0x41d: {  	v37 =	vmul.f32 $2.550000000e+02, v15;
	v17 =	vld.idx.msk [tilespmem:v17+s5+$0x0], $0xffff;
	v19 =	vmin.u32 v19, $0xFF  }
0x41e: {  	v24 =	vld [tilespmem:s26+$0x6D20];
	[tilespmem:s26+$0x12970] =	vst v9;
	v10 =	vmul.f32 v10, v12  }
0x41f: {  	v41 =	vmul.f32 $2.550000000e+02, v21;
	v9 =	vadd.f32 $8.388608000e+06, v37;
	v40 =	vld.idx.msk [tilespmem:v20+s5+$0x0], $0xffff;
	v42 =	vmul.f32 v35, v48  }
0x420: {  	v45 =	vmul.f32 $2.550000000e+02, v39;
	v20 =	vld [tilespmem:s28+$0x6D20];
	[tilespmem:s28+$0x12970] =	vst v10  }
0x421: {  	v44 =	vadd.f32 $8.388608000e+06, v41;
	v9 =	vadd.s32 $0xB5000000, v9;
	v43 =	vld.idx.msk [tilespmem:v38+s5+$0x0], $0xffff;
	[tilespmem:s29+$0x12970] =	vst v42  }
0x422: {  	v49 =	vadd.f32 $8.388608000e+06, v45;
	v9 =	vmin.u32 v9, $0xFF;
	v48 =	vld.idx.msk [tilespmem:v19+s5+$0x0], $0xffff  }
0x423: {  	v23 =	vld [tilespmem:s29+$0x6D20];
	v46 =	vmul.f32 $2.550000000e+02, v11;
	v4 =	vmul.f32 v17, v4;
	v47 =	vadd.s32 $0xB5000000, v44  }
0x424: {  	v25 =	vld [tilespmem:s25+$0x6D50];
	v17 =	vmin.u32 v47, $0xFF;
	v7 =	vmul.f32 v40, v7;
	v19 =	vadd.s32 $0xB5000000, v49  }
0x425: {  	v26 =	vld [tilespmem:s26+$0x6D30];
	v50 =	vmul.f32 $2.550000000e+02, v24;
	v19 =	vmin.u32 v19, $0xFF  }
0x426: {  	v29 =	vld [tilespmem:s28+$0x6D30];
	v10 =	vadd.f32 $8.388608000e+06, v46;
	[tilespmem:s26+$0x12D00] =	vst v7;
	v14 =	vmul.f32 v43, v54  }
0x427: {  	v52 =	vadd.f32 $8.388608000e+06, v50;
	v53 =	vmul.f32 $2.550000000e+02, v20;
	v51 =	vld.idx.msk [tilespmem:v9+s5+$0x0], $0xffff;
	v54 =	vmul.f32 v48, v63  }
0x428: {  	v57 =	vmul.f32 $2.550000000e+02, v23;
	v13 =	vld [tilespmem:s25+$0x6D30];
	v10 =	vadd.s32 $0xB5000000, v10;
	[tilespmem:s28+$0x12D00] =	vst v14  }
0x429: {  	v28 =	vadd.s32 $0xB5000000, v52;
	v56 =	vadd.f32 $8.388608000e+06, v53;
	v10 =	vmin.u32 v10, $0xFF;
	v17 =	vld.idx.msk [tilespmem:v17+s5+$0x0], $0xffff;
	[tilespmem:s29+$0x12D00] =	vst v54  }
0x42a: {  	v62 =	vadd.f32 $8.388608000e+06, v57;
	v55 =	vmin.u32 v28, $0xFF;
	v61 =	vld.idx.msk [tilespmem:v19+s5+$0x0], $0xffff  }
0x42b: {  	v60 =	vadd.s32 $0xB5000000, v56;
	v63 =	vld [tilespmem:s29+$0x6D30]  }
0x42c: {  	v27 =	vld [tilespmem:s28+$0x6D40];
	v34 =	vadd.s32 $0xB5000000, v62;
	v59 =	vmul.f32 v51, v15;
	v15 =	vmin.u32 v60, $0xFF  }
0x42d: {  	v58 =	vmul.f32 $2.550000000e+02, v13;
	[tilespmem:s25+$0x12D10] =	vst v4;
	v12 =	vld [tilespmem:s25+$0x6D40];
	v14 =	vmin.u32 v34, $0xFF  }
0x42e: {  	v35 =	vmul.f32 $2.550000000e+02, v26;
	v32 =	vld.idx.msk [tilespmem:v10+s5+$0x0], $0xffff;
	[tilespmem:s26+$0x12D10] =	vst v59;
	v17 =	vmul.f32 v17, v21  }
0x42f: {  	v33 =	vadd.f32 $8.388608000e+06, v58;
	v37 =	vmul.f32 $2.550000000e+02, v29;
	v16 =	vld.idx.msk [tilespmem:v55+s5+$0x0], $0xffff;
	v18 =	vmul.f32 v61, v39  }
0x430: {  	v28 =	vld [tilespmem:s26+$0x6D40];
	v19 =	vadd.f32 $8.388608000e+06, v35;
	v38 =	vmul.f32 $2.550000000e+02, v63;
	[tilespmem:s28+$0x12D10] =	vst v17  }
0x431: {  	v36 =	vadd.s32 $0xB5000000, v33;
	v17 =	vadd.f32 $8.388608000e+06, v37;
	v15 =	vld.idx.msk [tilespmem:v15+s5+$0x0], $0xffff;
	[tilespmem:s29+$0x12D10] =	vst v18  }
0x432: {  	v21 =	vmin.u32 v36, $0xFF;
	v19 =	vadd.s32 $0xB5000000, v19;
	v40 =	vadd.f32 $8.388608000e+06, v38;
	v14 =	vld.idx.msk [tilespmem:v14+s5+$0x0], $0xffff  }
0x433: {  	v43 =	vld [tilespmem:s29+$0x6D40];
	v11 =	vmul.f32 v32, v11;
	v39 =	vmin.u32 v19, $0xFF;
	v42 =	vadd.s32 $0xB5000000, v17  }
0x434: {  	v3 =	vld [tilespmem:s25+$0x6D70];
	v41 =	vmul.f32 v16, v24;
	v19 =	vadd.s32 $0xB5000000, v40;
	v16 =	vmin.u32 v42, $0xFF  }
0x435: {  	v30 =	vld [tilespmem:s26+$0x6D50];
	v44 =	vmul.f32 $2.550000000e+02, v12;
	v46 =	vmin.u32 v19, $0xFF  }
0x436: {  	v52 =	vld [tilespmem:s28+$0x6D50];
	v49 =	vmul.f32 $2.550000000e+02, v28;
	[tilespmem:s25+$0x12D20] =	vst v11;
	v45 =	vmul.f32 v15, v20  }
0x437: {  	v50 =	vmul.f32 $2.550000000e+02, v27;
	v48 =	vadd.f32 $8.388608000e+06, v44;
	[tilespmem:s26+$0x12D20] =	vst v41;
	v21 =	vld.idx.msk [tilespmem:v21+s5+$0x0], $0xffff;
	v14 =	vmul.f32 v14, v23  }
0x438: {  	v58 =	vmul.f32 $2.550000000e+02, v25;
	v51 =	vadd.f32 $8.388608000e+06, v49;
	v31 =	vmul.f32 $2.550000000e+02, v43;
	v18 =	vld.idx.msk [tilespmem:v39+s5+$0x0], $0xffff;
	[tilespmem:s28+$0x12D20] =	vst v45  }
0x439: {  	v62 =	vmul.f32 v8, v2;
	v11 =	vadd.f32 $8.388608000e+06, v50;
	v20 =	vadd.s32 $0xB5000000, v48;
	v16 =	vld.idx.msk [tilespmem:v16+s5+$0x0], $0xffff;
	[tilespmem:s29+$0x12D20] =	vst v14  }
0x43a: {  	v54 =	vadd.s32 $0xB5000000, v51;
	v55 =	vadd.f32 $8.388608000e+06, v31;
	v53 =	vmin.u32 v20, $0xFF;
	v15 =	vld.idx.msk [tilespmem:v46+s5+$0x0], $0xffff  }
0x43b: {  	v47 =	vmul.f32 $2.550000000e+02, v5;
	v56 =	vld [tilespmem:s29+$0x6D50];
	v11 =	vadd.s32 $0xB5000000, v11;
	v20 =	vmin.u32 v54, $0xFF  }
0x43c: {  	v6 =	vld [tilespmem:s25+$0x6D60];
	v11 =	vmin.u32 v11, $0xFF;
	v13 =	vmul.f32 v21, v13;
	v23 =	vadd.s32 $0xB5000000, v55  }
0x43d: {  	v9 =	vld [tilespmem:s26+$0x6D60];
	v59 =	vmul.f32 $2.550000000e+02, v30;
	v23 =	vmin.u32 v23, $0xFF;
	v57 =	vmul.f32 v18, v26  }
0x43e: {  	v10 =	vld [tilespmem:s28+$0x6D60];
	v31 =	vmul.f32 $2.550000000e+02, v1;
	v19 =	vadd.f32 $8.388608000e+06, v47;
	[tilespmem:s25+$0x12D30] =	vst v13;
	v16 =	vmul.f32 v16, v29  }
0x43f: {  	v60 =	vadd.f32 $8.388608000e+06, v58;
	v61 =	vmul.f32 $2.550000000e+02, v52;
	v14 =	vld.idx.msk [tilespmem:v53+s5+$0x0], $0xffff;
	[tilespmem:s26+$0x12D30] =	vst v57;
	v15 =	vmul.f32 v15, v63  }
0x440: {  	v19 =	vadd.s32 $0xB5000000, v19;
	v26 =	vadd.f32 $8.388608000e+06, v59;
	v29 =	vmul.f32 $2.550000000e+02, v56;
	[tilespmem:s28+$0x12D30] =	vst v16;
	v63 =	vld.idx.msk [tilespmem:v20+s5+$0x0], $0xffff  }
0x441: {  	v19 =	vmin.u32 v19, $0xFF;
	v13 =	vadd.s32 $0xB5000000, v60;
	v18 =	vadd.f32 $8.388608000e+06, v61;
	v11 =	vld.idx.msk [tilespmem:v11+s5+$0x0], $0xffff;
	[tilespmem:s29+$0x12D30] =	vst v15  }
0x442: {  	v13 =	vmin.u32 v13, $0xFF;
	v16 =	vadd.f32 $8.388608000e+06, v29;
	v20 =	vadd.s32 $0xB5000000, v26;
	v32 =	vld.idx.msk [tilespmem:v23+s5+$0x0], $0xffff  }
0x443: {  	v36 =	vld [tilespmem:s29+$0x6D60];
	v37 =	vmul.f32 $2.550000000e+02, v6;
	v35 =	vadd.s32 $0xB5000000, v18;
	v34 =	vmin.u32 v20, $0xFF  }
0x444: {  	v4 =	vld [tilespmem:s26+$0x6D70];
	v33 =	vmul.f32 v14, v12;
	v14 =	vmin.u32 v35, $0xFF;
	v16 =	vadd.s32 $0xB5000000, v16  }
0x445: {  	[tilespmem:s24+$0x12D40] =	vst v62;
	v7 =	vld [tilespmem:s28+$0x6D70];
	v42 =	vmul.f32 $2.550000000e+02, v10;
	v16 =	vmin.u32 v16, $0xFF;
	v8 =	vmul.f32 v63, v28  }
0x446: {  	v39 =	vmul.f32 $2.550000000e+02, v9;
	v19 =	vld.idx.msk [tilespmem:v19+s5+$0x0], $0xffff;
	v15 =	vadd.f32 $8.388608000e+06, v31;
	[tilespmem:s25+$0x12D40] =	vst v33;
	v11 =	vmul.f32 v11, v27  }
0x447: {  	v41 =	vadd.f32 $8.388608000e+06, v37;
	v44 =	vadd.f32 $8.388608000e+06, v42;
	v40 =	vld.idx.msk [tilespmem:v13+s5+$0x0], $0xffff;
	[tilespmem:s26+$0x12D40] =	vst v8;
	v17 =	vmul.f32 v32, v43  }
0x448: {  	v38 =	vadd.s32 $0xB5000000, v15;
	v15 =	vadd.f32 $8.388608000e+06, v39;
	[tilespmem:s28+$0x12D40] =	vst v11;
	v12 =	vld.idx.msk [tilespmem:v34+s5+$0x0], $0xffff;
	v43 =	vmul.f32 $2.550000000e+02, v36  }
0x449: {  	v45 =	vmul.f32 $2.550000000e+02, v0;
	v13 =	vadd.s32 $0xB5000000, v41;
	v2 =	vmin.u32 v38, $0xFF;
	v14 =	vld.idx.msk [tilespmem:v14+s5+$0x0], $0xffff;
	[tilespmem:s29+$0x12D40] =	vst v17  }
0x44a: {  	v13 =	vmin.u32 v13, $0xFF;
	v15 =	vadd.s32 $0xB5000000, v15;
	v11 =	vadd.f32 $8.388608000e+06, v43;
	v16 =	vld.idx.msk [tilespmem:v16+s5+$0x0], $0xffff  }
0x44b: {  	v46 =	vld [tilespmem:s29+$0x6D70];
	v5 =	vmul.f32 v19, v5;
	v19 =	vadd.s32 $0xB5000000, v44;
	v15 =	vmin.u32 v15, $0xFF  }
0x44c: {  	v19 =	vmin.u32 v19, $0xFF;
	v8 =	vmul.f32 v40, v25;
	v11 =	vadd.s32 $0xB5000000, v11  }
0x44d: {  	v47 =	vmul.f32 $2.550000000e+02, v3;
	[tilespmem:s24+$0x12D50] =	vst v5;
	v12 =	vmul.f32 v12, v30;
	v11 =	vmin.u32 v11, $0xFF  }
0x44e: {  	v48 =	vmul.f32 $2.550000000e+02, v4;
	v2 =	vld.idx.msk [tilespmem:v2+s5+$0x0], $0xffff;
	v17 =	vadd.f32 $8.388608000e+06, v45;
	[tilespmem:s25+$0x12D50] =	vst v8;
	v14 =	vmul.f32 v14, v52  }
0x44f: {  	v49 =	vmul.f32 $2.550000000e+02, v7;
	v5 =	vadd.f32 $8.388608000e+06, v47;
	v13 =	vld.idx.msk [tilespmem:v13+s5+$0x0], $0xffff;
	[tilespmem:s26+$0x12D50] =	vst v12;
	v16 =	vmul.f32 v16, v56  }
0x450: {  	v50 =	vmul.f32 $2.550000000e+02, v46;
	v8 =	vadd.f32 $8.388608000e+06, v48;
	v17 =	vadd.s32 $0xB5000000, v17;
	[tilespmem:s28+$0x12D50] =	vst v14;
	v15 =	vld.idx.msk [tilespmem:v15+s5+$0x0], $0xffff  }
0x451: {  	v5 =	vadd.s32 $0xB5000000, v5;
	v17 =	vmin.u32 v17, $0xFF;
	v12 =	vadd.f32 $8.388608000e+06, v49;
	v19 =	vld.idx.msk [tilespmem:v19+s5+$0x0], $0xffff;
	[tilespmem:s29+$0x12D50] =	vst v16  }
0x452: {  	v5 =	vmin.u32 v5, $0xFF;
	v8 =	vadd.s32 $0xB5000000, v8;
	v14 =	vadd.f32 $8.388608000e+06, v50;
	v11 =	vld.idx.msk [tilespmem:v11+s5+$0x0], $0xffff  }
0x453: {  	v52 =	vmin.u32 v8, $0xFF;
	v51 =	vmul.f32 v2, v1;
	v53 =	vadd.s32 $0xB5000000, v12  }
0x454: {  	v6 =	vmul.f32 v13, v6;
	v54 =	vadd.s32 $0xB5000000, v14;
	v8 =	vmin.u32 v53, $0xFF  }
0x455: {  	[tilespmem:s24+$0x12D60] =	vst v51;
	v56 =	vmin.u32 v54, $0xFF;
	v55 =	vmul.f32 v15, v9  }
0x456: {  	v57 =	vld.idx.msk [tilespmem:v17+s5+$0x0], $0xffff;
	[tilespmem:s25+$0x12D60] =	vst v6;
	v58 =	vmul.f32 v19, v10  }
0x457: {  	v5 =	vld.idx.msk [tilespmem:v5+s5+$0x0], $0xffff;
	[tilespmem:s26+$0x12D60] =	vst v55;
	v59 =	vmul.f32 v11, v36  }
0x458: {  	[tilespmem:s28+$0x12D60] =	vst v58;
	v2 =	vld.idx.msk [tilespmem:v52+s5+$0x0], $0xffff  }
0x459: {  	v6 =	vld.idx.msk [tilespmem:v8+s5+$0x0], $0xffff;
	[tilespmem:s29+$0x12D60] =	vst v59  }
0x45a: {  	v1 =	vld.idx.msk [tilespmem:v56+s5+$0x0], $0xffff  }
0x45b: {  	v60 =	vmul.f32 v57, v0  }
0x45c: {  	v3 =	vmul.f32 v5, v3  }
0x45d: {  	s2 =	smul.u32 $0x6000, s23;
	[tilespmem:s24+$0x12D70] =	vst v60;
	v61 =	vmul.f32 v2, v4  }
0x45e: {  	[tilespmem:s25+$0x12D70] =	vst v3;
	v62 =	vmul.f32 v6, v7  }
0x45f: {  	s23 =	sshrl.u32 @!p0 s2, $0x3;
	[tilespmem:s26+$0x12D70] =	vst v61;
	v63 =	vmul.f32 v1, v46  }
0x460: {  	s22 =	sadd.s32 $0x1, s22;
	s23 =	sadd.s32 @!p0 s1, s23;
	[tilespmem:s28+$0x12D70] =	vst v62  }
0x461: {  	s23 =	sadd.s32 @!p0 $0x2400, s23;
	s24 =	simm.s32 @!p0 $0x0;
	s25 =	simm.s32 @!p0 $0x6100;
	[tilespmem:s29+$0x12D70] =	vst v63  }
0x462: {  	[tilespmem:s25], [sflag:$0x2] =	stream.linear.gather @!p0 [hbm4b:s23+s24], $0x6000, $0x38;
	[tilespmem:$0x18100] =	vst v63  }
0x463: {  	p0 =	sne.s32 s22, $0x10  }
.Ltmp2:
0x464: {  	_ = 	snop;
	(pc) =	sbr.rel @p0 .LBB2_2-.Ltmp2, $4  }
0x465: {  	s2 =	sshrl.u32 s2, $0x3  }
0x466: {  	s2 =	sadd.s32 s4, s2  }
0x467: {  	s2 =	sadd.s32 $0xC00, s2  }
0x468: {  	[hbm4b:s2+s5] =	stream.linear.scatter [tilespmem:s18], [sflag:$0x4], $0x6000, $0x38;
	[tilespmem:$0x18100] =	vst v63  }
0x469: {  	[tilespmem:s13], [sflag:$0x1] =	stream.linear.gather [hbm4b:s9+s5], $0x6000, $0x38;
	[tilespmem:$0x18100] =	vst v63  }
0x46a: {  	_ =	swait.ge [sflag:s15], $0x6000  }
0x46b: {  	[sflag:s15] =	ssyncset.done $0x0  }
0x46c: {  	[sflag:s15] =	ssyncadd.s32 $0xFFFFA000  }
0x46d: {  	[hbm4b:s10+s5] =	stream.linear.scatter [tilespmem:s13], [sflag:$0x1], $0x6000, $0x38;
	[tilespmem:$0x18100] =	vst v63  }
0x46e: {  	_ =	swait.ge [sflag:s15], $0x6000  }
0x46f: {  	[sflag:s15] =	ssyncset.done $0x0  }
0x470: {  	s21 =	sadd.s32 $0x1, s21;
	[sflag:s15] =	ssyncadd.s32 $0xFFFFA000  }
0x471: {  	p0 =	sne.s32 s21, s11;
	_ =	swait.ge [sflag:s19], $0x6000  }
.Ltmp3:
0x472: {  	[sflag:s19] =	ssyncset.done $0x0;
	(pc) =	sbr.rel @p0 .LBB2_1-.Ltmp3, $4  }
0x473: {  	[sflag:s19] =	ssyncadd.s32 $0xFFFFA000  }
0x474: {  	_ =	swait.ge [sflag:s20], $0x6000  }
0x475: {  	[sflag:s20] =	ssyncset.done $0x0  }
0x476: {  	[sflag:s20] =	ssyncadd.s32 $0xFFFFA000  }
0x477: {  	_ =	sfence.sel $0x180000  }
0x478: {  	[bflag:$0x0] =	sbarrier.arrive $0xFFFF  }
0x479: {  	_ =	strace $0x90000047  }
0x47a: {  	[bflag:$0x2] =	sbarrier.arrive $0xFFFF  }
0x47b: {  	p0 =	sne.s32 s0, $0x0;
	s0 =	rddreg [dreg:$0x3]  }
0x47c: {  	s0 =	sadd.s32 @!p0 $0x100000, s0  }
0x47d: {  	[sflag:s0] =	ssyncadd.tile.s32 @!p0 $0x1;
	_ =	shalt  }
.Lfunc_end2:
_tile_overlayer_lowered:
.L_overlay_start_2:
0x47e: {  	(tag) =	ssettag $0x2  }
0x47f: {  	s0 =	rddreg [dreg:$0x0];
	s2 =	stileid.u32  }
0x480: {  	s1 =	rddreg [dreg:$0x1];
	p0 =	sne.s32 s2, $0x0  }
0x481: {  	s3 =	rddreg [dreg:$0x2];
	[bflag:$0x3] =	sbarrier.arrive $0xFFFF;
	s2 =	simm.s32 @!p0 $0x1C05  }
0x482: {  	[timem:s3], [sflag:s2] =	dma.local @!p0 [hbm:s0], s1  }
0x483: {  	s0 =	simm.s32 @!p0 $0x5  }
0x484: {  	_ =	swait.ge @!p0 [sflag:s0], s1  }
0x485: {  	s1 =	ssub.s32 @!p0 $0x0, s1;
	[sflag:s0] =	ssyncset.done @!p0 $0x0  }
0x486: {  	[sflag:s0] =	ssyncadd.s32 @!p0 s1  }
0x487: {  	[bflag:$0x3] =	sbarrier.arrive $0xFFFF  }
0x488: {  	_ =	shalt  }

</sc_bundles>
